<compile_context>
chip_gen: v7x
topology: tpu7x:2x2x1
jax: 0.10.2.dev20260603
libtpu: 0.0.44.dev20260713+nightly
codegen_flags: <defaults>
</compile_context>

<pallas_src>
import functools

import jax
import jax.numpy as jnp
from jax import lax
from jax.experimental import pallas as pl
from jax.experimental.pallas import tpu as pltpu
from jax.experimental.pallas import tpu_sc as plsc

L = 16
NC, NS = 2, 16
NW = NC * NS


def _film_table_tc(cond_ref, w_ref, b_ref, tab_ref):
    ss = lax.dot_general(
        cond_ref[...], w_ref[...], (((1,), (1,)), ((), ())),
        preferred_element_type=jnp.float32,
    )
    ss = ss + b_ref[...]
    dim = tab_ref.shape[1] // 2
    col = lax.broadcasted_iota(jnp.int32, tab_ref.shape, 1)
    tab_ref[...] = ss + jnp.where(col < dim, 1.0, 0.0).astype(jnp.float32)


def _tc_affine(idx_ref, x_ref, tab_ref, alias_ref, o_ref):
    br = x_ref.shape[0]
    nrows, two_dim = tab_ref.shape
    dim = two_dim // 2
    iot = lax.broadcasted_iota(jnp.int32, (br, nrows), 1)
    oh = (idx_ref[...] == iot).astype(jnp.float32)
    gmb = lax.dot_general(oh, tab_ref[...], (((1,), (0,)), ((), ())),
                          preferred_element_type=jnp.float32,
                          precision=lax.Precision.HIGHEST)
    o_ref[...] = x_ref[...] * gmb[:, :dim] + gmb[:, dim:]


def _make_sc_kernel(n, n_proc, dim, b_rows, ch, nchunk):
    rpw = ch * nchunk
    ngrp = ch // L
    last_start = n_proc - ch
    assert nchunk % 2 == 0

    mesh = plsc.VectorSubcoreMesh(core_axis_name="c", subcore_axis_name="s")

    @functools.partial(
        pl.kernel,
        out_type=jax.ShapeDtypeStruct((n, dim), jnp.float32),
        mesh=mesh,
        scratch_types=[
            pltpu.VMEM((b_rows, 2 * dim), jnp.float32),
            pltpu.VMEM((2, ch, dim), jnp.float32),
            pltpu.VMEM((2, ch, dim), jnp.float32),
            pltpu.VMEM((rpw,), jnp.int32),
            pltpu.SemaphoreType.DMA,
            pltpu.SemaphoreType.DMA,
            pltpu.SemaphoreType.DMA,
            pltpu.SemaphoreType.DMA,
        ],
        compiler_params=pltpu.CompilerParams(needs_layout_passes=False),
    )
    def sc_kernel(x_hbm, idx_hbm, tab_hbm, out_hbm, tab_v, xb, ob, ib,
                  isem0, isem1, osem0, osem1):
        wid = lax.axis_index("s") * NC + lax.axis_index("c")
        base = wid * rpw
        ibase = jnp.minimum(base, n_proc - rpw)
        isems = (isem0, isem1)
        osems = (osem0, osem1)
        col = lax.iota(jnp.int32, 16)

        def start_of(c):
            return jnp.minimum(base + c * ch, last_start)

        def in_start(c, k):
            pltpu.async_copy(x_hbm.at[pl.ds(start_of(c), ch)], xb.at[k],
                             isems[k])

        def in_wait(c, k):
            pltpu.make_async_copy(x_hbm.at[pl.ds(start_of(c), ch)], xb.at[k],
                                  isems[k]).wait()

        def out_start(c, k):
            pltpu.async_copy(ob.at[k], out_hbm.at[pl.ds(start_of(c), ch)],
                             osems[k])

        def out_wait(c, k):
            pltpu.make_async_copy(ob.at[k], out_hbm.at[pl.ds(start_of(c), ch)],
                                  osems[k]).wait()

        def compute(c, k):
            ioff = start_of(c) - ibase
            nj = dim // L

            cv0 = plsc.load_gather(ib, [jnp.broadcast_to(ioff, (L,))])
            cvf = plsc.load_gather(ib, [jnp.broadcast_to(ioff + ch - 1, (L,))])
            chunk_uniform = jnp.all(cv0 == cvf)

            @pl.when(chunk_uniform)
            def _chunk_uniform():
                g1s = [plsc.load_gather(tab_v, [cv0, col + j * L])
                       for j in range(nj)]
                bts = [plsc.load_gather(tab_v, [cv0, col + dim + j * L])
                       for j in range(nj)]

                @plsc.parallel_loop(0, ch, unroll=4)
                def _rows(row):
                    for j in range(nj):
                        xv = xb[k, row, pl.ds(j * L, L)]
                        ob[k, row, pl.ds(j * L, L)] = xv * g1s[j] + bts[j]

            @pl.when(jnp.logical_not(chunk_uniform))
            def _chunk_groups():
                _per_group(c, k, ioff, nj)

        def _per_group(c, k, ioff, nj):
            def grp_body(g, _):
                pos = ioff + g * L
                rv0 = plsc.load_gather(ib, [jnp.broadcast_to(pos, (L,))])
                rvf = plsc.load_gather(ib, [jnp.broadcast_to(pos + L - 1, (L,))])
                uniform = jnp.all(rv0 == rvf)

                @pl.when(uniform)
                def _uniform():
                    g1s = [plsc.load_gather(tab_v, [rv0, col + j * L])
                           for j in range(nj)]
                    bts = [plsc.load_gather(tab_v, [rv0, col + dim + j * L])
                           for j in range(nj)]

                    @plsc.parallel_loop(0, L, unroll=4)
                    def _rows(r):
                        row = g * L + r
                        for j in range(nj):
                            xv = xb[k, row, pl.ds(j * L, L)]
                            ob[k, row, pl.ds(j * L, L)] = xv * g1s[j] + bts[j]

                @pl.when(jnp.logical_not(uniform))
                def _mixed():
                    @plsc.parallel_loop(0, L, unroll=2)
                    def _rows(r):
                        row = g * L + r
                        rv = plsc.load_gather(
                            ib, [jnp.broadcast_to(ioff + row, (L,))])
                        for j in range(nj):
                            g1 = plsc.load_gather(tab_v, [rv, col + j * L])
                            bt = plsc.load_gather(tab_v, [rv, col + dim + j * L])
                            xv = xb[k, row, pl.ds(j * L, L)]
                            ob[k, row, pl.ds(j * L, L)] = xv * g1 + bt

                return 0

            lax.fori_loop(0, ngrp, grp_body, 0)

        pltpu.async_copy(idx_hbm.at[pl.ds(ibase, rpw)], ib, isem0)
        pltpu.sync_copy(tab_hbm, tab_v)
        pltpu.make_async_copy(idx_hbm.at[pl.ds(ibase, rpw)], ib, isem0).wait()
        in_start(0, 0)
        in_start(1, 1)

        def chunk_pair(i, _):
            for k in (0, 1):
                c = 2 * i + k
                in_wait(c, k)

                @pl.when(c >= 2)
                def _():
                    out_wait(c - 2, k)

                compute(c, k)
                out_start(c, k)

                @pl.when(c + 2 < nchunk)
                def _():
                    in_start(c + 2, k)

            return 0

        lax.fori_loop(0, nchunk // 2, chunk_pair, 0)
        out_wait(nchunk - 2, 0)
        out_wait(nchunk - 1, 1)

    return sc_kernel


def kernel(x, cond, n_index, W, b):
    n, dim = x.shape
    b_rows = cond.shape[0]

    tab = pl.pallas_call(
        _film_table_tc,
        out_shape=jax.ShapeDtypeStruct((b_rows, 2 * dim), jnp.float32),
    )(cond, W, b.reshape(1, 2 * dim))

    br = 1000
    n_sc = (n * 3 // 5) // br * br
    n_tc = n - n_sc
    ch = 176
    nchunk = -(-n_sc // (NW * ch))
    nchunk += nchunk % 2
    assert n_sc >= ch and (n_sc - ch) % 8 == 0 and dim % L == 0
    assert ch % L == 0 and n_tc % br == 0 and n_sc % br == 0

    idx32 = n_index.astype(jnp.int32)
    sc = _make_sc_kernel(n, n_sc, dim, b_rows, ch, nchunk)
    out_sc = sc(x, idx32, tab)

    nb = n_sc // br
    return pl.pallas_call(
        _tc_affine,
        grid=(n_tc // br,),
        in_specs=[
            pl.BlockSpec((br, 1), lambda i: (nb + i, 0)),
            pl.BlockSpec((br, dim), lambda i: (nb + i, 0)),
            pl.BlockSpec((b_rows, 2 * dim), lambda i: (0, 0)),
            pl.BlockSpec(memory_space=pl.ANY),
        ],
        out_specs=pl.BlockSpec((br, dim), lambda i: (nb + i, 0)),
        out_shape=jax.ShapeDtypeStruct((n, dim), jnp.float32),
        input_output_aliases={3: 0},
    )(idx32.reshape(n, 1), x, tab, out_sc)

# --- scband reference (transcript-rebuilt; emitter-appended) ---
"""Pipeline reference for scband-graph-fi-lm-75436805587136 (READ-ONLY COPY).

The authoritative reference and input builder live on the scoring server;
editing this copy changes nothing except your own understanding.
"""

import jax, jax.numpy as jnp
import numpy as np

N, DIM, B, COND_DIM = 100000, 128, 64, 128

def setup_inputs(seed: int = 0) -> dict:
    key = jax.random.key(seed)
    k1, k2, k3, k4, k5 = jax.random.split(key, 5)
    x = jax.random.normal(k1, (N, DIM), dtype=jnp.float32)
    cond = jax.random.normal(k2, (B, COND_DIM), dtype=jnp.float32)
    n_index = jnp.sort(jax.random.randint(k3, (N,), 0, B, dtype=jnp.int64))
    bound = 1.0 / np.sqrt(COND_DIM)
    W = jax.random.uniform(k4, (2 * DIM, COND_DIM), minval=-bound, maxval=bound, dtype=jnp.float32)
    b = jax.random.uniform(k5, (2 * DIM,), minval=-bound, maxval=bound, dtype=jnp.float32)
    return {"x": x, "cond": cond, "n_index": n_index, "W": W, "b": b}

def reference(x, cond, n_index, W, b):
    # to_scale_shift: Linear(cond_dim -> 2*dim)
    scale_shift = cond @ W.T + b
    gamma, beta = jnp.split(scale_shift, 2, axis=-1)
    # gather per-node modulation params (embedding-style lookup by graph id)
    gamma = jnp.take(gamma, n_index, axis=0)
    beta = jnp.take(beta, n_index, axis=0)
    return x * (1.0 + gamma) + beta

if __name__ == "__main__":
    import jax
    _d = setup_inputs()
    print(jax.jit(kernel)(*tuple(_d.values())))

</pallas_src>

<mosaic_0001>
#map = affine_map<(d0, d1) -> (0, 0)>
#map1 = affine_map<(d0, d1) -> (0)>
module attributes {stable_mosaic.version = 14 : i64} {
  func.func @sc_kernel(%arg0: i32, %arg1: i32, %arg2: memref<100000x128xf32, #tpu.memory_space<hbm>>, %arg3: memref<100000xi32, #tpu.memory_space<hbm>>, %arg4: memref<64x256xf32, #tpu.memory_space<hbm>>, %arg5: memref<100000x128xf32, #tpu.memory_space<hbm>>, %arg6: memref<64x256xf32, #tpu.memory_space<vmem>>, %arg7: memref<2x176x128xf32, #tpu.memory_space<vmem>>, %arg8: memref<2x176x128xf32, #tpu.memory_space<vmem>>, %arg9: memref<2112xi32, #tpu.memory_space<vmem>>, %arg10: memref<!tpu.dma_semaphore, #tpu.memory_space<semaphore_mem>>, %arg11: memref<!tpu.dma_semaphore, #tpu.memory_space<semaphore_mem>>, %arg12: memref<!tpu.dma_semaphore, #tpu.memory_space<semaphore_mem>>, %arg13: memref<!tpu.dma_semaphore, #tpu.memory_space<semaphore_mem>>) attributes {dimension_semantics = [#tpu.dimension_semantics<core_parallel>, #tpu.dimension_semantics<subcore_parallel>], iteration_bounds = array<i64: 2, 16>, scalar_prefetch = 0 : i64, scratch_operands = 8 : i64, tpu.core_type = #tpu.core_type<sc_vector_subcore>, window_params = [{transform_indices = #map}, {transform_indices = #map1}, {transform_indices = #map}, {transform_indices = #map}]} {
    %mul3A = arith.constant 2 : i32
    %mul3A_0 = arith.muli %arg1, %mul3A : i32
    %add3A = arith.addi %mul3A_0, %arg0 : i32
    %mul3A_1 = arith.constant 2112 : i32
    %mul3A_2 = arith.muli %add3A, %mul3A_1 : i32
    %min3A = arith.constant 57888 : i32
    %min3A_3 = arith.minsi %mul3A_2, %min3A : i32
    %iota3A = tpu.iota {dimensions = array<i32: 0>} : vector<16xi32>
    %dma_start3A = tpu.memref_slice %arg3[%min3A_3] : memref<100000xi32, #tpu.memory_space<hbm>> -> memref<2112xi32, #tpu.memory_space<hbm>>
    %dma_start3A_4 = tpu.memref_slice %arg3[%min3A_3] : memref<100000xi32, #tpu.memory_space<hbm>> -> memref<2112xi32, #tpu.memory_space<hbm>>
    tpu.enqueue_dma source(%dma_start3A_4 : memref<2112xi32, #tpu.memory_space<hbm>>) target(%arg9 : memref<2112xi32, #tpu.memory_space<vmem>>) target_semaphore(%arg10 : memref<!tpu.dma_semaphore, #tpu.memory_space<semaphore_mem>>)
    "tpu.region"() ({
      %run_scoped3A = tpu.sem_alloc : memref<!tpu.dma_semaphore, #tpu.memory_space<semaphore_mem>>
      tpu.enqueue_dma source(%arg4 : memref<64x256xf32, #tpu.memory_space<hbm>>) target(%arg6 : memref<64x256xf32, #tpu.memory_space<vmem>>) target_semaphore(%run_scoped3A : memref<!tpu.dma_semaphore, #tpu.memory_space<semaphore_mem>>)
      tpu.wait_dma2 semaphore(%run_scoped3A : memref<!tpu.dma_semaphore, #tpu.memory_space<semaphore_mem>>) src(%arg4 : memref<64x256xf32, #tpu.memory_space<hbm>>) dst(%arg6 : memref<64x256xf32, #tpu.memory_space<vmem>>)
      tpu.yield
    }) : () -> ()
    %dma_wait3A = tpu.memref_slice %arg3[%min3A_3] : memref<100000xi32, #tpu.memory_space<hbm>> -> memref<2112xi32, #tpu.memory_space<hbm>>
    %dma_wait3A_5 = tpu.memref_slice %arg3[%min3A_3] : memref<100000xi32, #tpu.memory_space<hbm>> -> memref<2112xi32, #tpu.memory_space<hbm>>
    tpu.wait_dma2 semaphore(%arg10 : memref<!tpu.dma_semaphore, #tpu.memory_space<semaphore_mem>>) src(%dma_wait3A_5 : memref<2112xi32, #tpu.memory_space<hbm>>) dst(%arg9 : memref<2112xi32, #tpu.memory_space<vmem>>)
    %add3A_6 = arith.constant 0 : i32
    %add3A_7 = arith.addi %mul3A_2, %add3A_6 : i32
    %min3A_8 = arith.constant 59824 : i32
    %min3A_9 = arith.minsi %add3A_7, %min3A_8 : i32
    %dma_start3A_10 = arith.constant 0 : i32
    %dma_start3A_11 = arith.constant 0 : i32
    %dma_start3A_12 = arith.constant 0 : i32
    %dma_start3A_13 = tpu.memref_slice %arg7[%dma_start3A_10, %dma_start3A_11, %dma_start3A_12] : memref<2x176x128xf32, #tpu.memory_space<vmem>> -> memref<1x176x128xf32, #tpu.memory_space<vmem>>
    %dma_start3A_14 = tpu.memref_squeeze %dma_start3A_13 : memref<1x176x128xf32, #tpu.memory_space<vmem>> -> memref<176x128xf32, #tpu.memory_space<vmem>>
    %dma_start3A_15 = arith.constant 0 : i32
    %dma_start3A_16 = tpu.memref_slice %arg2[%min3A_9, %dma_start3A_15] : memref<100000x128xf32, #tpu.memory_space<hbm>> -> memref<176x128xf32, #tpu.memory_space<hbm>>
    %dma_start3A_17 = arith.constant 0 : i32
    %dma_start3A_18 = arith.constant 0 : i32
    %dma_start3A_19 = tpu.memref_slice %arg7[%dma_start3A_10, %dma_start3A_17, %dma_start3A_18] : memref<2x176x128xf32, #tpu.memory_space<vmem>> -> memref<1x176x128xf32, #tpu.memory_space<vmem>>
    %dma_start3A_20 = tpu.memref_squeeze %dma_start3A_19 : memref<1x176x128xf32, #tpu.memory_space<vmem>> -> memref<176x128xf32, #tpu.memory_space<vmem>>
    %dma_start3A_21 = arith.constant 0 : i32
    %dma_start3A_22 = tpu.memref_slice %arg2[%min3A_9, %dma_start3A_21] : memref<100000x128xf32, #tpu.memory_space<hbm>> -> memref<176x128xf32, #tpu.memory_space<hbm>>
    tpu.enqueue_dma source(%dma_start3A_22 : memref<176x128xf32, #tpu.memory_space<hbm>>) target(%dma_start3A_20 : memref<176x128xf32, #tpu.memory_space<vmem>>) target_semaphore(%arg10 : memref<!tpu.dma_semaphore, #tpu.memory_space<semaphore_mem>>)
    %add3A_23 = arith.constant 176 : i32
    %add3A_24 = arith.addi %mul3A_2, %add3A_23 : i32
    %min3A_25 = arith.constant 59824 : i32
    %min3A_26 = arith.minsi %add3A_24, %min3A_25 : i32
    %dma_start3A_27 = arith.constant 1 : i32
    %dma_start3A_28 = arith.constant 0 : i32
    %dma_start3A_29 = arith.constant 0 : i32
    %dma_start3A_30 = tpu.memref_slice %arg7[%dma_start3A_27, %dma_start3A_28, %dma_start3A_29] : memref<2x176x128xf32, #tpu.memory_space<vmem>> -> memref<1x176x128xf32, #tpu.memory_space<vmem>>
    %dma_start3A_31 = tpu.memref_squeeze %dma_start3A_30 : memref<1x176x128xf32, #tpu.memory_space<vmem>> -> memref<176x128xf32, #tpu.memory_space<vmem>>
    %dma_start3A_32 = arith.constant 0 : i32
    %dma_start3A_33 = tpu.memref_slice %arg2[%min3A_26, %dma_start3A_32] : memref<100000x128xf32, #tpu.memory_space<hbm>> -> memref<176x128xf32, #tpu.memory_space<hbm>>
    %dma_start3A_34 = arith.constant 0 : i32
    %dma_start3A_35 = arith.constant 0 : i32
    %dma_start3A_36 = tpu.memref_slice %arg7[%dma_start3A_27, %dma_start3A_34, %dma_start3A_35] : memref<2x176x128xf32, #tpu.memory_space<vmem>> -> memref<1x176x128xf32, #tpu.memory_space<vmem>>
    %dma_start3A_37 = tpu.memref_squeeze %dma_start3A_36 : memref<1x176x128xf32, #tpu.memory_space<vmem>> -> memref<176x128xf32, #tpu.memory_space<vmem>>
    %dma_start3A_38 = arith.constant 0 : i32
    %dma_start3A_39 = tpu.memref_slice %arg2[%min3A_26, %dma_start3A_38] : memref<100000x128xf32, #tpu.memory_space<hbm>> -> memref<176x128xf32, #tpu.memory_space<hbm>>
    tpu.enqueue_dma source(%dma_start3A_39 : memref<176x128xf32, #tpu.memory_space<hbm>>) target(%dma_start3A_37 : memref<176x128xf32, #tpu.memory_space<vmem>>) target_semaphore(%arg11 : memref<!tpu.dma_semaphore, #tpu.memory_space<semaphore_mem>>)
    %scan3A = arith.constant 0 : i32
    %scan3A_40 = arith.constant 0 : i32
    %scan3A_41 = arith.constant 6 : i32
    %scan3A_42 = arith.addi %scan3A_40, %scan3A_41 : i32
    %scan3A_43 = arith.constant 1 : i32
    %scan3A_44 = scf.for %scan3A_80 = %scan3A_40 to %scan3A_42 step %scan3A_43 iter_args(%scan3A_81 = %scan3A) -> (i32)  : i32 {
      %mul3A_82 = arith.constant 2 : i32
      %mul3A_83 = arith.muli %mul3A_82, %scan3A_80 : i32
      %add3A_84 = arith.constant 0 : i32
      %add3A_85 = arith.addi %mul3A_83, %add3A_84 : i32
      %mul3A_86 = arith.constant 176 : i32
      %mul3A_87 = arith.muli %add3A_85, %mul3A_86 : i32
      %add3A_88 = arith.addi %mul3A_2, %mul3A_87 : i32
      %min3A_89 = arith.constant 59824 : i32
      %min3A_90 = arith.minsi %add3A_88, %min3A_89 : i32
      %dma_wait3A_91 = arith.constant 0 : i32
      %dma_wait3A_92 = arith.constant 0 : i32
      %dma_wait3A_93 = arith.constant 0 : i32
      %dma_wait3A_94 = tpu.memref_slice %arg7[%dma_wait3A_91, %dma_wait3A_92, %dma_wait3A_93] : memref<2x176x128xf32, #tpu.memory_space<vmem>> -> memref<1x176x128xf32, #tpu.memory_space<vmem>>
      %dma_wait3A_95 = tpu.memref_squeeze %dma_wait3A_94 : memref<1x176x128xf32, #tpu.memory_space<vmem>> -> memref<176x128xf32, #tpu.memory_space<vmem>>
      %dma_wait3A_96 = arith.constant 0 : i32
      %dma_wait3A_97 = tpu.memref_slice %arg2[%min3A_90, %dma_wait3A_96] : memref<100000x128xf32, #tpu.memory_space<hbm>> -> memref<176x128xf32, #tpu.memory_space<hbm>>
      %dma_wait3A_98 = arith.constant 0 : i32
      %dma_wait3A_99 = arith.constant 0 : i32
      %dma_wait3A_100 = tpu.memref_slice %arg7[%dma_wait3A_91, %dma_wait3A_98, %dma_wait3A_99] : memref<2x176x128xf32, #tpu.memory_space<vmem>> -> memref<1x176x128xf32, #tpu.memory_space<vmem>>
      %dma_wait3A_101 = tpu.memref_squeeze %dma_wait3A_100 : memref<1x176x128xf32, #tpu.memory_space<vmem>> -> memref<176x128xf32, #tpu.memory_space<vmem>>
      %dma_wait3A_102 = arith.constant 0 : i32
      %dma_wait3A_103 = tpu.memref_slice %arg2[%min3A_90, %dma_wait3A_102] : memref<100000x128xf32, #tpu.memory_space<hbm>> -> memref<176x128xf32, #tpu.memory_space<hbm>>
      tpu.wait_dma2 semaphore(%arg10 : memref<!tpu.dma_semaphore, #tpu.memory_space<semaphore_mem>>) src(%dma_wait3A_103 : memref<176x128xf32, #tpu.memory_space<hbm>>) dst(%dma_wait3A_101 : memref<176x128xf32, #tpu.memory_space<vmem>>)
      %ge3A = arith.constant 2 : i32
      %ge3A_104 = arith.cmpi sge, %add3A_85, %ge3A : i32
      %convert_element_type3A = arith.extui %ge3A_104 : i1 to i32
      %cond3A = arith.constant 0 : i32
      %cond3A_105 = arith.cmpi ne, %convert_element_type3A, %cond3A : i32
      scf.if %cond3A_105 {
        %sub3A_245 = arith.constant 2 : i32
        %sub3A_246 = arith.subi %add3A_85, %sub3A_245 : i32
        %mul3A_247 = arith.constant 176 : i32
        %mul3A_248 = arith.muli %sub3A_246, %mul3A_247 : i32
        %add3A_249 = arith.addi %mul3A_2, %mul3A_248 : i32
        %min3A_250 = arith.constant 59824 : i32
        %min3A_251 = arith.minsi %add3A_249, %min3A_250 : i32
        %dma_wait3A_252 = arith.constant 0 : i32
        %dma_wait3A_253 = arith.constant 0 : i32
        %dma_wait3A_254 = arith.constant 0 : i32
        %dma_wait3A_255 = tpu.memref_slice %arg8[%dma_wait3A_252, %dma_wait3A_253, %dma_wait3A_254] : memref<2x176x128xf32, #tpu.memory_space<vmem>> -> memref<1x176x128xf32, #tpu.memory_space<vmem>>
        %dma_wait3A_256 = tpu.memref_squeeze %dma_wait3A_255 : memref<1x176x128xf32, #tpu.memory_space<vmem>> -> memref<176x128xf32, #tpu.memory_space<vmem>>
        %dma_wait3A_257 = arith.constant 0 : i32
        %dma_wait3A_258 = tpu.memref_slice %arg5[%min3A_251, %dma_wait3A_257] : memref<100000x128xf32, #tpu.memory_space<hbm>> -> memref<176x128xf32, #tpu.memory_space<hbm>>
        %dma_wait3A_259 = arith.constant 0 : i32
        %dma_wait3A_260 = tpu.memref_slice %arg5[%min3A_251, %dma_wait3A_259] : memref<100000x128xf32, #tpu.memory_space<hbm>> -> memref<176x128xf32, #tpu.memory_space<hbm>>
        %dma_wait3A_261 = arith.constant 0 : i32
        %dma_wait3A_262 = arith.constant 0 : i32
        %dma_wait3A_263 = tpu.memref_slice %arg8[%dma_wait3A_252, %dma_wait3A_261, %dma_wait3A_262] : memref<2x176x128xf32, #tpu.memory_space<vmem>> -> memref<1x176x128xf32, #tpu.memory_space<vmem>>
        %dma_wait3A_264 = tpu.memref_squeeze %dma_wait3A_263 : memref<1x176x128xf32, #tpu.memory_space<vmem>> -> memref<176x128xf32, #tpu.memory_space<vmem>>
        tpu.wait_dma2 semaphore(%arg12 : memref<!tpu.dma_semaphore, #tpu.memory_space<semaphore_mem>>) src(%dma_wait3A_264 : memref<176x128xf32, #tpu.memory_space<vmem>>) dst(%dma_wait3A_260 : memref<176x128xf32, #tpu.memory_space<hbm>>)
      } else {
      }
      %mul3A_106 = arith.constant 176 : i32
      %mul3A_107 = arith.muli %add3A_85, %mul3A_106 : i32
      %add3A_108 = arith.addi %mul3A_2, %mul3A_107 : i32
      %min3A_109 = arith.constant 59824 : i32
      %min3A_110 = arith.minsi %add3A_108, %min3A_109 : i32
      %sub3A = arith.subi %min3A_110, %min3A_3 : i32
      %broadcast_in_dim3A = vector.broadcast %sub3A : i32 to vector<16xi32>
      %gather3A = tpu.vector_load_idx %arg9[%broadcast_in_dim3A] : memref<2112xi32, #tpu.memory_space<vmem>>[vector<16xi32>], vector<16xi32>,
      %add3A_111 = arith.constant 176 : i32
      %add3A_112 = arith.addi %sub3A, %add3A_111 : i32
      %sub3A_113 = arith.constant 1 : i32
      %sub3A_114 = arith.subi %add3A_112, %sub3A_113 : i32
      %broadcast_in_dim3A_115 = vector.broadcast %sub3A_114 : i32 to vector<16xi32>
      %gather3A_116 = tpu.vector_load_idx %arg9[%broadcast_in_dim3A_115] : memref<2112xi32, #tpu.memory_space<vmem>>[vector<16xi32>], vector<16xi32>,
      %eq3A = arith.cmpi eq, %gather3A, %gather3A_116 : vector<16xi32>
      %reduce_and3A = arith.constant 1.000000e+00 : f32
      %reduce_and3A_117 = arith.constant 0.000000e+00 : f32
      %reduce_and3A_118 = vector.broadcast %reduce_and3A : f32 to vector<16xf32>
      %reduce_and3A_119 = vector.broadcast %reduce_and3A_117 : f32 to vector<16xf32>
      %reduce_and3A_120 = arith.select %eq3A, %reduce_and3A_118, %reduce_and3A_119 : vector<16xi1>, vector<16xf32>
      %reduce_and3A_121 = arith.constant true
      %reduce_and3A_122 = vector.broadcast %reduce_and3A_121 : i1 to vector<16xi1>
      %reduce_and3A_123 = tpu.scan <min>, %reduce_and3A_120 masked %reduce_and3A_122 : vector<16xf32>, vector<16xi1> -> vector<16xf32>
      %reduce_and3A_124 = vector.extract %reduce_and3A_123[15] : f32 from vector<16xf32>
      %reduce_and3A_125 = arith.constant 0.000000e+00 : f32
      %reduce_and3A_126 = arith.cmpf ogt, %reduce_and3A_124, %reduce_and3A_125 : f32
      %convert_element_type3A_127 = arith.extui %reduce_and3A_126 : i1 to i32
      %cond3A_128 = arith.constant 0 : i32
      %cond3A_129 = arith.cmpi ne, %convert_element_type3A_127, %cond3A_128 : i32
      scf.if %cond3A_129 {
        %add3A_245 = arith.constant 0 : i32
        %add3A_246 = vector.broadcast %add3A_245 : i32 to vector<16xi32>
        %add3A_247 = arith.addi %iota3A, %add3A_246 : vector<16xi32>
        %gather3A_248 = tpu.vector_load_idx %arg6[%gather3A, %add3A_247] : memref<64x256xf32, #tpu.memory_space<vmem>>[vector<16xi32>, vector<16xi32>], vector<16xf32>,
        %add3A_249 = arith.constant 16 : i32
        %add3A_250 = vector.broadcast %add3A_249 : i32 to vector<16xi32>
        %add3A_251 = arith.addi %iota3A, %add3A_250 : vector<16xi32>
        %gather3A_252 = tpu.vector_load_idx %arg6[%gather3A, %add3A_251] : memref<64x256xf32, #tpu.memory_space<vmem>>[vector<16xi32>, vector<16xi32>], vector<16xf32>,
        %add3A_253 = arith.constant 32 : i32
        %add3A_254 = vector.broadcast %add3A_253 : i32 to vector<16xi32>
        %add3A_255 = arith.addi %iota3A, %add3A_254 : vector<16xi32>
        %gather3A_256 = tpu.vector_load_idx %arg6[%gather3A, %add3A_255] : memref<64x256xf32, #tpu.memory_space<vmem>>[vector<16xi32>, vector<16xi32>], vector<16xf32>,
        %add3A_257 = arith.constant 48 : i32
        %add3A_258 = vector.broadcast %add3A_257 : i32 to vector<16xi32>
        %add3A_259 = arith.addi %iota3A, %add3A_258 : vector<16xi32>
        %gather3A_260 = tpu.vector_load_idx %arg6[%gather3A, %add3A_259] : memref<64x256xf32, #tpu.memory_space<vmem>>[vector<16xi32>, vector<16xi32>], vector<16xf32>,
        %add3A_261 = arith.constant 64 : i32
        %add3A_262 = vector.broadcast %add3A_261 : i32 to vector<16xi32>
        %add3A_263 = arith.addi %iota3A, %add3A_262 : vector<16xi32>
        %gather3A_264 = tpu.vector_load_idx %arg6[%gather3A, %add3A_263] : memref<64x256xf32, #tpu.memory_space<vmem>>[vector<16xi32>, vector<16xi32>], vector<16xf32>,
        %add3A_265 = arith.constant 80 : i32
        %add3A_266 = vector.broadcast %add3A_265 : i32 to vector<16xi32>
        %add3A_267 = arith.addi %iota3A, %add3A_266 : vector<16xi32>
        %gather3A_268 = tpu.vector_load_idx %arg6[%gather3A, %add3A_267] : memref<64x256xf32, #tpu.memory_space<vmem>>[vector<16xi32>, vector<16xi32>], vector<16xf32>,
        %add3A_269 = arith.constant 96 : i32
        %add3A_270 = vector.broadcast %add3A_269 : i32 to vector<16xi32>
        %add3A_271 = arith.addi %iota3A, %add3A_270 : vector<16xi32>
        %gather3A_272 = tpu.vector_load_idx %arg6[%gather3A, %add3A_271] : memref<64x256xf32, #tpu.memory_space<vmem>>[vector<16xi32>, vector<16xi32>], vector<16xf32>,
        %add3A_273 = arith.constant 112 : i32
        %add3A_274 = vector.broadcast %add3A_273 : i32 to vector<16xi32>
        %add3A_275 = arith.addi %iota3A, %add3A_274 : vector<16xi32>
        %gather3A_276 = tpu.vector_load_idx %arg6[%gather3A, %add3A_275] : memref<64x256xf32, #tpu.memory_space<vmem>>[vector<16xi32>, vector<16xi32>], vector<16xf32>,
        %add3A_277 = arith.constant 128 : i32
        %add3A_278 = vector.broadcast %add3A_277 : i32 to vector<16xi32>
        %add3A_279 = arith.addi %iota3A, %add3A_278 : vector<16xi32>
        %add3A_280 = arith.constant 0 : i32
        %add3A_281 = vector.broadcast %add3A_280 : i32 to vector<16xi32>
        %add3A_282 = arith.addi %add3A_279, %add3A_281 : vector<16xi32>
        %gather3A_283 = tpu.vector_load_idx %arg6[%gather3A, %add3A_282] : memref<64x256xf32, #tpu.memory_space<vmem>>[vector<16xi32>, vector<16xi32>], vector<16xf32>,
        %add3A_284 = arith.constant 128 : i32
        %add3A_285 = vector.broadcast %add3A_284 : i32 to vector<16xi32>
        %add3A_286 = arith.addi %iota3A, %add3A_285 : vector<16xi32>
        %add3A_287 = arith.constant 16 : i32
        %add3A_288 = vector.broadcast %add3A_287 : i32 to vector<16xi32>
        %add3A_289 = arith.addi %add3A_286, %add3A_288 : vector<16xi32>
        %gather3A_290 = tpu.vector_load_idx %arg6[%gather3A, %add3A_289] : memref<64x256xf32, #tpu.memory_space<vmem>>[vector<16xi32>, vector<16xi32>], vector<16xf32>,
        %add3A_291 = arith.constant 128 : i32
        %add3A_292 = vector.broadcast %add3A_291 : i32 to vector<16xi32>
        %add3A_293 = arith.addi %iota3A, %add3A_292 : vector<16xi32>
        %add3A_294 = arith.constant 32 : i32
        %add3A_295 = vector.broadcast %add3A_294 : i32 to vector<16xi32>
        %add3A_296 = arith.addi %add3A_293, %add3A_295 : vector<16xi32>
        %gather3A_297 = tpu.vector_load_idx %arg6[%gather3A, %add3A_296] : memref<64x256xf32, #tpu.memory_space<vmem>>[vector<16xi32>, vector<16xi32>], vector<16xf32>,
        %add3A_298 = arith.constant 128 : i32
        %add3A_299 = vector.broadcast %add3A_298 : i32 to vector<16xi32>
        %add3A_300 = arith.addi %iota3A, %add3A_299 : vector<16xi32>
        %add3A_301 = arith.constant 48 : i32
        %add3A_302 = vector.broadcast %add3A_301 : i32 to vector<16xi32>
        %add3A_303 = arith.addi %add3A_300, %add3A_302 : vector<16xi32>
        %gather3A_304 = tpu.vector_load_idx %arg6[%gather3A, %add3A_303] : memref<64x256xf32, #tpu.memory_space<vmem>>[vector<16xi32>, vector<16xi32>], vector<16xf32>,
        %add3A_305 = arith.constant 128 : i32
        %add3A_306 = vector.broadcast %add3A_305 : i32 to vector<16xi32>
        %add3A_307 = arith.addi %iota3A, %add3A_306 : vector<16xi32>
        %add3A_308 = arith.constant 64 : i32
        %add3A_309 = vector.broadcast %add3A_308 : i32 to vector<16xi32>
        %add3A_310 = arith.addi %add3A_307, %add3A_309 : vector<16xi32>
        %gather3A_311 = tpu.vector_load_idx %arg6[%gather3A, %add3A_310] : memref<64x256xf32, #tpu.memory_space<vmem>>[vector<16xi32>, vector<16xi32>], vector<16xf32>,
        %add3A_312 = arith.constant 128 : i32
        %add3A_313 = vector.broadcast %add3A_312 : i32 to vector<16xi32>
        %add3A_314 = arith.addi %iota3A, %add3A_313 : vector<16xi32>
        %add3A_315 = arith.constant 80 : i32
        %add3A_316 = vector.broadcast %add3A_315 : i32 to vector<16xi32>
        %add3A_317 = arith.addi %add3A_314, %add3A_316 : vector<16xi32>
        %gather3A_318 = tpu.vector_load_idx %arg6[%gather3A, %add3A_317] : memref<64x256xf32, #tpu.memory_space<vmem>>[vector<16xi32>, vector<16xi32>], vector<16xf32>,
        %add3A_319 = arith.constant 128 : i32
        %add3A_320 = vector.broadcast %add3A_319 : i32 to vector<16xi32>
        %add3A_321 = arith.addi %iota3A, %add3A_320 : vector<16xi32>
        %add3A_322 = arith.constant 96 : i32
        %add3A_323 = vector.broadcast %add3A_322 : i32 to vector<16xi32>
        %add3A_324 = arith.addi %add3A_321, %add3A_323 : vector<16xi32>
        %gather3A_325 = tpu.vector_load_idx %arg6[%gather3A, %add3A_324] : memref<64x256xf32, #tpu.memory_space<vmem>>[vector<16xi32>, vector<16xi32>], vector<16xf32>,
        %add3A_326 = arith.constant 128 : i32
        %add3A_327 = vector.broadcast %add3A_326 : i32 to vector<16xi32>
        %add3A_328 = arith.addi %iota3A, %add3A_327 : vector<16xi32>
        %add3A_329 = arith.constant 112 : i32
        %add3A_330 = vector.broadcast %add3A_329 : i32 to vector<16xi32>
        %add3A_331 = arith.addi %add3A_328, %add3A_330 : vector<16xi32>
        %gather3A_332 = tpu.vector_load_idx %arg6[%gather3A, %add3A_331] : memref<64x256xf32, #tpu.memory_space<vmem>>[vector<16xi32>, vector<16xi32>], vector<16xf32>,
        %parallel_loop3A = arith.constant 0 : i32
        %parallel_loop3A_333 = arith.constant 176 : i32
        %parallel_loop3A_334 = arith.constant 1 : i32
        scf.for %parallel_loop3A_335 = %parallel_loop3A to %parallel_loop3A_333 step %parallel_loop3A_334  : i32 {
          %parallel_loop3A_336 = arith.constant 0 : i32
          %parallel_loop3A_337 = arith.index_cast %parallel_loop3A_336 : i32 to index
          %parallel_loop3A_338 = arith.index_cast %parallel_loop3A_335 : i32 to index
          %parallel_loop3A_339 = arith.constant 0 : index
          %parallel_loop3A_340 = tpu.vector_load %arg7[%parallel_loop3A_337, %parallel_loop3A_338, %parallel_loop3A_339] {strides = array<i32>} : memref<2x176x128xf32, #tpu.memory_space<vmem>>, vector<16xf32>,
          %parallel_loop3A_341 = arith.mulf %parallel_loop3A_340, %gather3A_248 : vector<16xf32>
          %parallel_loop3A_342 = arith.addf %parallel_loop3A_341, %gather3A_283 : vector<16xf32>
          %parallel_loop3A_343 = arith.constant 0 : i32
          %parallel_loop3A_344 = arith.index_cast %parallel_loop3A_343 : i32 to index
          %parallel_loop3A_345 = arith.index_cast %parallel_loop3A_335 : i32 to index
          %parallel_loop3A_346 = arith.constant 0 : index
          %parallel_loop3A_347 = tpu.vector_load %arg8[%parallel_loop3A_344, %parallel_loop3A_345, %parallel_loop3A_346] {strides = array<i32>} : memref<2x176x128xf32, #tpu.memory_space<vmem>>, vector<16xf32>,
          tpu.vector_store %arg8[%parallel_loop3A_344, %parallel_loop3A_345, %parallel_loop3A_346], %parallel_loop3A_342 {strides = array<i32>} : memref<2x176x128xf32, #tpu.memory_space<vmem>>, vector<16xf32>,
          %parallel_loop3A_348 = arith.constant 0 : i32
          %parallel_loop3A_349 = arith.index_cast %parallel_loop3A_348 : i32 to index
          %parallel_loop3A_350 = arith.index_cast %parallel_loop3A_335 : i32 to index
          %parallel_loop3A_351 = arith.constant 16 : index
          %parallel_loop3A_352 = tpu.vector_load %arg7[%parallel_loop3A_349, %parallel_loop3A_350, %parallel_loop3A_351] {strides = array<i32>} : memref<2x176x128xf32, #tpu.memory_space<vmem>>, vector<16xf32>,
          %parallel_loop3A_353 = arith.mulf %parallel_loop3A_352, %gather3A_252 : vector<16xf32>
          %parallel_loop3A_354 = arith.addf %parallel_loop3A_353, %gather3A_290 : vector<16xf32>
          %parallel_loop3A_355 = arith.constant 0 : i32
          %parallel_loop3A_356 = arith.index_cast %parallel_loop3A_355 : i32 to index
          %parallel_loop3A_357 = arith.index_cast %parallel_loop3A_335 : i32 to index
          %parallel_loop3A_358 = arith.constant 16 : index
          %parallel_loop3A_359 = tpu.vector_load %arg8[%parallel_loop3A_356, %parallel_loop3A_357, %parallel_loop3A_358] {strides = array<i32>} : memref<2x176x128xf32, #tpu.memory_space<vmem>>, vector<16xf32>,
          tpu.vector_store %arg8[%parallel_loop3A_356, %parallel_loop3A_357, %parallel_loop3A_358], %parallel_loop3A_354 {strides = array<i32>} : memref<2x176x128xf32, #tpu.memory_space<vmem>>, vector<16xf32>,
          %parallel_loop3A_360 = arith.constant 0 : i32
          %parallel_loop3A_361 = arith.index_cast %parallel_loop3A_360 : i32 to index
          %parallel_loop3A_362 = arith.index_cast %parallel_loop3A_335 : i32 to index
          %parallel_loop3A_363 = arith.constant 32 : index
          %parallel_loop3A_364 = tpu.vector_load %arg7[%parallel_loop3A_361, %parallel_loop3A_362, %parallel_loop3A_363] {strides = array<i32>} : memref<2x176x128xf32, #tpu.memory_space<vmem>>, vector<16xf32>,
          %parallel_loop3A_365 = arith.mulf %parallel_loop3A_364, %gather3A_256 : vector<16xf32>
          %parallel_loop3A_366 = arith.addf %parallel_loop3A_365, %gather3A_297 : vector<16xf32>
          %parallel_loop3A_367 = arith.constant 0 : i32
          %parallel_loop3A_368 = arith.index_cast %parallel_loop3A_367 : i32 to index
          %parallel_loop3A_369 = arith.index_cast %parallel_loop3A_335 : i32 to index
          %parallel_loop3A_370 = arith.constant 32 : index
          %parallel_loop3A_371 = tpu.vector_load %arg8[%parallel_loop3A_368, %parallel_loop3A_369, %parallel_loop3A_370] {strides = array<i32>} : memref<2x176x128xf32, #tpu.memory_space<vmem>>, vector<16xf32>,
          tpu.vector_store %arg8[%parallel_loop3A_368, %parallel_loop3A_369, %parallel_loop3A_370], %parallel_loop3A_366 {strides = array<i32>} : memref<2x176x128xf32, #tpu.memory_space<vmem>>, vector<16xf32>,
          %parallel_loop3A_372 = arith.constant 0 : i32
          %parallel_loop3A_373 = arith.index_cast %parallel_loop3A_372 : i32 to index
          %parallel_loop3A_374 = arith.index_cast %parallel_loop3A_335 : i32 to index
          %parallel_loop3A_375 = arith.constant 48 : index
          %parallel_loop3A_376 = tpu.vector_load %arg7[%parallel_loop3A_373, %parallel_loop3A_374, %parallel_loop3A_375] {strides = array<i32>} : memref<2x176x128xf32, #tpu.memory_space<vmem>>, vector<16xf32>,
          %parallel_loop3A_377 = arith.mulf %parallel_loop3A_376, %gather3A_260 : vector<16xf32>
          %parallel_loop3A_378 = arith.addf %parallel_loop3A_377, %gather3A_304 : vector<16xf32>
          %parallel_loop3A_379 = arith.constant 0 : i32
          %parallel_loop3A_380 = arith.index_cast %parallel_loop3A_379 : i32 to index
          %parallel_loop3A_381 = arith.index_cast %parallel_loop3A_335 : i32 to index
          %parallel_loop3A_382 = arith.constant 48 : index
          %parallel_loop3A_383 = tpu.vector_load %arg8[%parallel_loop3A_380, %parallel_loop3A_381, %parallel_loop3A_382] {strides = array<i32>} : memref<2x176x128xf32, #tpu.memory_space<vmem>>, vector<16xf32>,
          tpu.vector_store %arg8[%parallel_loop3A_380, %parallel_loop3A_381, %parallel_loop3A_382], %parallel_loop3A_378 {strides = array<i32>} : memref<2x176x128xf32, #tpu.memory_space<vmem>>, vector<16xf32>,
          %parallel_loop3A_384 = arith.constant 0 : i32
          %parallel_loop3A_385 = arith.index_cast %parallel_loop3A_384 : i32 to index
          %parallel_loop3A_386 = arith.index_cast %parallel_loop3A_335 : i32 to index
          %parallel_loop3A_387 = arith.constant 64 : index
          %parallel_loop3A_388 = tpu.vector_load %arg7[%parallel_loop3A_385, %parallel_loop3A_386, %parallel_loop3A_387] {strides = array<i32>} : memref<2x176x128xf32, #tpu.memory_space<vmem>>, vector<16xf32>,
          %parallel_loop3A_389 = arith.mulf %parallel_loop3A_388, %gather3A_264 : vector<16xf32>
          %parallel_loop3A_390 = arith.addf %parallel_loop3A_389, %gather3A_311 : vector<16xf32>
          %parallel_loop3A_391 = arith.constant 0 : i32
          %parallel_loop3A_392 = arith.index_cast %parallel_loop3A_391 : i32 to index
          %parallel_loop3A_393 = arith.index_cast %parallel_loop3A_335 : i32 to index
          %parallel_loop3A_394 = arith.constant 64 : index
          %parallel_loop3A_395 = tpu.vector_load %arg8[%parallel_loop3A_392, %parallel_loop3A_393, %parallel_loop3A_394] {strides = array<i32>} : memref<2x176x128xf32, #tpu.memory_space<vmem>>, vector<16xf32>,
          tpu.vector_store %arg8[%parallel_loop3A_392, %parallel_loop3A_393, %parallel_loop3A_394], %parallel_loop3A_390 {strides = array<i32>} : memref<2x176x128xf32, #tpu.memory_space<vmem>>, vector<16xf32>,
          %parallel_loop3A_396 = arith.constant 0 : i32
          %parallel_loop3A_397 = arith.index_cast %parallel_loop3A_396 : i32 to index
          %parallel_loop3A_398 = arith.index_cast %parallel_loop3A_335 : i32 to index
          %parallel_loop3A_399 = arith.constant 80 : index
          %parallel_loop3A_400 = tpu.vector_load %arg7[%parallel_loop3A_397, %parallel_loop3A_398, %parallel_loop3A_399] {strides = array<i32>} : memref<2x176x128xf32, #tpu.memory_space<vmem>>, vector<16xf32>,
          %parallel_loop3A_401 = arith.mulf %parallel_loop3A_400, %gather3A_268 : vector<16xf32>
          %parallel_loop3A_402 = arith.addf %parallel_loop3A_401, %gather3A_318 : vector<16xf32>
          %parallel_loop3A_403 = arith.constant 0 : i32
          %parallel_loop3A_404 = arith.index_cast %parallel_loop3A_403 : i32 to index
          %parallel_loop3A_405 = arith.index_cast %parallel_loop3A_335 : i32 to index
          %parallel_loop3A_406 = arith.constant 80 : index
          %parallel_loop3A_407 = tpu.vector_load %arg8[%parallel_loop3A_404, %parallel_loop3A_405, %parallel_loop3A_406] {strides = array<i32>} : memref<2x176x128xf32, #tpu.memory_space<vmem>>, vector<16xf32>,
          tpu.vector_store %arg8[%parallel_loop3A_404, %parallel_loop3A_405, %parallel_loop3A_406], %parallel_loop3A_402 {strides = array<i32>} : memref<2x176x128xf32, #tpu.memory_space<vmem>>, vector<16xf32>,
          %parallel_loop3A_408 = arith.constant 0 : i32
          %parallel_loop3A_409 = arith.index_cast %parallel_loop3A_408 : i32 to index
          %parallel_loop3A_410 = arith.index_cast %parallel_loop3A_335 : i32 to index
          %parallel_loop3A_411 = arith.constant 96 : index
          %parallel_loop3A_412 = tpu.vector_load %arg7[%parallel_loop3A_409, %parallel_loop3A_410, %parallel_loop3A_411] {strides = array<i32>} : memref<2x176x128xf32, #tpu.memory_space<vmem>>, vector<16xf32>,
          %parallel_loop3A_413 = arith.mulf %parallel_loop3A_412, %gather3A_272 : vector<16xf32>
          %parallel_loop3A_414 = arith.addf %parallel_loop3A_413, %gather3A_325 : vector<16xf32>
          %parallel_loop3A_415 = arith.constant 0 : i32
          %parallel_loop3A_416 = arith.index_cast %parallel_loop3A_415 : i32 to index
          %parallel_loop3A_417 = arith.index_cast %parallel_loop3A_335 : i32 to index
          %parallel_loop3A_418 = arith.constant 96 : index
          %parallel_loop3A_419 = tpu.vector_load %arg8[%parallel_loop3A_416, %parallel_loop3A_417, %parallel_loop3A_418] {strides = array<i32>} : memref<2x176x128xf32, #tpu.memory_space<vmem>>, vector<16xf32>,
          tpu.vector_store %arg8[%parallel_loop3A_416, %parallel_loop3A_417, %parallel_loop3A_418], %parallel_loop3A_414 {strides = array<i32>} : memref<2x176x128xf32, #tpu.memory_space<vmem>>, vector<16xf32>,
          %parallel_loop3A_420 = arith.constant 0 : i32
          %parallel_loop3A_421 = arith.index_cast %parallel_loop3A_420 : i32 to index
          %parallel_loop3A_422 = arith.index_cast %parallel_loop3A_335 : i32 to index
          %parallel_loop3A_423 = arith.constant 112 : index
          %parallel_loop3A_424 = tpu.vector_load %arg7[%parallel_loop3A_421, %parallel_loop3A_422, %parallel_loop3A_423] {strides = array<i32>} : memref<2x176x128xf32, #tpu.memory_space<vmem>>, vector<16xf32>,
          %parallel_loop3A_425 = arith.mulf %parallel_loop3A_424, %gather3A_276 : vector<16xf32>
          %parallel_loop3A_426 = arith.addf %parallel_loop3A_425, %gather3A_332 : vector<16xf32>
          %parallel_loop3A_427 = arith.constant 0 : i32
          %parallel_loop3A_428 = arith.index_cast %parallel_loop3A_427 : i32 to index
          %parallel_loop3A_429 = arith.index_cast %parallel_loop3A_335 : i32 to index
          %parallel_loop3A_430 = arith.constant 112 : index
          %parallel_loop3A_431 = tpu.vector_load %arg8[%parallel_loop3A_428, %parallel_loop3A_429, %parallel_loop3A_430] {strides = array<i32>} : memref<2x176x128xf32, #tpu.memory_space<vmem>>, vector<16xf32>,
          tpu.vector_store %arg8[%parallel_loop3A_428, %parallel_loop3A_429, %parallel_loop3A_430], %parallel_loop3A_426 {strides = array<i32>} : memref<2x176x128xf32, #tpu.memory_space<vmem>>, vector<16xf32>,
        } {sc.loop_unroll_factor = 4 : i64, sc.parallel_access}
      } else {
      }
      %not3A = arith.constant true
      %not3A_130 = arith.xori %reduce_and3A_126, %not3A : i1
      %convert_element_type3A_131 = arith.extui %not3A_130 : i1 to i32
      %cond3A_132 = arith.constant 0 : i32
      %cond3A_133 = arith.cmpi ne, %convert_element_type3A_131, %cond3A_132 : i32
      scf.if %cond3A_133 {
        %scan3A_245 = arith.constant 0 : i32
        %scan3A_246 = arith.constant 0 : i32
        %scan3A_247 = arith.constant 11 : i32
        %scan3A_248 = arith.addi %scan3A_246, %scan3A_247 : i32
        %scan3A_249 = arith.constant 1 : i32
        %scan3A_250 = scf.for %scan3A_252 = %scan3A_246 to %scan3A_248 step %scan3A_249 iter_args(%scan3A_253 = %scan3A_245) -> (i32)  : i32 {
          %mul3A_254 = arith.constant 16 : i32
          %mul3A_255 = arith.muli %scan3A_252, %mul3A_254 : i32
          %add3A_256 = arith.addi %sub3A, %mul3A_255 : i32
          %broadcast_in_dim3A_257 = vector.broadcast %add3A_256 : i32 to vector<16xi32>
          %gather3A_258 = tpu.vector_load_idx %arg9[%broadcast_in_dim3A_257] : memref<2112xi32, #tpu.memory_space<vmem>>[vector<16xi32>], vector<16xi32>,
          %add3A_259 = arith.constant 16 : i32
          %add3A_260 = arith.addi %add3A_256, %add3A_259 : i32
          %sub3A_261 = arith.constant 1 : i32
          %sub3A_262 = arith.subi %add3A_260, %sub3A_261 : i32
          %broadcast_in_dim3A_263 = vector.broadcast %sub3A_262 : i32 to vector<16xi32>
          %gather3A_264 = tpu.vector_load_idx %arg9[%broadcast_in_dim3A_263] : memref<2112xi32, #tpu.memory_space<vmem>>[vector<16xi32>], vector<16xi32>,
          %eq3A_265 = arith.cmpi eq, %gather3A_258, %gather3A_264 : vector<16xi32>
          %reduce_and3A_266 = arith.constant 1.000000e+00 : f32
          %reduce_and3A_267 = arith.constant 0.000000e+00 : f32
          %reduce_and3A_268 = vector.broadcast %reduce_and3A_266 : f32 to vector<16xf32>
          %reduce_and3A_269 = vector.broadcast %reduce_and3A_267 : f32 to vector<16xf32>
          %reduce_and3A_270 = arith.select %eq3A_265, %reduce_and3A_268, %reduce_and3A_269 : vector<16xi1>, vector<16xf32>
          %reduce_and3A_271 = arith.constant true
          %reduce_and3A_272 = vector.broadcast %reduce_and3A_271 : i1 to vector<16xi1>
          %reduce_and3A_273 = tpu.scan <min>, %reduce_and3A_270 masked %reduce_and3A_272 : vector<16xf32>, vector<16xi1> -> vector<16xf32>
          %reduce_and3A_274 = vector.extract %reduce_and3A_273[15] : f32 from vector<16xf32>
          %reduce_and3A_275 = arith.constant 0.000000e+00 : f32
          %reduce_and3A_276 = arith.cmpf ogt, %reduce_and3A_274, %reduce_and3A_275 : f32
          %convert_element_type3A_277 = arith.extui %reduce_and3A_276 : i1 to i32
          %cond3A_278 = arith.constant 0 : i32
          %cond3A_279 = arith.cmpi ne, %convert_element_type3A_277, %cond3A_278 : i32
          scf.if %cond3A_279 {
            %add3A_286 = arith.constant 0 : i32
            %add3A_287 = vector.broadcast %add3A_286 : i32 to vector<16xi32>
            %add3A_288 = arith.addi %iota3A, %add3A_287 : vector<16xi32>
            %gather3A_289 = tpu.vector_load_idx %arg6[%gather3A_258, %add3A_288] : memref<64x256xf32, #tpu.memory_space<vmem>>[vector<16xi32>, vector<16xi32>], vector<16xf32>,
            %add3A_290 = arith.constant 16 : i32
            %add3A_291 = vector.broadcast %add3A_290 : i32 to vector<16xi32>
            %add3A_292 = arith.addi %iota3A, %add3A_291 : vector<16xi32>
            %gather3A_293 = tpu.vector_load_idx %arg6[%gather3A_258, %add3A_292] : memref<64x256xf32, #tpu.memory_space<vmem>>[vector<16xi32>, vector<16xi32>], vector<16xf32>,
            %add3A_294 = arith.constant 32 : i32
            %add3A_295 = vector.broadcast %add3A_294 : i32 to vector<16xi32>
            %add3A_296 = arith.addi %iota3A, %add3A_295 : vector<16xi32>
            %gather3A_297 = tpu.vector_load_idx %arg6[%gather3A_258, %add3A_296] : memref<64x256xf32, #tpu.memory_space<vmem>>[vector<16xi32>, vector<16xi32>], vector<16xf32>,
            %add3A_298 = arith.constant 48 : i32
            %add3A_299 = vector.broadcast %add3A_298 : i32 to vector<16xi32>
            %add3A_300 = arith.addi %iota3A, %add3A_299 : vector<16xi32>
            %gather3A_301 = tpu.vector_load_idx %arg6[%gather3A_258, %add3A_300] : memref<64x256xf32, #tpu.memory_space<vmem>>[vector<16xi32>, vector<16xi32>], vector<16xf32>,
            %add3A_302 = arith.constant 64 : i32
            %add3A_303 = vector.broadcast %add3A_302 : i32 to vector<16xi32>
            %add3A_304 = arith.addi %iota3A, %add3A_303 : vector<16xi32>
            %gather3A_305 = tpu.vector_load_idx %arg6[%gather3A_258, %add3A_304] : memref<64x256xf32, #tpu.memory_space<vmem>>[vector<16xi32>, vector<16xi32>], vector<16xf32>,
            %add3A_306 = arith.constant 80 : i32
            %add3A_307 = vector.broadcast %add3A_306 : i32 to vector<16xi32>
            %add3A_308 = arith.addi %iota3A, %add3A_307 : vector<16xi32>
            %gather3A_309 = tpu.vector_load_idx %arg6[%gather3A_258, %add3A_308] : memref<64x256xf32, #tpu.memory_space<vmem>>[vector<16xi32>, vector<16xi32>], vector<16xf32>,
            %add3A_310 = arith.constant 96 : i32
            %add3A_311 = vector.broadcast %add3A_310 : i32 to vector<16xi32>
            %add3A_312 = arith.addi %iota3A, %add3A_311 : vector<16xi32>
            %gather3A_313 = tpu.vector_load_idx %arg6[%gather3A_258, %add3A_312] : memref<64x256xf32, #tpu.memory_space<vmem>>[vector<16xi32>, vector<16xi32>], vector<16xf32>,
            %add3A_314 = arith.constant 112 : i32
            %add3A_315 = vector.broadcast %add3A_314 : i32 to vector<16xi32>
            %add3A_316 = arith.addi %iota3A, %add3A_315 : vector<16xi32>
            %gather3A_317 = tpu.vector_load_idx %arg6[%gather3A_258, %add3A_316] : memref<64x256xf32, #tpu.memory_space<vmem>>[vector<16xi32>, vector<16xi32>], vector<16xf32>,
            %add3A_318 = arith.constant 128 : i32
            %add3A_319 = vector.broadcast %add3A_318 : i32 to vector<16xi32>
            %add3A_320 = arith.addi %iota3A, %add3A_319 : vector<16xi32>
            %add3A_321 = arith.constant 0 : i32
            %add3A_322 = vector.broadcast %add3A_321 : i32 to vector<16xi32>
            %add3A_323 = arith.addi %add3A_320, %add3A_322 : vector<16xi32>
            %gather3A_324 = tpu.vector_load_idx %arg6[%gather3A_258, %add3A_323] : memref<64x256xf32, #tpu.memory_space<vmem>>[vector<16xi32>, vector<16xi32>], vector<16xf32>,
            %add3A_325 = arith.constant 128 : i32
            %add3A_326 = vector.broadcast %add3A_325 : i32 to vector<16xi32>
            %add3A_327 = arith.addi %iota3A, %add3A_326 : vector<16xi32>
            %add3A_328 = arith.constant 16 : i32
            %add3A_329 = vector.broadcast %add3A_328 : i32 to vector<16xi32>
            %add3A_330 = arith.addi %add3A_327, %add3A_329 : vector<16xi32>
            %gather3A_331 = tpu.vector_load_idx %arg6[%gather3A_258, %add3A_330] : memref<64x256xf32, #tpu.memory_space<vmem>>[vector<16xi32>, vector<16xi32>], vector<16xf32>,
            %add3A_332 = arith.constant 128 : i32
            %add3A_333 = vector.broadcast %add3A_332 : i32 to vector<16xi32>
            %add3A_334 = arith.addi %iota3A, %add3A_333 : vector<16xi32>
            %add3A_335 = arith.constant 32 : i32
            %add3A_336 = vector.broadcast %add3A_335 : i32 to vector<16xi32>
            %add3A_337 = arith.addi %add3A_334, %add3A_336 : vector<16xi32>
            %gather3A_338 = tpu.vector_load_idx %arg6[%gather3A_258, %add3A_337] : memref<64x256xf32, #tpu.memory_space<vmem>>[vector<16xi32>, vector<16xi32>], vector<16xf32>,
            %add3A_339 = arith.constant 128 : i32
            %add3A_340 = vector.broadcast %add3A_339 : i32 to vector<16xi32>
            %add3A_341 = arith.addi %iota3A, %add3A_340 : vector<16xi32>
            %add3A_342 = arith.constant 48 : i32
            %add3A_343 = vector.broadcast %add3A_342 : i32 to vector<16xi32>
            %add3A_344 = arith.addi %add3A_341, %add3A_343 : vector<16xi32>
            %gather3A_345 = tpu.vector_load_idx %arg6[%gather3A_258, %add3A_344] : memref<64x256xf32, #tpu.memory_space<vmem>>[vector<16xi32>, vector<16xi32>], vector<16xf32>,
            %add3A_346 = arith.constant 128 : i32
            %add3A_347 = vector.broadcast %add3A_346 : i32 to vector<16xi32>
            %add3A_348 = arith.addi %iota3A, %add3A_347 : vector<16xi32>
            %add3A_349 = arith.constant 64 : i32
            %add3A_350 = vector.broadcast %add3A_349 : i32 to vector<16xi32>
            %add3A_351 = arith.addi %add3A_348, %add3A_350 : vector<16xi32>
            %gather3A_352 = tpu.vector_load_idx %arg6[%gather3A_258, %add3A_351] : memref<64x256xf32, #tpu.memory_space<vmem>>[vector<16xi32>, vector<16xi32>], vector<16xf32>,
            %add3A_353 = arith.constant 128 : i32
            %add3A_354 = vector.broadcast %add3A_353 : i32 to vector<16xi32>
            %add3A_355 = arith.addi %iota3A, %add3A_354 : vector<16xi32>
            %add3A_356 = arith.constant 80 : i32
            %add3A_357 = vector.broadcast %add3A_356 : i32 to vector<16xi32>
            %add3A_358 = arith.addi %add3A_355, %add3A_357 : vector<16xi32>
            %gather3A_359 = tpu.vector_load_idx %arg6[%gather3A_258, %add3A_358] : memref<64x256xf32, #tpu.memory_space<vmem>>[vector<16xi32>, vector<16xi32>], vector<16xf32>,
            %add3A_360 = arith.constant 128 : i32
            %add3A_361 = vector.broadcast %add3A_360 : i32 to vector<16xi32>
            %add3A_362 = arith.addi %iota3A, %add3A_361 : vector<16xi32>
            %add3A_363 = arith.constant 96 : i32
            %add3A_364 = vector.broadcast %add3A_363 : i32 to vector<16xi32>
            %add3A_365 = arith.addi %add3A_362, %add3A_364 : vector<16xi32>
            %gather3A_366 = tpu.vector_load_idx %arg6[%gather3A_258, %add3A_365] : memref<64x256xf32, #tpu.memory_space<vmem>>[vector<16xi32>, vector<16xi32>], vector<16xf32>,
            %add3A_367 = arith.constant 128 : i32
            %add3A_368 = vector.broadcast %add3A_367 : i32 to vector<16xi32>
            %add3A_369 = arith.addi %iota3A, %add3A_368 : vector<16xi32>
            %add3A_370 = arith.constant 112 : i32
            %add3A_371 = vector.broadcast %add3A_370 : i32 to vector<16xi32>
            %add3A_372 = arith.addi %add3A_369, %add3A_371 : vector<16xi32>
            %gather3A_373 = tpu.vector_load_idx %arg6[%gather3A_258, %add3A_372] : memref<64x256xf32, #tpu.memory_space<vmem>>[vector<16xi32>, vector<16xi32>], vector<16xf32>,
            %parallel_loop3A = arith.constant 0 : i32
            %parallel_loop3A_374 = arith.constant 16 : i32
            %parallel_loop3A_375 = arith.constant 1 : i32
            scf.for %parallel_loop3A_376 = %parallel_loop3A to %parallel_loop3A_374 step %parallel_loop3A_375  : i32 {
              %parallel_loop3A_377 = arith.constant 16 : i32
              %parallel_loop3A_378 = arith.muli %scan3A_252, %parallel_loop3A_377 : i32
              %parallel_loop3A_379 = arith.addi %parallel_loop3A_378, %parallel_loop3A_376 : i32
              %parallel_loop3A_380 = arith.constant 0 : i32
              %parallel_loop3A_381 = arith.index_cast %parallel_loop3A_380 : i32 to index
              %parallel_loop3A_382 = arith.index_cast %parallel_loop3A_379 : i32 to index
              %parallel_loop3A_383 = arith.constant 0 : index
              %parallel_loop3A_384 = tpu.vector_load %arg7[%parallel_loop3A_381, %parallel_loop3A_382, %parallel_loop3A_383] {strides = array<i32>} : memref<2x176x128xf32, #tpu.memory_space<vmem>>, vector<16xf32>,
              %parallel_loop3A_385 = arith.mulf %parallel_loop3A_384, %gather3A_289 : vector<16xf32>
              %parallel_loop3A_386 = arith.addf %parallel_loop3A_385, %gather3A_324 : vector<16xf32>
              %parallel_loop3A_387 = arith.constant 0 : i32
              %parallel_loop3A_388 = arith.index_cast %parallel_loop3A_387 : i32 to index
              %parallel_loop3A_389 = arith.index_cast %parallel_loop3A_379 : i32 to index
              %parallel_loop3A_390 = arith.constant 0 : index
              %parallel_loop3A_391 = tpu.vector_load %arg8[%parallel_loop3A_388, %parallel_loop3A_389, %parallel_loop3A_390] {strides = array<i32>} : memref<2x176x128xf32, #tpu.memory_space<vmem>>, vector<16xf32>,
              tpu.vector_store %arg8[%parallel_loop3A_388, %parallel_loop3A_389, %parallel_loop3A_390], %parallel_loop3A_386 {strides = array<i32>} : memref<2x176x128xf32, #tpu.memory_space<vmem>>, vector<16xf32>,
              %parallel_loop3A_392 = arith.constant 0 : i32
              %parallel_loop3A_393 = arith.index_cast %parallel_loop3A_392 : i32 to index
              %parallel_loop3A_394 = arith.index_cast %parallel_loop3A_379 : i32 to index
              %parallel_loop3A_395 = arith.constant 16 : index
              %parallel_loop3A_396 = tpu.vector_load %arg7[%parallel_loop3A_393, %parallel_loop3A_394, %parallel_loop3A_395] {strides = array<i32>} : memref<2x176x128xf32, #tpu.memory_space<vmem>>, vector<16xf32>,
              %parallel_loop3A_397 = arith.mulf %parallel_loop3A_396, %gather3A_293 : vector<16xf32>
              %parallel_loop3A_398 = arith.addf %parallel_loop3A_397, %gather3A_331 : vector<16xf32>
              %parallel_loop3A_399 = arith.constant 0 : i32
              %parallel_loop3A_400 = arith.index_cast %parallel_loop3A_399 : i32 to index
              %parallel_loop3A_401 = arith.index_cast %parallel_loop3A_379 : i32 to index
              %parallel_loop3A_402 = arith.constant 16 : index
              %parallel_loop3A_403 = tpu.vector_load %arg8[%parallel_loop3A_400, %parallel_loop3A_401, %parallel_loop3A_402] {strides = array<i32>} : memref<2x176x128xf32, #tpu.memory_space<vmem>>, vector<16xf32>,
              tpu.vector_store %arg8[%parallel_loop3A_400, %parallel_loop3A_401, %parallel_loop3A_402], %parallel_loop3A_398 {strides = array<i32>} : memref<2x176x128xf32, #tpu.memory_space<vmem>>, vector<16xf32>,
              %parallel_loop3A_404 = arith.constant 0 : i32
              %parallel_loop3A_405 = arith.index_cast %parallel_loop3A_404 : i32 to index
              %parallel_loop3A_406 = arith.index_cast %parallel_loop3A_379 : i32 to index
              %parallel_loop3A_407 = arith.constant 32 : index
              %parallel_loop3A_408 = tpu.vector_load %arg7[%parallel_loop3A_405, %parallel_loop3A_406, %parallel_loop3A_407] {strides = array<i32>} : memref<2x176x128xf32, #tpu.memory_space<vmem>>, vector<16xf32>,
              %parallel_loop3A_409 = arith.mulf %parallel_loop3A_408, %gather3A_297 : vector<16xf32>
              %parallel_loop3A_410 = arith.addf %parallel_loop3A_409, %gather3A_338 : vector<16xf32>
              %parallel_loop3A_411 = arith.constant 0 : i32
              %parallel_loop3A_412 = arith.index_cast %parallel_loop3A_411 : i32 to index
              %parallel_loop3A_413 = arith.index_cast %parallel_loop3A_379 : i32 to index
              %parallel_loop3A_414 = arith.constant 32 : index
              %parallel_loop3A_415 = tpu.vector_load %arg8[%parallel_loop3A_412, %parallel_loop3A_413, %parallel_loop3A_414] {strides = array<i32>} : memref<2x176x128xf32, #tpu.memory_space<vmem>>, vector<16xf32>,
              tpu.vector_store %arg8[%parallel_loop3A_412, %parallel_loop3A_413, %parallel_loop3A_414], %parallel_loop3A_410 {strides = array<i32>} : memref<2x176x128xf32, #tpu.memory_space<vmem>>, vector<16xf32>,
              %parallel_loop3A_416 = arith.constant 0 : i32
              %parallel_loop3A_417 = arith.index_cast %parallel_loop3A_416 : i32 to index
              %parallel_loop3A_418 = arith.index_cast %parallel_loop3A_379 : i32 to index
              %parallel_loop3A_419 = arith.constant 48 : index
              %parallel_loop3A_420 = tpu.vector_load %arg7[%parallel_loop3A_417, %parallel_loop3A_418, %parallel_loop3A_419] {strides = array<i32>} : memref<2x176x128xf32, #tpu.memory_space<vmem>>, vector<16xf32>,
              %parallel_loop3A_421 = arith.mulf %parallel_loop3A_420, %gather3A_301 : vector<16xf32>
              %parallel_loop3A_422 = arith.addf %parallel_loop3A_421, %gather3A_345 : vector<16xf32>
              %parallel_loop3A_423 = arith.constant 0 : i32
              %parallel_loop3A_424 = arith.index_cast %parallel_loop3A_423 : i32 to index
              %parallel_loop3A_425 = arith.index_cast %parallel_loop3A_379 : i32 to index
              %parallel_loop3A_426 = arith.constant 48 : index
              %parallel_loop3A_427 = tpu.vector_load %arg8[%parallel_loop3A_424, %parallel_loop3A_425, %parallel_loop3A_426] {strides = array<i32>} : memref<2x176x128xf32, #tpu.memory_space<vmem>>, vector<16xf32>,
              tpu.vector_store %arg8[%parallel_loop3A_424, %parallel_loop3A_425, %parallel_loop3A_426], %parallel_loop3A_422 {strides = array<i32>} : memref<2x176x128xf32, #tpu.memory_space<vmem>>, vector<16xf32>,
              %parallel_loop3A_428 = arith.constant 0 : i32
              %parallel_loop3A_429 = arith.index_cast %parallel_loop3A_428 : i32 to index
              %parallel_loop3A_430 = arith.index_cast %parallel_loop3A_379 : i32 to index
              %parallel_loop3A_431 = arith.constant 64 : index
              %parallel_loop3A_432 = tpu.vector_load %arg7[%parallel_loop3A_429, %parallel_loop3A_430, %parallel_loop3A_431] {strides = array<i32>} : memref<2x176x128xf32, #tpu.memory_space<vmem>>, vector<16xf32>,
              %parallel_loop3A_433 = arith.mulf %parallel_loop3A_432, %gather3A_305 : vector<16xf32>
              %parallel_loop3A_434 = arith.addf %parallel_loop3A_433, %gather3A_352 : vector<16xf32>
              %parallel_loop3A_435 = arith.constant 0 : i32
              %parallel_loop3A_436 = arith.index_cast %parallel_loop3A_435 : i32 to index
              %parallel_loop3A_437 = arith.index_cast %parallel_loop3A_379 : i32 to index
              %parallel_loop3A_438 = arith.constant 64 : index
              %parallel_loop3A_439 = tpu.vector_load %arg8[%parallel_loop3A_436, %parallel_loop3A_437, %parallel_loop3A_438] {strides = array<i32>} : memref<2x176x128xf32, #tpu.memory_space<vmem>>, vector<16xf32>,
              tpu.vector_store %arg8[%parallel_loop3A_436, %parallel_loop3A_437, %parallel_loop3A_438], %parallel_loop3A_434 {strides = array<i32>} : memref<2x176x128xf32, #tpu.memory_space<vmem>>, vector<16xf32>,
              %parallel_loop3A_440 = arith.constant 0 : i32
              %parallel_loop3A_441 = arith.index_cast %parallel_loop3A_440 : i32 to index
              %parallel_loop3A_442 = arith.index_cast %parallel_loop3A_379 : i32 to index
              %parallel_loop3A_443 = arith.constant 80 : index
              %parallel_loop3A_444 = tpu.vector_load %arg7[%parallel_loop3A_441, %parallel_loop3A_442, %parallel_loop3A_443] {strides = array<i32>} : memref<2x176x128xf32, #tpu.memory_space<vmem>>, vector<16xf32>,
              %parallel_loop3A_445 = arith.mulf %parallel_loop3A_444, %gather3A_309 : vector<16xf32>
              %parallel_loop3A_446 = arith.addf %parallel_loop3A_445, %gather3A_359 : vector<16xf32>
              %parallel_loop3A_447 = arith.constant 0 : i32
              %parallel_loop3A_448 = arith.index_cast %parallel_loop3A_447 : i32 to index
              %parallel_loop3A_449 = arith.index_cast %parallel_loop3A_379 : i32 to index
              %parallel_loop3A_450 = arith.constant 80 : index
              %parallel_loop3A_451 = tpu.vector_load %arg8[%parallel_loop3A_448, %parallel_loop3A_449, %parallel_loop3A_450] {strides = array<i32>} : memref<2x176x128xf32, #tpu.memory_space<vmem>>, vector<16xf32>,
              tpu.vector_store %arg8[%parallel_loop3A_448, %parallel_loop3A_449, %parallel_loop3A_450], %parallel_loop3A_446 {strides = array<i32>} : memref<2x176x128xf32, #tpu.memory_space<vmem>>, vector<16xf32>,
              %parallel_loop3A_452 = arith.constant 0 : i32
              %parallel_loop3A_453 = arith.index_cast %parallel_loop3A_452 : i32 to index
              %parallel_loop3A_454 = arith.index_cast %parallel_loop3A_379 : i32 to index
              %parallel_loop3A_455 = arith.constant 96 : index
              %parallel_loop3A_456 = tpu.vector_load %arg7[%parallel_loop3A_453, %parallel_loop3A_454, %parallel_loop3A_455] {strides = array<i32>} : memref<2x176x128xf32, #tpu.memory_space<vmem>>, vector<16xf32>,
              %parallel_loop3A_457 = arith.mulf %parallel_loop3A_456, %gather3A_313 : vector<16xf32>
              %parallel_loop3A_458 = arith.addf %parallel_loop3A_457, %gather3A_366 : vector<16xf32>
              %parallel_loop3A_459 = arith.constant 0 : i32
              %parallel_loop3A_460 = arith.index_cast %parallel_loop3A_459 : i32 to index
              %parallel_loop3A_461 = arith.index_cast %parallel_loop3A_379 : i32 to index
              %parallel_loop3A_462 = arith.constant 96 : index
              %parallel_loop3A_463 = tpu.vector_load %arg8[%parallel_loop3A_460, %parallel_loop3A_461, %parallel_loop3A_462] {strides = array<i32>} : memref<2x176x128xf32, #tpu.memory_space<vmem>>, vector<16xf32>,
              tpu.vector_store %arg8[%parallel_loop3A_460, %parallel_loop3A_461, %parallel_loop3A_462], %parallel_loop3A_458 {strides = array<i32>} : memref<2x176x128xf32, #tpu.memory_space<vmem>>, vector<16xf32>,
              %parallel_loop3A_464 = arith.constant 0 : i32
              %parallel_loop3A_465 = arith.index_cast %parallel_loop3A_464 : i32 to index
              %parallel_loop3A_466 = arith.index_cast %parallel_loop3A_379 : i32 to index
              %parallel_loop3A_467 = arith.constant 112 : index
              %parallel_loop3A_468 = tpu.vector_load %arg7[%parallel_loop3A_465, %parallel_loop3A_466, %parallel_loop3A_467] {strides = array<i32>} : memref<2x176x128xf32, #tpu.memory_space<vmem>>, vector<16xf32>,
              %parallel_loop3A_469 = arith.mulf %parallel_loop3A_468, %gather3A_317 : vector<16xf32>
              %parallel_loop3A_470 = arith.addf %parallel_loop3A_469, %gather3A_373 : vector<16xf32>
              %parallel_loop3A_471 = arith.constant 0 : i32
              %parallel_loop3A_472 = arith.index_cast %parallel_loop3A_471 : i32 to index
              %parallel_loop3A_473 = arith.index_cast %parallel_loop3A_379 : i32 to index
              %parallel_loop3A_474 = arith.constant 112 : index
              %parallel_loop3A_475 = tpu.vector_load %arg8[%parallel_loop3A_472, %parallel_loop3A_473, %parallel_loop3A_474] {strides = array<i32>} : memref<2x176x128xf32, #tpu.memory_space<vmem>>, vector<16xf32>,
              tpu.vector_store %arg8[%parallel_loop3A_472, %parallel_loop3A_473, %parallel_loop3A_474], %parallel_loop3A_470 {strides = array<i32>} : memref<2x176x128xf32, #tpu.memory_space<vmem>>, vector<16xf32>,
            } {sc.loop_unroll_factor = 4 : i64, sc.parallel_access}
          } else {
          }
          %not3A_280 = arith.constant true
          %not3A_281 = arith.xori %reduce_and3A_276, %not3A_280 : i1
          %convert_element_type3A_282 = arith.extui %not3A_281 : i1 to i32
          %cond3A_283 = arith.constant 0 : i32
          %cond3A_284 = arith.cmpi ne, %convert_element_type3A_282, %cond3A_283 : i32
          scf.if %cond3A_284 {
            %parallel_loop3A = arith.constant 0 : i32
            %parallel_loop3A_286 = arith.constant 16 : i32
            %parallel_loop3A_287 = arith.constant 1 : i32
            scf.for %parallel_loop3A_288 = %parallel_loop3A to %parallel_loop3A_286 step %parallel_loop3A_287  : i32 {
              %parallel_loop3A_289 = arith.constant 16 : i32
              %parallel_loop3A_290 = arith.muli %scan3A_252, %parallel_loop3A_289 : i32
              %parallel_loop3A_291 = arith.addi %parallel_loop3A_290, %parallel_loop3A_288 : i32
              %parallel_loop3A_292 = arith.addi %sub3A, %parallel_loop3A_291 : i32
              %parallel_loop3A_293 = vector.broadcast %parallel_loop3A_292 : i32 to vector<16xi32>
              %parallel_loop3A_294 = tpu.vector_load_idx %arg9[%parallel_loop3A_293] : memref<2112xi32, #tpu.memory_space<vmem>>[vector<16xi32>], vector<16xi32>,
              %parallel_loop3A_295 = arith.constant 0 : i32
              %parallel_loop3A_296 = vector.broadcast %parallel_loop3A_295 : i32 to vector<16xi32>
              %parallel_loop3A_297 = arith.addi %iota3A, %parallel_loop3A_296 : vector<16xi32>
              %parallel_loop3A_298 = tpu.vector_load_idx %arg6[%parallel_loop3A_294, %parallel_loop3A_297] : memref<64x256xf32, #tpu.memory_space<vmem>>[vector<16xi32>, vector<16xi32>], vector<16xf32>,
              %parallel_loop3A_299 = arith.constant 128 : i32
              %parallel_loop3A_300 = vector.broadcast %parallel_loop3A_299 : i32 to vector<16xi32>
              %parallel_loop3A_301 = arith.addi %iota3A, %parallel_loop3A_300 : vector<16xi32>
              %parallel_loop3A_302 = arith.constant 0 : i32
              %parallel_loop3A_303 = vector.broadcast %parallel_loop3A_302 : i32 to vector<16xi32>
              %parallel_loop3A_304 = arith.addi %parallel_loop3A_301, %parallel_loop3A_303 : vector<16xi32>
              %parallel_loop3A_305 = tpu.vector_load_idx %arg6[%parallel_loop3A_294, %parallel_loop3A_304] : memref<64x256xf32, #tpu.memory_space<vmem>>[vector<16xi32>, vector<16xi32>], vector<16xf32>,
              %parallel_loop3A_306 = arith.constant 0 : i32
              %parallel_loop3A_307 = arith.index_cast %parallel_loop3A_306 : i32 to index
              %parallel_loop3A_308 = arith.index_cast %parallel_loop3A_291 : i32 to index
              %parallel_loop3A_309 = arith.constant 0 : index
              %parallel_loop3A_310 = tpu.vector_load %arg7[%parallel_loop3A_307, %parallel_loop3A_308, %parallel_loop3A_309] {strides = array<i32>} : memref<2x176x128xf32, #tpu.memory_space<vmem>>, vector<16xf32>,
              %parallel_loop3A_311 = arith.mulf %parallel_loop3A_310, %parallel_loop3A_298 : vector<16xf32>
              %parallel_loop3A_312 = arith.addf %parallel_loop3A_311, %parallel_loop3A_305 : vector<16xf32>
              %parallel_loop3A_313 = arith.constant 0 : i32
              %parallel_loop3A_314 = arith.index_cast %parallel_loop3A_313 : i32 to index
              %parallel_loop3A_315 = arith.index_cast %parallel_loop3A_291 : i32 to index
              %parallel_loop3A_316 = arith.constant 0 : index
              %parallel_loop3A_317 = tpu.vector_load %arg8[%parallel_loop3A_314, %parallel_loop3A_315, %parallel_loop3A_316] {strides = array<i32>} : memref<2x176x128xf32, #tpu.memory_space<vmem>>, vector<16xf32>,
              tpu.vector_store %arg8[%parallel_loop3A_314, %parallel_loop3A_315, %parallel_loop3A_316], %parallel_loop3A_312 {strides = array<i32>} : memref<2x176x128xf32, #tpu.memory_space<vmem>>, vector<16xf32>,
              %parallel_loop3A_318 = arith.constant 16 : i32
              %parallel_loop3A_319 = vector.broadcast %parallel_loop3A_318 : i32 to vector<16xi32>
              %parallel_loop3A_320 = arith.addi %iota3A, %parallel_loop3A_319 : vector<16xi32>
              %parallel_loop3A_321 = tpu.vector_load_idx %arg6[%parallel_loop3A_294, %parallel_loop3A_320] : memref<64x256xf32, #tpu.memory_space<vmem>>[vector<16xi32>, vector<16xi32>], vector<16xf32>,
              %parallel_loop3A_322 = arith.constant 128 : i32
              %parallel_loop3A_323 = vector.broadcast %parallel_loop3A_322 : i32 to vector<16xi32>
              %parallel_loop3A_324 = arith.addi %iota3A, %parallel_loop3A_323 : vector<16xi32>
              %parallel_loop3A_325 = arith.constant 16 : i32
              %parallel_loop3A_326 = vector.broadcast %parallel_loop3A_325 : i32 to vector<16xi32>
              %parallel_loop3A_327 = arith.addi %parallel_loop3A_324, %parallel_loop3A_326 : vector<16xi32>
              %parallel_loop3A_328 = tpu.vector_load_idx %arg6[%parallel_loop3A_294, %parallel_loop3A_327] : memref<64x256xf32, #tpu.memory_space<vmem>>[vector<16xi32>, vector<16xi32>], vector<16xf32>,
              %parallel_loop3A_329 = arith.constant 0 : i32
              %parallel_loop3A_330 = arith.index_cast %parallel_loop3A_329 : i32 to index
              %parallel_loop3A_331 = arith.index_cast %parallel_loop3A_291 : i32 to index
              %parallel_loop3A_332 = arith.constant 16 : index
              %parallel_loop3A_333 = tpu.vector_load %arg7[%parallel_loop3A_330, %parallel_loop3A_331, %parallel_loop3A_332] {strides = array<i32>} : memref<2x176x128xf32, #tpu.memory_space<vmem>>, vector<16xf32>,
              %parallel_loop3A_334 = arith.mulf %parallel_loop3A_333, %parallel_loop3A_321 : vector<16xf32>
              %parallel_loop3A_335 = arith.addf %parallel_loop3A_334, %parallel_loop3A_328 : vector<16xf32>
              %parallel_loop3A_336 = arith.constant 0 : i32
              %parallel_loop3A_337 = arith.index_cast %parallel_loop3A_336 : i32 to index
              %parallel_loop3A_338 = arith.index_cast %parallel_loop3A_291 : i32 to index
              %parallel_loop3A_339 = arith.constant 16 : index
              %parallel_loop3A_340 = tpu.vector_load %arg8[%parallel_loop3A_337, %parallel_loop3A_338, %parallel_loop3A_339] {strides = array<i32>} : memref<2x176x128xf32, #tpu.memory_space<vmem>>, vector<16xf32>,
              tpu.vector_store %arg8[%parallel_loop3A_337, %parallel_loop3A_338, %parallel_loop3A_339], %parallel_loop3A_335 {strides = array<i32>} : memref<2x176x128xf32, #tpu.memory_space<vmem>>, vector<16xf32>,
              %parallel_loop3A_341 = arith.constant 32 : i32
              %parallel_loop3A_342 = vector.broadcast %parallel_loop3A_341 : i32 to vector<16xi32>
              %parallel_loop3A_343 = arith.addi %iota3A, %parallel_loop3A_342 : vector<16xi32>
              %parallel_loop3A_344 = tpu.vector_load_idx %arg6[%parallel_loop3A_294, %parallel_loop3A_343] : memref<64x256xf32, #tpu.memory_space<vmem>>[vector<16xi32>, vector<16xi32>], vector<16xf32>,
              %parallel_loop3A_345 = arith.constant 128 : i32
              %parallel_loop3A_346 = vector.broadcast %parallel_loop3A_345 : i32 to vector<16xi32>
              %parallel_loop3A_347 = arith.addi %iota3A, %parallel_loop3A_346 : vector<16xi32>
              %parallel_loop3A_348 = arith.constant 32 : i32
              %parallel_loop3A_349 = vector.broadcast %parallel_loop3A_348 : i32 to vector<16xi32>
              %parallel_loop3A_350 = arith.addi %parallel_loop3A_347, %parallel_loop3A_349 : vector<16xi32>
              %parallel_loop3A_351 = tpu.vector_load_idx %arg6[%parallel_loop3A_294, %parallel_loop3A_350] : memref<64x256xf32, #tpu.memory_space<vmem>>[vector<16xi32>, vector<16xi32>], vector<16xf32>,
              %parallel_loop3A_352 = arith.constant 0 : i32
              %parallel_loop3A_353 = arith.index_cast %parallel_loop3A_352 : i32 to index
              %parallel_loop3A_354 = arith.index_cast %parallel_loop3A_291 : i32 to index
              %parallel_loop3A_355 = arith.constant 32 : index
              %parallel_loop3A_356 = tpu.vector_load %arg7[%parallel_loop3A_353, %parallel_loop3A_354, %parallel_loop3A_355] {strides = array<i32>} : memref<2x176x128xf32, #tpu.memory_space<vmem>>, vector<16xf32>,
              %parallel_loop3A_357 = arith.mulf %parallel_loop3A_356, %parallel_loop3A_344 : vector<16xf32>
              %parallel_loop3A_358 = arith.addf %parallel_loop3A_357, %parallel_loop3A_351 : vector<16xf32>
              %parallel_loop3A_359 = arith.constant 0 : i32
              %parallel_loop3A_360 = arith.index_cast %parallel_loop3A_359 : i32 to index
              %parallel_loop3A_361 = arith.index_cast %parallel_loop3A_291 : i32 to index
              %parallel_loop3A_362 = arith.constant 32 : index
              %parallel_loop3A_363 = tpu.vector_load %arg8[%parallel_loop3A_360, %parallel_loop3A_361, %parallel_loop3A_362] {strides = array<i32>} : memref<2x176x128xf32, #tpu.memory_space<vmem>>, vector<16xf32>,
              tpu.vector_store %arg8[%parallel_loop3A_360, %parallel_loop3A_361, %parallel_loop3A_362], %parallel_loop3A_358 {strides = array<i32>} : memref<2x176x128xf32, #tpu.memory_space<vmem>>, vector<16xf32>,
              %parallel_loop3A_364 = arith.constant 48 : i32
              %parallel_loop3A_365 = vector.broadcast %parallel_loop3A_364 : i32 to vector<16xi32>
              %parallel_loop3A_366 = arith.addi %iota3A, %parallel_loop3A_365 : vector<16xi32>
              %parallel_loop3A_367 = tpu.vector_load_idx %arg6[%parallel_loop3A_294, %parallel_loop3A_366] : memref<64x256xf32, #tpu.memory_space<vmem>>[vector<16xi32>, vector<16xi32>], vector<16xf32>,
              %parallel_loop3A_368 = arith.constant 128 : i32
              %parallel_loop3A_369 = vector.broadcast %parallel_loop3A_368 : i32 to vector<16xi32>
              %parallel_loop3A_370 = arith.addi %iota3A, %parallel_loop3A_369 : vector<16xi32>
              %parallel_loop3A_371 = arith.constant 48 : i32
              %parallel_loop3A_372 = vector.broadcast %parallel_loop3A_371 : i32 to vector<16xi32>
              %parallel_loop3A_373 = arith.addi %parallel_loop3A_370, %parallel_loop3A_372 : vector<16xi32>
              %parallel_loop3A_374 = tpu.vector_load_idx %arg6[%parallel_loop3A_294, %parallel_loop3A_373] : memref<64x256xf32, #tpu.memory_space<vmem>>[vector<16xi32>, vector<16xi32>], vector<16xf32>,
              %parallel_loop3A_375 = arith.constant 0 : i32
              %parallel_loop3A_376 = arith.index_cast %parallel_loop3A_375 : i32 to index
              %parallel_loop3A_377 = arith.index_cast %parallel_loop3A_291 : i32 to index
              %parallel_loop3A_378 = arith.constant 48 : index
              %parallel_loop3A_379 = tpu.vector_load %arg7[%parallel_loop3A_376, %parallel_loop3A_377, %parallel_loop3A_378] {strides = array<i32>} : memref<2x176x128xf32, #tpu.memory_space<vmem>>, vector<16xf32>,
              %parallel_loop3A_380 = arith.mulf %parallel_loop3A_379, %parallel_loop3A_367 : vector<16xf32>
              %parallel_loop3A_381 = arith.addf %parallel_loop3A_380, %parallel_loop3A_374 : vector<16xf32>
              %parallel_loop3A_382 = arith.constant 0 : i32
              %parallel_loop3A_383 = arith.index_cast %parallel_loop3A_382 : i32 to index
              %parallel_loop3A_384 = arith.index_cast %parallel_loop3A_291 : i32 to index
              %parallel_loop3A_385 = arith.constant 48 : index
              %parallel_loop3A_386 = tpu.vector_load %arg8[%parallel_loop3A_383, %parallel_loop3A_384, %parallel_loop3A_385] {strides = array<i32>} : memref<2x176x128xf32, #tpu.memory_space<vmem>>, vector<16xf32>,
              tpu.vector_store %arg8[%parallel_loop3A_383, %parallel_loop3A_384, %parallel_loop3A_385], %parallel_loop3A_381 {strides = array<i32>} : memref<2x176x128xf32, #tpu.memory_space<vmem>>, vector<16xf32>,
              %parallel_loop3A_387 = arith.constant 64 : i32
              %parallel_loop3A_388 = vector.broadcast %parallel_loop3A_387 : i32 to vector<16xi32>
              %parallel_loop3A_389 = arith.addi %iota3A, %parallel_loop3A_388 : vector<16xi32>
              %parallel_loop3A_390 = tpu.vector_load_idx %arg6[%parallel_loop3A_294, %parallel_loop3A_389] : memref<64x256xf32, #tpu.memory_space<vmem>>[vector<16xi32>, vector<16xi32>], vector<16xf32>,
              %parallel_loop3A_391 = arith.constant 128 : i32
              %parallel_loop3A_392 = vector.broadcast %parallel_loop3A_391 : i32 to vector<16xi32>
              %parallel_loop3A_393 = arith.addi %iota3A, %parallel_loop3A_392 : vector<16xi32>
              %parallel_loop3A_394 = arith.constant 64 : i32
              %parallel_loop3A_395 = vector.broadcast %parallel_loop3A_394 : i32 to vector<16xi32>
              %parallel_loop3A_396 = arith.addi %parallel_loop3A_393, %parallel_loop3A_395 : vector<16xi32>
              %parallel_loop3A_397 = tpu.vector_load_idx %arg6[%parallel_loop3A_294, %parallel_loop3A_396] : memref<64x256xf32, #tpu.memory_space<vmem>>[vector<16xi32>, vector<16xi32>], vector<16xf32>,
              %parallel_loop3A_398 = arith.constant 0 : i32
              %parallel_loop3A_399 = arith.index_cast %parallel_loop3A_398 : i32 to index
              %parallel_loop3A_400 = arith.index_cast %parallel_loop3A_291 : i32 to index
              %parallel_loop3A_401 = arith.constant 64 : index
              %parallel_loop3A_402 = tpu.vector_load %arg7[%parallel_loop3A_399, %parallel_loop3A_400, %parallel_loop3A_401] {strides = array<i32>} : memref<2x176x128xf32, #tpu.memory_space<vmem>>, vector<16xf32>,
              %parallel_loop3A_403 = arith.mulf %parallel_loop3A_402, %parallel_loop3A_390 : vector<16xf32>
              %parallel_loop3A_404 = arith.addf %parallel_loop3A_403, %parallel_loop3A_397 : vector<16xf32>
              %parallel_loop3A_405 = arith.constant 0 : i32
              %parallel_loop3A_406 = arith.index_cast %parallel_loop3A_405 : i32 to index
              %parallel_loop3A_407 = arith.index_cast %parallel_loop3A_291 : i32 to index
              %parallel_loop3A_408 = arith.constant 64 : index
              %parallel_loop3A_409 = tpu.vector_load %arg8[%parallel_loop3A_406, %parallel_loop3A_407, %parallel_loop3A_408] {strides = array<i32>} : memref<2x176x128xf32, #tpu.memory_space<vmem>>, vector<16xf32>,
              tpu.vector_store %arg8[%parallel_loop3A_406, %parallel_loop3A_407, %parallel_loop3A_408], %parallel_loop3A_404 {strides = array<i32>} : memref<2x176x128xf32, #tpu.memory_space<vmem>>, vector<16xf32>,
              %parallel_loop3A_410 = arith.constant 80 : i32
              %parallel_loop3A_411 = vector.broadcast %parallel_loop3A_410 : i32 to vector<16xi32>
              %parallel_loop3A_412 = arith.addi %iota3A, %parallel_loop3A_411 : vector<16xi32>
              %parallel_loop3A_413 = tpu.vector_load_idx %arg6[%parallel_loop3A_294, %parallel_loop3A_412] : memref<64x256xf32, #tpu.memory_space<vmem>>[vector<16xi32>, vector<16xi32>], vector<16xf32>,
              %parallel_loop3A_414 = arith.constant 128 : i32
              %parallel_loop3A_415 = vector.broadcast %parallel_loop3A_414 : i32 to vector<16xi32>
              %parallel_loop3A_416 = arith.addi %iota3A, %parallel_loop3A_415 : vector<16xi32>
              %parallel_loop3A_417 = arith.constant 80 : i32
              %parallel_loop3A_418 = vector.broadcast %parallel_loop3A_417 : i32 to vector<16xi32>
              %parallel_loop3A_419 = arith.addi %parallel_loop3A_416, %parallel_loop3A_418 : vector<16xi32>
              %parallel_loop3A_420 = tpu.vector_load_idx %arg6[%parallel_loop3A_294, %parallel_loop3A_419] : memref<64x256xf32, #tpu.memory_space<vmem>>[vector<16xi32>, vector<16xi32>], vector<16xf32>,
              %parallel_loop3A_421 = arith.constant 0 : i32
              %parallel_loop3A_422 = arith.index_cast %parallel_loop3A_421 : i32 to index
              %parallel_loop3A_423 = arith.index_cast %parallel_loop3A_291 : i32 to index
              %parallel_loop3A_424 = arith.constant 80 : index
              %parallel_loop3A_425 = tpu.vector_load %arg7[%parallel_loop3A_422, %parallel_loop3A_423, %parallel_loop3A_424] {strides = array<i32>} : memref<2x176x128xf32, #tpu.memory_space<vmem>>, vector<16xf32>,
              %parallel_loop3A_426 = arith.mulf %parallel_loop3A_425, %parallel_loop3A_413 : vector<16xf32>
              %parallel_loop3A_427 = arith.addf %parallel_loop3A_426, %parallel_loop3A_420 : vector<16xf32>
              %parallel_loop3A_428 = arith.constant 0 : i32
              %parallel_loop3A_429 = arith.index_cast %parallel_loop3A_428 : i32 to index
              %parallel_loop3A_430 = arith.index_cast %parallel_loop3A_291 : i32 to index
              %parallel_loop3A_431 = arith.constant 80 : index
              %parallel_loop3A_432 = tpu.vector_load %arg8[%parallel_loop3A_429, %parallel_loop3A_430, %parallel_loop3A_431] {strides = array<i32>} : memref<2x176x128xf32, #tpu.memory_space<vmem>>, vector<16xf32>,
              tpu.vector_store %arg8[%parallel_loop3A_429, %parallel_loop3A_430, %parallel_loop3A_431], %parallel_loop3A_427 {strides = array<i32>} : memref<2x176x128xf32, #tpu.memory_space<vmem>>, vector<16xf32>,
              %parallel_loop3A_433 = arith.constant 96 : i32
              %parallel_loop3A_434 = vector.broadcast %parallel_loop3A_433 : i32 to vector<16xi32>
              %parallel_loop3A_435 = arith.addi %iota3A, %parallel_loop3A_434 : vector<16xi32>
              %parallel_loop3A_436 = tpu.vector_load_idx %arg6[%parallel_loop3A_294, %parallel_loop3A_435] : memref<64x256xf32, #tpu.memory_space<vmem>>[vector<16xi32>, vector<16xi32>], vector<16xf32>,
              %parallel_loop3A_437 = arith.constant 128 : i32
              %parallel_loop3A_438 = vector.broadcast %parallel_loop3A_437 : i32 to vector<16xi32>
              %parallel_loop3A_439 = arith.addi %iota3A, %parallel_loop3A_438 : vector<16xi32>
              %parallel_loop3A_440 = arith.constant 96 : i32
              %parallel_loop3A_441 = vector.broadcast %parallel_loop3A_440 : i32 to vector<16xi32>
              %parallel_loop3A_442 = arith.addi %parallel_loop3A_439, %parallel_loop3A_441 : vector<16xi32>
              %parallel_loop3A_443 = tpu.vector_load_idx %arg6[%parallel_loop3A_294, %parallel_loop3A_442] : memref<64x256xf32, #tpu.memory_space<vmem>>[vector<16xi32>, vector<16xi32>], vector<16xf32>,
              %parallel_loop3A_444 = arith.constant 0 : i32
              %parallel_loop3A_445 = arith.index_cast %parallel_loop3A_444 : i32 to index
              %parallel_loop3A_446 = arith.index_cast %parallel_loop3A_291 : i32 to index
              %parallel_loop3A_447 = arith.constant 96 : index
              %parallel_loop3A_448 = tpu.vector_load %arg7[%parallel_loop3A_445, %parallel_loop3A_446, %parallel_loop3A_447] {strides = array<i32>} : memref<2x176x128xf32, #tpu.memory_space<vmem>>, vector<16xf32>,
              %parallel_loop3A_449 = arith.mulf %parallel_loop3A_448, %parallel_loop3A_436 : vector<16xf32>
              %parallel_loop3A_450 = arith.addf %parallel_loop3A_449, %parallel_loop3A_443 : vector<16xf32>
              %parallel_loop3A_451 = arith.constant 0 : i32
              %parallel_loop3A_452 = arith.index_cast %parallel_loop3A_451 : i32 to index
              %parallel_loop3A_453 = arith.index_cast %parallel_loop3A_291 : i32 to index
              %parallel_loop3A_454 = arith.constant 96 : index
              %parallel_loop3A_455 = tpu.vector_load %arg8[%parallel_loop3A_452, %parallel_loop3A_453, %parallel_loop3A_454] {strides = array<i32>} : memref<2x176x128xf32, #tpu.memory_space<vmem>>, vector<16xf32>,
              tpu.vector_store %arg8[%parallel_loop3A_452, %parallel_loop3A_453, %parallel_loop3A_454], %parallel_loop3A_450 {strides = array<i32>} : memref<2x176x128xf32, #tpu.memory_space<vmem>>, vector<16xf32>,
              %parallel_loop3A_456 = arith.constant 112 : i32
              %parallel_loop3A_457 = vector.broadcast %parallel_loop3A_456 : i32 to vector<16xi32>
              %parallel_loop3A_458 = arith.addi %iota3A, %parallel_loop3A_457 : vector<16xi32>
              %parallel_loop3A_459 = tpu.vector_load_idx %arg6[%parallel_loop3A_294, %parallel_loop3A_458] : memref<64x256xf32, #tpu.memory_space<vmem>>[vector<16xi32>, vector<16xi32>], vector<16xf32>,
              %parallel_loop3A_460 = arith.constant 128 : i32
              %parallel_loop3A_461 = vector.broadcast %parallel_loop3A_460 : i32 to vector<16xi32>
              %parallel_loop3A_462 = arith.addi %iota3A, %parallel_loop3A_461 : vector<16xi32>
              %parallel_loop3A_463 = arith.constant 112 : i32
              %parallel_loop3A_464 = vector.broadcast %parallel_loop3A_463 : i32 to vector<16xi32>
              %parallel_loop3A_465 = arith.addi %parallel_loop3A_462, %parallel_loop3A_464 : vector<16xi32>
              %parallel_loop3A_466 = tpu.vector_load_idx %arg6[%parallel_loop3A_294, %parallel_loop3A_465] : memref<64x256xf32, #tpu.memory_space<vmem>>[vector<16xi32>, vector<16xi32>], vector<16xf32>,
              %parallel_loop3A_467 = arith.constant 0 : i32
              %parallel_loop3A_468 = arith.index_cast %parallel_loop3A_467 : i32 to index
              %parallel_loop3A_469 = arith.index_cast %parallel_loop3A_291 : i32 to index
              %parallel_loop3A_470 = arith.constant 112 : index
              %parallel_loop3A_471 = tpu.vector_load %arg7[%parallel_loop3A_468, %parallel_loop3A_469, %parallel_loop3A_470] {strides = array<i32>} : memref<2x176x128xf32, #tpu.memory_space<vmem>>, vector<16xf32>,
              %parallel_loop3A_472 = arith.mulf %parallel_loop3A_471, %parallel_loop3A_459 : vector<16xf32>
              %parallel_loop3A_473 = arith.addf %parallel_loop3A_472, %parallel_loop3A_466 : vector<16xf32>
              %parallel_loop3A_474 = arith.constant 0 : i32
              %parallel_loop3A_475 = arith.index_cast %parallel_loop3A_474 : i32 to index
              %parallel_loop3A_476 = arith.index_cast %parallel_loop3A_291 : i32 to index
              %parallel_loop3A_477 = arith.constant 112 : index
              %parallel_loop3A_478 = tpu.vector_load %arg8[%parallel_loop3A_475, %parallel_loop3A_476, %parallel_loop3A_477] {strides = array<i32>} : memref<2x176x128xf32, #tpu.memory_space<vmem>>, vector<16xf32>,
              tpu.vector_store %arg8[%parallel_loop3A_475, %parallel_loop3A_476, %parallel_loop3A_477], %parallel_loop3A_473 {strides = array<i32>} : memref<2x176x128xf32, #tpu.memory_space<vmem>>, vector<16xf32>,
            } {sc.loop_unroll_factor = 2 : i64, sc.parallel_access}
          } else {
          }
          %scan3A_285 = arith.constant 0 : i32
          scf.yield %scan3A_285 : i32
        }
        %scan3A_251 = arith.constant 11 : i32
      } else {
      }
      %mul3A_134 = arith.constant 176 : i32
      %mul3A_135 = arith.muli %add3A_85, %mul3A_134 : i32
      %add3A_136 = arith.addi %mul3A_2, %mul3A_135 : i32
      %min3A_137 = arith.constant 59824 : i32
      %min3A_138 = arith.minsi %add3A_136, %min3A_137 : i32
      %dma_start3A_139 = arith.constant 0 : i32
      %dma_start3A_140 = arith.constant 0 : i32
      %dma_start3A_141 = arith.constant 0 : i32
      %dma_start3A_142 = tpu.memref_slice %arg8[%dma_start3A_139, %dma_start3A_140, %dma_start3A_141] : memref<2x176x128xf32, #tpu.memory_space<vmem>> -> memref<1x176x128xf32, #tpu.memory_space<vmem>>
      %dma_start3A_143 = tpu.memref_squeeze %dma_start3A_142 : memref<1x176x128xf32, #tpu.memory_space<vmem>> -> memref<176x128xf32, #tpu.memory_space<vmem>>
      %dma_start3A_144 = arith.constant 0 : i32
      %dma_start3A_145 = tpu.memref_slice %arg5[%min3A_138, %dma_start3A_144] : memref<100000x128xf32, #tpu.memory_space<hbm>> -> memref<176x128xf32, #tpu.memory_space<hbm>>
      %dma_start3A_146 = arith.constant 0 : i32
      %dma_start3A_147 = tpu.memref_slice %arg5[%min3A_138, %dma_start3A_146] : memref<100000x128xf32, #tpu.memory_space<hbm>> -> memref<176x128xf32, #tpu.memory_space<hbm>>
      %dma_start3A_148 = arith.constant 0 : i32
      %dma_start3A_149 = arith.constant 0 : i32
      %dma_start3A_150 = tpu.memref_slice %arg8[%dma_start3A_139, %dma_start3A_148, %dma_start3A_149] : memref<2x176x128xf32, #tpu.memory_space<vmem>> -> memref<1x176x128xf32, #tpu.memory_space<vmem>>
      %dma_start3A_151 = tpu.memref_squeeze %dma_start3A_150 : memref<1x176x128xf32, #tpu.memory_space<vmem>> -> memref<176x128xf32, #tpu.memory_space<vmem>>
      tpu.enqueue_dma source(%dma_start3A_151 : memref<176x128xf32, #tpu.memory_space<vmem>>) target(%dma_start3A_147 : memref<176x128xf32, #tpu.memory_space<hbm>>) target_semaphore(%arg12 : memref<!tpu.dma_semaphore, #tpu.memory_space<semaphore_mem>>)
      %add3A_152 = arith.constant 2 : i32
      %add3A_153 = arith.addi %add3A_85, %add3A_152 : i32
      %lt3A = arith.constant 12 : i32
      %lt3A_154 = arith.cmpi slt, %add3A_153, %lt3A : i32
      %convert_element_type3A_155 = arith.extui %lt3A_154 : i1 to i32
      %cond3A_156 = arith.constant 0 : i32
      %cond3A_157 = arith.cmpi ne, %convert_element_type3A_155, %cond3A_156 : i32
      scf.if %cond3A_157 {
        %add3A_245 = arith.constant 2 : i32
        %add3A_246 = arith.addi %add3A_85, %add3A_245 : i32
        %mul3A_247 = arith.constant 176 : i32
        %mul3A_248 = arith.muli %add3A_246, %mul3A_247 : i32
        %add3A_249 = arith.addi %mul3A_2, %mul3A_248 : i32
        %min3A_250 = arith.constant 59824 : i32
        %min3A_251 = arith.minsi %add3A_249, %min3A_250 : i32
        %dma_start3A_252 = arith.constant 0 : i32
        %dma_start3A_253 = arith.constant 0 : i32
        %dma_start3A_254 = arith.constant 0 : i32
        %dma_start3A_255 = tpu.memref_slice %arg7[%dma_start3A_252, %dma_start3A_253, %dma_start3A_254] : memref<2x176x128xf32, #tpu.memory_space<vmem>> -> memref<1x176x128xf32, #tpu.memory_space<vmem>>
        %dma_start3A_256 = tpu.memref_squeeze %dma_start3A_255 : memref<1x176x128xf32, #tpu.memory_space<vmem>> -> memref<176x128xf32, #tpu.memory_space<vmem>>
        %dma_start3A_257 = arith.constant 0 : i32
        %dma_start3A_258 = tpu.memref_slice %arg2[%min3A_251, %dma_start3A_257] : memref<100000x128xf32, #tpu.memory_space<hbm>> -> memref<176x128xf32, #tpu.memory_space<hbm>>
        %dma_start3A_259 = arith.constant 0 : i32
        %dma_start3A_260 = arith.constant 0 : i32
        %dma_start3A_261 = tpu.memref_slice %arg7[%dma_start3A_252, %dma_start3A_259, %dma_start3A_260] : memref<2x176x128xf32, #tpu.memory_space<vmem>> -> memref<1x176x128xf32, #tpu.memory_space<vmem>>
        %dma_start3A_262 = tpu.memref_squeeze %dma_start3A_261 : memref<1x176x128xf32, #tpu.memory_space<vmem>> -> memref<176x128xf32, #tpu.memory_space<vmem>>
        %dma_start3A_263 = arith.constant 0 : i32
        %dma_start3A_264 = tpu.memref_slice %arg2[%min3A_251, %dma_start3A_263] : memref<100000x128xf32, #tpu.memory_space<hbm>> -> memref<176x128xf32, #tpu.memory_space<hbm>>
        tpu.enqueue_dma source(%dma_start3A_264 : memref<176x128xf32, #tpu.memory_space<hbm>>) target(%dma_start3A_262 : memref<176x128xf32, #tpu.memory_space<vmem>>) target_semaphore(%arg10 : memref<!tpu.dma_semaphore, #tpu.memory_space<semaphore_mem>>)
      } else {
      }
      %mul3A_158 = arith.constant 2 : i32
      %mul3A_159 = arith.muli %mul3A_158, %scan3A_80 : i32
      %add3A_160 = arith.constant 1 : i32
      %add3A_161 = arith.addi %mul3A_159, %add3A_160 : i32
      %mul3A_162 = arith.constant 176 : i32
      %mul3A_163 = arith.muli %add3A_161, %mul3A_162 : i32
      %add3A_164 = arith.addi %mul3A_2, %mul3A_163 : i32
      %min3A_165 = arith.constant 59824 : i32
      %min3A_166 = arith.minsi %add3A_164, %min3A_165 : i32
      %dma_wait3A_167 = arith.constant 1 : i32
      %dma_wait3A_168 = arith.constant 0 : i32
      %dma_wait3A_169 = arith.constant 0 : i32
      %dma_wait3A_170 = tpu.memref_slice %arg7[%dma_wait3A_167, %dma_wait3A_168, %dma_wait3A_169] : memref<2x176x128xf32, #tpu.memory_space<vmem>> -> memref<1x176x128xf32, #tpu.memory_space<vmem>>
      %dma_wait3A_171 = tpu.memref_squeeze %dma_wait3A_170 : memref<1x176x128xf32, #tpu.memory_space<vmem>> -> memref<176x128xf32, #tpu.memory_space<vmem>>
      %dma_wait3A_172 = arith.constant 0 : i32
      %dma_wait3A_173 = tpu.memref_slice %arg2[%min3A_166, %dma_wait3A_172] : memref<100000x128xf32, #tpu.memory_space<hbm>> -> memref<176x128xf32, #tpu.memory_space<hbm>>
      %dma_wait3A_174 = arith.constant 0 : i32
      %dma_wait3A_175 = arith.constant 0 : i32
      %dma_wait3A_176 = tpu.memref_slice %arg7[%dma_wait3A_167, %dma_wait3A_174, %dma_wait3A_175] : memref<2x176x128xf32, #tpu.memory_space<vmem>> -> memref<1x176x128xf32, #tpu.memory_space<vmem>>
      %dma_wait3A_177 = tpu.memref_squeeze %dma_wait3A_176 : memref<1x176x128xf32, #tpu.memory_space<vmem>> -> memref<176x128xf32, #tpu.memory_space<vmem>>
      %dma_wait3A_178 = arith.constant 0 : i32
      %dma_wait3A_179 = tpu.memref_slice %arg2[%min3A_166, %dma_wait3A_178] : memref<100000x128xf32, #tpu.memory_space<hbm>> -> memref<176x128xf32, #tpu.memory_space<hbm>>
      tpu.wait_dma2 semaphore(%arg11 : memref<!tpu.dma_semaphore, #tpu.memory_space<semaphore_mem>>) src(%dma_wait3A_179 : memref<176x128xf32, #tpu.memory_space<hbm>>) dst(%dma_wait3A_177 : memref<176x128xf32, #tpu.memory_space<vmem>>)
      %ge3A_180 = arith.constant 2 : i32
      %ge3A_181 = arith.cmpi sge, %add3A_161, %ge3A_180 : i32
      %convert_element_type3A_182 = arith.extui %ge3A_181 : i1 to i32
      %cond3A_183 = arith.constant 0 : i32
      %cond3A_184 = arith.cmpi ne, %convert_element_type3A_182, %cond3A_183 : i32
      scf.if %cond3A_184 {
        %sub3A_245 = arith.constant 2 : i32
        %sub3A_246 = arith.subi %add3A_161, %sub3A_245 : i32
        %mul3A_247 = arith.constant 176 : i32
        %mul3A_248 = arith.muli %sub3A_246, %mul3A_247 : i32
        %add3A_249 = arith.addi %mul3A_2, %mul3A_248 : i32
        %min3A_250 = arith.constant 59824 : i32
        %min3A_251 = arith.minsi %add3A_249, %min3A_250 : i32
        %dma_wait3A_252 = arith.constant 1 : i32
        %dma_wait3A_253 = arith.constant 0 : i32
        %dma_wait3A_254 = arith.constant 0 : i32
        %dma_wait3A_255 = tpu.memref_slice %arg8[%dma_wait3A_252, %dma_wait3A_253, %dma_wait3A_254] : memref<2x176x128xf32, #tpu.memory_space<vmem>> -> memref<1x176x128xf32, #tpu.memory_space<vmem>>
        %dma_wait3A_256 = tpu.memref_squeeze %dma_wait3A_255 : memref<1x176x128xf32, #tpu.memory_space<vmem>> -> memref<176x128xf32, #tpu.memory_space<vmem>>
        %dma_wait3A_257 = arith.constant 0 : i32
        %dma_wait3A_258 = tpu.memref_slice %arg5[%min3A_251, %dma_wait3A_257] : memref<100000x128xf32, #tpu.memory_space<hbm>> -> memref<176x128xf32, #tpu.memory_space<hbm>>
        %dma_wait3A_259 = arith.constant 0 : i32
        %dma_wait3A_260 = tpu.memref_slice %arg5[%min3A_251, %dma_wait3A_259] : memref<100000x128xf32, #tpu.memory_space<hbm>> -> memref<176x128xf32, #tpu.memory_space<hbm>>
        %dma_wait3A_261 = arith.constant 0 : i32
        %dma_wait3A_262 = arith.constant 0 : i32
        %dma_wait3A_263 = tpu.memref_slice %arg8[%dma_wait3A_252, %dma_wait3A_261, %dma_wait3A_262] : memref<2x176x128xf32, #tpu.memory_space<vmem>> -> memref<1x176x128xf32, #tpu.memory_space<vmem>>
        %dma_wait3A_264 = tpu.memref_squeeze %dma_wait3A_263 : memref<1x176x128xf32, #tpu.memory_space<vmem>> -> memref<176x128xf32, #tpu.memory_space<vmem>>
        tpu.wait_dma2 semaphore(%arg13 : memref<!tpu.dma_semaphore, #tpu.memory_space<semaphore_mem>>) src(%dma_wait3A_264 : memref<176x128xf32, #tpu.memory_space<vmem>>) dst(%dma_wait3A_260 : memref<176x128xf32, #tpu.memory_space<hbm>>)
      } else {
      }
      %mul3A_185 = arith.constant 176 : i32
      %mul3A_186 = arith.muli %add3A_161, %mul3A_185 : i32
      %add3A_187 = arith.addi %mul3A_2, %mul3A_186 : i32
      %min3A_188 = arith.constant 59824 : i32
      %min3A_189 = arith.minsi %add3A_187, %min3A_188 : i32
      %sub3A_190 = arith.subi %min3A_189, %min3A_3 : i32
      %broadcast_in_dim3A_191 = vector.broadcast %sub3A_190 : i32 to vector<16xi32>
      %gather3A_192 = tpu.vector_load_idx %arg9[%broadcast_in_dim3A_191] : memref<2112xi32, #tpu.memory_space<vmem>>[vector<16xi32>], vector<16xi32>,
      %add3A_193 = arith.constant 176 : i32
      %add3A_194 = arith.addi %sub3A_190, %add3A_193 : i32
      %sub3A_195 = arith.constant 1 : i32
      %sub3A_196 = arith.subi %add3A_194, %sub3A_195 : i32
      %broadcast_in_dim3A_197 = vector.broadcast %sub3A_196 : i32 to vector<16xi32>
      %gather3A_198 = tpu.vector_load_idx %arg9[%broadcast_in_dim3A_197] : memref<2112xi32, #tpu.memory_space<vmem>>[vector<16xi32>], vector<16xi32>,
      %eq3A_199 = arith.cmpi eq, %gather3A_192, %gather3A_198 : vector<16xi32>
      %reduce_and3A_200 = arith.constant 1.000000e+00 : f32
      %reduce_and3A_201 = arith.constant 0.000000e+00 : f32
      %reduce_and3A_202 = vector.broadcast %reduce_and3A_200 : f32 to vector<16xf32>
      %reduce_and3A_203 = vector.broadcast %reduce_and3A_201 : f32 to vector<16xf32>
      %reduce_and3A_204 = arith.select %eq3A_199, %reduce_and3A_202, %reduce_and3A_203 : vector<16xi1>, vector<16xf32>
      %reduce_and3A_205 = arith.constant true
      %reduce_and3A_206 = vector.broadcast %reduce_and3A_205 : i1 to vector<16xi1>
      %reduce_and3A_207 = tpu.scan <min>, %reduce_and3A_204 masked %reduce_and3A_206 : vector<16xf32>, vector<16xi1> -> vector<16xf32>
      %reduce_and3A_208 = vector.extract %reduce_and3A_207[15] : f32 from vector<16xf32>
      %reduce_and3A_209 = arith.constant 0.000000e+00 : f32
      %reduce_and3A_210 = arith.cmpf ogt, %reduce_and3A_208, %reduce_and3A_209 : f32
      %convert_element_type3A_211 = arith.extui %reduce_and3A_210 : i1 to i32
      %cond3A_212 = arith.constant 0 : i32
      %cond3A_213 = arith.cmpi ne, %convert_element_type3A_211, %cond3A_212 : i32
      scf.if %cond3A_213 {
        %add3A_245 = arith.constant 0 : i32
        %add3A_246 = vector.broadcast %add3A_245 : i32 to vector<16xi32>
        %add3A_247 = arith.addi %iota3A, %add3A_246 : vector<16xi32>
        %gather3A_248 = tpu.vector_load_idx %arg6[%gather3A_192, %add3A_247] : memref<64x256xf32, #tpu.memory_space<vmem>>[vector<16xi32>, vector<16xi32>], vector<16xf32>,
        %add3A_249 = arith.constant 16 : i32
        %add3A_250 = vector.broadcast %add3A_249 : i32 to vector<16xi32>
        %add3A_251 = arith.addi %iota3A, %add3A_250 : vector<16xi32>
        %gather3A_252 = tpu.vector_load_idx %arg6[%gather3A_192, %add3A_251] : memref<64x256xf32, #tpu.memory_space<vmem>>[vector<16xi32>, vector<16xi32>], vector<16xf32>,
        %add3A_253 = arith.constant 32 : i32
        %add3A_254 = vector.broadcast %add3A_253 : i32 to vector<16xi32>
        %add3A_255 = arith.addi %iota3A, %add3A_254 : vector<16xi32>
        %gather3A_256 = tpu.vector_load_idx %arg6[%gather3A_192, %add3A_255] : memref<64x256xf32, #tpu.memory_space<vmem>>[vector<16xi32>, vector<16xi32>], vector<16xf32>,
        %add3A_257 = arith.constant 48 : i32
        %add3A_258 = vector.broadcast %add3A_257 : i32 to vector<16xi32>
        %add3A_259 = arith.addi %iota3A, %add3A_258 : vector<16xi32>
        %gather3A_260 = tpu.vector_load_idx %arg6[%gather3A_192, %add3A_259] : memref<64x256xf32, #tpu.memory_space<vmem>>[vector<16xi32>, vector<16xi32>], vector<16xf32>,
        %add3A_261 = arith.constant 64 : i32
        %add3A_262 = vector.broadcast %add3A_261 : i32 to vector<16xi32>
        %add3A_263 = arith.addi %iota3A, %add3A_262 : vector<16xi32>
        %gather3A_264 = tpu.vector_load_idx %arg6[%gather3A_192, %add3A_263] : memref<64x256xf32, #tpu.memory_space<vmem>>[vector<16xi32>, vector<16xi32>], vector<16xf32>,
        %add3A_265 = arith.constant 80 : i32
        %add3A_266 = vector.broadcast %add3A_265 : i32 to vector<16xi32>
        %add3A_267 = arith.addi %iota3A, %add3A_266 : vector<16xi32>
        %gather3A_268 = tpu.vector_load_idx %arg6[%gather3A_192, %add3A_267] : memref<64x256xf32, #tpu.memory_space<vmem>>[vector<16xi32>, vector<16xi32>], vector<16xf32>,
        %add3A_269 = arith.constant 96 : i32
        %add3A_270 = vector.broadcast %add3A_269 : i32 to vector<16xi32>
        %add3A_271 = arith.addi %iota3A, %add3A_270 : vector<16xi32>
        %gather3A_272 = tpu.vector_load_idx %arg6[%gather3A_192, %add3A_271] : memref<64x256xf32, #tpu.memory_space<vmem>>[vector<16xi32>, vector<16xi32>], vector<16xf32>,
        %add3A_273 = arith.constant 112 : i32
        %add3A_274 = vector.broadcast %add3A_273 : i32 to vector<16xi32>
        %add3A_275 = arith.addi %iota3A, %add3A_274 : vector<16xi32>
        %gather3A_276 = tpu.vector_load_idx %arg6[%gather3A_192, %add3A_275] : memref<64x256xf32, #tpu.memory_space<vmem>>[vector<16xi32>, vector<16xi32>], vector<16xf32>,
        %add3A_277 = arith.constant 128 : i32
        %add3A_278 = vector.broadcast %add3A_277 : i32 to vector<16xi32>
        %add3A_279 = arith.addi %iota3A, %add3A_278 : vector<16xi32>
        %add3A_280 = arith.constant 0 : i32
        %add3A_281 = vector.broadcast %add3A_280 : i32 to vector<16xi32>
        %add3A_282 = arith.addi %add3A_279, %add3A_281 : vector<16xi32>
        %gather3A_283 = tpu.vector_load_idx %arg6[%gather3A_192, %add3A_282] : memref<64x256xf32, #tpu.memory_space<vmem>>[vector<16xi32>, vector<16xi32>], vector<16xf32>,
        %add3A_284 = arith.constant 128 : i32
        %add3A_285 = vector.broadcast %add3A_284 : i32 to vector<16xi32>
        %add3A_286 = arith.addi %iota3A, %add3A_285 : vector<16xi32>
        %add3A_287 = arith.constant 16 : i32
        %add3A_288 = vector.broadcast %add3A_287 : i32 to vector<16xi32>
        %add3A_289 = arith.addi %add3A_286, %add3A_288 : vector<16xi32>
        %gather3A_290 = tpu.vector_load_idx %arg6[%gather3A_192, %add3A_289] : memref<64x256xf32, #tpu.memory_space<vmem>>[vector<16xi32>, vector<16xi32>], vector<16xf32>,
        %add3A_291 = arith.constant 128 : i32
        %add3A_292 = vector.broadcast %add3A_291 : i32 to vector<16xi32>
        %add3A_293 = arith.addi %iota3A, %add3A_292 : vector<16xi32>
        %add3A_294 = arith.constant 32 : i32
        %add3A_295 = vector.broadcast %add3A_294 : i32 to vector<16xi32>
        %add3A_296 = arith.addi %add3A_293, %add3A_295 : vector<16xi32>
        %gather3A_297 = tpu.vector_load_idx %arg6[%gather3A_192, %add3A_296] : memref<64x256xf32, #tpu.memory_space<vmem>>[vector<16xi32>, vector<16xi32>], vector<16xf32>,
        %add3A_298 = arith.constant 128 : i32
        %add3A_299 = vector.broadcast %add3A_298 : i32 to vector<16xi32>
        %add3A_300 = arith.addi %iota3A, %add3A_299 : vector<16xi32>
        %add3A_301 = arith.constant 48 : i32
        %add3A_302 = vector.broadcast %add3A_301 : i32 to vector<16xi32>
        %add3A_303 = arith.addi %add3A_300, %add3A_302 : vector<16xi32>
        %gather3A_304 = tpu.vector_load_idx %arg6[%gather3A_192, %add3A_303] : memref<64x256xf32, #tpu.memory_space<vmem>>[vector<16xi32>, vector<16xi32>], vector<16xf32>,
        %add3A_305 = arith.constant 128 : i32
        %add3A_306 = vector.broadcast %add3A_305 : i32 to vector<16xi32>
        %add3A_307 = arith.addi %iota3A, %add3A_306 : vector<16xi32>
        %add3A_308 = arith.constant 64 : i32
        %add3A_309 = vector.broadcast %add3A_308 : i32 to vector<16xi32>
        %add3A_310 = arith.addi %add3A_307, %add3A_309 : vector<16xi32>
        %gather3A_311 = tpu.vector_load_idx %arg6[%gather3A_192, %add3A_310] : memref<64x256xf32, #tpu.memory_space<vmem>>[vector<16xi32>, vector<16xi32>], vector<16xf32>,
        %add3A_312 = arith.constant 128 : i32
        %add3A_313 = vector.broadcast %add3A_312 : i32 to vector<16xi32>
        %add3A_314 = arith.addi %iota3A, %add3A_313 : vector<16xi32>
        %add3A_315 = arith.constant 80 : i32
        %add3A_316 = vector.broadcast %add3A_315 : i32 to vector<16xi32>
        %add3A_317 = arith.addi %add3A_314, %add3A_316 : vector<16xi32>
        %gather3A_318 = tpu.vector_load_idx %arg6[%gather3A_192, %add3A_317] : memref<64x256xf32, #tpu.memory_space<vmem>>[vector<16xi32>, vector<16xi32>], vector<16xf32>,
        %add3A_319 = arith.constant 128 : i32
        %add3A_320 = vector.broadcast %add3A_319 : i32 to vector<16xi32>
        %add3A_321 = arith.addi %iota3A, %add3A_320 : vector<16xi32>
        %add3A_322 = arith.constant 96 : i32
        %add3A_323 = vector.broadcast %add3A_322 : i32 to vector<16xi32>
        %add3A_324 = arith.addi %add3A_321, %add3A_323 : vector<16xi32>
        %gather3A_325 = tpu.vector_load_idx %arg6[%gather3A_192, %add3A_324] : memref<64x256xf32, #tpu.memory_space<vmem>>[vector<16xi32>, vector<16xi32>], vector<16xf32>,
        %add3A_326 = arith.constant 128 : i32
        %add3A_327 = vector.broadcast %add3A_326 : i32 to vector<16xi32>
        %add3A_328 = arith.addi %iota3A, %add3A_327 : vector<16xi32>
        %add3A_329 = arith.constant 112 : i32
        %add3A_330 = vector.broadcast %add3A_329 : i32 to vector<16xi32>
        %add3A_331 = arith.addi %add3A_328, %add3A_330 : vector<16xi32>
        %gather3A_332 = tpu.vector_load_idx %arg6[%gather3A_192, %add3A_331] : memref<64x256xf32, #tpu.memory_space<vmem>>[vector<16xi32>, vector<16xi32>], vector<16xf32>,
        %parallel_loop3A = arith.constant 0 : i32
        %parallel_loop3A_333 = arith.constant 176 : i32
        %parallel_loop3A_334 = arith.constant 1 : i32
        scf.for %parallel_loop3A_335 = %parallel_loop3A to %parallel_loop3A_333 step %parallel_loop3A_334  : i32 {
          %parallel_loop3A_336 = arith.constant 1 : i32
          %parallel_loop3A_337 = arith.index_cast %parallel_loop3A_336 : i32 to index
          %parallel_loop3A_338 = arith.index_cast %parallel_loop3A_335 : i32 to index
          %parallel_loop3A_339 = arith.constant 0 : index
          %parallel_loop3A_340 = tpu.vector_load %arg7[%parallel_loop3A_337, %parallel_loop3A_338, %parallel_loop3A_339] {strides = array<i32>} : memref<2x176x128xf32, #tpu.memory_space<vmem>>, vector<16xf32>,
          %parallel_loop3A_341 = arith.mulf %parallel_loop3A_340, %gather3A_248 : vector<16xf32>
          %parallel_loop3A_342 = arith.addf %parallel_loop3A_341, %gather3A_283 : vector<16xf32>
          %parallel_loop3A_343 = arith.constant 1 : i32
          %parallel_loop3A_344 = arith.index_cast %parallel_loop3A_343 : i32 to index
          %parallel_loop3A_345 = arith.index_cast %parallel_loop3A_335 : i32 to index
          %parallel_loop3A_346 = arith.constant 0 : index
          %parallel_loop3A_347 = tpu.vector_load %arg8[%parallel_loop3A_344, %parallel_loop3A_345, %parallel_loop3A_346] {strides = array<i32>} : memref<2x176x128xf32, #tpu.memory_space<vmem>>, vector<16xf32>,
          tpu.vector_store %arg8[%parallel_loop3A_344, %parallel_loop3A_345, %parallel_loop3A_346], %parallel_loop3A_342 {strides = array<i32>} : memref<2x176x128xf32, #tpu.memory_space<vmem>>, vector<16xf32>,
          %parallel_loop3A_348 = arith.constant 1 : i32
          %parallel_loop3A_349 = arith.index_cast %parallel_loop3A_348 : i32 to index
          %parallel_loop3A_350 = arith.index_cast %parallel_loop3A_335 : i32 to index
          %parallel_loop3A_351 = arith.constant 16 : index
          %parallel_loop3A_352 = tpu.vector_load %arg7[%parallel_loop3A_349, %parallel_loop3A_350, %parallel_loop3A_351] {strides = array<i32>} : memref<2x176x128xf32, #tpu.memory_space<vmem>>, vector<16xf32>,
          %parallel_loop3A_353 = arith.mulf %parallel_loop3A_352, %gather3A_252 : vector<16xf32>
          %parallel_loop3A_354 = arith.addf %parallel_loop3A_353, %gather3A_290 : vector<16xf32>
          %parallel_loop3A_355 = arith.constant 1 : i32
          %parallel_loop3A_356 = arith.index_cast %parallel_loop3A_355 : i32 to index
          %parallel_loop3A_357 = arith.index_cast %parallel_loop3A_335 : i32 to index
          %parallel_loop3A_358 = arith.constant 16 : index
          %parallel_loop3A_359 = tpu.vector_load %arg8[%parallel_loop3A_356, %parallel_loop3A_357, %parallel_loop3A_358] {strides = array<i32>} : memref<2x176x128xf32, #tpu.memory_space<vmem>>, vector<16xf32>,
          tpu.vector_store %arg8[%parallel_loop3A_356, %parallel_loop3A_357, %parallel_loop3A_358], %parallel_loop3A_354 {strides = array<i32>} : memref<2x176x128xf32, #tpu.memory_space<vmem>>, vector<16xf32>,
          %parallel_loop3A_360 = arith.constant 1 : i32
          %parallel_loop3A_361 = arith.index_cast %parallel_loop3A_360 : i32 to index
          %parallel_loop3A_362 = arith.index_cast %parallel_loop3A_335 : i32 to index
          %parallel_loop3A_363 = arith.constant 32 : index
          %parallel_loop3A_364 = tpu.vector_load %arg7[%parallel_loop3A_361, %parallel_loop3A_362, %parallel_loop3A_363] {strides = array<i32>} : memref<2x176x128xf32, #tpu.memory_space<vmem>>, vector<16xf32>,
          %parallel_loop3A_365 = arith.mulf %parallel_loop3A_364, %gather3A_256 : vector<16xf32>
          %parallel_loop3A_366 = arith.addf %parallel_loop3A_365, %gather3A_297 : vector<16xf32>
          %parallel_loop3A_367 = arith.constant 1 : i32
          %parallel_loop3A_368 = arith.index_cast %parallel_loop3A_367 : i32 to index
          %parallel_loop3A_369 = arith.index_cast %parallel_loop3A_335 : i32 to index
          %parallel_loop3A_370 = arith.constant 32 : index
          %parallel_loop3A_371 = tpu.vector_load %arg8[%parallel_loop3A_368, %parallel_loop3A_369, %parallel_loop3A_370] {strides = array<i32>} : memref<2x176x128xf32, #tpu.memory_space<vmem>>, vector<16xf32>,
          tpu.vector_store %arg8[%parallel_loop3A_368, %parallel_loop3A_369, %parallel_loop3A_370], %parallel_loop3A_366 {strides = array<i32>} : memref<2x176x128xf32, #tpu.memory_space<vmem>>, vector<16xf32>,
          %parallel_loop3A_372 = arith.constant 1 : i32
          %parallel_loop3A_373 = arith.index_cast %parallel_loop3A_372 : i32 to index
          %parallel_loop3A_374 = arith.index_cast %parallel_loop3A_335 : i32 to index
          %parallel_loop3A_375 = arith.constant 48 : index
          %parallel_loop3A_376 = tpu.vector_load %arg7[%parallel_loop3A_373, %parallel_loop3A_374, %parallel_loop3A_375] {strides = array<i32>} : memref<2x176x128xf32, #tpu.memory_space<vmem>>, vector<16xf32>,
          %parallel_loop3A_377 = arith.mulf %parallel_loop3A_376, %gather3A_260 : vector<16xf32>
          %parallel_loop3A_378 = arith.addf %parallel_loop3A_377, %gather3A_304 : vector<16xf32>
          %parallel_loop3A_379 = arith.constant 1 : i32
          %parallel_loop3A_380 = arith.index_cast %parallel_loop3A_379 : i32 to index
          %parallel_loop3A_381 = arith.index_cast %parallel_loop3A_335 : i32 to index
          %parallel_loop3A_382 = arith.constant 48 : index
          %parallel_loop3A_383 = tpu.vector_load %arg8[%parallel_loop3A_380, %parallel_loop3A_381, %parallel_loop3A_382] {strides = array<i32>} : memref<2x176x128xf32, #tpu.memory_space<vmem>>, vector<16xf32>,
          tpu.vector_store %arg8[%parallel_loop3A_380, %parallel_loop3A_381, %parallel_loop3A_382], %parallel_loop3A_378 {strides = array<i32>} : memref<2x176x128xf32, #tpu.memory_space<vmem>>, vector<16xf32>,
          %parallel_loop3A_384 = arith.constant 1 : i32
          %parallel_loop3A_385 = arith.index_cast %parallel_loop3A_384 : i32 to index
          %parallel_loop3A_386 = arith.index_cast %parallel_loop3A_335 : i32 to index
          %parallel_loop3A_387 = arith.constant 64 : index
          %parallel_loop3A_388 = tpu.vector_load %arg7[%parallel_loop3A_385, %parallel_loop3A_386, %parallel_loop3A_387] {strides = array<i32>} : memref<2x176x128xf32, #tpu.memory_space<vmem>>, vector<16xf32>,
          %parallel_loop3A_389 = arith.mulf %parallel_loop3A_388, %gather3A_264 : vector<16xf32>
          %parallel_loop3A_390 = arith.addf %parallel_loop3A_389, %gather3A_311 : vector<16xf32>
          %parallel_loop3A_391 = arith.constant 1 : i32
          %parallel_loop3A_392 = arith.index_cast %parallel_loop3A_391 : i32 to index
          %parallel_loop3A_393 = arith.index_cast %parallel_loop3A_335 : i32 to index
          %parallel_loop3A_394 = arith.constant 64 : index
          %parallel_loop3A_395 = tpu.vector_load %arg8[%parallel_loop3A_392, %parallel_loop3A_393, %parallel_loop3A_394] {strides = array<i32>} : memref<2x176x128xf32, #tpu.memory_space<vmem>>, vector<16xf32>,
          tpu.vector_store %arg8[%parallel_loop3A_392, %parallel_loop3A_393, %parallel_loop3A_394], %parallel_loop3A_390 {strides = array<i32>} : memref<2x176x128xf32, #tpu.memory_space<vmem>>, vector<16xf32>,
          %parallel_loop3A_396 = arith.constant 1 : i32
          %parallel_loop3A_397 = arith.index_cast %parallel_loop3A_396 : i32 to index
          %parallel_loop3A_398 = arith.index_cast %parallel_loop3A_335 : i32 to index
          %parallel_loop3A_399 = arith.constant 80 : index
          %parallel_loop3A_400 = tpu.vector_load %arg7[%parallel_loop3A_397, %parallel_loop3A_398, %parallel_loop3A_399] {strides = array<i32>} : memref<2x176x128xf32, #tpu.memory_space<vmem>>, vector<16xf32>,
          %parallel_loop3A_401 = arith.mulf %parallel_loop3A_400, %gather3A_268 : vector<16xf32>
          %parallel_loop3A_402 = arith.addf %parallel_loop3A_401, %gather3A_318 : vector<16xf32>
          %parallel_loop3A_403 = arith.constant 1 : i32
          %parallel_loop3A_404 = arith.index_cast %parallel_loop3A_403 : i32 to index
          %parallel_loop3A_405 = arith.index_cast %parallel_loop3A_335 : i32 to index
          %parallel_loop3A_406 = arith.constant 80 : index
          %parallel_loop3A_407 = tpu.vector_load %arg8[%parallel_loop3A_404, %parallel_loop3A_405, %parallel_loop3A_406] {strides = array<i32>} : memref<2x176x128xf32, #tpu.memory_space<vmem>>, vector<16xf32>,
          tpu.vector_store %arg8[%parallel_loop3A_404, %parallel_loop3A_405, %parallel_loop3A_406], %parallel_loop3A_402 {strides = array<i32>} : memref<2x176x128xf32, #tpu.memory_space<vmem>>, vector<16xf32>,
          %parallel_loop3A_408 = arith.constant 1 : i32
          %parallel_loop3A_409 = arith.index_cast %parallel_loop3A_408 : i32 to index
          %parallel_loop3A_410 = arith.index_cast %parallel_loop3A_335 : i32 to index
          %parallel_loop3A_411 = arith.constant 96 : index
          %parallel_loop3A_412 = tpu.vector_load %arg7[%parallel_loop3A_409, %parallel_loop3A_410, %parallel_loop3A_411] {strides = array<i32>} : memref<2x176x128xf32, #tpu.memory_space<vmem>>, vector<16xf32>,
          %parallel_loop3A_413 = arith.mulf %parallel_loop3A_412, %gather3A_272 : vector<16xf32>
          %parallel_loop3A_414 = arith.addf %parallel_loop3A_413, %gather3A_325 : vector<16xf32>
          %parallel_loop3A_415 = arith.constant 1 : i32
          %parallel_loop3A_416 = arith.index_cast %parallel_loop3A_415 : i32 to index
          %parallel_loop3A_417 = arith.index_cast %parallel_loop3A_335 : i32 to index
          %parallel_loop3A_418 = arith.constant 96 : index
          %parallel_loop3A_419 = tpu.vector_load %arg8[%parallel_loop3A_416, %parallel_loop3A_417, %parallel_loop3A_418] {strides = array<i32>} : memref<2x176x128xf32, #tpu.memory_space<vmem>>, vector<16xf32>,
          tpu.vector_store %arg8[%parallel_loop3A_416, %parallel_loop3A_417, %parallel_loop3A_418], %parallel_loop3A_414 {strides = array<i32>} : memref<2x176x128xf32, #tpu.memory_space<vmem>>, vector<16xf32>,
          %parallel_loop3A_420 = arith.constant 1 : i32
          %parallel_loop3A_421 = arith.index_cast %parallel_loop3A_420 : i32 to index
          %parallel_loop3A_422 = arith.index_cast %parallel_loop3A_335 : i32 to index
          %parallel_loop3A_423 = arith.constant 112 : index
          %parallel_loop3A_424 = tpu.vector_load %arg7[%parallel_loop3A_421, %parallel_loop3A_422, %parallel_loop3A_423] {strides = array<i32>} : memref<2x176x128xf32, #tpu.memory_space<vmem>>, vector<16xf32>,
          %parallel_loop3A_425 = arith.mulf %parallel_loop3A_424, %gather3A_276 : vector<16xf32>
          %parallel_loop3A_426 = arith.addf %parallel_loop3A_425, %gather3A_332 : vector<16xf32>
          %parallel_loop3A_427 = arith.constant 1 : i32
          %parallel_loop3A_428 = arith.index_cast %parallel_loop3A_427 : i32 to index
          %parallel_loop3A_429 = arith.index_cast %parallel_loop3A_335 : i32 to index
          %parallel_loop3A_430 = arith.constant 112 : index
          %parallel_loop3A_431 = tpu.vector_load %arg8[%parallel_loop3A_428, %parallel_loop3A_429, %parallel_loop3A_430] {strides = array<i32>} : memref<2x176x128xf32, #tpu.memory_space<vmem>>, vector<16xf32>,
          tpu.vector_store %arg8[%parallel_loop3A_428, %parallel_loop3A_429, %parallel_loop3A_430], %parallel_loop3A_426 {strides = array<i32>} : memref<2x176x128xf32, #tpu.memory_space<vmem>>, vector<16xf32>,
        } {sc.loop_unroll_factor = 4 : i64, sc.parallel_access}
      } else {
      }
      %not3A_214 = arith.constant true
      %not3A_215 = arith.xori %reduce_and3A_210, %not3A_214 : i1
      %convert_element_type3A_216 = arith.extui %not3A_215 : i1 to i32
      %cond3A_217 = arith.constant 0 : i32
      %cond3A_218 = arith.cmpi ne, %convert_element_type3A_216, %cond3A_217 : i32
      scf.if %cond3A_218 {
        %scan3A_245 = arith.constant 0 : i32
        %scan3A_246 = arith.constant 0 : i32
        %scan3A_247 = arith.constant 11 : i32
        %scan3A_248 = arith.addi %scan3A_246, %scan3A_247 : i32
        %scan3A_249 = arith.constant 1 : i32
        %scan3A_250 = scf.for %scan3A_252 = %scan3A_246 to %scan3A_248 step %scan3A_249 iter_args(%scan3A_253 = %scan3A_245) -> (i32)  : i32 {
          %mul3A_254 = arith.constant 16 : i32
          %mul3A_255 = arith.muli %scan3A_252, %mul3A_254 : i32
          %add3A_256 = arith.addi %sub3A_190, %mul3A_255 : i32
          %broadcast_in_dim3A_257 = vector.broadcast %add3A_256 : i32 to vector<16xi32>
          %gather3A_258 = tpu.vector_load_idx %arg9[%broadcast_in_dim3A_257] : memref<2112xi32, #tpu.memory_space<vmem>>[vector<16xi32>], vector<16xi32>,
          %add3A_259 = arith.constant 16 : i32
          %add3A_260 = arith.addi %add3A_256, %add3A_259 : i32
          %sub3A_261 = arith.constant 1 : i32
          %sub3A_262 = arith.subi %add3A_260, %sub3A_261 : i32
          %broadcast_in_dim3A_263 = vector.broadcast %sub3A_262 : i32 to vector<16xi32>
          %gather3A_264 = tpu.vector_load_idx %arg9[%broadcast_in_dim3A_263] : memref<2112xi32, #tpu.memory_space<vmem>>[vector<16xi32>], vector<16xi32>,
          %eq3A_265 = arith.cmpi eq, %gather3A_258, %gather3A_264 : vector<16xi32>
          %reduce_and3A_266 = arith.constant 1.000000e+00 : f32
          %reduce_and3A_267 = arith.constant 0.000000e+00 : f32
          %reduce_and3A_268 = vector.broadcast %reduce_and3A_266 : f32 to vector<16xf32>
          %reduce_and3A_269 = vector.broadcast %reduce_and3A_267 : f32 to vector<16xf32>
          %reduce_and3A_270 = arith.select %eq3A_265, %reduce_and3A_268, %reduce_and3A_269 : vector<16xi1>, vector<16xf32>
          %reduce_and3A_271 = arith.constant true
          %reduce_and3A_272 = vector.broadcast %reduce_and3A_271 : i1 to vector<16xi1>
          %reduce_and3A_273 = tpu.scan <min>, %reduce_and3A_270 masked %reduce_and3A_272 : vector<16xf32>, vector<16xi1> -> vector<16xf32>
          %reduce_and3A_274 = vector.extract %reduce_and3A_273[15] : f32 from vector<16xf32>
          %reduce_and3A_275 = arith.constant 0.000000e+00 : f32
          %reduce_and3A_276 = arith.cmpf ogt, %reduce_and3A_274, %reduce_and3A_275 : f32
          %convert_element_type3A_277 = arith.extui %reduce_and3A_276 : i1 to i32
          %cond3A_278 = arith.constant 0 : i32
          %cond3A_279 = arith.cmpi ne, %convert_element_type3A_277, %cond3A_278 : i32
          scf.if %cond3A_279 {
            %add3A_286 = arith.constant 0 : i32
            %add3A_287 = vector.broadcast %add3A_286 : i32 to vector<16xi32>
            %add3A_288 = arith.addi %iota3A, %add3A_287 : vector<16xi32>
            %gather3A_289 = tpu.vector_load_idx %arg6[%gather3A_258, %add3A_288] : memref<64x256xf32, #tpu.memory_space<vmem>>[vector<16xi32>, vector<16xi32>], vector<16xf32>,
            %add3A_290 = arith.constant 16 : i32
            %add3A_291 = vector.broadcast %add3A_290 : i32 to vector<16xi32>
            %add3A_292 = arith.addi %iota3A, %add3A_291 : vector<16xi32>
            %gather3A_293 = tpu.vector_load_idx %arg6[%gather3A_258, %add3A_292] : memref<64x256xf32, #tpu.memory_space<vmem>>[vector<16xi32>, vector<16xi32>], vector<16xf32>,
            %add3A_294 = arith.constant 32 : i32
            %add3A_295 = vector.broadcast %add3A_294 : i32 to vector<16xi32>
            %add3A_296 = arith.addi %iota3A, %add3A_295 : vector<16xi32>
            %gather3A_297 = tpu.vector_load_idx %arg6[%gather3A_258, %add3A_296] : memref<64x256xf32, #tpu.memory_space<vmem>>[vector<16xi32>, vector<16xi32>], vector<16xf32>,
            %add3A_298 = arith.constant 48 : i32
            %add3A_299 = vector.broadcast %add3A_298 : i32 to vector<16xi32>
            %add3A_300 = arith.addi %iota3A, %add3A_299 : vector<16xi32>
            %gather3A_301 = tpu.vector_load_idx %arg6[%gather3A_258, %add3A_300] : memref<64x256xf32, #tpu.memory_space<vmem>>[vector<16xi32>, vector<16xi32>], vector<16xf32>,
            %add3A_302 = arith.constant 64 : i32
            %add3A_303 = vector.broadcast %add3A_302 : i32 to vector<16xi32>
            %add3A_304 = arith.addi %iota3A, %add3A_303 : vector<16xi32>
            %gather3A_305 = tpu.vector_load_idx %arg6[%gather3A_258, %add3A_304] : memref<64x256xf32, #tpu.memory_space<vmem>>[vector<16xi32>, vector<16xi32>], vector<16xf32>,
            %add3A_306 = arith.constant 80 : i32
            %add3A_307 = vector.broadcast %add3A_306 : i32 to vector<16xi32>
            %add3A_308 = arith.addi %iota3A, %add3A_307 : vector<16xi32>
            %gather3A_309 = tpu.vector_load_idx %arg6[%gather3A_258, %add3A_308] : memref<64x256xf32, #tpu.memory_space<vmem>>[vector<16xi32>, vector<16xi32>], vector<16xf32>,
            %add3A_310 = arith.constant 96 : i32
            %add3A_311 = vector.broadcast %add3A_310 : i32 to vector<16xi32>
            %add3A_312 = arith.addi %iota3A, %add3A_311 : vector<16xi32>
            %gather3A_313 = tpu.vector_load_idx %arg6[%gather3A_258, %add3A_312] : memref<64x256xf32, #tpu.memory_space<vmem>>[vector<16xi32>, vector<16xi32>], vector<16xf32>,
            %add3A_314 = arith.constant 112 : i32
            %add3A_315 = vector.broadcast %add3A_314 : i32 to vector<16xi32>
            %add3A_316 = arith.addi %iota3A, %add3A_315 : vector<16xi32>
            %gather3A_317 = tpu.vector_load_idx %arg6[%gather3A_258, %add3A_316] : memref<64x256xf32, #tpu.memory_space<vmem>>[vector<16xi32>, vector<16xi32>], vector<16xf32>,
            %add3A_318 = arith.constant 128 : i32
            %add3A_319 = vector.broadcast %add3A_318 : i32 to vector<16xi32>
            %add3A_320 = arith.addi %iota3A, %add3A_319 : vector<16xi32>
            %add3A_321 = arith.constant 0 : i32
            %add3A_322 = vector.broadcast %add3A_321 : i32 to vector<16xi32>
            %add3A_323 = arith.addi %add3A_320, %add3A_322 : vector<16xi32>
            %gather3A_324 = tpu.vector_load_idx %arg6[%gather3A_258, %add3A_323] : memref<64x256xf32, #tpu.memory_space<vmem>>[vector<16xi32>, vector<16xi32>], vector<16xf32>,
            %add3A_325 = arith.constant 128 : i32
            %add3A_326 = vector.broadcast %add3A_325 : i32 to vector<16xi32>
            %add3A_327 = arith.addi %iota3A, %add3A_326 : vector<16xi32>
            %add3A_328 = arith.constant 16 : i32
            %add3A_329 = vector.broadcast %add3A_328 : i32 to vector<16xi32>
            %add3A_330 = arith.addi %add3A_327, %add3A_329 : vector<16xi32>
            %gather3A_331 = tpu.vector_load_idx %arg6[%gather3A_258, %add3A_330] : memref<64x256xf32, #tpu.memory_space<vmem>>[vector<16xi32>, vector<16xi32>], vector<16xf32>,
            %add3A_332 = arith.constant 128 : i32
            %add3A_333 = vector.broadcast %add3A_332 : i32 to vector<16xi32>
            %add3A_334 = arith.addi %iota3A, %add3A_333 : vector<16xi32>
            %add3A_335 = arith.constant 32 : i32
            %add3A_336 = vector.broadcast %add3A_335 : i32 to vector<16xi32>
            %add3A_337 = arith.addi %add3A_334, %add3A_336 : vector<16xi32>
            %gather3A_338 = tpu.vector_load_idx %arg6[%gather3A_258, %add3A_337] : memref<64x256xf32, #tpu.memory_space<vmem>>[vector<16xi32>, vector<16xi32>], vector<16xf32>,
            %add3A_339 = arith.constant 128 : i32
            %add3A_340 = vector.broadcast %add3A_339 : i32 to vector<16xi32>
            %add3A_341 = arith.addi %iota3A, %add3A_340 : vector<16xi32>
            %add3A_342 = arith.constant 48 : i32
            %add3A_343 = vector.broadcast %add3A_342 : i32 to vector<16xi32>
            %add3A_344 = arith.addi %add3A_341, %add3A_343 : vector<16xi32>
            %gather3A_345 = tpu.vector_load_idx %arg6[%gather3A_258, %add3A_344] : memref<64x256xf32, #tpu.memory_space<vmem>>[vector<16xi32>, vector<16xi32>], vector<16xf32>,
            %add3A_346 = arith.constant 128 : i32
            %add3A_347 = vector.broadcast %add3A_346 : i32 to vector<16xi32>
            %add3A_348 = arith.addi %iota3A, %add3A_347 : vector<16xi32>
            %add3A_349 = arith.constant 64 : i32
            %add3A_350 = vector.broadcast %add3A_349 : i32 to vector<16xi32>
            %add3A_351 = arith.addi %add3A_348, %add3A_350 : vector<16xi32>
            %gather3A_352 = tpu.vector_load_idx %arg6[%gather3A_258, %add3A_351] : memref<64x256xf32, #tpu.memory_space<vmem>>[vector<16xi32>, vector<16xi32>], vector<16xf32>,
            %add3A_353 = arith.constant 128 : i32
            %add3A_354 = vector.broadcast %add3A_353 : i32 to vector<16xi32>
            %add3A_355 = arith.addi %iota3A, %add3A_354 : vector<16xi32>
            %add3A_356 = arith.constant 80 : i32
            %add3A_357 = vector.broadcast %add3A_356 : i32 to vector<16xi32>
            %add3A_358 = arith.addi %add3A_355, %add3A_357 : vector<16xi32>
            %gather3A_359 = tpu.vector_load_idx %arg6[%gather3A_258, %add3A_358] : memref<64x256xf32, #tpu.memory_space<vmem>>[vector<16xi32>, vector<16xi32>], vector<16xf32>,
            %add3A_360 = arith.constant 128 : i32
            %add3A_361 = vector.broadcast %add3A_360 : i32 to vector<16xi32>
            %add3A_362 = arith.addi %iota3A, %add3A_361 : vector<16xi32>
            %add3A_363 = arith.constant 96 : i32
            %add3A_364 = vector.broadcast %add3A_363 : i32 to vector<16xi32>
            %add3A_365 = arith.addi %add3A_362, %add3A_364 : vector<16xi32>
            %gather3A_366 = tpu.vector_load_idx %arg6[%gather3A_258, %add3A_365] : memref<64x256xf32, #tpu.memory_space<vmem>>[vector<16xi32>, vector<16xi32>], vector<16xf32>,
            %add3A_367 = arith.constant 128 : i32
            %add3A_368 = vector.broadcast %add3A_367 : i32 to vector<16xi32>
            %add3A_369 = arith.addi %iota3A, %add3A_368 : vector<16xi32>
            %add3A_370 = arith.constant 112 : i32
            %add3A_371 = vector.broadcast %add3A_370 : i32 to vector<16xi32>
            %add3A_372 = arith.addi %add3A_369, %add3A_371 : vector<16xi32>
            %gather3A_373 = tpu.vector_load_idx %arg6[%gather3A_258, %add3A_372] : memref<64x256xf32, #tpu.memory_space<vmem>>[vector<16xi32>, vector<16xi32>], vector<16xf32>,
            %parallel_loop3A = arith.constant 0 : i32
            %parallel_loop3A_374 = arith.constant 16 : i32
            %parallel_loop3A_375 = arith.constant 1 : i32
            scf.for %parallel_loop3A_376 = %parallel_loop3A to %parallel_loop3A_374 step %parallel_loop3A_375  : i32 {
              %parallel_loop3A_377 = arith.constant 16 : i32
              %parallel_loop3A_378 = arith.muli %scan3A_252, %parallel_loop3A_377 : i32
              %parallel_loop3A_379 = arith.addi %parallel_loop3A_378, %parallel_loop3A_376 : i32
              %parallel_loop3A_380 = arith.constant 1 : i32
              %parallel_loop3A_381 = arith.index_cast %parallel_loop3A_380 : i32 to index
              %parallel_loop3A_382 = arith.index_cast %parallel_loop3A_379 : i32 to index
              %parallel_loop3A_383 = arith.constant 0 : index
              %parallel_loop3A_384 = tpu.vector_load %arg7[%parallel_loop3A_381, %parallel_loop3A_382, %parallel_loop3A_383] {strides = array<i32>} : memref<2x176x128xf32, #tpu.memory_space<vmem>>, vector<16xf32>,
              %parallel_loop3A_385 = arith.mulf %parallel_loop3A_384, %gather3A_289 : vector<16xf32>
              %parallel_loop3A_386 = arith.addf %parallel_loop3A_385, %gather3A_324 : vector<16xf32>
              %parallel_loop3A_387 = arith.constant 1 : i32
              %parallel_loop3A_388 = arith.index_cast %parallel_loop3A_387 : i32 to index
              %parallel_loop3A_389 = arith.index_cast %parallel_loop3A_379 : i32 to index
              %parallel_loop3A_390 = arith.constant 0 : index
              %parallel_loop3A_391 = tpu.vector_load %arg8[%parallel_loop3A_388, %parallel_loop3A_389, %parallel_loop3A_390] {strides = array<i32>} : memref<2x176x128xf32, #tpu.memory_space<vmem>>, vector<16xf32>,
              tpu.vector_store %arg8[%parallel_loop3A_388, %parallel_loop3A_389, %parallel_loop3A_390], %parallel_loop3A_386 {strides = array<i32>} : memref<2x176x128xf32, #tpu.memory_space<vmem>>, vector<16xf32>,
              %parallel_loop3A_392 = arith.constant 1 : i32
              %parallel_loop3A_393 = arith.index_cast %parallel_loop3A_392 : i32 to index
              %parallel_loop3A_394 = arith.index_cast %parallel_loop3A_379 : i32 to index
              %parallel_loop3A_395 = arith.constant 16 : index
              %parallel_loop3A_396 = tpu.vector_load %arg7[%parallel_loop3A_393, %parallel_loop3A_394, %parallel_loop3A_395] {strides = array<i32>} : memref<2x176x128xf32, #tpu.memory_space<vmem>>, vector<16xf32>,
              %parallel_loop3A_397 = arith.mulf %parallel_loop3A_396, %gather3A_293 : vector<16xf32>
              %parallel_loop3A_398 = arith.addf %parallel_loop3A_397, %gather3A_331 : vector<16xf32>
              %parallel_loop3A_399 = arith.constant 1 : i32
              %parallel_loop3A_400 = arith.index_cast %parallel_loop3A_399 : i32 to index
              %parallel_loop3A_401 = arith.index_cast %parallel_loop3A_379 : i32 to index
              %parallel_loop3A_402 = arith.constant 16 : index
              %parallel_loop3A_403 = tpu.vector_load %arg8[%parallel_loop3A_400, %parallel_loop3A_401, %parallel_loop3A_402] {strides = array<i32>} : memref<2x176x128xf32, #tpu.memory_space<vmem>>, vector<16xf32>,
              tpu.vector_store %arg8[%parallel_loop3A_400, %parallel_loop3A_401, %parallel_loop3A_402], %parallel_loop3A_398 {strides = array<i32>} : memref<2x176x128xf32, #tpu.memory_space<vmem>>, vector<16xf32>,
              %parallel_loop3A_404 = arith.constant 1 : i32
              %parallel_loop3A_405 = arith.index_cast %parallel_loop3A_404 : i32 to index
              %parallel_loop3A_406 = arith.index_cast %parallel_loop3A_379 : i32 to index
              %parallel_loop3A_407 = arith.constant 32 : index
              %parallel_loop3A_408 = tpu.vector_load %arg7[%parallel_loop3A_405, %parallel_loop3A_406, %parallel_loop3A_407] {strides = array<i32>} : memref<2x176x128xf32, #tpu.memory_space<vmem>>, vector<16xf32>,
              %parallel_loop3A_409 = arith.mulf %parallel_loop3A_408, %gather3A_297 : vector<16xf32>
              %parallel_loop3A_410 = arith.addf %parallel_loop3A_409, %gather3A_338 : vector<16xf32>
              %parallel_loop3A_411 = arith.constant 1 : i32
              %parallel_loop3A_412 = arith.index_cast %parallel_loop3A_411 : i32 to index
              %parallel_loop3A_413 = arith.index_cast %parallel_loop3A_379 : i32 to index
              %parallel_loop3A_414 = arith.constant 32 : index
              %parallel_loop3A_415 = tpu.vector_load %arg8[%parallel_loop3A_412, %parallel_loop3A_413, %parallel_loop3A_414] {strides = array<i32>} : memref<2x176x128xf32, #tpu.memory_space<vmem>>, vector<16xf32>,
              tpu.vector_store %arg8[%parallel_loop3A_412, %parallel_loop3A_413, %parallel_loop3A_414], %parallel_loop3A_410 {strides = array<i32>} : memref<2x176x128xf32, #tpu.memory_space<vmem>>, vector<16xf32>,
              %parallel_loop3A_416 = arith.constant 1 : i32
              %parallel_loop3A_417 = arith.index_cast %parallel_loop3A_416 : i32 to index
              %parallel_loop3A_418 = arith.index_cast %parallel_loop3A_379 : i32 to index
              %parallel_loop3A_419 = arith.constant 48 : index
              %parallel_loop3A_420 = tpu.vector_load %arg7[%parallel_loop3A_417, %parallel_loop3A_418, %parallel_loop3A_419] {strides = array<i32>} : memref<2x176x128xf32, #tpu.memory_space<vmem>>, vector<16xf32>,
              %parallel_loop3A_421 = arith.mulf %parallel_loop3A_420, %gather3A_301 : vector<16xf32>
              %parallel_loop3A_422 = arith.addf %parallel_loop3A_421, %gather3A_345 : vector<16xf32>
              %parallel_loop3A_423 = arith.constant 1 : i32
              %parallel_loop3A_424 = arith.index_cast %parallel_loop3A_423 : i32 to index
              %parallel_loop3A_425 = arith.index_cast %parallel_loop3A_379 : i32 to index
              %parallel_loop3A_426 = arith.constant 48 : index
              %parallel_loop3A_427 = tpu.vector_load %arg8[%parallel_loop3A_424, %parallel_loop3A_425, %parallel_loop3A_426] {strides = array<i32>} : memref<2x176x128xf32, #tpu.memory_space<vmem>>, vector<16xf32>,
              tpu.vector_store %arg8[%parallel_loop3A_424, %parallel_loop3A_425, %parallel_loop3A_426], %parallel_loop3A_422 {strides = array<i32>} : memref<2x176x128xf32, #tpu.memory_space<vmem>>, vector<16xf32>,
              %parallel_loop3A_428 = arith.constant 1 : i32
              %parallel_loop3A_429 = arith.index_cast %parallel_loop3A_428 : i32 to index
              %parallel_loop3A_430 = arith.index_cast %parallel_loop3A_379 : i32 to index
              %parallel_loop3A_431 = arith.constant 64 : index
              %parallel_loop3A_432 = tpu.vector_load %arg7[%parallel_loop3A_429, %parallel_loop3A_430, %parallel_loop3A_431] {strides = array<i32>} : memref<2x176x128xf32, #tpu.memory_space<vmem>>, vector<16xf32>,
              %parallel_loop3A_433 = arith.mulf %parallel_loop3A_432, %gather3A_305 : vector<16xf32>
              %parallel_loop3A_434 = arith.addf %parallel_loop3A_433, %gather3A_352 : vector<16xf32>
              %parallel_loop3A_435 = arith.constant 1 : i32
              %parallel_loop3A_436 = arith.index_cast %parallel_loop3A_435 : i32 to index
              %parallel_loop3A_437 = arith.index_cast %parallel_loop3A_379 : i32 to index
              %parallel_loop3A_438 = arith.constant 64 : index
              %parallel_loop3A_439 = tpu.vector_load %arg8[%parallel_loop3A_436, %parallel_loop3A_437, %parallel_loop3A_438] {strides = array<i32>} : memref<2x176x128xf32, #tpu.memory_space<vmem>>, vector<16xf32>,
              tpu.vector_store %arg8[%parallel_loop3A_436, %parallel_loop3A_437, %parallel_loop3A_438], %parallel_loop3A_434 {strides = array<i32>} : memref<2x176x128xf32, #tpu.memory_space<vmem>>, vector<16xf32>,
              %parallel_loop3A_440 = arith.constant 1 : i32
              %parallel_loop3A_441 = arith.index_cast %parallel_loop3A_440 : i32 to index
              %parallel_loop3A_442 = arith.index_cast %parallel_loop3A_379 : i32 to index
              %parallel_loop3A_443 = arith.constant 80 : index
              %parallel_loop3A_444 = tpu.vector_load %arg7[%parallel_loop3A_441, %parallel_loop3A_442, %parallel_loop3A_443] {strides = array<i32>} : memref<2x176x128xf32, #tpu.memory_space<vmem>>, vector<16xf32>,
              %parallel_loop3A_445 = arith.mulf %parallel_loop3A_444, %gather3A_309 : vector<16xf32>
              %parallel_loop3A_446 = arith.addf %parallel_loop3A_445, %gather3A_359 : vector<16xf32>
              %parallel_loop3A_447 = arith.constant 1 : i32
              %parallel_loop3A_448 = arith.index_cast %parallel_loop3A_447 : i32 to index
              %parallel_loop3A_449 = arith.index_cast %parallel_loop3A_379 : i32 to index
              %parallel_loop3A_450 = arith.constant 80 : index
              %parallel_loop3A_451 = tpu.vector_load %arg8[%parallel_loop3A_448, %parallel_loop3A_449, %parallel_loop3A_450] {strides = array<i32>} : memref<2x176x128xf32, #tpu.memory_space<vmem>>, vector<16xf32>,
              tpu.vector_store %arg8[%parallel_loop3A_448, %parallel_loop3A_449, %parallel_loop3A_450], %parallel_loop3A_446 {strides = array<i32>} : memref<2x176x128xf32, #tpu.memory_space<vmem>>, vector<16xf32>,
              %parallel_loop3A_452 = arith.constant 1 : i32
              %parallel_loop3A_453 = arith.index_cast %parallel_loop3A_452 : i32 to index
              %parallel_loop3A_454 = arith.index_cast %parallel_loop3A_379 : i32 to index
              %parallel_loop3A_455 = arith.constant 96 : index
              %parallel_loop3A_456 = tpu.vector_load %arg7[%parallel_loop3A_453, %parallel_loop3A_454, %parallel_loop3A_455] {strides = array<i32>} : memref<2x176x128xf32, #tpu.memory_space<vmem>>, vector<16xf32>,
              %parallel_loop3A_457 = arith.mulf %parallel_loop3A_456, %gather3A_313 : vector<16xf32>
              %parallel_loop3A_458 = arith.addf %parallel_loop3A_457, %gather3A_366 : vector<16xf32>
              %parallel_loop3A_459 = arith.constant 1 : i32
              %parallel_loop3A_460 = arith.index_cast %parallel_loop3A_459 : i32 to index
              %parallel_loop3A_461 = arith.index_cast %parallel_loop3A_379 : i32 to index
              %parallel_loop3A_462 = arith.constant 96 : index
              %parallel_loop3A_463 = tpu.vector_load %arg8[%parallel_loop3A_460, %parallel_loop3A_461, %parallel_loop3A_462] {strides = array<i32>} : memref<2x176x128xf32, #tpu.memory_space<vmem>>, vector<16xf32>,
              tpu.vector_store %arg8[%parallel_loop3A_460, %parallel_loop3A_461, %parallel_loop3A_462], %parallel_loop3A_458 {strides = array<i32>} : memref<2x176x128xf32, #tpu.memory_space<vmem>>, vector<16xf32>,
              %parallel_loop3A_464 = arith.constant 1 : i32
              %parallel_loop3A_465 = arith.index_cast %parallel_loop3A_464 : i32 to index
              %parallel_loop3A_466 = arith.index_cast %parallel_loop3A_379 : i32 to index
              %parallel_loop3A_467 = arith.constant 112 : index
              %parallel_loop3A_468 = tpu.vector_load %arg7[%parallel_loop3A_465, %parallel_loop3A_466, %parallel_loop3A_467] {strides = array<i32>} : memref<2x176x128xf32, #tpu.memory_space<vmem>>, vector<16xf32>,
              %parallel_loop3A_469 = arith.mulf %parallel_loop3A_468, %gather3A_317 : vector<16xf32>
              %parallel_loop3A_470 = arith.addf %parallel_loop3A_469, %gather3A_373 : vector<16xf32>
              %parallel_loop3A_471 = arith.constant 1 : i32
              %parallel_loop3A_472 = arith.index_cast %parallel_loop3A_471 : i32 to index
              %parallel_loop3A_473 = arith.index_cast %parallel_loop3A_379 : i32 to index
              %parallel_loop3A_474 = arith.constant 112 : index
              %parallel_loop3A_475 = tpu.vector_load %arg8[%parallel_loop3A_472, %parallel_loop3A_473, %parallel_loop3A_474] {strides = array<i32>} : memref<2x176x128xf32, #tpu.memory_space<vmem>>, vector<16xf32>,
              tpu.vector_store %arg8[%parallel_loop3A_472, %parallel_loop3A_473, %parallel_loop3A_474], %parallel_loop3A_470 {strides = array<i32>} : memref<2x176x128xf32, #tpu.memory_space<vmem>>, vector<16xf32>,
            } {sc.loop_unroll_factor = 4 : i64, sc.parallel_access}
          } else {
          }
          %not3A_280 = arith.constant true
          %not3A_281 = arith.xori %reduce_and3A_276, %not3A_280 : i1
          %convert_element_type3A_282 = arith.extui %not3A_281 : i1 to i32
          %cond3A_283 = arith.constant 0 : i32
          %cond3A_284 = arith.cmpi ne, %convert_element_type3A_282, %cond3A_283 : i32
          scf.if %cond3A_284 {
            %parallel_loop3A = arith.constant 0 : i32
            %parallel_loop3A_286 = arith.constant 16 : i32
            %parallel_loop3A_287 = arith.constant 1 : i32
            scf.for %parallel_loop3A_288 = %parallel_loop3A to %parallel_loop3A_286 step %parallel_loop3A_287  : i32 {
              %parallel_loop3A_289 = arith.constant 16 : i32
              %parallel_loop3A_290 = arith.muli %scan3A_252, %parallel_loop3A_289 : i32
              %parallel_loop3A_291 = arith.addi %parallel_loop3A_290, %parallel_loop3A_288 : i32
              %parallel_loop3A_292 = arith.addi %sub3A_190, %parallel_loop3A_291 : i32
              %parallel_loop3A_293 = vector.broadcast %parallel_loop3A_292 : i32 to vector<16xi32>
              %parallel_loop3A_294 = tpu.vector_load_idx %arg9[%parallel_loop3A_293] : memref<2112xi32, #tpu.memory_space<vmem>>[vector<16xi32>], vector<16xi32>,
              %parallel_loop3A_295 = arith.constant 0 : i32
              %parallel_loop3A_296 = vector.broadcast %parallel_loop3A_295 : i32 to vector<16xi32>
              %parallel_loop3A_297 = arith.addi %iota3A, %parallel_loop3A_296 : vector<16xi32>
              %parallel_loop3A_298 = tpu.vector_load_idx %arg6[%parallel_loop3A_294, %parallel_loop3A_297] : memref<64x256xf32, #tpu.memory_space<vmem>>[vector<16xi32>, vector<16xi32>], vector<16xf32>,
              %parallel_loop3A_299 = arith.constant 128 : i32
              %parallel_loop3A_300 = vector.broadcast %parallel_loop3A_299 : i32 to vector<16xi32>
              %parallel_loop3A_301 = arith.addi %iota3A, %parallel_loop3A_300 : vector<16xi32>
              %parallel_loop3A_302 = arith.constant 0 : i32
              %parallel_loop3A_303 = vector.broadcast %parallel_loop3A_302 : i32 to vector<16xi32>
              %parallel_loop3A_304 = arith.addi %parallel_loop3A_301, %parallel_loop3A_303 : vector<16xi32>
              %parallel_loop3A_305 = tpu.vector_load_idx %arg6[%parallel_loop3A_294, %parallel_loop3A_304] : memref<64x256xf32, #tpu.memory_space<vmem>>[vector<16xi32>, vector<16xi32>], vector<16xf32>,
              %parallel_loop3A_306 = arith.constant 1 : i32
              %parallel_loop3A_307 = arith.index_cast %parallel_loop3A_306 : i32 to index
              %parallel_loop3A_308 = arith.index_cast %parallel_loop3A_291 : i32 to index
              %parallel_loop3A_309 = arith.constant 0 : index
              %parallel_loop3A_310 = tpu.vector_load %arg7[%parallel_loop3A_307, %parallel_loop3A_308, %parallel_loop3A_309] {strides = array<i32>} : memref<2x176x128xf32, #tpu.memory_space<vmem>>, vector<16xf32>,
              %parallel_loop3A_311 = arith.mulf %parallel_loop3A_310, %parallel_loop3A_298 : vector<16xf32>
              %parallel_loop3A_312 = arith.addf %parallel_loop3A_311, %parallel_loop3A_305 : vector<16xf32>
              %parallel_loop3A_313 = arith.constant 1 : i32
              %parallel_loop3A_314 = arith.index_cast %parallel_loop3A_313 : i32 to index
              %parallel_loop3A_315 = arith.index_cast %parallel_loop3A_291 : i32 to index
              %parallel_loop3A_316 = arith.constant 0 : index
              %parallel_loop3A_317 = tpu.vector_load %arg8[%parallel_loop3A_314, %parallel_loop3A_315, %parallel_loop3A_316] {strides = array<i32>} : memref<2x176x128xf32, #tpu.memory_space<vmem>>, vector<16xf32>,
              tpu.vector_store %arg8[%parallel_loop3A_314, %parallel_loop3A_315, %parallel_loop3A_316], %parallel_loop3A_312 {strides = array<i32>} : memref<2x176x128xf32, #tpu.memory_space<vmem>>, vector<16xf32>,
              %parallel_loop3A_318 = arith.constant 16 : i32
              %parallel_loop3A_319 = vector.broadcast %parallel_loop3A_318 : i32 to vector<16xi32>
              %parallel_loop3A_320 = arith.addi %iota3A, %parallel_loop3A_319 : vector<16xi32>
              %parallel_loop3A_321 = tpu.vector_load_idx %arg6[%parallel_loop3A_294, %parallel_loop3A_320] : memref<64x256xf32, #tpu.memory_space<vmem>>[vector<16xi32>, vector<16xi32>], vector<16xf32>,
              %parallel_loop3A_322 = arith.constant 128 : i32
              %parallel_loop3A_323 = vector.broadcast %parallel_loop3A_322 : i32 to vector<16xi32>
              %parallel_loop3A_324 = arith.addi %iota3A, %parallel_loop3A_323 : vector<16xi32>
              %parallel_loop3A_325 = arith.constant 16 : i32
              %parallel_loop3A_326 = vector.broadcast %parallel_loop3A_325 : i32 to vector<16xi32>
              %parallel_loop3A_327 = arith.addi %parallel_loop3A_324, %parallel_loop3A_326 : vector<16xi32>
              %parallel_loop3A_328 = tpu.vector_load_idx %arg6[%parallel_loop3A_294, %parallel_loop3A_327] : memref<64x256xf32, #tpu.memory_space<vmem>>[vector<16xi32>, vector<16xi32>], vector<16xf32>,
              %parallel_loop3A_329 = arith.constant 1 : i32
              %parallel_loop3A_330 = arith.index_cast %parallel_loop3A_329 : i32 to index
              %parallel_loop3A_331 = arith.index_cast %parallel_loop3A_291 : i32 to index
              %parallel_loop3A_332 = arith.constant 16 : index
              %parallel_loop3A_333 = tpu.vector_load %arg7[%parallel_loop3A_330, %parallel_loop3A_331, %parallel_loop3A_332] {strides = array<i32>} : memref<2x176x128xf32, #tpu.memory_space<vmem>>, vector<16xf32>,
              %parallel_loop3A_334 = arith.mulf %parallel_loop3A_333, %parallel_loop3A_321 : vector<16xf32>
              %parallel_loop3A_335 = arith.addf %parallel_loop3A_334, %parallel_loop3A_328 : vector<16xf32>
              %parallel_loop3A_336 = arith.constant 1 : i32
              %parallel_loop3A_337 = arith.index_cast %parallel_loop3A_336 : i32 to index
              %parallel_loop3A_338 = arith.index_cast %parallel_loop3A_291 : i32 to index
              %parallel_loop3A_339 = arith.constant 16 : index
              %parallel_loop3A_340 = tpu.vector_load %arg8[%parallel_loop3A_337, %parallel_loop3A_338, %parallel_loop3A_339] {strides = array<i32>} : memref<2x176x128xf32, #tpu.memory_space<vmem>>, vector<16xf32>,
              tpu.vector_store %arg8[%parallel_loop3A_337, %parallel_loop3A_338, %parallel_loop3A_339], %parallel_loop3A_335 {strides = array<i32>} : memref<2x176x128xf32, #tpu.memory_space<vmem>>, vector<16xf32>,
              %parallel_loop3A_341 = arith.constant 32 : i32
              %parallel_loop3A_342 = vector.broadcast %parallel_loop3A_341 : i32 to vector<16xi32>
              %parallel_loop3A_343 = arith.addi %iota3A, %parallel_loop3A_342 : vector<16xi32>
              %parallel_loop3A_344 = tpu.vector_load_idx %arg6[%parallel_loop3A_294, %parallel_loop3A_343] : memref<64x256xf32, #tpu.memory_space<vmem>>[vector<16xi32>, vector<16xi32>], vector<16xf32>,
              %parallel_loop3A_345 = arith.constant 128 : i32
              %parallel_loop3A_346 = vector.broadcast %parallel_loop3A_345 : i32 to vector<16xi32>
              %parallel_loop3A_347 = arith.addi %iota3A, %parallel_loop3A_346 : vector<16xi32>
              %parallel_loop3A_348 = arith.constant 32 : i32
              %parallel_loop3A_349 = vector.broadcast %parallel_loop3A_348 : i32 to vector<16xi32>
              %parallel_loop3A_350 = arith.addi %parallel_loop3A_347, %parallel_loop3A_349 : vector<16xi32>
              %parallel_loop3A_351 = tpu.vector_load_idx %arg6[%parallel_loop3A_294, %parallel_loop3A_350] : memref<64x256xf32, #tpu.memory_space<vmem>>[vector<16xi32>, vector<16xi32>], vector<16xf32>,
              %parallel_loop3A_352 = arith.constant 1 : i32
              %parallel_loop3A_353 = arith.index_cast %parallel_loop3A_352 : i32 to index
              %parallel_loop3A_354 = arith.index_cast %parallel_loop3A_291 : i32 to index
              %parallel_loop3A_355 = arith.constant 32 : index
              %parallel_loop3A_356 = tpu.vector_load %arg7[%parallel_loop3A_353, %parallel_loop3A_354, %parallel_loop3A_355] {strides = array<i32>} : memref<2x176x128xf32, #tpu.memory_space<vmem>>, vector<16xf32>,
              %parallel_loop3A_357 = arith.mulf %parallel_loop3A_356, %parallel_loop3A_344 : vector<16xf32>
              %parallel_loop3A_358 = arith.addf %parallel_loop3A_357, %parallel_loop3A_351 : vector<16xf32>
              %parallel_loop3A_359 = arith.constant 1 : i32
              %parallel_loop3A_360 = arith.index_cast %parallel_loop3A_359 : i32 to index
              %parallel_loop3A_361 = arith.index_cast %parallel_loop3A_291 : i32 to index
              %parallel_loop3A_362 = arith.constant 32 : index
              %parallel_loop3A_363 = tpu.vector_load %arg8[%parallel_loop3A_360, %parallel_loop3A_361, %parallel_loop3A_362] {strides = array<i32>} : memref<2x176x128xf32, #tpu.memory_space<vmem>>, vector<16xf32>,
              tpu.vector_store %arg8[%parallel_loop3A_360, %parallel_loop3A_361, %parallel_loop3A_362], %parallel_loop3A_358 {strides = array<i32>} : memref<2x176x128xf32, #tpu.memory_space<vmem>>, vector<16xf32>,
              %parallel_loop3A_364 = arith.constant 48 : i32
              %parallel_loop3A_365 = vector.broadcast %parallel_loop3A_364 : i32 to vector<16xi32>
              %parallel_loop3A_366 = arith.addi %iota3A, %parallel_loop3A_365 : vector<16xi32>
              %parallel_loop3A_367 = tpu.vector_load_idx %arg6[%parallel_loop3A_294, %parallel_loop3A_366] : memref<64x256xf32, #tpu.memory_space<vmem>>[vector<16xi32>, vector<16xi32>], vector<16xf32>,
              %parallel_loop3A_368 = arith.constant 128 : i32
              %parallel_loop3A_369 = vector.broadcast %parallel_loop3A_368 : i32 to vector<16xi32>
              %parallel_loop3A_370 = arith.addi %iota3A, %parallel_loop3A_369 : vector<16xi32>
              %parallel_loop3A_371 = arith.constant 48 : i32
              %parallel_loop3A_372 = vector.broadcast %parallel_loop3A_371 : i32 to vector<16xi32>
              %parallel_loop3A_373 = arith.addi %parallel_loop3A_370, %parallel_loop3A_372 : vector<16xi32>
              %parallel_loop3A_374 = tpu.vector_load_idx %arg6[%parallel_loop3A_294, %parallel_loop3A_373] : memref<64x256xf32, #tpu.memory_space<vmem>>[vector<16xi32>, vector<16xi32>], vector<16xf32>,
              %parallel_loop3A_375 = arith.constant 1 : i32
              %parallel_loop3A_376 = arith.index_cast %parallel_loop3A_375 : i32 to index
              %parallel_loop3A_377 = arith.index_cast %parallel_loop3A_291 : i32 to index
              %parallel_loop3A_378 = arith.constant 48 : index
              %parallel_loop3A_379 = tpu.vector_load %arg7[%parallel_loop3A_376, %parallel_loop3A_377, %parallel_loop3A_378] {strides = array<i32>} : memref<2x176x128xf32, #tpu.memory_space<vmem>>, vector<16xf32>,
              %parallel_loop3A_380 = arith.mulf %parallel_loop3A_379, %parallel_loop3A_367 : vector<16xf32>
              %parallel_loop3A_381 = arith.addf %parallel_loop3A_380, %parallel_loop3A_374 : vector<16xf32>
              %parallel_loop3A_382 = arith.constant 1 : i32
              %parallel_loop3A_383 = arith.index_cast %parallel_loop3A_382 : i32 to index
              %parallel_loop3A_384 = arith.index_cast %parallel_loop3A_291 : i32 to index
              %parallel_loop3A_385 = arith.constant 48 : index
              %parallel_loop3A_386 = tpu.vector_load %arg8[%parallel_loop3A_383, %parallel_loop3A_384, %parallel_loop3A_385] {strides = array<i32>} : memref<2x176x128xf32, #tpu.memory_space<vmem>>, vector<16xf32>,
              tpu.vector_store %arg8[%parallel_loop3A_383, %parallel_loop3A_384, %parallel_loop3A_385], %parallel_loop3A_381 {strides = array<i32>} : memref<2x176x128xf32, #tpu.memory_space<vmem>>, vector<16xf32>,
              %parallel_loop3A_387 = arith.constant 64 : i32
              %parallel_loop3A_388 = vector.broadcast %parallel_loop3A_387 : i32 to vector<16xi32>
              %parallel_loop3A_389 = arith.addi %iota3A, %parallel_loop3A_388 : vector<16xi32>
              %parallel_loop3A_390 = tpu.vector_load_idx %arg6[%parallel_loop3A_294, %parallel_loop3A_389] : memref<64x256xf32, #tpu.memory_space<vmem>>[vector<16xi32>, vector<16xi32>], vector<16xf32>,
              %parallel_loop3A_391 = arith.constant 128 : i32
              %parallel_loop3A_392 = vector.broadcast %parallel_loop3A_391 : i32 to vector<16xi32>
              %parallel_loop3A_393 = arith.addi %iota3A, %parallel_loop3A_392 : vector<16xi32>
              %parallel_loop3A_394 = arith.constant 64 : i32
              %parallel_loop3A_395 = vector.broadcast %parallel_loop3A_394 : i32 to vector<16xi32>
              %parallel_loop3A_396 = arith.addi %parallel_loop3A_393, %parallel_loop3A_395 : vector<16xi32>
              %parallel_loop3A_397 = tpu.vector_load_idx %arg6[%parallel_loop3A_294, %parallel_loop3A_396] : memref<64x256xf32, #tpu.memory_space<vmem>>[vector<16xi32>, vector<16xi32>], vector<16xf32>,
              %parallel_loop3A_398 = arith.constant 1 : i32
              %parallel_loop3A_399 = arith.index_cast %parallel_loop3A_398 : i32 to index
              %parallel_loop3A_400 = arith.index_cast %parallel_loop3A_291 : i32 to index
              %parallel_loop3A_401 = arith.constant 64 : index
              %parallel_loop3A_402 = tpu.vector_load %arg7[%parallel_loop3A_399, %parallel_loop3A_400, %parallel_loop3A_401] {strides = array<i32>} : memref<2x176x128xf32, #tpu.memory_space<vmem>>, vector<16xf32>,
              %parallel_loop3A_403 = arith.mulf %parallel_loop3A_402, %parallel_loop3A_390 : vector<16xf32>
              %parallel_loop3A_404 = arith.addf %parallel_loop3A_403, %parallel_loop3A_397 : vector<16xf32>
              %parallel_loop3A_405 = arith.constant 1 : i32
              %parallel_loop3A_406 = arith.index_cast %parallel_loop3A_405 : i32 to index
              %parallel_loop3A_407 = arith.index_cast %parallel_loop3A_291 : i32 to index
              %parallel_loop3A_408 = arith.constant 64 : index
              %parallel_loop3A_409 = tpu.vector_load %arg8[%parallel_loop3A_406, %parallel_loop3A_407, %parallel_loop3A_408] {strides = array<i32>} : memref<2x176x128xf32, #tpu.memory_space<vmem>>, vector<16xf32>,
              tpu.vector_store %arg8[%parallel_loop3A_406, %parallel_loop3A_407, %parallel_loop3A_408], %parallel_loop3A_404 {strides = array<i32>} : memref<2x176x128xf32, #tpu.memory_space<vmem>>, vector<16xf32>,
              %parallel_loop3A_410 = arith.constant 80 : i32
              %parallel_loop3A_411 = vector.broadcast %parallel_loop3A_410 : i32 to vector<16xi32>
              %parallel_loop3A_412 = arith.addi %iota3A, %parallel_loop3A_411 : vector<16xi32>
              %parallel_loop3A_413 = tpu.vector_load_idx %arg6[%parallel_loop3A_294, %parallel_loop3A_412] : memref<64x256xf32, #tpu.memory_space<vmem>>[vector<16xi32>, vector<16xi32>], vector<16xf32>,
              %parallel_loop3A_414 = arith.constant 128 : i32
              %parallel_loop3A_415 = vector.broadcast %parallel_loop3A_414 : i32 to vector<16xi32>
              %parallel_loop3A_416 = arith.addi %iota3A, %parallel_loop3A_415 : vector<16xi32>
              %parallel_loop3A_417 = arith.constant 80 : i32
              %parallel_loop3A_418 = vector.broadcast %parallel_loop3A_417 : i32 to vector<16xi32>
              %parallel_loop3A_419 = arith.addi %parallel_loop3A_416, %parallel_loop3A_418 : vector<16xi32>
              %parallel_loop3A_420 = tpu.vector_load_idx %arg6[%parallel_loop3A_294, %parallel_loop3A_419] : memref<64x256xf32, #tpu.memory_space<vmem>>[vector<16xi32>, vector<16xi32>], vector<16xf32>,
              %parallel_loop3A_421 = arith.constant 1 : i32
              %parallel_loop3A_422 = arith.index_cast %parallel_loop3A_421 : i32 to index
              %parallel_loop3A_423 = arith.index_cast %parallel_loop3A_291 : i32 to index
              %parallel_loop3A_424 = arith.constant 80 : index
              %parallel_loop3A_425 = tpu.vector_load %arg7[%parallel_loop3A_422, %parallel_loop3A_423, %parallel_loop3A_424] {strides = array<i32>} : memref<2x176x128xf32, #tpu.memory_space<vmem>>, vector<16xf32>,
              %parallel_loop3A_426 = arith.mulf %parallel_loop3A_425, %parallel_loop3A_413 : vector<16xf32>
              %parallel_loop3A_427 = arith.addf %parallel_loop3A_426, %parallel_loop3A_420 : vector<16xf32>
              %parallel_loop3A_428 = arith.constant 1 : i32
              %parallel_loop3A_429 = arith.index_cast %parallel_loop3A_428 : i32 to index
              %parallel_loop3A_430 = arith.index_cast %parallel_loop3A_291 : i32 to index
              %parallel_loop3A_431 = arith.constant 80 : index
              %parallel_loop3A_432 = tpu.vector_load %arg8[%parallel_loop3A_429, %parallel_loop3A_430, %parallel_loop3A_431] {strides = array<i32>} : memref<2x176x128xf32, #tpu.memory_space<vmem>>, vector<16xf32>,
              tpu.vector_store %arg8[%parallel_loop3A_429, %parallel_loop3A_430, %parallel_loop3A_431], %parallel_loop3A_427 {strides = array<i32>} : memref<2x176x128xf32, #tpu.memory_space<vmem>>, vector<16xf32>,
              %parallel_loop3A_433 = arith.constant 96 : i32
              %parallel_loop3A_434 = vector.broadcast %parallel_loop3A_433 : i32 to vector<16xi32>
              %parallel_loop3A_435 = arith.addi %iota3A, %parallel_loop3A_434 : vector<16xi32>
              %parallel_loop3A_436 = tpu.vector_load_idx %arg6[%parallel_loop3A_294, %parallel_loop3A_435] : memref<64x256xf32, #tpu.memory_space<vmem>>[vector<16xi32>, vector<16xi32>], vector<16xf32>,
              %parallel_loop3A_437 = arith.constant 128 : i32
              %parallel_loop3A_438 = vector.broadcast %parallel_loop3A_437 : i32 to vector<16xi32>
              %parallel_loop3A_439 = arith.addi %iota3A, %parallel_loop3A_438 : vector<16xi32>
              %parallel_loop3A_440 = arith.constant 96 : i32
              %parallel_loop3A_441 = vector.broadcast %parallel_loop3A_440 : i32 to vector<16xi32>
              %parallel_loop3A_442 = arith.addi %parallel_loop3A_439, %parallel_loop3A_441 : vector<16xi32>
              %parallel_loop3A_443 = tpu.vector_load_idx %arg6[%parallel_loop3A_294, %parallel_loop3A_442] : memref<64x256xf32, #tpu.memory_space<vmem>>[vector<16xi32>, vector<16xi32>], vector<16xf32>,
              %parallel_loop3A_444 = arith.constant 1 : i32
              %parallel_loop3A_445 = arith.index_cast %parallel_loop3A_444 : i32 to index
              %parallel_loop3A_446 = arith.index_cast %parallel_loop3A_291 : i32 to index
              %parallel_loop3A_447 = arith.constant 96 : index
              %parallel_loop3A_448 = tpu.vector_load %arg7[%parallel_loop3A_445, %parallel_loop3A_446, %parallel_loop3A_447] {strides = array<i32>} : memref<2x176x128xf32, #tpu.memory_space<vmem>>, vector<16xf32>,
              %parallel_loop3A_449 = arith.mulf %parallel_loop3A_448, %parallel_loop3A_436 : vector<16xf32>
              %parallel_loop3A_450 = arith.addf %parallel_loop3A_449, %parallel_loop3A_443 : vector<16xf32>
              %parallel_loop3A_451 = arith.constant 1 : i32
              %parallel_loop3A_452 = arith.index_cast %parallel_loop3A_451 : i32 to index
              %parallel_loop3A_453 = arith.index_cast %parallel_loop3A_291 : i32 to index
              %parallel_loop3A_454 = arith.constant 96 : index
              %parallel_loop3A_455 = tpu.vector_load %arg8[%parallel_loop3A_452, %parallel_loop3A_453, %parallel_loop3A_454] {strides = array<i32>} : memref<2x176x128xf32, #tpu.memory_space<vmem>>, vector<16xf32>,
              tpu.vector_store %arg8[%parallel_loop3A_452, %parallel_loop3A_453, %parallel_loop3A_454], %parallel_loop3A_450 {strides = array<i32>} : memref<2x176x128xf32, #tpu.memory_space<vmem>>, vector<16xf32>,
              %parallel_loop3A_456 = arith.constant 112 : i32
              %parallel_loop3A_457 = vector.broadcast %parallel_loop3A_456 : i32 to vector<16xi32>
              %parallel_loop3A_458 = arith.addi %iota3A, %parallel_loop3A_457 : vector<16xi32>
              %parallel_loop3A_459 = tpu.vector_load_idx %arg6[%parallel_loop3A_294, %parallel_loop3A_458] : memref<64x256xf32, #tpu.memory_space<vmem>>[vector<16xi32>, vector<16xi32>], vector<16xf32>,
              %parallel_loop3A_460 = arith.constant 128 : i32
              %parallel_loop3A_461 = vector.broadcast %parallel_loop3A_460 : i32 to vector<16xi32>
              %parallel_loop3A_462 = arith.addi %iota3A, %parallel_loop3A_461 : vector<16xi32>
              %parallel_loop3A_463 = arith.constant 112 : i32
              %parallel_loop3A_464 = vector.broadcast %parallel_loop3A_463 : i32 to vector<16xi32>
              %parallel_loop3A_465 = arith.addi %parallel_loop3A_462, %parallel_loop3A_464 : vector<16xi32>
              %parallel_loop3A_466 = tpu.vector_load_idx %arg6[%parallel_loop3A_294, %parallel_loop3A_465] : memref<64x256xf32, #tpu.memory_space<vmem>>[vector<16xi32>, vector<16xi32>], vector<16xf32>,
              %parallel_loop3A_467 = arith.constant 1 : i32
              %parallel_loop3A_468 = arith.index_cast %parallel_loop3A_467 : i32 to index
              %parallel_loop3A_469 = arith.index_cast %parallel_loop3A_291 : i32 to index
              %parallel_loop3A_470 = arith.constant 112 : index
              %parallel_loop3A_471 = tpu.vector_load %arg7[%parallel_loop3A_468, %parallel_loop3A_469, %parallel_loop3A_470] {strides = array<i32>} : memref<2x176x128xf32, #tpu.memory_space<vmem>>, vector<16xf32>,
              %parallel_loop3A_472 = arith.mulf %parallel_loop3A_471, %parallel_loop3A_459 : vector<16xf32>
              %parallel_loop3A_473 = arith.addf %parallel_loop3A_472, %parallel_loop3A_466 : vector<16xf32>
              %parallel_loop3A_474 = arith.constant 1 : i32
              %parallel_loop3A_475 = arith.index_cast %parallel_loop3A_474 : i32 to index
              %parallel_loop3A_476 = arith.index_cast %parallel_loop3A_291 : i32 to index
              %parallel_loop3A_477 = arith.constant 112 : index
              %parallel_loop3A_478 = tpu.vector_load %arg8[%parallel_loop3A_475, %parallel_loop3A_476, %parallel_loop3A_477] {strides = array<i32>} : memref<2x176x128xf32, #tpu.memory_space<vmem>>, vector<16xf32>,
              tpu.vector_store %arg8[%parallel_loop3A_475, %parallel_loop3A_476, %parallel_loop3A_477], %parallel_loop3A_473 {strides = array<i32>} : memref<2x176x128xf32, #tpu.memory_space<vmem>>, vector<16xf32>,
            } {sc.loop_unroll_factor = 2 : i64, sc.parallel_access}
          } else {
          }
          %scan3A_285 = arith.constant 0 : i32
          scf.yield %scan3A_285 : i32
        }
        %scan3A_251 = arith.constant 11 : i32
      } else {
      }
      %mul3A_219 = arith.constant 176 : i32
      %mul3A_220 = arith.muli %add3A_161, %mul3A_219 : i32
      %add3A_221 = arith.addi %mul3A_2, %mul3A_220 : i32
      %min3A_222 = arith.constant 59824 : i32
      %min3A_223 = arith.minsi %add3A_221, %min3A_222 : i32
      %dma_start3A_224 = arith.constant 1 : i32
      %dma_start3A_225 = arith.constant 0 : i32
      %dma_start3A_226 = arith.constant 0 : i32
      %dma_start3A_227 = tpu.memref_slice %arg8[%dma_start3A_224, %dma_start3A_225, %dma_start3A_226] : memref<2x176x128xf32, #tpu.memory_space<vmem>> -> memref<1x176x128xf32, #tpu.memory_space<vmem>>
      %dma_start3A_228 = tpu.memref_squeeze %dma_start3A_227 : memref<1x176x128xf32, #tpu.memory_space<vmem>> -> memref<176x128xf32, #tpu.memory_space<vmem>>
      %dma_start3A_229 = arith.constant 0 : i32
      %dma_start3A_230 = tpu.memref_slice %arg5[%min3A_223, %dma_start3A_229] : memref<100000x128xf32, #tpu.memory_space<hbm>> -> memref<176x128xf32, #tpu.memory_space<hbm>>
      %dma_start3A_231 = arith.constant 0 : i32
      %dma_start3A_232 = tpu.memref_slice %arg5[%min3A_223, %dma_start3A_231] : memref<100000x128xf32, #tpu.memory_space<hbm>> -> memref<176x128xf32, #tpu.memory_space<hbm>>
      %dma_start3A_233 = arith.constant 0 : i32
      %dma_start3A_234 = arith.constant 0 : i32
      %dma_start3A_235 = tpu.memref_slice %arg8[%dma_start3A_224, %dma_start3A_233, %dma_start3A_234] : memref<2x176x128xf32, #tpu.memory_space<vmem>> -> memref<1x176x128xf32, #tpu.memory_space<vmem>>
      %dma_start3A_236 = tpu.memref_squeeze %dma_start3A_235 : memref<1x176x128xf32, #tpu.memory_space<vmem>> -> memref<176x128xf32, #tpu.memory_space<vmem>>
      tpu.enqueue_dma source(%dma_start3A_236 : memref<176x128xf32, #tpu.memory_space<vmem>>) target(%dma_start3A_232 : memref<176x128xf32, #tpu.memory_space<hbm>>) target_semaphore(%arg13 : memref<!tpu.dma_semaphore, #tpu.memory_space<semaphore_mem>>)
      %add3A_237 = arith.constant 2 : i32
      %add3A_238 = arith.addi %add3A_161, %add3A_237 : i32
      %lt3A_239 = arith.constant 12 : i32
      %lt3A_240 = arith.cmpi slt, %add3A_238, %lt3A_239 : i32
      %convert_element_type3A_241 = arith.extui %lt3A_240 : i1 to i32
      %cond3A_242 = arith.constant 0 : i32
      %cond3A_243 = arith.cmpi ne, %convert_element_type3A_241, %cond3A_242 : i32
      scf.if %cond3A_243 {
        %add3A_245 = arith.constant 2 : i32
        %add3A_246 = arith.addi %add3A_161, %add3A_245 : i32
        %mul3A_247 = arith.constant 176 : i32
        %mul3A_248 = arith.muli %add3A_246, %mul3A_247 : i32
        %add3A_249 = arith.addi %mul3A_2, %mul3A_248 : i32
        %min3A_250 = arith.constant 59824 : i32
        %min3A_251 = arith.minsi %add3A_249, %min3A_250 : i32
        %dma_start3A_252 = arith.constant 1 : i32
        %dma_start3A_253 = arith.constant 0 : i32
        %dma_start3A_254 = arith.constant 0 : i32
        %dma_start3A_255 = tpu.memref_slice %arg7[%dma_start3A_252, %dma_start3A_253, %dma_start3A_254] : memref<2x176x128xf32, #tpu.memory_space<vmem>> -> memref<1x176x128xf32, #tpu.memory_space<vmem>>
        %dma_start3A_256 = tpu.memref_squeeze %dma_start3A_255 : memref<1x176x128xf32, #tpu.memory_space<vmem>> -> memref<176x128xf32, #tpu.memory_space<vmem>>
        %dma_start3A_257 = arith.constant 0 : i32
        %dma_start3A_258 = tpu.memref_slice %arg2[%min3A_251, %dma_start3A_257] : memref<100000x128xf32, #tpu.memory_space<hbm>> -> memref<176x128xf32, #tpu.memory_space<hbm>>
        %dma_start3A_259 = arith.constant 0 : i32
        %dma_start3A_260 = arith.constant 0 : i32
        %dma_start3A_261 = tpu.memref_slice %arg7[%dma_start3A_252, %dma_start3A_259, %dma_start3A_260] : memref<2x176x128xf32, #tpu.memory_space<vmem>> -> memref<1x176x128xf32, #tpu.memory_space<vmem>>
        %dma_start3A_262 = tpu.memref_squeeze %dma_start3A_261 : memref<1x176x128xf32, #tpu.memory_space<vmem>> -> memref<176x128xf32, #tpu.memory_space<vmem>>
        %dma_start3A_263 = arith.constant 0 : i32
        %dma_start3A_264 = tpu.memref_slice %arg2[%min3A_251, %dma_start3A_263] : memref<100000x128xf32, #tpu.memory_space<hbm>> -> memref<176x128xf32, #tpu.memory_space<hbm>>
        tpu.enqueue_dma source(%dma_start3A_264 : memref<176x128xf32, #tpu.memory_space<hbm>>) target(%dma_start3A_262 : memref<176x128xf32, #tpu.memory_space<vmem>>) target_semaphore(%arg11 : memref<!tpu.dma_semaphore, #tpu.memory_space<semaphore_mem>>)
      } else {
      }
      %scan3A_244 = arith.constant 0 : i32
      scf.yield %scan3A_244 : i32
    }
    %scan3A_45 = arith.constant 6 : i32
    %add3A_46 = arith.constant 1760 : i32
    %add3A_47 = arith.addi %mul3A_2, %add3A_46 : i32
    %min3A_48 = arith.constant 59824 : i32
    %min3A_49 = arith.minsi %add3A_47, %min3A_48 : i32
    %dma_wait3A_50 = arith.constant 0 : i32
    %dma_wait3A_51 = arith.constant 0 : i32
    %dma_wait3A_52 = arith.constant 0 : i32
    %dma_wait3A_53 = tpu.memref_slice %arg8[%dma_wait3A_50, %dma_wait3A_51, %dma_wait3A_52] : memref<2x176x128xf32, #tpu.memory_space<vmem>> -> memref<1x176x128xf32, #tpu.memory_space<vmem>>
    %dma_wait3A_54 = tpu.memref_squeeze %dma_wait3A_53 : memref<1x176x128xf32, #tpu.memory_space<vmem>> -> memref<176x128xf32, #tpu.memory_space<vmem>>
    %dma_wait3A_55 = arith.constant 0 : i32
    %dma_wait3A_56 = tpu.memref_slice %arg5[%min3A_49, %dma_wait3A_55] : memref<100000x128xf32, #tpu.memory_space<hbm>> -> memref<176x128xf32, #tpu.memory_space<hbm>>
    %dma_wait3A_57 = arith.constant 0 : i32
    %dma_wait3A_58 = tpu.memref_slice %arg5[%min3A_49, %dma_wait3A_57] : memref<100000x128xf32, #tpu.memory_space<hbm>> -> memref<176x128xf32, #tpu.memory_space<hbm>>
    %dma_wait3A_59 = arith.constant 0 : i32
    %dma_wait3A_60 = arith.constant 0 : i32
    %dma_wait3A_61 = tpu.memref_slice %arg8[%dma_wait3A_50, %dma_wait3A_59, %dma_wait3A_60] : memref<2x176x128xf32, #tpu.memory_space<vmem>> -> memref<1x176x128xf32, #tpu.memory_space<vmem>>
    %dma_wait3A_62 = tpu.memref_squeeze %dma_wait3A_61 : memref<1x176x128xf32, #tpu.memory_space<vmem>> -> memref<176x128xf32, #tpu.memory_space<vmem>>
    tpu.wait_dma2 semaphore(%arg12 : memref<!tpu.dma_semaphore, #tpu.memory_space<semaphore_mem>>) src(%dma_wait3A_62 : memref<176x128xf32, #tpu.memory_space<vmem>>) dst(%dma_wait3A_58 : memref<176x128xf32, #tpu.memory_space<hbm>>)
    %add3A_63 = arith.constant 1936 : i32
    %add3A_64 = arith.addi %mul3A_2, %add3A_63 : i32
    %min3A_65 = arith.constant 59824 : i32
    %min3A_66 = arith.minsi %add3A_64, %min3A_65 : i32
    %dma_wait3A_67 = arith.constant 1 : i32
    %dma_wait3A_68 = arith.constant 0 : i32
    %dma_wait3A_69 = arith.constant 0 : i32
    %dma_wait3A_70 = tpu.memref_slice %arg8[%dma_wait3A_67, %dma_wait3A_68, %dma_wait3A_69] : memref<2x176x128xf32, #tpu.memory_space<vmem>> -> memref<1x176x128xf32, #tpu.memory_space<vmem>>
    %dma_wait3A_71 = tpu.memref_squeeze %dma_wait3A_70 : memref<1x176x128xf32, #tpu.memory_space<vmem>> -> memref<176x128xf32, #tpu.memory_space<vmem>>
    %dma_wait3A_72 = arith.constant 0 : i32
    %dma_wait3A_73 = tpu.memref_slice %arg5[%min3A_66, %dma_wait3A_72] : memref<100000x128xf32, #tpu.memory_space<hbm>> -> memref<176x128xf32, #tpu.memory_space<hbm>>
    %dma_wait3A_74 = arith.constant 0 : i32
    %dma_wait3A_75 = tpu.memref_slice %arg5[%min3A_66, %dma_wait3A_74] : memref<100000x128xf32, #tpu.memory_space<hbm>> -> memref<176x128xf32, #tpu.memory_space<hbm>>
    %dma_wait3A_76 = arith.constant 0 : i32
    %dma_wait3A_77 = arith.constant 0 : i32
    %dma_wait3A_78 = tpu.memref_slice %arg8[%dma_wait3A_67, %dma_wait3A_76, %dma_wait3A_77] : memref<2x176x128xf32, #tpu.memory_space<vmem>> -> memref<1x176x128xf32, #tpu.memory_space<vmem>>
    %dma_wait3A_79 = tpu.memref_squeeze %dma_wait3A_78 : memref<1x176x128xf32, #tpu.memory_space<vmem>> -> memref<176x128xf32, #tpu.memory_space<vmem>>
    tpu.wait_dma2 semaphore(%arg13 : memref<!tpu.dma_semaphore, #tpu.memory_space<semaphore_mem>>) src(%dma_wait3A_79 : memref<176x128xf32, #tpu.memory_space<vmem>>) dst(%dma_wait3A_75 : memref<176x128xf32, #tpu.memory_space<hbm>>)
    return
  }
}

module attributes {stable_mosaic.version = 14 : i64} {
  func.func @_film_table_tc(%arg0: memref<64x128xf32, #tpu.memory_space<vmem>>, %arg1: memref<256x128xf32, #tpu.memory_space<vmem>>, %arg2: memref<1x256xf32, #tpu.memory_space<vmem>>, %arg3: memref<64x256xf32, #tpu.memory_space<vmem>>) attributes {dimension_semantics = [], scalar_prefetch = 0 : i64, scratch_operands = 0 : i64, tpu.core_type = #tpu.core_type<tc>} {
    %get3A = arith.constant 0 : index
    %get3A_0 = arith.constant 0 : index
    %get3A_1 = vector.load %arg0[%get3A, %get3A_0] : memref<64x128xf32, #tpu.memory_space<vmem>>, vector<64x128xf32>
    %get3A_2 = arith.constant 0 : index
    %get3A_3 = arith.constant 0 : index
    %get3A_4 = vector.load %arg1[%get3A_2, %get3A_3] : memref<256x128xf32, #tpu.memory_space<vmem>>, vector<256x128xf32>
    %dot_general3A = arith.constant dense<0.000000e+00> : vector<64x256xf32>
    %dot_general3A_5 = tpu.matmul %get3A_1, %get3A_4, %dot_general3A {dimension_numbers = #tpu.dot_dimension_numbers<[1], [1], [0], [0], [0, 0, 1, 0], [], []>, transpose_lhs_hint = false} : vector<64x128xf32>, vector<256x128xf32>, vector<64x256xf32> -> vector<64x256xf32>
    %get3A_6 = arith.constant 0 : index
    %get3A_7 = arith.constant 0 : index
    %get3A_8 = vector.load %arg2[%get3A_6, %get3A_7] : memref<1x256xf32, #tpu.memory_space<vmem>>, vector<1x256xf32>
    %add3A = vector.broadcast %get3A_8 : vector<1x256xf32> to vector<64x256xf32>
    %add3A_9 = arith.addf %dot_general3A_5, %add3A : vector<64x256xf32>
    %iota3A = tpu.iota {dimensions = array<i32: 1>} : vector<64x256xi32>
    %lt3A = arith.constant 128 : i32
    %lt3A_10 = vector.broadcast %lt3A : i32 to vector<64x256xi32>
    %lt3A_11 = arith.cmpi slt, %iota3A, %lt3A_10 : vector<64x256xi32>
    %jit3A = arith.constant 1.000000e+00 : f32
    %jit3A_12 = arith.constant 0.000000e+00 : f32
    %broadcast_in_dim3A = vector.broadcast %jit3A : f32 to vector<64x256xf32>
    %broadcast_in_dim3A_13 = vector.broadcast %jit3A_12 : f32 to vector<64x256xf32>
    %select_n3A = arith.select %lt3A_11, %broadcast_in_dim3A, %broadcast_in_dim3A_13 : vector<64x256xi1>, vector<64x256xf32>
    %add3A_14 = arith.addf %add3A_9, %select_n3A : vector<64x256xf32>
    %swap3A = arith.constant 0 : index
    %swap3A_15 = arith.constant 0 : index
    %swap3A_16 = vector.load %arg3[%swap3A, %swap3A_15] : memref<64x256xf32, #tpu.memory_space<vmem>>, vector<64x256xf32>
    tpu.vector_store %arg3[%swap3A, %swap3A_15], %add3A_14 {strides = array<i32>} : memref<64x256xf32, #tpu.memory_space<vmem>>, vector<64x256xf32>,
    return
  }
}

module attributes {stable_mosaic.version = 14 : i64} {
  func.func @_tc_affine(%arg0: i32, %arg1: memref<1000x1xi32, #tpu.memory_space<vmem>>, %arg2: memref<1000x128xf32, #tpu.memory_space<vmem>>, %arg3: memref<64x256xf32, #tpu.memory_space<vmem>>, %arg4: memref<100000x128xf32, #tpu.memory_space<any>>, %arg5: memref<1000x128xf32, #tpu.memory_space<vmem>>) attributes {dimension_semantics = [#tpu.dimension_semantics<arbitrary>], iteration_bounds = array<i64: 40>, scalar_prefetch = 0 : i64, scratch_operands = 0 : i64, tpu.core_type = #tpu.core_type<tc>, window_params = [{transform_indices = @transform_0, window_bounds = array<i64: 1000, 1>}, {transform_indices = @transform_1, window_bounds = array<i64: 1000, 128>}, {pipeline_mode = #tpu.pipeline_mode<synchronous>, transform_indices = @transform_2, window_bounds = array<i64: 64, 256>}, {}, {transform_indices = @transform_4, window_bounds = array<i64: 1000, 128>}]} {
    %iota3A = tpu.iota {dimensions = array<i32: 1>} : vector<1000x64xi32>
    %get3A = arith.constant 0 : index
    %get3A_0 = arith.constant 0 : index
    %get3A_1 = vector.load %arg1[%get3A, %get3A_0] : memref<1000x1xi32, #tpu.memory_space<vmem>>, vector<1000x1xi32>
    %eq3A = vector.broadcast %get3A_1 : vector<1000x1xi32> to vector<1000x64xi32>
    %eq3A_2 = arith.cmpi eq, %eq3A, %iota3A : vector<1000x64xi32>
    %convert_element_type3A = arith.extui %eq3A_2 : vector<1000x64xi1> to vector<1000x64xi32>
    %convert_element_type3A_3 = arith.sitofp %convert_element_type3A : vector<1000x64xi32> to vector<1000x64xf32>
    %get3A_4 = arith.constant 0 : index
    %get3A_5 = arith.constant 0 : index
    %get3A_6 = vector.load %arg3[%get3A_4, %get3A_5] : memref<64x256xf32, #tpu.memory_space<vmem>>, vector<64x256xf32>
    %dot_general3A = arith.constant dense<0.000000e+00> : vector<1000x256xf32>
    %dot_general3A_7 = tpu.matmul %convert_element_type3A_3, %get3A_6, %dot_general3A {dimension_numbers = #tpu.dot_dimension_numbers<[1], [0], [0], [1], [0, 0, 1, 1], [], []>, precision = #tpu.contract_precision<fp32>, transpose_lhs_hint = false} : vector<1000x64xf32>, vector<64x256xf32>, vector<1000x256xf32> -> vector<1000x256xf32>
    %get3A_8 = arith.constant 0 : index
    %get3A_9 = arith.constant 0 : index
    %get3A_10 = vector.load %arg2[%get3A_8, %get3A_9] : memref<1000x128xf32, #tpu.memory_space<vmem>>, vector<1000x128xf32>
    %slice3A = vector.extract_strided_slice %dot_general3A_7 {offsets = [0, 0], sizes = [1000, 128], strides = [1, 1]} : vector<1000x256xf32> to vector<1000x128xf32>
    %mul3A = arith.mulf %get3A_10, %slice3A : vector<1000x128xf32>
    %slice3A_11 = vector.extract_strided_slice %dot_general3A_7 {offsets = [0, 128], sizes = [1000, 128], strides = [1, 1]} : vector<1000x256xf32> to vector<1000x128xf32>
    %add3A = arith.addf %mul3A, %slice3A_11 : vector<1000x128xf32>
    %swap3A = arith.constant 0 : index
    %swap3A_12 = arith.constant 0 : index
    %swap3A_13 = vector.load %arg5[%swap3A, %swap3A_12] : memref<1000x128xf32, #tpu.memory_space<vmem>>, vector<1000x128xf32>
    tpu.vector_store %arg5[%swap3A, %swap3A_12], %add3A {strides = array<i32>} : memref<1000x128xf32, #tpu.memory_space<vmem>>, vector<1000x128xf32>,
    return
  }
  func.func @transform_0(%arg0: i32) -> (i32, i32) {
    %add3A = arith.constant 60 : i32
    %add3A_0 = arith.addi %add3A, %arg0 : i32
    %c0_i32 = arith.constant 0 : i32
    %c0_i32_1 = arith.constant 0 : i32
    return %add3A_0, %c0_i32 : i32, i32
  }
  func.func @transform_1(%arg0: i32) -> (i32, i32) {
    %add3A = arith.constant 60 : i32
    %add3A_0 = arith.addi %add3A, %arg0 : i32
    %c0_i32 = arith.constant 0 : i32
    %c0_i32_1 = arith.constant 0 : i32
    return %add3A_0, %c0_i32 : i32, i32
  }
  func.func @transform_2(%arg0: i32) -> (i32, i32) {
    %c0_i32 = arith.constant 0 : i32
    %c0_i32_0 = arith.constant 0 : i32
    %c0_i32_1 = arith.constant 0 : i32
    return %c0_i32, %c0_i32_0 : i32, i32
  }
  func.func @transform_4(%arg0: i32) -> (i32, i32) {
    %add3A = arith.constant 60 : i32
    %add3A_0 = arith.addi %add3A, %arg0 : i32
    %c0_i32 = arith.constant 0 : i32
    %c0_i32_1 = arith.constant 0 : i32
    return %add3A_0, %c0_i32 : i32, i32
  }
}

</mosaic_0001>

<sc_bundles>
// kernel: kernel.5.cloned.1.call-start
scs
__scs_entry_jumppad:
0x0: {  	(pc) =	sbr.rel $0x88, $3  }
0x1: {  	(tag) =	ssettag $0x0;
	lr =	simm.s32 $0x1  }
0x2: {  	[smem:$0x3F9C] =	sst lr;
	_ =	strace $0xD0000000  }
0x3: {  	_ = 	snop  }
0x4: {  	_ = 	snop  }
0x5: {  	_ = 	snop  }
0x6: {  	_ = 	snop  }
0x7: {  	_ = 	snop  }
__scs_overlays_trampoline_lowered:
0x8: {  	[smem:$0x3FAB] =	sst s0  }
0x9: {  	[smem:$0x3FAC] =	sst s1  }
0xa: {  	[smem:$0x3FAD] =	sst s2  }
0xb: {  	[smem:$0x3FAE] =	sst s3  }
0xc: {  	[smem:$0x3FAF] =	sst s4  }
0xd: {  	[smem:$0x3FB0] =	sst s5  }
0xe: {  	[smem:$0x3FB1] =	sst s6  }
0xf: {  	[smem:$0x3FB2] =	sst s7  }
0x10: {  	[smem:$0x3FB3] =	sst s8  }
0x11: {  	[smem:$0x3FB4] =	sst s9;
	s0 =	simm.s32 @!p0 $0x0  }
0x12: {  	s1 =	sld [smem:$0x3F9A];
	s0 =	simm.s32 @p0 $0x1  }
0x13: {  	[smem:$0x3FB5] =	sst s0;
	s0 =	simm.s32 @!p1 $0x0  }
0x14: {  	s2 =	sld [smem:$0x3F99];
	s0 =	simm.s32 @p1 $0x1  }
0x15: {  	[smem:$0x3FB6] =	sst s0;
	s0 =	simm.s32 @!p2 $0x0  }
0x16: {  	s3 =	sld [smem:$0x3FDB];
	s0 =	simm.s32 @p2 $0x1  }
0x17: {  	s4 =	simm.s32 $0x1BF5;
	[smem:$0x3FB8] =	sst s0  }
0x18: {  	s0 =	sld [smem:$0x3F9B];
	_ =	swait.ge [sflag:s4], $0x0  }
0x19: {  	s7 =	sld [smem:$0x3F9C]  }
0x1a: {  	s8 =	sadd.s32 $0xFFFFE003, lr  }
0x1b: {  	s9 =	sadd.s32 $0xFFFFFEF7, lr;
	s5 =	simm.s32 $0xFFFFFFFF;
	p2 =	slt.u32 s8, $0xFFFFF086  }
0x1c: {  	p1 =	slt.u32 s9, $0xF7A;
	s5 =	simm.s32 @!p2 $0x0  }
0x1d: {  	s5 =	simm.s32 @p1 $0x1;
	p0 =	seq.s32 s7, s2  }
0x1e: {  	s7 =	smul.u32 @!p0 $0xF7A, s2;
	p2 =	seq.s32 @!p0 s5, $0x0  }
0x1f: {  	s9 =	smul.u32 $0xF7A, s1;
	s8 =	simm.s32 @!p0 $0x1BF5;
	p2 =	por !p2, p0  }
0x20: {  	[sflag:s8] =	ssyncset.s32 @!p0 $0xFFFFF086;
	s6 =	sadd.s32 @!p0 s3, s7;
	s7 =	simm.s32 @!p0 $0x108  }
0x21: {  	s3 =	sadd.s32 s3, s9;
	s6 =	sadd.s32 @!p0 $0x88, s6;
	s7 =	simm.s32 @p2 $0x1082  }
0x22: {  	[simem:s7], [sflag:s8] =	dma.local @!p0 [hbm:s6], $0xF7A  }
0x23: {  	s9 =	sor.u32 $0xD0000000, s2;
	s6 =	simm.s32 $0x108;
	_ =	swait.ge @!p0 [sflag:s8], $0x0  }
0x24: {  	s3 =	sadd.s32 $0x88, s3;
	s6 =	simm.s32 @!p1 $0x1082;
	[sflag:s4] =	ssyncset.s32 $0xFFFFF086  }
0x25: {  	[simem:s6], [sflag:s4] =	dma.local [hbm:s3], $0xF7A  }
0x26: {  	[smem:$0x3F9C] =	sst s1;
	(tag) =	ssettag s2;
	_ =	strace s9  }
0x27: {  	s1 =	sld [smem:$0x3FAC]  }
0x28: {  	s2 =	sld [smem:$0x3FAD]  }
0x29: {  	s4 =	sld [smem:$0x3FAF]  }
0x2a: {  	p0 =	seq.s32 s5, $0x0;
	s5 =	sld [smem:$0x3FB0]  }
0x2b: {  	s6 =	sld [smem:$0x3FB1]  }
0x2c: {  	s7 =	sld [smem:$0x3FB2]  }
0x2d: {  	s3 =	simm.s32 $0x108;
	s8 =	sld [smem:$0x3FB3]  }
0x2e: {  	s3 =	simm.s32 @!p0 $0x1082;
	s9 =	sld [smem:$0x3FB4]  }
0x2f: {  	lr =	sadd.s32 s0, s3;
	s0 =	sld [smem:$0x3FAB]  }
0x30: {  	s3 =	sld [smem:$0x3FAE]  }
0x31: {  	[smem:$0x3FB7] =	sst s10  }
0x32: {  	s10 =	sld [smem:$0x3FB5];
	_ =	sdelay $0x3  }
0x33: {  	p0 =	seq.s32 s10, $0x1;
	s10 =	sld [smem:$0x3FB7];
	_ =	sdelay $0x3  }
0x34: {  	[smem:$0x3FB7] =	sst s10  }
0x35: {  	s10 =	sld [smem:$0x3FB6];
	_ =	sdelay $0x3  }
0x36: {  	p1 =	seq.s32 s10, $0x1;
	s10 =	sld [smem:$0x3FB7];
	_ =	sdelay $0x3  }
0x37: {  	[smem:$0x3FB7] =	sst s10  }
0x38: {  	s10 =	sld [smem:$0x3FB8]  }
0x39: {  	_ = 	snop;
	(pc) =	sbr.ind lr, $3  }
0x3a: {  	_ = 	snop  }
0x3b: {  	_ = 	snop  }
0x3c: {  	p2 =	seq.s32 s10, $0x1;
	s10 =	sld [smem:$0x3FB7]  }
0x3d: {  	_ =	shalt  }
0x3e: {  	_ =	shalt  }
0x3f: {  	_ =	shalt  }
0x40: {  	_ =	shalt  }
0x41: {  	_ =	shalt  }
0x42: {  	_ =	shalt  }
0x43: {  	_ =	shalt  }
0x44: {  	_ =	shalt  }
0x45: {  	_ =	shalt  }
0x46: {  	_ =	shalt  }
0x47: {  	_ =	shalt  }
0x48: {  	_ =	shalt  }
0x49: {  	_ =	shalt  }
0x4a: {  	_ =	shalt  }
0x4b: {  	_ =	shalt  }
0x4c: {  	_ =	shalt  }
0x4d: {  	_ =	shalt  }
0x4e: {  	_ =	shalt  }
0x4f: {  	_ =	shalt  }
0x50: {  	_ =	shalt  }
0x51: {  	_ =	shalt  }
0x52: {  	_ =	shalt  }
0x53: {  	_ =	shalt  }
0x54: {  	_ =	shalt  }
0x55: {  	_ =	shalt  }
0x56: {  	_ =	shalt  }
0x57: {  	_ =	shalt  }
0x58: {  	_ =	shalt  }
0x59: {  	_ =	shalt  }
0x5a: {  	_ =	shalt  }
0x5b: {  	_ =	shalt  }
0x5c: {  	_ =	shalt  }
0x5d: {  	_ =	shalt  }
0x5e: {  	_ =	shalt  }
0x5f: {  	_ =	shalt  }
0x60: {  	_ =	shalt  }
0x61: {  	_ =	shalt  }
0x62: {  	_ =	shalt  }
0x63: {  	_ =	shalt  }
0x64: {  	_ =	shalt  }
0x65: {  	_ =	shalt  }
0x66: {  	_ =	shalt  }
0x67: {  	_ =	shalt  }
0x68: {  	_ =	shalt  }
0x69: {  	_ =	shalt  }
0x6a: {  	_ =	shalt  }
0x6b: {  	_ =	shalt  }
0x6c: {  	_ =	shalt  }
0x6d: {  	_ =	shalt  }
0x6e: {  	_ =	shalt  }
0x6f: {  	_ =	shalt  }
0x70: {  	_ =	shalt  }
0x71: {  	_ =	shalt  }
0x72: {  	_ =	shalt  }
0x73: {  	_ =	shalt  }
0x74: {  	_ =	shalt  }
0x75: {  	_ =	shalt  }
0x76: {  	_ =	shalt  }
0x77: {  	_ =	shalt  }
0x78: {  	_ =	shalt  }
0x79: {  	_ =	shalt  }
0x7a: {  	_ =	shalt  }
0x7b: {  	_ =	shalt  }
0x7c: {  	_ =	shalt  }
0x7d: {  	_ =	shalt  }
0x7e: {  	_ =	shalt  }
0x7f: {  	_ =	shalt  }
0x80: {  	_ =	shalt  }
0x81: {  	_ =	shalt  }
0x82: {  	_ =	shalt  }
0x83: {  	_ =	shalt  }
0x84: {  	_ =	shalt  }
0x85: {  	_ =	shalt  }
0x86: {  	_ =	shalt  }
0x87: {  	_ =	shalt  }
.Lfunc_end0:
.L_simem_size_0:
called_computation_lowered:
.L_overlay_start_0:
0x88: {  	s2 =	sld [smem:$0x3FD9]  }
0x89: {  	s3 =	sld [smem:$0x3FFE];
	_ =	sdelay $0x1  }
0x8a: {  	s1 =	srdreg.scid  }
0x8b: {  	s0 =	sand.u32 $0x1, s1  }
0x8c: {  	s17 =	sshll.u32 s0, $0xA;
	s2 =	sadd.s32 s3, s2  }
0x8d: {  	s2 =	sadd.s32 s2, s17  }
0x8e: {  	[smem:$0x3FC3] =	sst s2  }
0x8f: {  	_ = 	snop  }
0x90: {  	s2 =	sld [smem:$0x3FC9]  }
0x91: {  	s18 =	sld [smem:$0x3FC7]  }
0x92: {  	s4 =	sld [smem:$0x3FD0];
	(tm) =	ssettm $0x1  }
0x93: {  	s5 =	sld [smem:$0x3FFB];
	_ =	sdelay $0x3  }
0x94: {  	_ =	strace s5  }
0x95: {  	s5 =	sld [smem:$0x3FFC];
	_ =	sdelay $0x3  }
0x96: {  	_ =	strace s5  }
0x97: {  	s5 =	sld [smem:$0x3FFD];
	_ =	sdelay $0x3  }
0x98: {  	_ =	strace s5  }
0x99: {  	_ =	strace $0x8FFFFFFF  }
0x9a: {  	s19 =	sld [smem:$0x3FDB];
	_ =	sdelay $0x1  }
0x9b: {  	s6 =	simm.s32 $_scs_section_size  }
0x9c: {  	s7 =	simm.s32 $_size__tile_overlayer_lowered;
	s8 =	simm.s32 $_tile_overlayer_lowered  }
0x9d: {  	s22 =	simm.s32 $0x1BFF;
	s21 =	sshll.u32 s8, $0x1;
	s5 =	sadd.s32 s6, s19  }
0x9e: {  	s9 =	simm.s32 $0x0;
	s20 =	sshll.u32 s7, $0x1;
	s7 =	sadd.s32 s21, s5  }
0x9f: {  	[timem:s9], [sflag:s22] =	dma.local [hbm:s7], s20  }
0xa0: {  	_ =	swait.ge [sflag:s22], s20  }
0xa1: {  	s6 =	ssub.s32 $0x0, s20;
	[sflag:s22] =	ssyncset.done $0x0  }
0xa2: {  	[sflag:s22] =	ssyncadd.s32 s6;
	_ =	sdelay $0x1  }
0xa3: {  	s23 =	simm.s32 $0x1B8B  }
0xa4: {  	_ =	swait.ge [sflag:s23], $0x1  }
0xa5: {  	[sflag:s23] =	ssyncset.done $0x0  }
0xa6: {  	s25 =	simm.s32 $0x1B8E;
	s24 =	sld [smem:$0x3FFE];
	[sflag:s23] =	ssyncadd.s32 $0xFFFFFFFF  }
0xa7: {  	s26 =	simm.s32 $execute0_lowered;
	[smem:$0x3FD2] =	sst s25  }
0xa8: {  	s7 =	sshll.u32 s26, $0x1;
	_ =	strace $0x80000046;
	[dreg:$0x1] =	wrdreg $0xFFFFFFFF  }
0xa9: {  	s28 =	simm.s32 $_size_execute0_lowered;
	s5 =	sadd.s32 s5, s7;
	[dreg:$0x0] =	wrdreg $0x0  }
0xaa: {  	s7 =	sshll.u32 s28, $0x1;
	[dreg:$0x2] =	wrdreg s5  }
0xab: {  	[dreg:$0x3] =	wrdreg s7  }
0xac: {  	[dreg:$0x4] =	wrdreg $0xC0  }
0xad: {  	_ =	task [dreg:s9], $0x5FFFF  }
0xae: {  	[dreg:$0x1] =	wrdreg $0xFFFFFFFF  }
0xaf: {  	[dreg:$0x0] =	wrdreg $0x60  }
0xb0: {  	[dreg:$0x2] =	wrdreg s2  }
0xb1: {  	[dreg:$0x3] =	wrdreg s18  }
0xb2: {  	[dreg:$0x4] =	wrdreg s24  }
0xb3: {  	[dreg:$0x5] =	wrdreg s4  }
0xb4: {  	[dreg:$0x6] =	wrdreg $0x9  }
0xb5: {  	_ =	task.clear_ibuf [dreg:s9], $0x7FFFF;
	_ =	strace $0x90000046  }
0xb6: {  	s29 =	simm.s32 $0x9;
	_ =	strace $0x80000048  }
0xb7: {  	_ =	swait.ge [sflag:s29], $0x1  }
0xb8: {  	[sflag:s29] =	ssyncadd.s32 $0xFFFFFFFF  }
0xb9: {  	_ =	strace $0x90000048  }
0xba: {  	_ =	sfence  }
0xbb: {  	s30 =	sld [smem:$0x0];
	_ =	sdelay $0x2  }
0xbc: {  	s31 =	sshll.u32 s1, $0xD;
	s1 =	sshrl.u32 s1, $0x2  }
0xbd: {  	s3 =	sand.u32 $0x4000, s31;
	s1 =	sadd.s32 s1, s30  }
0xbe: {  	s0 =	sor.u32 s3, s0;
	s1 =	sshll.u32 s1, $0x11  }
0xbf: {  	s0 =	sor.u32 s1, s0  }
0xc0: {  	s0 =	sadd.s32 $0x8F2B, s0  }
0xc1: {  	[sflag:s0] =	ssyncadd.remote.s32 $0x1  }
0xc2: {  	_ =	sfence.sel $0xFFFF  }
0xc3: {  	[dreg:$0x0] =	wrdreg $0xFFFFFFFF;
	(pc) =	sbr.abs _section_cstart, $3  }
0xc4: {  	[dreg:$0x1] =	wrdreg $0xFFFFFFFF  }
0xc5: {  	_ =	task.clear_ibuf [dreg:s9], $0x2FFFF;
	_ =	strace $0x9FFFFFFF  }
0xc6: {  	(tm) =	ssettm $0x7FFFFFFF  }
0xc7: {  	_ =	shalt  }
tec
execute0_lowered:
.L_overlay_start_1:
0x0: {  	(tag) =	ssettag $0x1  }
0x1: {  	s12 =	rddreg [dreg:$0x0]  }
0x2: {  	s0 =	rddreg [dreg:$0x1]  }
0x3: {  	s2 =	rddreg [dreg:$0x2]  }
0x4: {  	s4 =	srdreg.scid;
	s1 =	stileid.u32  }
0x5: {  	s18 =	simm.s32 $0x1A000;
	s20 =	simm.s32 $0x1;
	s6 =	sand.u32 $0x1, s4  }
0x6: {  	s5 =	sshll.u32 s1, $0x1;
	s4 =	simm.s32 $0x0;
	s2 =	sadd.s32 $0x1000, s2  }
0x7: {  	s10 =	smul.u32 $0x1080, s1;
	s3 =	smov.u32 s12;
	s5 =	sor.u32 s6, s5  }
0x8: {  	[smem:$0x7FF] =	sst s4;
	s7 =	ssub.s32 $0x2, s6;
	s6 =	smul.u32 $0x840, s6  }
0x9: {  	s5 =	smul.u32 $0x840, s5;
	_ =	strace $0x80000047;
	s8 =	sshrl.u32 s7, $0x1  }
0xa: {  	v1 =	vlaneseq.u32;
	[dreg:$0x5] =	wrdreg s2;
	s23 =	ssub.s32 s7, s8;
	s1 =	sadd.s32 s6, s10  }
0xb: {  	v9 =	vor.u32 $0x460, v1;
	s7 =	smin.u32 s5, $0xE220;
	s9 =	smin.u32 s5, $0xE900;
	s11 =	smin.u32 s5, $0xE9B0  }
0xc: {  	v14 =	vor.u32 $0x470, v1;
	[tilespmem:$0x1FF80] =	vst v9;
	s13 =	sadd.s32 $0xB0, s5;
	s29 =	smin.u32 s1, $0xE220;
	s30 =	sadd.s32 $0x210, s5  }
0xd: {  	v8 =	vor.u32 $0x60, v1;
	[tilespmem:$0x1FF90] =	vst v14;
	s2 =	smax.u32 s23, $0x1;
	[dreg:$0x9] =	wrdreg s1;
	s31 =	sadd.s32 $0xB0, s1  }
0xe: {  	v10 =	vor.u32 $0x70, v1;
	[tilespmem:$0x1FFA0] =	vst v8;
	s24 =	sshrl.u32 s7, $0x3;
	s9 =	sshll.u32 s9, $0x4;
	[dreg:$0xa] =	wrdreg s30  }
.Ltmp0:
0xf: {  	v63 =	vor.u32 $0x430, v1;
	[tilespmem:$0x1FFB0] =	vst v10;
	s25 =	sshll.u32 s11, $0x4;
	[dreg:$0xb] =	wrdreg s2;
	(pc) =	sbr.rel .LBB2_1-.Ltmp0, $4  }
0x10: {  	v0 =	vimm.f32 $0.0e+00;
	v11 =	vor.u32 $0x440, v1;
	[tilespmem:$0x1FFC0] =	vst v63;
	s16 =	ssub.s32 $0x0, s29;
	[dreg:$0xc] =	wrdreg s31;
	s0 =	sadd.s32 s0, s24  }
0x11: {  	v2 =	vor.u32 $0x400, v1;
	v3 =	vor.u32 $0x10, v1;
	v13 =	vor.u32 $0x450, v1;
	[tilespmem:$0x1FFD0] =	vst v11;
	s26 =	sadd.s32 s9, s12;
	[dreg:$0x6] =	wrdreg s0;
	s0 =	sadd.s32 s12, s25  }
0x12: {  	v4 =	vor.u32 $0x410, v1;
	v5 =	vor.u32 $0x20, v1;
	v12 =	vor.u32 $0x40, v1;
	[tilespmem:$0x1FFE0] =	vst v13;
	s2 =	simm.s32 $0x0;
	s28 =	sadd.s32 $0xB00, s26;
	[dreg:$0x7] =	wrdreg s0  }
0x13: {  	v6 =	vor.u32 $0x420, v1;
	v7 =	vor.u32 $0x30, v1;
	v15 =	vor.u32 $0x50, v1;
	[tilespmem:$0x1FFF0] =	vst v12;
	s24 =	simm.s32 $0x2;
	s12 =	sadd.s32 $0x160, s5;
	[dreg:$0x8] =	wrdreg s28  }
.LBB2_30:
0x14: {  	s0 =	simm.s32 $0x3  }
0x15: {  	_ =	swait.ge [sflag:s0], $0x5800  }
0x16: {  	[sflag:s0] =	ssyncset.done $0x0  }
0x17: {  	s1 =	simm.s32 $0x4;
	[sflag:s0] =	ssyncadd.s32 $0xFFFFA800  }
0x18: {  	_ =	swait.ge [sflag:s1], $0x5800  }
0x19: {  	s2 =	rddreg [dreg:$0xd]  }
0x1a: {  	s31 =	rddreg [dreg:$0xb];
	s2 =	sadd.s32 $0x1, s2  }
0x1b: {  	p0 =	sne.s32 s2, s31  }
.Ltmp1:
0x1c: {  	_ = 	snop;
	(pc) =	sbr.rel @!p0 .LBB2_31-.Ltmp1, $3  }
0x1d: {  	_ =	sdelay $0x1  }
0x1e: {  	[sflag:s1] =	ssyncset.done $0x0  }
0x1f: {  	[sflag:s1] =	ssyncadd.s32 $0xFFFFA800  }
.LBB2_1:
0x20: {  	[dreg:$0xd] =	wrdreg s2  }
0x21: {  	s0 =	rddreg [dreg:$0x6]  }
0x22: {  	[tilespmem:s18], [sflag:$0x1] =	stream.linear.gather [hbm4b:s0+s4], $0x840, $0x38;
	[tilespmem:$0x1A880] =	vst v63  }
0x23: {  	s23 =	rddreg [dreg:$0x5];
	s25 =	simm.s32 $0x5  }
0x24: {  	[tilespmem:s4], [sflag:$0x5] =	stream.linear.gather [hbm4b:s23+s4], $0x4000, $0x38;
	[tilespmem:$0x1A880] =	vst v63  }
0x25: {  	_ =	swait.ge [sflag:s25], $0x4000  }
0x26: {  	[sflag:s25] =	ssyncset.done $0x0  }
0x27: {  	[sflag:s25] =	ssyncadd.s32 $0xFFFFC000  }
0x28: {  	_ =	swait.ge [sflag:s20], $0x840  }
0x29: {  	s26 =	rddreg [dreg:$0x7]  }
0x2a: {  	[sflag:s20] =	ssyncset.done $0x0;
	s28 =	rddreg [dreg:$0x8]  }
0x2b: {  	s1 =	simm.s32 $0x4000;
	s30 =	rddreg [dreg:$0xc];
	[sflag:s20] =	ssyncadd.s32 $0xFFFFF7C0  }
0x2c: {  	[tilespmem:s1], [sflag:$0x1] =	stream.linear.gather [hbm4b:s26+s4], $0x5800, $0x38;
	[tilespmem:$0x1A880] =	vst v63  }
0x2d: {  	s29 =	simm.s32 $0x9800;
	s2 =	simm.s32 $0x0;
	s31 =	rddreg [dreg:$0x9]  }
0x2e: {  	[tilespmem:s29], [sflag:$0x2] =	stream.linear.gather [hbm4b:s28+s4], $0x5800, $0x38;
	[tilespmem:$0x1A880] =	vst v63  }
.LBB2_2:
0x2f: {  	s0 =	smul.u32 $0x160, s2;
	_ =	sdelay $0x1  }
0x30: {  	s21 =	sadd.s32 s5, s0  }
0x31: {  	p0 =	slt.s32 s21, $0xE9B0  }
0x32: {  	s21 =	simm.s32 @!p0 $0xE9B0  }
0x33: {  	s6 =	ssub.s32 s21, s7  }
0x34: {  	v17 =	vmov s6  }
0x35: {  	_ =	swait.ge [sflag:s20], $0x5800;
	s8 =	sadd.s32 $0xAF, s6;
	v17 =	vand.u32 $0xFFFFFFF0, v17  }
0x36: {  	[sflag:s20] =	ssyncset.done $0x0;
	p0 =	seq.s32 s2, $0x0;
	v18 =	vmov s8;
	v17 =	vbroadcast v17, $0x0  }
0x37: {  	[sflag:s20] =	ssyncadd.s32 $0xFFFFA800;
	s8 =	simm.s32 @!p0 $0x3  }
0x38: {  	_ =	swait.ge @!p0 [sflag:s8], $0x5800  }
0x39: {  	[sflag:s8] =	ssyncset.done @!p0 $0x0  }
0x3a: {  	[sflag:s8] =	ssyncadd.s32 @!p0 $0xFFFFA800  }
0x3b: {  	v18 =	vld.idx.msk [tilespmem:v18+s18+$0x0], $0xffff  }
0x3c: {  	v17 =	vld.idx.msk [tilespmem:v17+s18+$0x0], $0xffff;
	_ =	sdelay $0x4  }
0x3d: {  	vm0 =	veq.s32 v17, v18  }
0x3e: {  	v18 =	vsel vm0, $0x3F800000, v0  }
0x3f: {  	(xrf0) =	vmin.scan.msk.f32 $0xffff, v18;
	_ =	sdelay $0x5  }
0x40: {  	v18, _, _ =	vpop (xrf0)  }
0x41: {  	(v2sf) =	vpush v18, $0xF;
	_ =	sdelay $0xe  }
0x42: {  	s29 =	spop (v2sf)  }
0x43: {  	p1 =	sgt.f32 s29, $0.0e+00  }
.Ltmp2:
0x44: {  	_ = 	snop;
	(pc) =	sbr.rel @p1 .LBB2_8-.Ltmp2, $1  }
0x45: {  	_ =	sdelay $0x3  }
.Ltmp3:
0x46: {  	(pc) =	sbr.rel .LBB2_4-.Ltmp3, $4  }
0x47: {  	_ = 	snop  }
0x48: {  	p1 =	slt.s32 s31, $0xE9B0;
	s8 =	smov.u32 s31;
	s9 =	simm.s32 $0x0  }
0x49: {  	s10 =	simm.s32 $0xF100;
	s15 =	simm.s32 $0x4100;
	s8 =	simm.s32 @!p1 $0xE9B0  }
0x4a: {  	s22 =	simm.s32 $0xF080;
	s23 =	simm.s32 $0x4080;
	s8 =	sadd.s32 s8, s16  }
.LBB2_13:
0x4b: {  	_ =	sdelay $0x3  }
0x4c: {  	v32 =	vld.idx.msk [tilespmem:v32+s4+$0x0], $0xffff  }
0x4d: {  	v37 =	vld.idx.msk [tilespmem:v37+s4+$0x0], $0xffff;
	v40 =	vor.u32 v5, v21;
	v26 =	vmul.f32 v26, v34  }
0x4e: {  	v36 =	vld.idx.msk [tilespmem:v36+s4+$0x0], $0xffff;
	v33 =	vmul.f32 v35, v33;
	v49 =	vor.u32 v10, v18  }
0x4f: {  	v27 =	vmul.f32 v27, v38;
	v46 =	vor.u32 v5, v20;
	v25 =	vld.idx.msk [tilespmem:v25+s4+$0x0], $0xffff;
	v26 =	vadd.f32 v26, v30  }
0x50: {  	v24 =	vld.idx.msk [tilespmem:v24+s4+$0x0], $0xffff;
	v31 =	vadd.f32 v33, v31  }
0x51: {  	v51 =	vor.u32 v11, v19;
	[tilespmem:s19+$0x30] =	vst v26;
	v32 =	vadd.f32 v27, v32;
	v27 =	vld [tilespmem:s11+$0x70]  }
0x52: {  	v39 =	vor.u32 v6, v20;
	[tilespmem:s17+$0xFFFFFFE0] =	vst v31;
	v52 =	vld.idx.msk [tilespmem:v40+s4+$0x0], $0xffff  }
0x53: {  	v26 =	vld.idx.msk [tilespmem:v49+s4+$0x0], $0xffff;
	[tilespmem:s29+$0x10] =	vst v32  }
0x54: {  	v48 =	vld.idx.msk [tilespmem:v46+s4+$0x0], $0xffff  }
0x55: {  	v47 =	vor.u32 v12, v19;
	v50 =	vld [tilespmem:s28+$0x20]  }
0x56: {  	v53 =	vor.u32 v12, v17;
	v30 =	vld.idx.msk [tilespmem:v51+s4+$0x0], $0xffff  }
0x57: {  	v56 =	vor.u32 v7, v21;
	v39 =	vld.idx.msk [tilespmem:v39+s4+$0x0], $0xffff;
	v28 =	vmul.f32 v28, v52  }
0x58: {  	v54 =	vadd.f32 v29, v36;
	v29 =	vld [tilespmem:s11+$0xFFFFFFF0]  }
0x59: {  	v60 =	vor.u32 v63, v21;
	v57 =	vld [tilespmem:s26+$0x40];
	v28 =	vadd.f32 v28, v37  }
0x5a: {  	v32 =	vld.idx.msk [tilespmem:v47+s4+$0x0], $0xffff;
	[tilespmem:s19+$0xFFFFFFB0] =	vst v54;
	v34 =	vmul.f32 v50, v48  }
0x5b: {  	v55 =	vor.u32 v7, v20;
	v31 =	vld.idx.msk [tilespmem:v53+s4+$0x0], $0xffff;
	[tilespmem:s29+$0xFFFFFFA0] =	vst v28  }
0x5c: {  	v34 =	vadd.f32 v34, v39;
	v33 =	vld.idx.msk [tilespmem:v56+s4+$0x0], $0xffff  }
0x5d: {  	v58 =	vor.u32 v63, v20;
	v45 =	vld [tilespmem:s28+$0xFFFFFFB0]  }
0x5e: {  	v61 =	vor.u32 v11, v17;
	v36 =	vld.idx.msk [tilespmem:v60+s4+$0x0], $0xffff;
	[tilespmem:s29+$0x20] =	vst v34  }
0x5f: {  	v62 =	vor.u32 v15, v19;
	v32 =	vmul.f32 v57, v32;
	v34 =	vld [tilespmem:s28+$0x30]  }
0x60: {  	v59 =	vld.idx.msk [tilespmem:v55+s4+$0x0], $0xffff  }
0x61: {  	v47 =	vor.u32 v13, v19;
	v46 =	vld [tilespmem:s26+$0xFFFFFFC0];
	v30 =	vadd.f32 v32, v30  }
0x62: {  	v51 =	vor.u32 v12, v21;
	v44 =	vld.idx.msk [tilespmem:v58+s4+$0x0], $0xffff;
	v33 =	vmul.f32 v45, v33  }
0x63: {  	v37 =	vld.idx.msk [tilespmem:v61+s4+$0x0], $0xffff;
	[tilespmem:s19+$0x40] =	vst v30  }
0x64: {  	v54 =	vor.u32 v11, v21;
	v30 =	vld.idx.msk [tilespmem:v62+s4+$0x0], $0xffff;
	v33 =	vadd.f32 v33, v36  }
0x65: {  	v48 =	vor.u32 v12, v20;
	v50 =	vld [tilespmem:s26+$0x50];
	v28 =	vmul.f32 v34, v59  }
0x66: {  	v32 =	vld.idx.msk [tilespmem:v47+s4+$0x0], $0xffff;
	[tilespmem:s29+$0xFFFFFFB0] =	vst v33  }
0x67: {  	v52 =	vor.u32 v14, v18;
	v28 =	vadd.f32 v28, v44;
	v38 =	vld.idx.msk [tilespmem:v51+s4+$0x0], $0xffff  }
0x68: {  	v49 =	vor.u32 v11, v20;
	v57 =	vld [tilespmem:s28+$0xFFFFFFC0]  }
0x69: {  	v31 =	vmul.f32 v46, v31;
	v56 =	vor.u32 v13, v17;
	v60 =	vld.idx.msk [tilespmem:v54+s4+$0x0], $0xffff;
	[tilespmem:s29+$0x30] =	vst v28  }
0x6a: {  	v28 =	vld.idx.msk [tilespmem:v48+s4+$0x0], $0xffff  }
0x6b: {  	v31 =	vadd.f32 v31, v37;
	v55 =	vor.u32 v15, v17;
	v53 =	vld [tilespmem:s28+$0x40]  }
0x6c: {  	v18 =	vld.idx.msk [tilespmem:v52+s4+$0x0], $0xffff;
	v58 =	vor.u32 v8, v19;
	v30 =	vmul.f32 v50, v30  }
0x6d: {  	v47 =	vor.u32 v15, v21;
	[tilespmem:s19+$0xFFFFFFC0] =	vst v31;
	v35 =	vld.idx.msk [tilespmem:v49+s4+$0x0], $0xffff;
	v46 =	vmul.f32 v57, v38  }
0x6e: {  	v62 =	vld.idx.msk [tilespmem:v56+s4+$0x0], $0xffff;
	v30 =	vadd.f32 v30, v32  }
0x6f: {  	v45 =	vld [tilespmem:s26+$0xFFFFFFD0];
	v51 =	vor.u32 v13, v21;
	v49 =	vadd.f32 v46, v60  }
0x70: {  	v59 =	vor.u32 v15, v20;
	v61 =	vld.idx.msk [tilespmem:v55+s4+$0x0], $0xffff;
	[tilespmem:s19+$0x50] =	vst v30;
	v28 =	vmul.f32 v53, v28  }
0x71: {  	v48 =	vld.idx.msk [tilespmem:v58+s4+$0x0], $0xffff;
	[tilespmem:s29+$0xFFFFFFC0] =	vst v49  }
0x72: {  	v28 =	vadd.f32 v28, v35;
	v54 =	vld.idx.msk [tilespmem:v47+s4+$0x0], $0xffff  }
0x73: {  	v44 =	vor.u32 v13, v20;
	v56 =	vld [tilespmem:s28+$0xFFFFFFD0]  }
0x74: {  	v52 =	vor.u32 v9, v19;
	v58 =	vld.idx.msk [tilespmem:v51+s4+$0x0], $0xffff;
	[tilespmem:s29+$0x40] =	vst v28  }
0x75: {  	v55 =	vor.u32 v8, v17;
	v30 =	vmul.f32 v45, v61;
	v28 =	vld.idx.msk [tilespmem:v59+s4+$0x0], $0xffff  }
0x76: {  	v50 =	vld [tilespmem:s28+$0x50]  }
0x77: {  	v30 =	vadd.f32 v30, v62;
	v57 =	vld [tilespmem:s26+$0x60];
	v53 =	vor.u32 v9, v17  }
0x78: {  	v62 =	vor.u32 v8, v21;
	v33 =	vld.idx.msk [tilespmem:v44+s4+$0x0], $0xffff;
	v36 =	vmul.f32 v56, v54  }
0x79: {  	[tilespmem:s19+$0xFFFFFFD0] =	vst v30;
	v60 =	vld.idx.msk [tilespmem:v52+s4+$0x0], $0xffff  }
0x7a: {  	v43 =	vor.u32 v9, v21;
	v37 =	vld.idx.msk [tilespmem:v55+s4+$0x0], $0xffff;
	v34 =	vadd.f32 v36, v58  }
0x7b: {  	v41 =	vld [tilespmem:s26+$0xFFFFFFE0];
	v59 =	vor.u32 v8, v20;
	v28 =	vmul.f32 v50, v28  }
0x7c: {  	v31 =	vld.idx.msk [tilespmem:v53+s4+$0x0], $0xffff;
	[tilespmem:s29+$0xFFFFFFD0] =	vst v34  }
0x7d: {  	v42 =	vor.u32 v14, v19;
	v32 =	vmul.f32 v57, v48;
	v28 =	vadd.f32 v28, v33;
	v46 =	vld.idx.msk [tilespmem:v62+s4+$0x0], $0xffff  }
0x7e: {  	v61 =	vor.u32 v9, v20;
	v34 =	vld [tilespmem:s28+$0xFFFFFFE0]  }
0x7f: {  	v30 =	vadd.f32 v32, v60;
	v48 =	vld.idx.msk [tilespmem:v43+s4+$0x0], $0xffff;
	[tilespmem:s29+$0x50] =	vst v28  }
0x80: {  	v35 =	vld.idx.msk [tilespmem:v59+s4+$0x0], $0xffff  }
0x81: {  	v47 =	vor.u32 v10, v17;
	[tilespmem:s19+$0x60] =	vst v30;
	v28 =	vmul.f32 v41, v37;
	v44 =	vld [tilespmem:s28+$0x60]  }
0x82: {  	v19 =	vld.idx.msk [tilespmem:v42+s4+$0x0], $0xffff  }
0x83: {  	v17 =	vor.u32 v14, v17;
	v45 =	vld.idx.msk [tilespmem:v61+s4+$0x0], $0xffff;
	v28 =	vadd.f32 v28, v31  }
0x84: {  	v52 =	vor.u32 v10, v21;
	v49 =	vld [tilespmem:s26+$0x70];
	v51 =	vmul.f32 v34, v46  }
0x85: {  	v22 =	vld.idx.msk [tilespmem:v22+s4+$0x0], $0xffff;
	[tilespmem:s19+$0xFFFFFFE0] =	vst v28  }
0x86: {  	v28 =	vld.idx.msk [tilespmem:v47+s4+$0x0], $0xffff;
	v55 =	vadd.f32 v51, v48;
	v35 =	vmul.f32 v44, v35  }
0x87: {  	v53 =	vld [tilespmem:s26+$0xFFFFFFF0]  }
0x88: {  	v57 =	vor.u32 v14, v21;
	v17 =	vld.idx.msk [tilespmem:v17+s4+$0x0], $0xffff;
	[tilespmem:s29+$0xFFFFFFE0] =	vst v55;
	v50 =	vadd.f32 v35, v45  }
0x89: {  	v54 =	vor.u32 v14, v20;
	v30 =	vld.idx.msk [tilespmem:v52+s4+$0x0], $0xffff  }
0x8a: {  	v58 =	vld [tilespmem:s28+$0xFFFFFFF0];
	[tilespmem:s29+$0x60] =	vst v50  }
0x8b: {  	v56 =	vld [tilespmem:s28+$0x70]  }
0x8c: {  	v24 =	vmul.f32 v27, v24;
	v23 =	vld.idx.msk [tilespmem:v23+s4+$0x0], $0xffff  }
0x8d: {  	v26 =	vmul.f32 v29, v26;
	v21 =	vld.idx.msk [tilespmem:v57+s4+$0x0], $0xffff  }
0x8e: {  	v24 =	vadd.f32 v24, v25;
	v59 =	vmul.f32 v53, v28;
	v20 =	vld.idx.msk [tilespmem:v54+s4+$0x0], $0xffff  }
0x8f: {  	v18 =	vadd.f32 v26, v18;
	v22 =	vmul.f32 v49, v22  }
0x90: {  	[tilespmem:s17+$0x70] =	vst v24;
	v17 =	vadd.f32 v59, v17;
	v61 =	vmul.f32 v58, v30  }
0x91: {  	[tilespmem:s17+$0xFFFFFFF0] =	vst v18;
	v19 =	vadd.f32 v22, v19;
	v60 =	vmul.f32 v56, v23  }
0x92: {  	[tilespmem:s19+$0xFFFFFFF0] =	vst v17;
	v17 =	vadd.f32 v61, v21  }
0x93: {  	[tilespmem:s19+$0x70] =	vst v19;
	v62 =	vadd.f32 v60, v20  }
0x94: {  	[tilespmem:s29+$0xFFFFFFF0] =	vst v17  }
0x95: {  	[tilespmem:s29+$0x70] =	vst v62  }
.LBB2_14:
0x96: {  	s9 =	sadd.s32 $0x1, s9  }
0x97: {  	p1 =	sne.s32 s9, $0xB  }
.Ltmp4:
0x98: {  	_ = 	snop;
	(pc) =	sbr.rel @!p1 .LBB2_15-.Ltmp4, $3  }
0x99: {  	_ =	sdelay $0x1  }
0x9a: {  	s10 =	sadd.s32 $0x800, s10;
	s15 =	sadd.s32 $0x800, s15  }
0x9b: {  	s8 =	sadd.s32 $0x10, s8;
	s22 =	sadd.s32 $0x800, s22;
	s23 =	sadd.s32 $0x800, s23  }
.LBB2_4:
0x9c: {  	s11 =	sshll.u32 s9, $0x4  }
0x9d: {  	s11 =	sadd.s32 s6, s11  }
0x9e: {  	v17 =	vmov s11;
	s11 =	sor.u32 $0xF, s11  }
0x9f: {  	v18 =	vmov s11;
	_ =	sdelay $0x3  }
0xa0: {  	v17 =	vld.idx.msk [tilespmem:v17+s18+$0x0], $0xffff  }
0xa1: {  	v18 =	vld.idx.msk [tilespmem:v18+s18+$0x0], $0xffff;
	_ =	sdelay $0x4  }
0xa2: {  	vm0 =	veq.s32 v17, v18  }
0xa3: {  	v18 =	vsel vm0, $0x3F800000, v0  }
0xa4: {  	(xrf0) =	vmin.scan.msk.f32 $0xffff, v18;
	_ =	sdelay $0x5  }
0xa5: {  	v18, _, _ =	vpop (xrf0)  }
0xa6: {  	(v2sf) =	vpush v18, $0xF;
	_ =	sdelay $0xe  }
0xa7: {  	s29 =	spop (v2sf)  }
0xa8: {  	p1 =	sgt.f32 s29, $0.0e+00  }
.Ltmp5:
0xa9: {  	_ = 	snop;
	(pc) =	sbr.rel @p1 .LBB2_5-.Ltmp5, $1  }
0xaa: {  	_ =	sdelay $0x3  }
0xab: {  	s11 =	sadd.s32 $0xFFFFFFFE, s8  }
0xac: {  	s17 =	sadd.s32 $0x2, s11  }
0xad: {  	v17 =	vmov s17;
	_ =	sdelay $0x2  }
0xae: {  	s11 =	sadd.s32 $0x3, s11  }
0xaf: {  	v18 =	vmov s11  }
0xb0: {  	v17 =	vld.idx.msk [tilespmem:v17+s18+$0x0], $0xffff;
	_ =	sdelay $0x3  }
0xb1: {  	v19 =	vld.idx.msk [tilespmem:v18+s18+$0x0], $0xffff  }
0xb2: {  	v18 =	vshll.u32 v17, $0x8;
	v17 =	vshll.u32 v17, $0x7  }
0xb3: {  	v18 =	vand.u32 $0xFFFFF800, v18;
	v17 =	vand.u32 $0x380, v17  }
0xb4: {  	v18 =	vor.u32 v17, v18  }
0xb5: {  	v17 =	vor.u32 v1, v18  }
0xb6: {  	v20 =	vshll.u32 v19, $0x8;
	v19 =	vshll.u32 v19, $0x7  }
0xb7: {  	v19 =	vand.u32 $0x380, v19;
	v20 =	vand.u32 $0xFFFFF800, v20;
	v21 =	vor.u32 v2, v18  }
0xb8: {  	v25 =	vor.u32 v19, v20  }
0xb9: {  	v20 =	vld [tilespmem:s23+$0xFFFFFF80];
	v19 =	vor.u32 v1, v25  }
0xba: {  	v17 =	vld.idx.msk [tilespmem:v17+s4+$0x0], $0xffff  }
0xbb: {  	v22 =	vor.u32 v2, v25  }
0xbc: {  	s26 =	sadd.s32 $0x0, s8;
	v21 =	vld.idx.msk [tilespmem:v21+s4+$0x0], $0xffff  }
0xbd: {  	v23 =	vld [tilespmem:s23+$0x0];
	s1 =	sadd.s32 $0x2, s26  }
0xbe: {  	v24 =	vmov s1;
	v19 =	vld.idx.msk [tilespmem:v19+s4+$0x0], $0xffff  }
0xbf: {  	v17 =	vmul.f32 v20, v17;
	v20 =	vor.u32 v3, v18  }
0xc0: {  	v22 =	vld.idx.msk [tilespmem:v22+s4+$0x0], $0xffff  }
0xc1: {  	v17 =	vadd.f32 v17, v21  }
0xc2: {  	v21 =	vor.u32 v4, v18  }
0xc3: {  	[tilespmem:s22+$0xFFFFFF80] =	vst v17;
	v17 =	vmul.f32 v23, v19;
	v19 =	vld.idx.msk [tilespmem:v24+s18+$0x0], $0xffff  }
0xc4: {  	v23 =	vor.u32 v3, v25;
	v20 =	vld.idx.msk [tilespmem:v20+s4+$0x0], $0xffff  }
0xc5: {  	v24 =	vld [tilespmem:s23+$0xFFFFFF90];
	v17 =	vadd.f32 v17, v22  }
0xc6: {  	s11 =	sadd.s32 $0x3, s26;
	v22 =	vor.u32 v4, v25  }
0xc7: {  	v26 =	vmov s11;
	v21 =	vld.idx.msk [tilespmem:v21+s4+$0x0], $0xffff;
	[tilespmem:s22+$0x0] =	vst v17  }
0xc8: {  	v27 =	vld [tilespmem:s23+$0x10]  }
0xc9: {  	v17 =	vshll.u32 v19, $0x8;
	v19 =	vshll.u32 v19, $0x7;
	v23 =	vld.idx.msk [tilespmem:v23+s4+$0x0], $0xffff  }
0xca: {  	v17 =	vand.u32 $0xFFFFF800, v17;
	v19 =	vand.u32 $0x380, v19;
	v20 =	vmul.f32 v24, v20  }
0xcb: {  	v17 =	vor.u32 v19, v17;
	v19 =	vld.idx.msk [tilespmem:v22+s4+$0x0], $0xffff  }
0xcc: {  	v22 =	vor.u32 v1, v17;
	v20 =	vadd.f32 v20, v21;
	v21 =	vld.idx.msk [tilespmem:v26+s18+$0x0], $0xffff;
	_ =	sdelay $0x1  }
0xcd: {  	s26 =	sadd.s32 $0x100, s23;
	[tilespmem:s22+$0xFFFFFF90] =	vst v20;
	v20 =	vmul.f32 v27, v23;
	v23 =	vor.u32 v2, v17  }
0xce: {  	v29 =	vld [tilespmem:s26+$0xFFFFFF80];
	v27 =	vor.u32 v5, v25  }
0xcf: {  	v32 =	vld [tilespmem:s26+$0x0];
	v30 =	vor.u32 v5, v18  }
0xd0: {  	v19 =	vadd.f32 v20, v19;
	v20 =	vld.idx.msk [tilespmem:v22+s4+$0x0], $0xffff;
	v28 =	vshll.u32 v21, $0x8;
	v21 =	vshll.u32 v21, $0x7  }
0xd1: {  	v26 =	vld [tilespmem:s23+$0xFFFFFFA0];
	v22 =	vor.u32 v6, v25;
	v21 =	vand.u32 $0x380, v21;
	v28 =	vand.u32 $0xFFFFF800, v28  }
0xd2: {  	v24 =	vor.u32 v6, v18;
	[tilespmem:s22+$0x10] =	vst v19;
	v19 =	vor.u32 v21, v28;
	v21 =	vld.idx.msk [tilespmem:v23+s4+$0x0], $0xffff  }
0xd3: {  	v23 =	vld.idx.msk [tilespmem:v27+s4+$0x0], $0xffff;
	v27 =	vor.u32 v1, v19  }
0xd4: {  	v28 =	vld [tilespmem:s23+$0x20];
	v31 =	vor.u32 v2, v19  }
0xd5: {  	v30 =	vld.idx.msk [tilespmem:v30+s4+$0x0], $0xffff;
	v20 =	vmul.f32 v29, v20;
	v29 =	vor.u32 v3, v17  }
0xd6: {  	v22 =	vld.idx.msk [tilespmem:v22+s4+$0x0], $0xffff  }
0xd7: {  	v24 =	vld.idx.msk [tilespmem:v24+s4+$0x0], $0xffff;
	v20 =	vadd.f32 v20, v21  }
0xd8: {  	s19 =	sadd.s32 $0x100, s22;
	v21 =	vld.idx.msk [tilespmem:v27+s4+$0x0], $0xffff;
	v27 =	vor.u32 v4, v17  }
0xd9: {  	v23 =	vmul.f32 v28, v23;
	v28 =	vld.idx.msk [tilespmem:v31+s4+$0x0], $0xffff;
	[tilespmem:s19+$0xFFFFFF80] =	vst v20  }
0xda: {  	v20 =	vld.idx.msk [tilespmem:v29+s4+$0x0], $0xffff;
	v29 =	vor.u32 v7, v25  }
0xdb: {  	s28 =	sadd.s32 $0x100, s26;
	v26 =	vmul.f32 v26, v30;
	v30 =	vor.u32 v7, v18;
	v22 =	vadd.f32 v23, v22;
	v23 =	vld [tilespmem:s26+$0xFFFFFF90]  }
0xdc: {  	v36 =	vld [tilespmem:s28+$0x0];
	v31 =	vor.u32 v63, v25  }
0xdd: {  	v24 =	vadd.f32 v26, v24;
	[tilespmem:s22+$0x20] =	vst v22;
	v22 =	vld.idx.msk [tilespmem:v27+s4+$0x0], $0xffff  }
0xde: {  	v26 =	vld [tilespmem:s23+$0x30];
	v21 =	vmul.f32 v32, v21  }
0xdf: {  	[tilespmem:s22+$0xFFFFFFA0] =	vst v24;
	v24 =	vor.u32 v3, v19;
	v27 =	vld.idx.msk [tilespmem:v29+s4+$0x0], $0xffff  }
0xe0: {  	v29 =	vld.idx.msk [tilespmem:v30+s4+$0x0], $0xffff;
	v21 =	vadd.f32 v21, v28;
	v20 =	vmul.f32 v23, v20;
	v23 =	vor.u32 v4, v19  }
0xe1: {  	v28 =	vld.idx.msk [tilespmem:v31+s4+$0x0], $0xffff  }
0xe2: {  	v30 =	vld [tilespmem:s23+$0xFFFFFFB0];
	[tilespmem:s19+$0x0] =	vst v21;
	v21 =	vor.u32 v6, v17;
	v20 =	vadd.f32 v20, v22  }
0xe3: {  	v31 =	vor.u32 v63, v18;
	v22 =	vld [tilespmem:s26+$0x10]  }
0xe4: {  	s14 =	sadd.s32 $0x2, s8;
	[tilespmem:s19+$0xFFFFFF90] =	vst v20;
	v20 =	vld.idx.msk [tilespmem:v24+s4+$0x0], $0xffff;
	v24 =	vmul.f32 v26, v27;
	v26 =	vor.u32 v12, v25  }
0xe5: {  	s25 =	sadd.s32 $0x2, s14;
	v23 =	vld.idx.msk [tilespmem:v23+s4+$0x0], $0xffff  }
0xe6: {  	v33 =	vmov s25;
	v27 =	vld [tilespmem:s26+$0xFFFFFFA0];
	v24 =	vadd.f32 v24, v28  }
0xe7: {  	v48 =	vor.u32 v11, v25;
	v28 =	vld.idx.msk [tilespmem:v21+s4+$0x0], $0xffff  }
0xe8: {  	s11 =	sadd.s32 $0x3, s14;
	v49 =	vor.u32 v5, v17;
	v21 =	vld.idx.msk [tilespmem:v31+s4+$0x0], $0xffff;
	[tilespmem:s22+$0x30] =	vst v24  }
0xe9: {  	v31 =	vmov s11;
	v20 =	vmul.f32 v22, v20;
	v22 =	vld.idx.msk [tilespmem:v26+s4+$0x0], $0xffff  }
0xea: {  	v24 =	vor.u32 v6, v19;
	v34 =	vld [tilespmem:s23+$0x40]  }
0xeb: {  	v50 =	vor.u32 v5, v19;
	v29 =	vmul.f32 v30, v29;
	v20 =	vadd.f32 v20, v23;
	v23 =	vld.idx.msk [tilespmem:v33+s18+$0x0], $0xffff  }
0xec: {  	v26 =	vld.idx.msk [tilespmem:v48+s4+$0x0], $0xffff  }
0xed: {  	v30 =	vor.u32 v12, v18;
	v21 =	vadd.f32 v29, v21;
	v29 =	vld.idx.msk [tilespmem:v49+s4+$0x0], $0xffff  }
0xee: {  	[tilespmem:s19+$0x10] =	vst v20;
	v20 =	vld.idx.msk [tilespmem:v31+s18+$0x0], $0xffff  }
0xef: {  	v52 =	vor.u32 v15, v25;
	v31 =	vor.u32 v11, v18;
	v24 =	vld.idx.msk [tilespmem:v24+s4+$0x0], $0xffff  }
0xf0: {  	[tilespmem:s22+$0xFFFFFFB0] =	vst v21;
	v51 =	vld.idx.msk [tilespmem:v50+s4+$0x0], $0xffff;
	v22 =	vmul.f32 v34, v22;
	v21 =	vshll.u32 v23, $0x8;
	v23 =	vshll.u32 v23, $0x7  }
0xf1: {  	v35 =	vld [tilespmem:s26+$0x20];
	v21 =	vand.u32 $0xFFFFF800, v21;
	v23 =	vand.u32 $0x380, v23  }
0xf2: {  	v30 =	vld.idx.msk [tilespmem:v30+s4+$0x0], $0xffff;
	v22 =	vadd.f32 v22, v26;
	v21 =	vor.u32 v23, v21  }
0xf3: {  	v23 =	vld [tilespmem:s23+$0xFFFFFFC0];
	v53 =	vor.u32 v1, v21  }
0xf4: {  	v26 =	vor.u32 v13, v25;
	v27 =	vmul.f32 v27, v29;
	v31 =	vld.idx.msk [tilespmem:v31+s4+$0x0], $0xffff;
	[tilespmem:s22+$0x40] =	vst v22  }
0xf5: {  	v22 =	vshll.u32 v20, $0x8;
	v20 =	vshll.u32 v20, $0x7;
	v37 =	vor.u32 v2, v21;
	v33 =	vld.idx.msk [tilespmem:v52+s4+$0x0], $0xffff  }
0xf6: {  	v29 =	vmul.f32 v35, v51;
	v54 =	vld [tilespmem:s23+$0x50];
	v20 =	vand.u32 $0x380, v20;
	v22 =	vand.u32 $0xFFFFF800, v22  }
0xf7: {  	v55 =	vor.u32 v7, v17;
	v20 =	vor.u32 v20, v22;
	v22 =	vld [tilespmem:s28+$0xFFFFFF80]  }
0xf8: {  	v24 =	vadd.f32 v29, v24;
	v23 =	vmul.f32 v23, v30;
	v30 =	vor.u32 v15, v18;
	v29 =	vld.idx.msk [tilespmem:v53+s4+$0x0], $0xffff  }
0xf9: {  	v38 =	vld.idx.msk [tilespmem:v26+s4+$0x0], $0xffff;
	v26 =	vadd.f32 v27, v28;
	v27 =	vor.u32 v13, v18  }
0xfa: {  	[tilespmem:s19+$0x20] =	vst v24;
	v28 =	vld.idx.msk [tilespmem:v37+s4+$0x0], $0xffff;
	v23 =	vadd.f32 v23, v31;
	v31 =	vor.u32 v1, v20  }
0xfb: {  	[tilespmem:s19+$0xFFFFFFA0] =	vst v26;
	v26 =	vld [tilespmem:s26+$0x30]  }
0xfc: {  	v56 =	vld.idx.msk [tilespmem:v55+s4+$0x0], $0xffff;
	[tilespmem:s22+$0xFFFFFFC0] =	vst v23;
	v23 =	vor.u32 v2, v20  }
0xfd: {  	v24 =	vld.idx.msk [tilespmem:v30+s4+$0x0], $0xffff;
	v22 =	vmul.f32 v22, v29;
	v29 =	vor.u32 v3, v21  }
0xfe: {  	v27 =	vld.idx.msk [tilespmem:v27+s4+$0x0], $0xffff  }
0xff: {  	v30 =	vld.idx.msk [tilespmem:v31+s4+$0x0], $0xffff;
	v22 =	vadd.f32 v22, v28;
	v28 =	vor.u32 v4, v21  }
0x100: {  	s29 =	sadd.s32 $0x100, s19;
	v57 =	vor.u32 v8, v25;
	v32 =	vmul.f32 v54, v33;
	v31 =	vld [tilespmem:s23+$0xFFFFFFD0]  }
0x101: {  	v23 =	vld.idx.msk [tilespmem:v23+s4+$0x0], $0xffff;
	[tilespmem:s29+$0xFFFFFF80] =	vst v22  }
0x102: {  	v22 =	vadd.f32 v32, v38;
	v29 =	vld.idx.msk [tilespmem:v29+s4+$0x0], $0xffff  }
0x103: {  	v58 =	vor.u32 v9, v25;
	v59 =	vld [tilespmem:s28+$0xFFFFFF90]  }
0x104: {  	v61 =	vor.u32 v7, v19;
	[tilespmem:s22+$0x50] =	vst v22;
	v22 =	vld.idx.msk [tilespmem:v28+s4+$0x0], $0xffff;
	v28 =	vmul.f32 v36, v30  }
0x105: {  	v60 =	vor.u32 v63, v19;
	v33 =	vld.idx.msk [tilespmem:v57+s4+$0x0], $0xffff  }
0x106: {  	v24 =	vmul.f32 v31, v24;
	v31 =	vor.u32 v9, v18;
	v23 =	vadd.f32 v28, v23;
	v28 =	vld [tilespmem:s23+$0x60]  }
0x107: {  	v39 =	vld [tilespmem:s26+$0xFFFFFFB0]  }
0x108: {  	v32 =	vld.idx.msk [tilespmem:v58+s4+$0x0], $0xffff;
	v24 =	vadd.f32 v24, v27  }
0x109: {  	v62 =	vor.u32 v8, v18;
	v34 =	vld.idx.msk [tilespmem:v61+s4+$0x0], $0xffff  }
0x10a: {  	v40 =	vor.u32 v3, v20;
	v30 =	vld.idx.msk [tilespmem:v60+s4+$0x0], $0xffff;
	[tilespmem:s22+$0xFFFFFFD0] =	vst v24  }
0x10b: {  	[tilespmem:s29+$0x0] =	vst v23;
	v23 =	vmul.f32 v59, v29;
	v31 =	vld.idx.msk [tilespmem:v31+s4+$0x0], $0xffff;
	v28 =	vmul.f32 v28, v33  }
0x10c: {  	v37 =	vor.u32 v6, v21;
	v35 =	vld [tilespmem:s23+$0xFFFFFFE0]  }
0x10d: {  	v27 =	vld [tilespmem:s28+$0x10];
	v29 =	vadd.f32 v23, v22;
	v41 =	vadd.f32 v28, v32;
	v32 =	vor.u32 v4, v20  }
0x10e: {  	v36 =	vor.u32 v63, v17;
	v33 =	vld.idx.msk [tilespmem:v62+s4+$0x0], $0xffff  }
0x10f: {  	v24 =	vor.u32 v10, v25;
	v25 =	vor.u32 v14, v25;
	v38 =	vld.idx.msk [tilespmem:v40+s4+$0x0], $0xffff;
	[tilespmem:s29+$0xFFFFFF90] =	vst v29  }
0x110: {  	s25 =	simm.s32 $0x4;
	s17 =	smov.u32 s22;
	s11 =	smov.u32 s23;
	v22 =	vor.u32 v10, v19;
	v23 =	vor.u32 v10, v20;
	v29 =	vmul.f32 v39, v56;
	v28 =	vld [tilespmem:s28+$0xFFFFFFA0];
	[tilespmem:s22+$0x60] =	vst v41  }
.LBB2_12:
0x111: {  	s14 =	sadd.s32 s25, s8;
	s25 =	sadd.s32 $0x2, s25;
	v37 =	vld.idx.msk [tilespmem:v37+s4+$0x0], $0xffff  }
0x112: {  	v26 =	vmul.f32 v26, v34;
	v34 =	vor.u32 v12, v19;
	s1 =	sadd.s32 $0x2, s14;
	s14 =	sadd.s32 $0x3, s14;
	p1 =	slt.u32 s25, $0xE;
	v32 =	vld.idx.msk [tilespmem:v32+s4+$0x0], $0xffff  }
0x113: {  	v33 =	vmul.f32 v35, v33;
	v35 =	vor.u32 v10, v18;
	v39 =	vmov s1;
	v36 =	vld.idx.msk [tilespmem:v36+s4+$0x0], $0xffff  }
0x114: {  	v40 =	vmov s14;
	v26 =	vadd.f32 v26, v30;
	v30 =	vor.u32 v11, v19;
	v25 =	vld.idx.msk [tilespmem:v25+s4+$0x0], $0xffff  }
0x115: {  	v31 =	vadd.f32 v33, v31;
	v33 =	vld [tilespmem:s11+$0x70]  }
0x116: {  	v27 =	vmul.f32 v27, v38;
	[tilespmem:s19+$0x30] =	vst v26;
	v26 =	vor.u32 v14, v18;
	v38 =	vld.idx.msk [tilespmem:v24+s4+$0x0], $0xffff;
	v18 =	vmov v17  }
0x117: {  	v17 =	vmov v21;
	v24 =	vmov v22;
	v22 =	vmov v23;
	v34 =	vld.idx.msk [tilespmem:v34+s4+$0x0], $0xffff;
	[tilespmem:s17+$0xFFFFFFE0] =	vst v31  }
0x118: {  	v21 =	vadd.f32 v27, v32;
	v23 =	vld.idx.msk [tilespmem:v35+s4+$0x0], $0xffff  }
0x119: {  	v27 =	vadd.f32 v29, v36;
	v29 =	vld.idx.msk [tilespmem:v30+s4+$0x0], $0xffff  }
0x11a: {  	[tilespmem:s29+$0x10] =	vst v21;
	v21 =	vor.u32 v6, v20;
	v30 =	vld [tilespmem:s11+$0xFFFFFFF0];
	s11 =	smov.u32 s26;
	s26 =	smov.u32 s28  }
0x11b: {  	v31 =	vor.u32 v5, v17;
	[tilespmem:s19+$0xFFFFFFB0] =	vst v27;
	v26 =	vld.idx.msk [tilespmem:v26+s4+$0x0], $0xffff  }
0x11c: {  	v32 =	vor.u32 v5, v20;
	v33 =	vmul.f32 v33, v38;
	v27 =	vld.idx.msk [tilespmem:v39+s18+$0x0], $0xffff  }
0x11d: {  	v35 =	vld [tilespmem:s11+$0x40]  }
0x11e: {  	v38 =	vor.u32 v12, v18;
	v25 =	vadd.f32 v33, v25;
	v36 =	vld.idx.msk [tilespmem:v40+s18+$0x0], $0xffff  }
0x11f: {  	v33 =	vld.idx.msk [tilespmem:v21+s4+$0x0], $0xffff;
	v21 =	vmul.f32 v30, v23  }
0x120: {  	s28 =	sadd.s32 $0x100, s28;
	v30 =	vor.u32 v11, v18;
	v23 =	vld.idx.msk [tilespmem:v31+s4+$0x0], $0xffff;
	[tilespmem:s17+$0x70] =	vst v25  }
0x121: {  	v31 =	vor.u32 v15, v19;
	v25 =	vld.idx.msk [tilespmem:v32+s4+$0x0], $0xffff;
	v21 =	vadd.f32 v21, v26  }
0x122: {  	v26 =	vshll.u32 v27, $0x8;
	v27 =	vshll.u32 v27, $0x7;
	v32 =	vld [tilespmem:s26+$0x20];
	v34 =	vmul.f32 v35, v34  }
0x123: {  	v26 =	vand.u32 $0xFFFFF800, v26;
	v27 =	vand.u32 $0x380, v27;
	v35 =	vld.idx.msk [tilespmem:v38+s4+$0x0], $0xffff;
	[tilespmem:s17+$0xFFFFFFF0] =	vst v21;
	s17 =	smov.u32 s19;
	s19 =	smov.u32 s29  }
0x124: {  	v21 =	vor.u32 v27, v26;
	v26 =	vld [tilespmem:s11+$0xFFFFFFC0];
	v27 =	vadd.f32 v34, v29;
	v29 =	vor.u32 v13, v19  }
0x125: {  	v34 =	vor.u32 v1, v21;
	v30 =	vld.idx.msk [tilespmem:v30+s4+$0x0], $0xffff  }
0x126: {  	v38 =	vshll.u32 v36, $0x8;
	v36 =	vshll.u32 v36, $0x7;
	v23 =	vmul.f32 v28, v23;
	v39 =	vld [tilespmem:s28+$0x0];
	[tilespmem:s17+$0x40] =	vst v27  }
0x127: {  	v28 =	vand.u32 $0x380, v36;
	v27 =	vor.u32 v2, v21;
	v25 =	vmul.f32 v32, v25;
	v31 =	vld.idx.msk [tilespmem:v31+s4+$0x0], $0xffff  }
0x128: {  	v32 =	vand.u32 $0xFFFFF800, v38;
	v36 =	vadd.f32 v23, v37;
	v37 =	vor.u32 v7, v17;
	v38 =	vld [tilespmem:s11+$0x50]  }
0x129: {  	v40 =	vor.u32 v28, v32;
	v25 =	vadd.f32 v25, v33;
	v26 =	vmul.f32 v26, v35;
	v28 =	vld.idx.msk [tilespmem:v29+s4+$0x0], $0xffff  }
0x12a: {  	v32 =	vor.u32 v15, v18;
	v23 =	vor.u32 v10, v40;
	v29 =	vld.idx.msk [tilespmem:v34+s4+$0x0], $0xffff;
	[tilespmem:s29+$0xFFFFFFA0] =	vst v36  }
0x12b: {  	v34 =	vor.u32 v13, v18;
	v33 =	vld [tilespmem:s28+$0xFFFFFF80];
	v30 =	vadd.f32 v26, v30  }
0x12c: {  	v35 =	vor.u32 v1, v40;
	v27 =	vld.idx.msk [tilespmem:v27+s4+$0x0], $0xffff;
	[tilespmem:s29+$0x20] =	vst v25  }
0x12d: {  	v26 =	vld [tilespmem:s26+$0x30];
	[tilespmem:s17+$0xFFFFFFC0] =	vst v30;
	v25 =	vmul.f32 v38, v31  }
0x12e: {  	v30 =	vor.u32 v2, v40;
	v31 =	vld.idx.msk [tilespmem:v37+s4+$0x0], $0xffff  }
0x12f: {  	s29 =	sadd.s32 $0x100, s29;
	v36 =	vld.idx.msk [tilespmem:v32+s4+$0x0], $0xffff;
	v25 =	vadd.f32 v25, v28  }
0x130: {  	v28 =	vmul.f32 v33, v29;
	v29 =	vor.u32 v3, v21;
	v33 =	vld.idx.msk [tilespmem:v34+s4+$0x0], $0xffff  }
0x131: {  	v32 =	vld.idx.msk [tilespmem:v35+s4+$0x0], $0xffff;
	[tilespmem:s17+$0x50] =	vst v25  }
0x132: {  	v25 =	vadd.f32 v28, v27;
	v27 =	vor.u32 v4, v21;
	v28 =	vld [tilespmem:s11+$0xFFFFFFD0]  }
0x133: {  	v34 =	vor.u32 v8, v19;
	v30 =	vld.idx.msk [tilespmem:v30+s4+$0x0], $0xffff  }
0x134: {  	[tilespmem:s29+$0xFFFFFF80] =	vst v25;
	v25 =	vld [tilespmem:s26+$0xFFFFFFB0]  }
0x135: {  	v37 =	vor.u32 v9, v19;
	v35 =	vld.idx.msk [tilespmem:v29+s4+$0x0], $0xffff  }
0x136: {  	v41 =	vor.u32 v63, v20;
	v38 =	vld [tilespmem:s28+$0xFFFFFF90]  }
0x137: {  	v42 =	vld.idx.msk [tilespmem:v27+s4+$0x0], $0xffff;
	v27 =	vmul.f32 v39, v32;
	v32 =	vor.u32 v4, v40;
	v28 =	vmul.f32 v28, v36  }
0x138: {  	v36 =	vor.u32 v7, v20;
	v39 =	vor.u32 v9, v18;
	v43 =	vld.idx.msk [tilespmem:v34+s4+$0x0], $0xffff  }
0x139: {  	v27 =	vadd.f32 v27, v30;
	v29 =	vmul.f32 v25, v31;
	v25 =	vadd.f32 v28, v33;
	v28 =	vld [tilespmem:s11+$0x60]  }
0x13a: {  	v33 =	vor.u32 v8, v18;
	v44 =	vld.idx.msk [tilespmem:v37+s4+$0x0], $0xffff  }
0x13b: {  	v31 =	vmul.f32 v38, v35;
	[tilespmem:s29+$0x0] =	vst v27;
	v30 =	vld.idx.msk [tilespmem:v41+s4+$0x0], $0xffff  }
0x13c: {  	v27 =	vld [tilespmem:s28+$0x10];
	[tilespmem:s17+$0xFFFFFFD0] =	vst v25  }
0x13d: {  	v38 =	vor.u32 v3, v40;
	v25 =	vadd.f32 v31, v42;
	v31 =	vld.idx.msk [tilespmem:v39+s4+$0x0], $0xffff  }
.Ltmp6:
0x13e: {  	v37 =	vor.u32 v6, v21;
	v34 =	vld.idx.msk [tilespmem:v36+s4+$0x0], $0xffff;
	v28 =	vmul.f32 v28, v43;
	(pc) =	sbr.rel @p1 .LBB2_12-.Ltmp6, $4  }
0x13f: {  	[tilespmem:s29+$0xFFFFFF90] =	vst v25;
	v33 =	vld.idx.msk [tilespmem:v33+s4+$0x0], $0xffff  }
0x140: {  	v36 =	vor.u32 v63, v17;
	v35 =	vld [tilespmem:s11+$0xFFFFFFE0];
	v39 =	vadd.f32 v28, v44  }
0x141: {  	v25 =	vor.u32 v14, v19;
	v19 =	vmov v20;
	v20 =	vmov v40;
	v28 =	vld [tilespmem:s28+$0xFFFFFFA0]  }
0x142: {  	v38 =	vld.idx.msk [tilespmem:v38+s4+$0x0], $0xffff;
	[tilespmem:s17+$0x60] =	vst v39  }
.Ltmp7:
0x143: {  	_ = 	snop;
	(pc) =	sbr.rel .LBB2_13-.Ltmp7, $1  }
0x144: {  	_ =	sdelay $0x3  }
.LBB2_5:
0x145: {  	v18 =	vshll.u32 v17, $0x8;
	v17 =	vshll.u32 v17, $0x7  }
0x146: {  	v18 =	vand.u32 $0xFFFFF800, v18;
	v17 =	vand.u32 $0x380, v17  }
0x147: {  	v18 =	vor.u32 v17, v18  }
0x148: {  	v17 =	vor.u32 v1, v18  }
0x149: {  	v19 =	vor.u32 v3, v18  }
0x14a: {  	v34 =	vld [tilespmem:s15+$0x80];
	v20 =	vor.u32 v5, v18  }
0x14b: {  	v36 =	vld [tilespmem:s15+$0xFFFFFF80];
	v22 =	vor.u32 v12, v18  }
0x14c: {  	v50 =	vld [tilespmem:s15+$0xFFFFFF00];
	v21 =	vor.u32 v7, v18  }
0x14d: {  	v24 =	vor.u32 v2, v18;
	v26 =	vld.idx.msk [tilespmem:v17+s4+$0x0], $0xffff  }
0x14e: {  	v17 =	vor.u32 v15, v18;
	v27 =	vld.idx.msk [tilespmem:v19+s4+$0x0], $0xffff  }
0x14f: {  	v28 =	vld.idx.msk [tilespmem:v20+s4+$0x0], $0xffff;
	v20 =	vor.u32 v10, v18  }
0x150: {  	v23 =	vld.idx.msk [tilespmem:v22+s4+$0x0], $0xffff;
	v22 =	vor.u32 v4, v18  }
0x151: {  	v25 =	vld.idx.msk [tilespmem:v21+s4+$0x0], $0xffff  }
0x152: {  	v19 =	vor.u32 v8, v18;
	v30 =	vld.idx.msk [tilespmem:v24+s4+$0x0], $0xffff  }
0x153: {  	v24 =	vor.u32 v63, v18;
	v21 =	vld.idx.msk [tilespmem:v17+s4+$0x0], $0xffff  }
0x154: {  	v17 =	vld.idx.msk [tilespmem:v20+s4+$0x0], $0xffff;
	v20 =	vor.u32 v6, v18  }
0x155: {  	v31 =	vld.idx.msk [tilespmem:v22+s4+$0x0], $0xffff;
	v22 =	vor.u32 v11, v18  }
0x156: {  	v51 =	vld [tilespmem:s15+$0x0];
	v33 =	vor.u32 v13, v18  }
0x157: {  	v35 =	vor.u32 v9, v18;
	v19 =	vld.idx.msk [tilespmem:v19+s4+$0x0], $0xffff  }
0x158: {  	v18 =	vor.u32 v14, v18;
	v29 =	vld.idx.msk [tilespmem:v24+s4+$0x0], $0xffff  }
0x159: {  	v48 =	vmul.f32 v34, v26;
	v32 =	vld.idx.msk [tilespmem:v20+s4+$0x0], $0xffff  }
0x15a: {  	v24 =	vld.idx.msk [tilespmem:v22+s4+$0x0], $0xffff  }
0x15b: {  	v22 =	vld.idx.msk [tilespmem:v33+s4+$0x0], $0xffff;
	v33 =	vadd.f32 v48, v30  }
0x15c: {  	v20 =	vld.idx.msk [tilespmem:v35+s4+$0x0], $0xffff  }
0x15d: {  	v49 =	vmul.f32 v36, v26;
	v18 =	vld.idx.msk [tilespmem:v18+s4+$0x0], $0xffff;
	[tilespmem:s10+$0x80] =	vst v33  }
0x15e: {  	v36 =	vmul.f32 v51, v26;
	v33 =	vld [tilespmem:s15+$0x90]  }
0x15f: {  	v34 =	vadd.f32 v49, v30;
	v35 =	vmul.f32 v50, v26  }
0x160: {  	v36 =	vadd.f32 v36, v30  }
0x161: {  	[tilespmem:s10+$0xFFFFFF80] =	vst v34;
	v35 =	vadd.f32 v35, v30  }
0x162: {  	[tilespmem:s10+$0x0] =	vst v36;
	v34 =	vld [tilespmem:s15+$0xFFFFFF90]  }
0x163: {  	v36 =	vld [tilespmem:s15+$0x10];
	[tilespmem:s10+$0xFFFFFF00] =	vst v35;
	v33 =	vmul.f32 v33, v27  }
0x164: {  	v35 =	vld [tilespmem:s15+$0xFFFFFF10]  }
0x165: {  	v33 =	vadd.f32 v33, v31;
	_ =	sdelay $0x1  }
0x166: {  	v34 =	vmul.f32 v34, v27;
	[tilespmem:s10+$0x90] =	vst v33  }
0x167: {  	v36 =	vmul.f32 v36, v27;
	v33 =	vld [tilespmem:s15+$0xA0]  }
0x168: {  	v34 =	vadd.f32 v34, v31;
	v35 =	vmul.f32 v35, v27  }
0x169: {  	v36 =	vadd.f32 v36, v31  }
0x16a: {  	[tilespmem:s10+$0xFFFFFF90] =	vst v34;
	v35 =	vadd.f32 v35, v31  }
0x16b: {  	[tilespmem:s10+$0x10] =	vst v36;
	v34 =	vld [tilespmem:s15+$0xFFFFFFA0]  }
0x16c: {  	v36 =	vld [tilespmem:s15+$0x20];
	[tilespmem:s10+$0xFFFFFF10] =	vst v35;
	v33 =	vmul.f32 v33, v28  }
0x16d: {  	v35 =	vld [tilespmem:s15+$0xFFFFFF20]  }
0x16e: {  	s26 =	sadd.s32 $0x200, s15;
	v33 =	vadd.f32 v33, v32  }
0x16f: {  	v37 =	vld [tilespmem:s26+$0x80]  }
0x170: {  	v38 =	vld [tilespmem:s26+$0xFFFFFF80];
	v34 =	vmul.f32 v34, v28;
	[tilespmem:s10+$0xA0] =	vst v33  }
0x171: {  	v36 =	vmul.f32 v36, v28;
	v33 =	vld [tilespmem:s15+$0xB0]  }
0x172: {  	v34 =	vadd.f32 v34, v32;
	v35 =	vmul.f32 v35, v28  }
0x173: {  	v39 =	vld [tilespmem:s26+$0x0];
	v36 =	vadd.f32 v36, v32  }
0x174: {  	v52 =	vld [tilespmem:s26+$0xFFFFFF00];
	v37 =	vmul.f32 v37, v26;
	[tilespmem:s10+$0xFFFFFFA0] =	vst v34;
	v35 =	vadd.f32 v35, v32  }
0x175: {  	v38 =	vmul.f32 v38, v26;
	[tilespmem:s10+$0x20] =	vst v36;
	v34 =	vld [tilespmem:s15+$0xFFFFFFB0]  }
0x176: {  	v37 =	vadd.f32 v37, v30;
	v40 =	vld [tilespmem:s15+$0x30];
	[tilespmem:s10+$0xFFFFFF20] =	vst v35;
	v33 =	vmul.f32 v33, v25  }
0x177: {  	s19 =	sadd.s32 $0x200, s10;
	v54 =	vadd.f32 v38, v30;
	v53 =	vld [tilespmem:s15+$0xFFFFFF30]  }
0x178: {  	v56 =	vmul.f32 v39, v26;
	[tilespmem:s19+$0x80] =	vst v37;
	v33 =	vadd.f32 v33, v29  }
0x179: {  	[tilespmem:s19+$0xFFFFFF80] =	vst v54;
	v58 =	vld [tilespmem:s26+$0x90];
	v35 =	vmul.f32 v52, v26  }
0x17a: {  	v38 =	vadd.f32 v56, v30;
	v59 =	vld [tilespmem:s26+$0xFFFFFF90];
	v34 =	vmul.f32 v34, v25;
	[tilespmem:s10+$0xB0] =	vst v33  }
0x17b: {  	v35 =	vadd.f32 v35, v30;
	v40 =	vmul.f32 v40, v25;
	v55 =	vld [tilespmem:s15+$0xC0]  }
0x17c: {  	[tilespmem:s19+$0x0] =	vst v38;
	v34 =	vadd.f32 v34, v29;
	v36 =	vmul.f32 v53, v25  }
0x17d: {  	v60 =	vld [tilespmem:s26+$0x10];
	[tilespmem:s19+$0xFFFFFF00] =	vst v35;
	v61 =	vadd.f32 v40, v29  }
0x17e: {  	v62 =	vld [tilespmem:s26+$0xFFFFFF10];
	[tilespmem:s10+$0xFFFFFFB0] =	vst v34;
	v36 =	vadd.f32 v36, v29;
	v33 =	vmul.f32 v58, v27  }
0x17f: {  	v43 =	vmul.f32 v59, v27;
	[tilespmem:s10+$0x30] =	vst v61;
	v57 =	vld [tilespmem:s15+$0xFFFFFFC0]  }
0x180: {  	v44 =	vld [tilespmem:s15+$0x40];
	[tilespmem:s10+$0xFFFFFF30] =	vst v36;
	v33 =	vadd.f32 v33, v31;
	v34 =	vmul.f32 v55, v23  }
0x181: {  	v45 =	vadd.f32 v43, v31;
	v36 =	vld [tilespmem:s15+$0xFFFFFF40]  }
0x182: {  	v35 =	vmul.f32 v60, v27;
	[tilespmem:s19+$0x90] =	vst v33;
	v34 =	vadd.f32 v34, v24  }
0x183: {  	[tilespmem:s19+$0xFFFFFF90] =	vst v45;
	v48 =	vmul.f32 v62, v27;
	v49 =	vld [tilespmem:s26+$0xA0]  }
0x184: {  	v50 =	vld [tilespmem:s26+$0xFFFFFFA0];
	v35 =	vadd.f32 v35, v31;
	v37 =	vmul.f32 v57, v23;
	[tilespmem:s10+$0xC0] =	vst v34  }
0x185: {  	v38 =	vadd.f32 v48, v31;
	v39 =	vmul.f32 v44, v23;
	v46 =	vld [tilespmem:s15+$0xD0]  }
0x186: {  	[tilespmem:s19+$0x10] =	vst v35;
	v37 =	vadd.f32 v37, v24;
	v36 =	vmul.f32 v36, v23  }
0x187: {  	v53 =	vld [tilespmem:s26+$0x20];
	[tilespmem:s19+$0xFFFFFF10] =	vst v38;
	v54 =	vadd.f32 v39, v24  }
0x188: {  	v55 =	vld [tilespmem:s26+$0xFFFFFF20];
	[tilespmem:s10+$0xFFFFFFC0] =	vst v37;
	v51 =	vadd.f32 v36, v24;
	v34 =	vmul.f32 v49, v28  }
0x189: {  	v58 =	vmul.f32 v50, v28;
	[tilespmem:s10+$0x40] =	vst v54;
	v47 =	vld [tilespmem:s15+$0xFFFFFFD0]  }
0x18a: {  	v59 =	vld [tilespmem:s15+$0x50];
	[tilespmem:s10+$0xFFFFFF40] =	vst v51;
	v34 =	vadd.f32 v34, v32;
	v52 =	vmul.f32 v46, v21  }
0x18b: {  	s28 =	sadd.s32 $0x200, s26;
	v60 =	vadd.f32 v58, v32;
	v57 =	vld [tilespmem:s15+$0xFFFFFF50]  }
0x18c: {  	v41 =	vld [tilespmem:s28+$0x80];
	v37 =	vmul.f32 v53, v28;
	[tilespmem:s19+$0xA0] =	vst v34;
	v56 =	vadd.f32 v52, v22  }
0x18d: {  	[tilespmem:s19+$0xFFFFFFA0] =	vst v60;
	v44 =	vmul.f32 v55, v28;
	v45 =	vld [tilespmem:s26+$0xB0]  }
0x18e: {  	v37 =	vadd.f32 v37, v32;
	v33 =	vmul.f32 v47, v21;
	v46 =	vld [tilespmem:s26+$0xFFFFFFB0];
	[tilespmem:s10+$0xD0] =	vst v56  }
0x18f: {  	v38 =	vadd.f32 v44, v32;
	v40 =	vmul.f32 v59, v21;
	v61 =	vld [tilespmem:s15+$0xE0]  }
0x190: {  	v49 =	vld [tilespmem:s28+$0x0];
	[tilespmem:s19+$0x20] =	vst v37;
	v33 =	vadd.f32 v33, v22;
	v36 =	vmul.f32 v57, v21  }
0x191: {  	v41 =	vmul.f32 v41, v26;
	v47 =	vld [tilespmem:s28+$0xFFFFFF80];
	[tilespmem:s19+$0xFFFFFF20] =	vst v38;
	v48 =	vadd.f32 v40, v22  }
0x192: {  	v50 =	vld [tilespmem:s28+$0xFFFFFF00];
	[tilespmem:s10+$0xFFFFFFD0] =	vst v33;
	v36 =	vadd.f32 v36, v22;
	v35 =	vmul.f32 v45, v25  }
0x193: {  	v51 =	vld [tilespmem:s26+$0xFFFFFF30];
	[tilespmem:s10+$0x50] =	vst v48;
	v56 =	vadd.f32 v41, v30;
	v39 =	vmul.f32 v46, v25  }
0x194: {  	s17 =	sadd.s32 $0x200, s19;
	v62 =	vld [tilespmem:s15+$0xFFFFFFE0];
	[tilespmem:s10+$0xFFFFFF50] =	vst v36;
	v35 =	vadd.f32 v35, v29;
	v33 =	vmul.f32 v61, v19  }
0x195: {  	v42 =	vld [tilespmem:s26+$0x30];
	v55 =	vmul.f32 v49, v26;
	[tilespmem:s17+$0x80] =	vst v56;
	v53 =	vadd.f32 v39, v29  }
0x196: {  	v52 =	vmul.f32 v47, v26;
	v57 =	vld [tilespmem:s15+$0xFFFFFF60];
	[tilespmem:s19+$0xB0] =	vst v35;
	v33 =	vadd.f32 v33, v20  }
0x197: {  	v36 =	vmul.f32 v50, v26;
	v39 =	vadd.f32 v55, v30;
	[tilespmem:s19+$0xFFFFFFB0] =	vst v53;
	v58 =	vld [tilespmem:s26+$0xC0]  }
0x198: {  	v38 =	vmul.f32 v51, v25;
	v59 =	vld [tilespmem:s26+$0xFFFFFFC0];
	[tilespmem:s10+$0xE0] =	vst v33;
	v33 =	vadd.f32 v52, v30  }
0x199: {  	v34 =	vmul.f32 v62, v19;
	v36 =	vadd.f32 v36, v30;
	[tilespmem:s17+$0x0] =	vst v39;
	v54 =	vld [tilespmem:s15+$0xF0]  }
0x19a: {  	v60 =	vld [tilespmem:s28+$0x90];
	v38 =	vadd.f32 v38, v29;
	v61 =	vmul.f32 v42, v25;
	[tilespmem:s17+$0xFFFFFF80] =	vst v33  }
0x19b: {  	v34 =	vadd.f32 v34, v20;
	[tilespmem:s17+$0xFFFFFF00] =	vst v36;
	v35 =	vmul.f32 v57, v19;
	v62 =	vld [tilespmem:s28+$0xFFFFFF90]  }
0x19c: {  	v45 =	vld [tilespmem:s28+$0x10];
	[tilespmem:s19+$0xFFFFFF30] =	vst v38;
	v46 =	vadd.f32 v61, v29;
	v37 =	vmul.f32 v58, v23  }
0x19d: {  	v47 =	vld [tilespmem:s28+$0xFFFFFF10];
	[tilespmem:s10+$0xFFFFFFE0] =	vst v34;
	v35 =	vadd.f32 v35, v20;
	v40 =	vmul.f32 v59, v23  }
0x19e: {  	v38 =	vld [tilespmem:s26+$0xFFFFFF40];
	[tilespmem:s19+$0x30] =	vst v46;
	v37 =	vadd.f32 v37, v24;
	v34 =	vmul.f32 v54, v17  }
0x19f: {  	v39 =	vld [tilespmem:s26+$0x40];
	v33 =	vmul.f32 v60, v27;
	[tilespmem:s10+$0xFFFFFF60] =	vst v35;
	v40 =	vadd.f32 v40, v24  }
0x1a0: {  	v49 =	vld [tilespmem:s15+$0x60];
	[tilespmem:s19+$0xC0] =	vst v37;
	v34 =	vadd.f32 v34, v18;
	v48 =	vmul.f32 v62, v27  }
0x1a1: {  	v36 =	vmul.f32 v45, v27;
	v50 =	vld [tilespmem:s15+$0xFFFFFF70];
	v33 =	vadd.f32 v33, v31;
	[tilespmem:s19+$0xFFFFFFC0] =	vst v40  }
0x1a2: {  	v41 =	vmul.f32 v47, v27;
	v51 =	vld [tilespmem:s26+$0xD0];
	[tilespmem:s10+$0xF0] =	vst v34;
	v34 =	vadd.f32 v48, v31  }
0x1a3: {  	v52 =	vmul.f32 v38, v23;
	v36 =	vadd.f32 v36, v31;
	[tilespmem:s17+$0x90] =	vst v33;
	v53 =	vld [tilespmem:s26+$0xFFFFFFD0]  }
0x1a4: {  	v41 =	vadd.f32 v41, v31;
	v39 =	vmul.f32 v39, v23;
	v54 =	vld [tilespmem:s28+$0xA0];
	[tilespmem:s17+$0xFFFFFF90] =	vst v34  }
0x1a5: {  	v35 =	vmul.f32 v49, v19;
	[tilespmem:s17+$0x10] =	vst v36;
	v33 =	vadd.f32 v52, v24;
	v55 =	vld [tilespmem:s28+$0xFFFFFFA0]  }
0x1a6: {  	[tilespmem:s17+$0xFFFFFF10] =	vst v41;
	v36 =	vld [tilespmem:s28+$0x20];
	v39 =	vadd.f32 v39, v24;
	v37 =	vmul.f32 v50, v17  }
0x1a7: {  	v35 =	vadd.f32 v35, v20;
	v41 =	vld [tilespmem:s28+$0xFFFFFF20];
	[tilespmem:s19+$0xFFFFFF40] =	vst v33;
	v56 =	vmul.f32 v51, v21  }
0x1a8: {  	v57 =	vld [tilespmem:s26+$0xFFFFFF50];
	[tilespmem:s19+$0x40] =	vst v39;
	v37 =	vadd.f32 v37, v18;
	v38 =	vmul.f32 v53, v21  }
0x1a9: {  	[tilespmem:s10+$0x60] =	vst v35;
	v39 =	vld [tilespmem:s26+$0x50];
	v34 =	vmul.f32 v54, v28;
	v33 =	vadd.f32 v56, v22  }
0x1aa: {  	v59 =	vld [tilespmem:s15+$0xFFFFFFF0];
	[tilespmem:s10+$0xFFFFFF70] =	vst v37;
	v38 =	vadd.f32 v38, v22;
	v58 =	vmul.f32 v55, v28  }
0x1ab: {  	v60 =	vmul.f32 v36, v28;
	v34 =	vadd.f32 v34, v32;
	[tilespmem:s19+$0xD0] =	vst v33;
	v33 =	vld [tilespmem:s15+$0x70]  }
0x1ac: {  	v41 =	vmul.f32 v41, v28;
	[tilespmem:s19+$0xFFFFFFD0] =	vst v38;
	v36 =	vld [tilespmem:s26+$0xE0];
	v43 =	vadd.f32 v58, v32  }
0x1ad: {  	v61 =	vadd.f32 v60, v32;
	v62 =	vmul.f32 v57, v21;
	[tilespmem:s17+$0xA0] =	vst v34;
	v35 =	vld [tilespmem:s26+$0xFFFFFFE0]  }
0x1ae: {  	v41 =	vadd.f32 v41, v32;
	v37 =	vmul.f32 v39, v21;
	v40 =	vld [tilespmem:s28+$0xB0];
	[tilespmem:s17+$0xFFFFFFA0] =	vst v43  }
0x1af: {  	s11 =	simm.s32 $0x8;
	s29 =	smov.u32 s10;
	s25 =	sadd.s32 $0x200, s28;
	[tilespmem:s17+$0x20] =	vst v61;
	v38 =	vadd.f32 v62, v22;
	v34 =	vmul.f32 v59, v17;
	v39 =	vld [tilespmem:s28+$0xFFFFFFB0]  }
.LBB2_6:
0x1b0: {  	v42 =	vld [tilespmem:s25+$0x80];
	s11 =	sadd.s32 $0x4, s11;
	[tilespmem:s17+$0xFFFFFF20] =	vst v41;
	v37 =	vadd.f32 v37, v22;
	v33 =	vmul.f32 v33, v17  }
0x1b1: {  	v41 =	vld [tilespmem:s25+$0xFFFFFF80];
	p1 =	slt.u32 s11, $0xC;
	[tilespmem:s19+$0xFFFFFF50] =	vst v38;
	v36 =	vmul.f32 v36, v19;
	v34 =	vadd.f32 v34, v18  }
0x1b2: {  	v38 =	vld [tilespmem:s25+$0x0];
	v35 =	vmul.f32 v35, v19;
	[tilespmem:s19+$0x50] =	vst v37;
	v33 =	vadd.f32 v33, v18  }
0x1b3: {  	v37 =	vld [tilespmem:s25+$0xFFFFFF00];
	v40 =	vmul.f32 v40, v25;
	v36 =	vadd.f32 v36, v20;
	[tilespmem:s29+$0xFFFFFFF0] =	vst v34  }
0x1b4: {  	v34 =	vld [tilespmem:s28+$0xFFFFFF30];
	v39 =	vmul.f32 v39, v25;
	v35 =	vadd.f32 v35, v20;
	[tilespmem:s29+$0x70] =	vst v33;
	s29 =	smov.u32 s19;
	s19 =	smov.u32 s17  }
0x1b5: {  	v33 =	vmul.f32 v42, v26;
	v42 =	vld [tilespmem:s28+$0x30];
	v40 =	vadd.f32 v40, v29;
	[tilespmem:s29+$0xE0] =	vst v36  }
0x1b6: {  	v36 =	vmul.f32 v41, v26;
	v39 =	vadd.f32 v39, v29;
	[tilespmem:s29+$0xFFFFFFE0] =	vst v35;
	v35 =	vld [tilespmem:s26+$0xF0]  }
0x1b7: {  	v38 =	vmul.f32 v38, v26;
	v33 =	vadd.f32 v33, v30;
	[tilespmem:s17+$0xB0] =	vst v40;
	v40 =	vld [tilespmem:s26+$0xFFFFFF60]  }
0x1b8: {  	s17 =	sadd.s32 $0x200, s17;
	v37 =	vmul.f32 v37, v26;
	v36 =	vadd.f32 v36, v30;
	[tilespmem:s19+$0xFFFFFFB0] =	vst v39;
	v39 =	vld [tilespmem:s28+$0xC0]  }
0x1b9: {  	v38 =	vadd.f32 v38, v30;
	[tilespmem:s17+$0x80] =	vst v33;
	v33 =	vmul.f32 v34, v25;
	v34 =	vld [tilespmem:s28+$0xFFFFFFC0]  }
0x1ba: {  	v37 =	vadd.f32 v37, v30;
	[tilespmem:s17+$0xFFFFFF80] =	vst v36;
	v36 =	vld [tilespmem:s25+$0x90];
	v41 =	vmul.f32 v42, v25  }
0x1bb: {  	v42 =	vld [tilespmem:s25+$0xFFFFFF90];
	[tilespmem:s17+$0x0] =	vst v38;
	v33 =	vadd.f32 v33, v29;
	v35 =	vmul.f32 v35, v17  }
0x1bc: {  	[tilespmem:s17+$0xFFFFFF00] =	vst v37;
	v37 =	vld [tilespmem:s25+$0x10];
	v38 =	vadd.f32 v41, v29;
	v40 =	vmul.f32 v40, v19  }
0x1bd: {  	v41 =	vld [tilespmem:s25+$0xFFFFFF10];
	[tilespmem:s19+$0xFFFFFF30] =	vst v33;
	v33 =	vmul.f32 v39, v23;
	v35 =	vadd.f32 v35, v18  }
0x1be: {  	v39 =	vld [tilespmem:s28+$0xFFFFFF40];
	v34 =	vmul.f32 v34, v23;
	[tilespmem:s19+$0x30] =	vst v38;
	v38 =	vadd.f32 v40, v20  }
0x1bf: {  	v36 =	vmul.f32 v36, v27;
	v40 =	vld [tilespmem:s28+$0x40];
	v33 =	vadd.f32 v33, v24;
	[tilespmem:s29+$0xF0] =	vst v35  }
0x1c0: {  	v35 =	vmul.f32 v42, v27;
	v34 =	vadd.f32 v34, v24;
	[tilespmem:s29+$0xFFFFFF60] =	vst v38;
	v38 =	vld [tilespmem:s26+$0x60]  }
0x1c1: {  	v37 =	vmul.f32 v37, v27;
	v36 =	vadd.f32 v36, v31;
	[tilespmem:s19+$0xC0] =	vst v33;
	v33 =	vld [tilespmem:s26+$0xFFFFFF70]  }
0x1c2: {  	v41 =	vmul.f32 v41, v27;
	v35 =	vadd.f32 v35, v31;
	[tilespmem:s19+$0xFFFFFFC0] =	vst v34;
	v34 =	vld [tilespmem:s28+$0xD0]  }
0x1c3: {  	v37 =	vadd.f32 v37, v31;
	[tilespmem:s17+$0x90] =	vst v36;
	v36 =	vmul.f32 v39, v23;
	v39 =	vld [tilespmem:s28+$0xFFFFFFD0]  }
0x1c4: {  	v41 =	vadd.f32 v41, v31;
	[tilespmem:s17+$0xFFFFFF90] =	vst v35;
	v35 =	vld [tilespmem:s25+$0xA0];
	v40 =	vmul.f32 v40, v23  }
0x1c5: {  	v42 =	vld [tilespmem:s25+$0xFFFFFFA0];
	[tilespmem:s17+$0x10] =	vst v37;
	v36 =	vadd.f32 v36, v24;
	v37 =	vmul.f32 v38, v19  }
0x1c6: {  	[tilespmem:s17+$0xFFFFFF10] =	vst v41;
	v38 =	vld [tilespmem:s25+$0x20];
	v40 =	vadd.f32 v40, v24;
	v33 =	vmul.f32 v33, v17  }
0x1c7: {  	v41 =	vld [tilespmem:s25+$0xFFFFFF20];
	[tilespmem:s19+$0xFFFFFF40] =	vst v36;
	v34 =	vmul.f32 v34, v21;
	v36 =	vadd.f32 v37, v20  }
0x1c8: {  	v37 =	vld [tilespmem:s28+$0xFFFFFF50];
	v39 =	vmul.f32 v39, v21;
	[tilespmem:s19+$0x40] =	vst v40;
	v33 =	vadd.f32 v33, v18  }
0x1c9: {  	v35 =	vmul.f32 v35, v28;
	v43 =	vld [tilespmem:s28+$0x50];
	v34 =	vadd.f32 v34, v22;
	[tilespmem:s29+$0x60] =	vst v36  }
0x1ca: {  	v36 =	vmul.f32 v42, v28;
	v39 =	vadd.f32 v39, v22;
	[tilespmem:s29+$0xFFFFFF70] =	vst v33;
	v42 =	vld [tilespmem:s26+$0xFFFFFFF0]  }
.Ltmp8:
0x1cb: {  	v38 =	vmul.f32 v38, v28;
	v35 =	vadd.f32 v35, v32;
	[tilespmem:s19+$0xD0] =	vst v34;
	v33 =	vld [tilespmem:s26+$0x70];
	s26 =	smov.u32 s28;
	s28 =	smov.u32 s25;
	(pc) =	sbr.rel @p1 .LBB2_6-.Ltmp8, $4  }
0x1cc: {  	v34 =	vmul.f32 v41, v28;
	v40 =	vadd.f32 v36, v32;
	[tilespmem:s19+$0xFFFFFFD0] =	vst v39;
	v36 =	vld [tilespmem:s26+$0xE0]  }
0x1cd: {  	v38 =	vadd.f32 v38, v32;
	[tilespmem:s17+$0xA0] =	vst v35;
	v44 =	vmul.f32 v37, v21;
	v35 =	vld [tilespmem:s26+$0xFFFFFFE0]  }
0x1ce: {  	v41 =	vadd.f32 v34, v32;
	[tilespmem:s17+$0xFFFFFFA0] =	vst v40;
	v40 =	vld [tilespmem:s25+$0xB0];
	v37 =	vmul.f32 v43, v21  }
0x1cf: {  	s25 =	sadd.s32 $0x200, s25;
	v39 =	vld [tilespmem:s28+$0xFFFFFFB0];
	[tilespmem:s17+$0x20] =	vst v38;
	v38 =	vadd.f32 v44, v22;
	v34 =	vmul.f32 v42, v17  }
0x1d0: {  	[tilespmem:s17+$0xFFFFFF20] =	vst v41  }
0x1d1: {  	v26 =	vld [tilespmem:s28+$0xFFFFFF30]  }
0x1d2: {  	v27 =	vld [tilespmem:s28+$0x30];
	_ =	sdelay $0x1  }
0x1d3: {  	v28 =	vmul.f32 v40, v25  }
0x1d4: {  	v30 =	vmul.f32 v39, v25  }
0x1d5: {  	v28 =	vadd.f32 v28, v29;
	v26 =	vmul.f32 v26, v25  }
0x1d6: {  	v49 =	vmul.f32 v27, v25;
	v50 =	vadd.f32 v30, v29  }
0x1d7: {  	[tilespmem:s17+$0xB0] =	vst v28;
	v26 =	vadd.f32 v26, v29  }
0x1d8: {  	v25 =	vadd.f32 v49, v29;
	v28 =	vld [tilespmem:s28+$0xC0];
	[tilespmem:s17+$0xFFFFFFB0] =	vst v50  }
0x1d9: {  	v27 =	vld [tilespmem:s28+$0xFFFFFFC0];
	[tilespmem:s17+$0xFFFFFF30] =	vst v26  }
0x1da: {  	[tilespmem:s17+$0x30] =	vst v25;
	v26 =	vld [tilespmem:s28+$0xFFFFFF40]  }
0x1db: {  	v25 =	vld [tilespmem:s28+$0x40];
	_ =	sdelay $0x1  }
0x1dc: {  	v28 =	vmul.f32 v28, v23  }
0x1dd: {  	v27 =	vmul.f32 v27, v23  }
0x1de: {  	v28 =	vadd.f32 v28, v24;
	v26 =	vmul.f32 v26, v23  }
0x1df: {  	v51 =	vmul.f32 v25, v23;
	v53 =	vadd.f32 v27, v24  }
0x1e0: {  	[tilespmem:s17+$0xC0] =	vst v28;
	v52 =	vadd.f32 v26, v24  }
0x1e1: {  	v23 =	vadd.f32 v51, v24;
	v54 =	vld [tilespmem:s28+$0xD0];
	[tilespmem:s17+$0xFFFFFFC0] =	vst v53  }
0x1e2: {  	v56 =	vld [tilespmem:s28+$0xFFFFFFD0];
	[tilespmem:s17+$0xFFFFFF40] =	vst v52  }
0x1e3: {  	[tilespmem:s17+$0x40] =	vst v23;
	v55 =	vld [tilespmem:s28+$0xFFFFFF50]  }
0x1e4: {  	v23 =	vld [tilespmem:s28+$0x50];
	_ =	sdelay $0x1  }
0x1e5: {  	v57 =	vmul.f32 v54, v21  }
0x1e6: {  	v58 =	vadd.f32 v37, v22;
	[tilespmem:s19+$0xFFFFFF50] =	vst v38;
	v25 =	vmul.f32 v56, v21  }
0x1e7: {  	v59 =	vld [tilespmem:s26+$0xFFFFFF60];
	v26 =	vadd.f32 v57, v22;
	v24 =	vmul.f32 v55, v21  }
0x1e8: {  	[tilespmem:s19+$0x50] =	vst v58;
	v60 =	vmul.f32 v23, v21;
	v25 =	vadd.f32 v25, v22  }
0x1e9: {  	v62 =	vld [tilespmem:s26+$0x60];
	[tilespmem:s17+$0xD0] =	vst v26;
	v61 =	vadd.f32 v24, v22  }
0x1ea: {  	v21 =	vadd.f32 v60, v22;
	v26 =	vld [tilespmem:s28+$0xE0];
	[tilespmem:s17+$0xFFFFFFD0] =	vst v25  }
0x1eb: {  	v32 =	vmul.f32 v36, v19;
	v37 =	vld [tilespmem:s28+$0xFFFFFFE0];
	[tilespmem:s17+$0xFFFFFF50] =	vst v61  }
0x1ec: {  	v36 =	vmul.f32 v59, v19;
	[tilespmem:s17+$0x50] =	vst v21;
	v23 =	vld [tilespmem:s28+$0xFFFFFF60]  }
0x1ed: {  	v38 =	vmul.f32 v35, v19;
	v22 =	vadd.f32 v32, v20;
	v39 =	vld [tilespmem:s28+$0x60]  }
0x1ee: {  	v25 =	vadd.f32 v36, v20;
	v24 =	vmul.f32 v62, v19  }
0x1ef: {  	v21 =	vadd.f32 v38, v20;
	[tilespmem:s19+$0xE0] =	vst v22;
	v40 =	vmul.f32 v26, v19  }
0x1f0: {  	[tilespmem:s19+$0xFFFFFF60] =	vst v25;
	v24 =	vadd.f32 v24, v20;
	v41 =	vld [tilespmem:s26+$0xF0];
	v43 =	vmul.f32 v37, v19  }
0x1f1: {  	[tilespmem:s19+$0xFFFFFFE0] =	vst v21;
	v42 =	vld [tilespmem:s26+$0xFFFFFF70];
	v22 =	vadd.f32 v40, v20;
	v23 =	vmul.f32 v23, v19  }
0x1f2: {  	[tilespmem:s19+$0x60] =	vst v24;
	v44 =	vld [tilespmem:s26+$0xFFFFFFF0];
	v45 =	vmul.f32 v39, v19;
	v25 =	vadd.f32 v43, v20  }
0x1f3: {  	v46 =	vld [tilespmem:s26+$0x70];
	[tilespmem:s17+$0xE0] =	vst v22;
	v23 =	vadd.f32 v23, v20  }
0x1f4: {  	v47 =	vmul.f32 v33, v17;
	v19 =	vadd.f32 v45, v20;
	v48 =	vld [tilespmem:s28+$0xF0];
	[tilespmem:s17+$0xFFFFFFE0] =	vst v25  }
0x1f5: {  	v49 =	vadd.f32 v34, v18;
	v50 =	vmul.f32 v41, v17;
	v52 =	vld [tilespmem:s28+$0xFFFFFFF0];
	[tilespmem:s17+$0xFFFFFF60] =	vst v23  }
0x1f6: {  	v21 =	vmul.f32 v42, v17;
	v22 =	vadd.f32 v47, v18;
	[tilespmem:s17+$0x60] =	vst v19;
	v51 =	vld [tilespmem:s28+$0xFFFFFF70]  }
0x1f7: {  	[tilespmem:s29+$0xFFFFFFF0] =	vst v49;
	v54 =	vmul.f32 v44, v17;
	v53 =	vadd.f32 v50, v18;
	v55 =	vld [tilespmem:s28+$0x70]  }
0x1f8: {  	v21 =	vadd.f32 v21, v18;
	v56 =	vmul.f32 v46, v17;
	[tilespmem:s29+$0x70] =	vst v22  }
0x1f9: {  	v57 =	vadd.f32 v54, v18;
	[tilespmem:s19+$0xF0] =	vst v53;
	v58 =	vmul.f32 v48, v17  }
0x1fa: {  	[tilespmem:s19+$0xFFFFFF70] =	vst v21;
	v59 =	vadd.f32 v56, v18;
	v19 =	vmul.f32 v52, v17  }
0x1fb: {  	[tilespmem:s19+$0xFFFFFFF0] =	vst v57;
	v61 =	vadd.f32 v58, v18;
	v60 =	vmul.f32 v51, v17  }
.Ltmp9:
0x1fc: {  	[tilespmem:s19+$0x70] =	vst v59;
	v17 =	vmul.f32 v55, v17;
	v19 =	vadd.f32 v19, v18;
	(pc) =	sbr.rel .LBB2_14-.Ltmp9, $4  }
0x1fd: {  	[tilespmem:s17+$0xF0] =	vst v61;
	v62 =	vadd.f32 v60, v18  }
0x1fe: {  	v17 =	vadd.f32 v17, v18;
	[tilespmem:s17+$0xFFFFFFF0] =	vst v19  }
0x1ff: {  	[tilespmem:s17+$0xFFFFFF70] =	vst v62  }
0x200: {  	[tilespmem:s17+$0x70] =	vst v17  }
.LBB2_8:
0x201: {  	v18 =	vshll.u32 v17, $0x8;
	v17 =	vshll.u32 v17, $0x7  }
0x202: {  	v18 =	vand.u32 $0xFFFFF800, v18;
	v17 =	vand.u32 $0x380, v17  }
0x203: {  	v18 =	vor.u32 v17, v18  }
0x204: {  	v17 =	vor.u32 v1, v18  }
0x205: {  	s15 =	simm.s32 $0x4100;
	v19 =	vor.u32 v3, v18  }
0x206: {  	v34 =	vld [tilespmem:s15+$0x80];
	v20 =	vor.u32 v5, v18  }
0x207: {  	v36 =	vld [tilespmem:s15+$0xFFFFFF80];
	v22 =	vor.u32 v12, v18  }
0x208: {  	v50 =	vld [tilespmem:s15+$0xFFFFFF00];
	v21 =	vor.u32 v7, v18  }
0x209: {  	v24 =	vor.u32 v2, v18;
	v26 =	vld.idx.msk [tilespmem:v17+s4+$0x0], $0xffff  }
0x20a: {  	v17 =	vor.u32 v15, v18;
	v27 =	vld.idx.msk [tilespmem:v19+s4+$0x0], $0xffff  }
0x20b: {  	v28 =	vld.idx.msk [tilespmem:v20+s4+$0x0], $0xffff;
	v20 =	vor.u32 v10, v18  }
0x20c: {  	v23 =	vld.idx.msk [tilespmem:v22+s4+$0x0], $0xffff;
	v22 =	vor.u32 v4, v18  }
0x20d: {  	v25 =	vld.idx.msk [tilespmem:v21+s4+$0x0], $0xffff  }
0x20e: {  	v19 =	vor.u32 v8, v18;
	v30 =	vld.idx.msk [tilespmem:v24+s4+$0x0], $0xffff  }
0x20f: {  	v24 =	vor.u32 v63, v18;
	v21 =	vld.idx.msk [tilespmem:v17+s4+$0x0], $0xffff  }
0x210: {  	v17 =	vld.idx.msk [tilespmem:v20+s4+$0x0], $0xffff;
	v20 =	vor.u32 v6, v18  }
0x211: {  	v31 =	vld.idx.msk [tilespmem:v22+s4+$0x0], $0xffff;
	v22 =	vor.u32 v11, v18  }
0x212: {  	v51 =	vld [tilespmem:s15+$0x0];
	v33 =	vor.u32 v13, v18  }
0x213: {  	v35 =	vor.u32 v9, v18;
	v19 =	vld.idx.msk [tilespmem:v19+s4+$0x0], $0xffff  }
0x214: {  	v18 =	vor.u32 v14, v18;
	v29 =	vld.idx.msk [tilespmem:v24+s4+$0x0], $0xffff  }
0x215: {  	v48 =	vmul.f32 v34, v26;
	v32 =	vld.idx.msk [tilespmem:v20+s4+$0x0], $0xffff  }
0x216: {  	v24 =	vld.idx.msk [tilespmem:v22+s4+$0x0], $0xffff  }
0x217: {  	v22 =	vld.idx.msk [tilespmem:v33+s4+$0x0], $0xffff;
	v33 =	vadd.f32 v48, v30  }
0x218: {  	s6 =	simm.s32 $0xF100;
	v20 =	vld.idx.msk [tilespmem:v35+s4+$0x0], $0xffff  }
0x219: {  	v49 =	vmul.f32 v36, v26;
	v18 =	vld.idx.msk [tilespmem:v18+s4+$0x0], $0xffff;
	[tilespmem:s6+$0x80] =	vst v33  }
0x21a: {  	v36 =	vmul.f32 v51, v26;
	v33 =	vld [tilespmem:s15+$0x90]  }
0x21b: {  	v34 =	vadd.f32 v49, v30;
	v35 =	vmul.f32 v50, v26  }
0x21c: {  	v36 =	vadd.f32 v36, v30  }
0x21d: {  	[tilespmem:s6+$0xFFFFFF80] =	vst v34;
	v35 =	vadd.f32 v35, v30  }
0x21e: {  	[tilespmem:s6+$0x0] =	vst v36;
	v34 =	vld [tilespmem:s15+$0xFFFFFF90]  }
0x21f: {  	v36 =	vld [tilespmem:s15+$0x10];
	[tilespmem:s6+$0xFFFFFF00] =	vst v35;
	v33 =	vmul.f32 v33, v27  }
0x220: {  	v35 =	vld [tilespmem:s15+$0xFFFFFF10]  }
0x221: {  	v33 =	vadd.f32 v33, v31;
	_ =	sdelay $0x1  }
0x222: {  	v34 =	vmul.f32 v34, v27;
	[tilespmem:s6+$0x90] =	vst v33  }
0x223: {  	v36 =	vmul.f32 v36, v27;
	v33 =	vld [tilespmem:s15+$0xA0]  }
0x224: {  	v34 =	vadd.f32 v34, v31;
	v35 =	vmul.f32 v35, v27  }
0x225: {  	v36 =	vadd.f32 v36, v31  }
0x226: {  	[tilespmem:s6+$0xFFFFFF90] =	vst v34;
	v35 =	vadd.f32 v35, v31  }
0x227: {  	[tilespmem:s6+$0x10] =	vst v36;
	v34 =	vld [tilespmem:s15+$0xFFFFFFA0]  }
0x228: {  	v36 =	vld [tilespmem:s15+$0x20];
	[tilespmem:s6+$0xFFFFFF10] =	vst v35;
	v33 =	vmul.f32 v33, v28  }
0x229: {  	v35 =	vld [tilespmem:s15+$0xFFFFFF20]  }
0x22a: {  	s9 =	simm.s32 $0x4300;
	v33 =	vadd.f32 v33, v32  }
0x22b: {  	v37 =	vld [tilespmem:s9+$0x80]  }
0x22c: {  	v38 =	vld [tilespmem:s9+$0xFFFFFF80];
	v34 =	vmul.f32 v34, v28;
	[tilespmem:s6+$0xA0] =	vst v33  }
0x22d: {  	v36 =	vmul.f32 v36, v28;
	v33 =	vld [tilespmem:s15+$0xB0]  }
0x22e: {  	v34 =	vadd.f32 v34, v32;
	v35 =	vmul.f32 v35, v28  }
0x22f: {  	v39 =	vld [tilespmem:s9+$0x0];
	v36 =	vadd.f32 v36, v32  }
0x230: {  	v52 =	vld [tilespmem:s9+$0xFFFFFF00];
	v37 =	vmul.f32 v37, v26;
	[tilespmem:s6+$0xFFFFFFA0] =	vst v34;
	v35 =	vadd.f32 v35, v32  }
0x231: {  	v38 =	vmul.f32 v38, v26;
	[tilespmem:s6+$0x20] =	vst v36;
	v34 =	vld [tilespmem:s15+$0xFFFFFFB0]  }
0x232: {  	v37 =	vadd.f32 v37, v30;
	v40 =	vld [tilespmem:s15+$0x30];
	[tilespmem:s6+$0xFFFFFF20] =	vst v35;
	v33 =	vmul.f32 v33, v25  }
0x233: {  	s8 =	simm.s32 $0xF300;
	v54 =	vadd.f32 v38, v30;
	v53 =	vld [tilespmem:s15+$0xFFFFFF30]  }
0x234: {  	v56 =	vmul.f32 v39, v26;
	[tilespmem:s8+$0x80] =	vst v37;
	v33 =	vadd.f32 v33, v29  }
0x235: {  	[tilespmem:s8+$0xFFFFFF80] =	vst v54;
	v58 =	vld [tilespmem:s9+$0x90];
	v35 =	vmul.f32 v52, v26  }
0x236: {  	v38 =	vadd.f32 v56, v30;
	v59 =	vld [tilespmem:s9+$0xFFFFFF90];
	v34 =	vmul.f32 v34, v25;
	[tilespmem:s6+$0xB0] =	vst v33  }
0x237: {  	v35 =	vadd.f32 v35, v30;
	v40 =	vmul.f32 v40, v25;
	v55 =	vld [tilespmem:s15+$0xC0]  }
0x238: {  	[tilespmem:s8+$0x0] =	vst v38;
	v34 =	vadd.f32 v34, v29;
	v36 =	vmul.f32 v53, v25  }
0x239: {  	v60 =	vld [tilespmem:s9+$0x10];
	[tilespmem:s8+$0xFFFFFF00] =	vst v35;
	v61 =	vadd.f32 v40, v29  }
0x23a: {  	v62 =	vld [tilespmem:s9+$0xFFFFFF10];
	[tilespmem:s6+$0xFFFFFFB0] =	vst v34;
	v36 =	vadd.f32 v36, v29;
	v33 =	vmul.f32 v58, v27  }
0x23b: {  	v43 =	vmul.f32 v59, v27;
	[tilespmem:s6+$0x30] =	vst v61;
	v57 =	vld [tilespmem:s15+$0xFFFFFFC0]  }
0x23c: {  	v44 =	vld [tilespmem:s15+$0x40];
	[tilespmem:s6+$0xFFFFFF30] =	vst v36;
	v33 =	vadd.f32 v33, v31;
	v34 =	vmul.f32 v55, v23  }
0x23d: {  	v45 =	vadd.f32 v43, v31;
	v36 =	vld [tilespmem:s15+$0xFFFFFF40]  }
0x23e: {  	v35 =	vmul.f32 v60, v27;
	[tilespmem:s8+$0x90] =	vst v33;
	v34 =	vadd.f32 v34, v24  }
0x23f: {  	[tilespmem:s8+$0xFFFFFF90] =	vst v45;
	v48 =	vmul.f32 v62, v27;
	v49 =	vld [tilespmem:s9+$0xA0]  }
0x240: {  	v50 =	vld [tilespmem:s9+$0xFFFFFFA0];
	v35 =	vadd.f32 v35, v31;
	v37 =	vmul.f32 v57, v23;
	[tilespmem:s6+$0xC0] =	vst v34  }
0x241: {  	v38 =	vadd.f32 v48, v31;
	v39 =	vmul.f32 v44, v23;
	v46 =	vld [tilespmem:s15+$0xD0]  }
0x242: {  	[tilespmem:s8+$0x10] =	vst v35;
	v37 =	vadd.f32 v37, v24;
	v36 =	vmul.f32 v36, v23  }
0x243: {  	v53 =	vld [tilespmem:s9+$0x20];
	[tilespmem:s8+$0xFFFFFF10] =	vst v38;
	v54 =	vadd.f32 v39, v24  }
0x244: {  	v55 =	vld [tilespmem:s9+$0xFFFFFF20];
	[tilespmem:s6+$0xFFFFFFC0] =	vst v37;
	v51 =	vadd.f32 v36, v24;
	v34 =	vmul.f32 v49, v28  }
0x245: {  	v58 =	vmul.f32 v50, v28;
	[tilespmem:s6+$0x40] =	vst v54;
	v47 =	vld [tilespmem:s15+$0xFFFFFFD0]  }
0x246: {  	v59 =	vld [tilespmem:s15+$0x50];
	[tilespmem:s6+$0xFFFFFF40] =	vst v51;
	v34 =	vadd.f32 v34, v32;
	v52 =	vmul.f32 v46, v21  }
0x247: {  	s10 =	simm.s32 $0x4500;
	v60 =	vadd.f32 v58, v32;
	v57 =	vld [tilespmem:s15+$0xFFFFFF50]  }
0x248: {  	v41 =	vld [tilespmem:s10+$0x80];
	v37 =	vmul.f32 v53, v28;
	[tilespmem:s8+$0xA0] =	vst v34;
	v56 =	vadd.f32 v52, v22  }
0x249: {  	[tilespmem:s8+$0xFFFFFFA0] =	vst v60;
	v44 =	vmul.f32 v55, v28;
	v45 =	vld [tilespmem:s9+$0xB0]  }
0x24a: {  	v37 =	vadd.f32 v37, v32;
	v33 =	vmul.f32 v47, v21;
	v46 =	vld [tilespmem:s9+$0xFFFFFFB0];
	[tilespmem:s6+$0xD0] =	vst v56  }
0x24b: {  	v38 =	vadd.f32 v44, v32;
	v40 =	vmul.f32 v59, v21;
	v61 =	vld [tilespmem:s15+$0xE0]  }
0x24c: {  	v49 =	vld [tilespmem:s10+$0x0];
	[tilespmem:s8+$0x20] =	vst v37;
	v33 =	vadd.f32 v33, v22;
	v36 =	vmul.f32 v57, v21  }
0x24d: {  	v41 =	vmul.f32 v41, v26;
	v47 =	vld [tilespmem:s10+$0xFFFFFF80];
	[tilespmem:s8+$0xFFFFFF20] =	vst v38;
	v48 =	vadd.f32 v40, v22  }
0x24e: {  	v50 =	vld [tilespmem:s10+$0xFFFFFF00];
	[tilespmem:s6+$0xFFFFFFD0] =	vst v33;
	v36 =	vadd.f32 v36, v22;
	v35 =	vmul.f32 v45, v25  }
0x24f: {  	v51 =	vld [tilespmem:s9+$0xFFFFFF30];
	[tilespmem:s6+$0x50] =	vst v48;
	v56 =	vadd.f32 v41, v30;
	v39 =	vmul.f32 v46, v25  }
0x250: {  	s11 =	simm.s32 $0xF500;
	v62 =	vld [tilespmem:s15+$0xFFFFFFE0];
	[tilespmem:s6+$0xFFFFFF50] =	vst v36;
	v35 =	vadd.f32 v35, v29;
	v33 =	vmul.f32 v61, v19  }
0x251: {  	v42 =	vld [tilespmem:s9+$0x30];
	v55 =	vmul.f32 v49, v26;
	[tilespmem:s11+$0x80] =	vst v56;
	v53 =	vadd.f32 v39, v29  }
0x252: {  	v52 =	vmul.f32 v47, v26;
	v57 =	vld [tilespmem:s15+$0xFFFFFF60];
	[tilespmem:s8+$0xB0] =	vst v35;
	v33 =	vadd.f32 v33, v20  }
0x253: {  	v36 =	vmul.f32 v50, v26;
	v39 =	vadd.f32 v55, v30;
	[tilespmem:s8+$0xFFFFFFB0] =	vst v53;
	v58 =	vld [tilespmem:s9+$0xC0]  }
0x254: {  	v38 =	vmul.f32 v51, v25;
	v59 =	vld [tilespmem:s9+$0xFFFFFFC0];
	[tilespmem:s6+$0xE0] =	vst v33;
	v33 =	vadd.f32 v52, v30  }
0x255: {  	v34 =	vmul.f32 v62, v19;
	v36 =	vadd.f32 v36, v30;
	[tilespmem:s11+$0x0] =	vst v39;
	v54 =	vld [tilespmem:s15+$0xF0]  }
0x256: {  	v60 =	vld [tilespmem:s10+$0x90];
	v38 =	vadd.f32 v38, v29;
	v61 =	vmul.f32 v42, v25;
	[tilespmem:s11+$0xFFFFFF80] =	vst v33  }
0x257: {  	v34 =	vadd.f32 v34, v20;
	[tilespmem:s11+$0xFFFFFF00] =	vst v36;
	v35 =	vmul.f32 v57, v19;
	v62 =	vld [tilespmem:s10+$0xFFFFFF90]  }
0x258: {  	v45 =	vld [tilespmem:s10+$0x10];
	[tilespmem:s8+$0xFFFFFF30] =	vst v38;
	v46 =	vadd.f32 v61, v29;
	v37 =	vmul.f32 v58, v23  }
0x259: {  	v47 =	vld [tilespmem:s10+$0xFFFFFF10];
	[tilespmem:s6+$0xFFFFFFE0] =	vst v34;
	v35 =	vadd.f32 v35, v20;
	v40 =	vmul.f32 v59, v23  }
0x25a: {  	v38 =	vld [tilespmem:s9+$0xFFFFFF40];
	[tilespmem:s8+$0x30] =	vst v46;
	v37 =	vadd.f32 v37, v24;
	v34 =	vmul.f32 v54, v17  }
0x25b: {  	v39 =	vld [tilespmem:s9+$0x40];
	v33 =	vmul.f32 v60, v27;
	[tilespmem:s6+$0xFFFFFF60] =	vst v35;
	v40 =	vadd.f32 v40, v24  }
0x25c: {  	v49 =	vld [tilespmem:s15+$0x60];
	[tilespmem:s8+$0xC0] =	vst v37;
	v34 =	vadd.f32 v34, v18;
	v48 =	vmul.f32 v62, v27  }
0x25d: {  	v36 =	vmul.f32 v45, v27;
	v50 =	vld [tilespmem:s15+$0xFFFFFF70];
	v33 =	vadd.f32 v33, v31;
	[tilespmem:s8+$0xFFFFFFC0] =	vst v40  }
0x25e: {  	v41 =	vmul.f32 v47, v27;
	v51 =	vld [tilespmem:s9+$0xD0];
	[tilespmem:s6+$0xF0] =	vst v34;
	v34 =	vadd.f32 v48, v31  }
0x25f: {  	v52 =	vmul.f32 v38, v23;
	v36 =	vadd.f32 v36, v31;
	[tilespmem:s11+$0x90] =	vst v33;
	v53 =	vld [tilespmem:s9+$0xFFFFFFD0]  }
0x260: {  	v41 =	vadd.f32 v41, v31;
	v39 =	vmul.f32 v39, v23;
	v54 =	vld [tilespmem:s10+$0xA0];
	[tilespmem:s11+$0xFFFFFF90] =	vst v34  }
0x261: {  	v35 =	vmul.f32 v49, v19;
	[tilespmem:s11+$0x10] =	vst v36;
	v33 =	vadd.f32 v52, v24;
	v55 =	vld [tilespmem:s10+$0xFFFFFFA0]  }
0x262: {  	[tilespmem:s11+$0xFFFFFF10] =	vst v41;
	v36 =	vld [tilespmem:s10+$0x20];
	v39 =	vadd.f32 v39, v24;
	v37 =	vmul.f32 v50, v17  }
0x263: {  	v35 =	vadd.f32 v35, v20;
	v41 =	vld [tilespmem:s10+$0xFFFFFF20];
	[tilespmem:s8+$0xFFFFFF40] =	vst v33;
	v56 =	vmul.f32 v51, v21  }
0x264: {  	v57 =	vld [tilespmem:s9+$0xFFFFFF50];
	[tilespmem:s8+$0x40] =	vst v39;
	v37 =	vadd.f32 v37, v18;
	v38 =	vmul.f32 v53, v21  }
0x265: {  	[tilespmem:s6+$0x60] =	vst v35;
	v39 =	vld [tilespmem:s9+$0x50];
	v34 =	vmul.f32 v54, v28;
	v33 =	vadd.f32 v56, v22  }
0x266: {  	v59 =	vld [tilespmem:s15+$0xFFFFFFF0];
	[tilespmem:s6+$0xFFFFFF70] =	vst v37;
	v38 =	vadd.f32 v38, v22;
	v58 =	vmul.f32 v55, v28  }
0x267: {  	v60 =	vmul.f32 v36, v28;
	v34 =	vadd.f32 v34, v32;
	[tilespmem:s8+$0xD0] =	vst v33;
	v33 =	vld [tilespmem:s15+$0x70]  }
0x268: {  	v41 =	vmul.f32 v41, v28;
	[tilespmem:s8+$0xFFFFFFD0] =	vst v38;
	v36 =	vld [tilespmem:s9+$0xE0];
	v43 =	vadd.f32 v58, v32  }
0x269: {  	v61 =	vadd.f32 v60, v32;
	v62 =	vmul.f32 v57, v21;
	[tilespmem:s11+$0xA0] =	vst v34;
	v35 =	vld [tilespmem:s9+$0xFFFFFFE0]  }
0x26a: {  	v41 =	vadd.f32 v41, v32;
	v37 =	vmul.f32 v39, v21;
	v40 =	vld [tilespmem:s10+$0xB0];
	[tilespmem:s11+$0xFFFFFFA0] =	vst v43  }
0x26b: {  	s17 =	simm.s32 $0x4700;
	s15 =	simm.s32 $0x8;
	[tilespmem:s11+$0x20] =	vst v61;
	v38 =	vadd.f32 v62, v22;
	v34 =	vmul.f32 v59, v17;
	v39 =	vld [tilespmem:s10+$0xFFFFFFB0]  }
.LBB2_9:
0x26c: {  	v42 =	vld [tilespmem:s17+$0x80];
	s15 =	sadd.s32 $0x4, s15;
	[tilespmem:s11+$0xFFFFFF20] =	vst v41;
	v37 =	vadd.f32 v37, v22;
	v33 =	vmul.f32 v33, v17  }
0x26d: {  	v41 =	vld [tilespmem:s17+$0xFFFFFF80];
	p1 =	slt.u32 s15, $0xAC;
	[tilespmem:s8+$0xFFFFFF50] =	vst v38;
	v36 =	vmul.f32 v36, v19;
	v34 =	vadd.f32 v34, v18  }
0x26e: {  	v38 =	vld [tilespmem:s17+$0x0];
	v35 =	vmul.f32 v35, v19;
	[tilespmem:s8+$0x50] =	vst v37;
	v33 =	vadd.f32 v33, v18  }
0x26f: {  	v37 =	vld [tilespmem:s17+$0xFFFFFF00];
	v40 =	vmul.f32 v40, v25;
	v36 =	vadd.f32 v36, v20;
	[tilespmem:s6+$0xFFFFFFF0] =	vst v34  }
0x270: {  	v34 =	vld [tilespmem:s10+$0xFFFFFF30];
	v39 =	vmul.f32 v39, v25;
	v35 =	vadd.f32 v35, v20;
	[tilespmem:s6+$0x70] =	vst v33;
	s6 =	smov.u32 s8;
	s8 =	smov.u32 s11  }
0x271: {  	v33 =	vmul.f32 v42, v26;
	v42 =	vld [tilespmem:s10+$0x30];
	v40 =	vadd.f32 v40, v29;
	[tilespmem:s6+$0xE0] =	vst v36  }
0x272: {  	v36 =	vmul.f32 v41, v26;
	v39 =	vadd.f32 v39, v29;
	[tilespmem:s6+$0xFFFFFFE0] =	vst v35;
	v35 =	vld [tilespmem:s9+$0xF0]  }
0x273: {  	v38 =	vmul.f32 v38, v26;
	v33 =	vadd.f32 v33, v30;
	[tilespmem:s11+$0xB0] =	vst v40;
	v40 =	vld [tilespmem:s9+$0xFFFFFF60]  }
0x274: {  	s11 =	sadd.s32 $0x200, s11;
	v37 =	vmul.f32 v37, v26;
	v36 =	vadd.f32 v36, v30;
	[tilespmem:s8+$0xFFFFFFB0] =	vst v39;
	v39 =	vld [tilespmem:s10+$0xC0]  }
0x275: {  	v38 =	vadd.f32 v38, v30;
	[tilespmem:s11+$0x80] =	vst v33;
	v33 =	vmul.f32 v34, v25;
	v34 =	vld [tilespmem:s10+$0xFFFFFFC0]  }
0x276: {  	v37 =	vadd.f32 v37, v30;
	[tilespmem:s11+$0xFFFFFF80] =	vst v36;
	v36 =	vld [tilespmem:s17+$0x90];
	v41 =	vmul.f32 v42, v25  }
0x277: {  	v42 =	vld [tilespmem:s17+$0xFFFFFF90];
	[tilespmem:s11+$0x0] =	vst v38;
	v33 =	vadd.f32 v33, v29;
	v35 =	vmul.f32 v35, v17  }
0x278: {  	[tilespmem:s11+$0xFFFFFF00] =	vst v37;
	v37 =	vld [tilespmem:s17+$0x10];
	v38 =	vadd.f32 v41, v29;
	v40 =	vmul.f32 v40, v19  }
0x279: {  	v41 =	vld [tilespmem:s17+$0xFFFFFF10];
	[tilespmem:s8+$0xFFFFFF30] =	vst v33;
	v33 =	vmul.f32 v39, v23;
	v35 =	vadd.f32 v35, v18  }
0x27a: {  	v39 =	vld [tilespmem:s10+$0xFFFFFF40];
	v34 =	vmul.f32 v34, v23;
	[tilespmem:s8+$0x30] =	vst v38;
	v38 =	vadd.f32 v40, v20  }
0x27b: {  	v36 =	vmul.f32 v36, v27;
	v40 =	vld [tilespmem:s10+$0x40];
	v33 =	vadd.f32 v33, v24;
	[tilespmem:s6+$0xF0] =	vst v35  }
0x27c: {  	v35 =	vmul.f32 v42, v27;
	v34 =	vadd.f32 v34, v24;
	[tilespmem:s6+$0xFFFFFF60] =	vst v38;
	v38 =	vld [tilespmem:s9+$0x60]  }
0x27d: {  	v37 =	vmul.f32 v37, v27;
	v36 =	vadd.f32 v36, v31;
	[tilespmem:s8+$0xC0] =	vst v33;
	v33 =	vld [tilespmem:s9+$0xFFFFFF70]  }
0x27e: {  	v41 =	vmul.f32 v41, v27;
	v35 =	vadd.f32 v35, v31;
	[tilespmem:s8+$0xFFFFFFC0] =	vst v34;
	v34 =	vld [tilespmem:s10+$0xD0]  }
0x27f: {  	v37 =	vadd.f32 v37, v31;
	[tilespmem:s11+$0x90] =	vst v36;
	v36 =	vmul.f32 v39, v23;
	v39 =	vld [tilespmem:s10+$0xFFFFFFD0]  }
0x280: {  	v41 =	vadd.f32 v41, v31;
	[tilespmem:s11+$0xFFFFFF90] =	vst v35;
	v35 =	vld [tilespmem:s17+$0xA0];
	v40 =	vmul.f32 v40, v23  }
0x281: {  	v42 =	vld [tilespmem:s17+$0xFFFFFFA0];
	[tilespmem:s11+$0x10] =	vst v37;
	v36 =	vadd.f32 v36, v24;
	v37 =	vmul.f32 v38, v19  }
0x282: {  	[tilespmem:s11+$0xFFFFFF10] =	vst v41;
	v38 =	vld [tilespmem:s17+$0x20];
	v40 =	vadd.f32 v40, v24;
	v33 =	vmul.f32 v33, v17  }
0x283: {  	v41 =	vld [tilespmem:s17+$0xFFFFFF20];
	[tilespmem:s8+$0xFFFFFF40] =	vst v36;
	v34 =	vmul.f32 v34, v21;
	v36 =	vadd.f32 v37, v20  }
0x284: {  	v37 =	vld [tilespmem:s10+$0xFFFFFF50];
	v39 =	vmul.f32 v39, v21;
	[tilespmem:s8+$0x40] =	vst v40;
	v33 =	vadd.f32 v33, v18  }
0x285: {  	v35 =	vmul.f32 v35, v28;
	v43 =	vld [tilespmem:s10+$0x50];
	v34 =	vadd.f32 v34, v22;
	[tilespmem:s6+$0x60] =	vst v36  }
0x286: {  	v36 =	vmul.f32 v42, v28;
	v39 =	vadd.f32 v39, v22;
	[tilespmem:s6+$0xFFFFFF70] =	vst v33;
	v42 =	vld [tilespmem:s9+$0xFFFFFFF0]  }
.Ltmp10:
0x287: {  	v38 =	vmul.f32 v38, v28;
	v35 =	vadd.f32 v35, v32;
	[tilespmem:s8+$0xD0] =	vst v34;
	v33 =	vld [tilespmem:s9+$0x70];
	s9 =	smov.u32 s10;
	s10 =	smov.u32 s17;
	(pc) =	sbr.rel @p1 .LBB2_9-.Ltmp10, $4  }
0x288: {  	v34 =	vmul.f32 v41, v28;
	v40 =	vadd.f32 v36, v32;
	[tilespmem:s8+$0xFFFFFFD0] =	vst v39;
	v36 =	vld [tilespmem:s9+$0xE0]  }
0x289: {  	v38 =	vadd.f32 v38, v32;
	[tilespmem:s11+$0xA0] =	vst v35;
	v44 =	vmul.f32 v37, v21;
	v35 =	vld [tilespmem:s9+$0xFFFFFFE0]  }
0x28a: {  	v41 =	vadd.f32 v34, v32;
	[tilespmem:s11+$0xFFFFFFA0] =	vst v40;
	v40 =	vld [tilespmem:s17+$0xB0];
	v37 =	vmul.f32 v43, v21  }
0x28b: {  	s17 =	sadd.s32 $0x200, s17;
	v39 =	vld [tilespmem:s10+$0xFFFFFFB0];
	[tilespmem:s11+$0x20] =	vst v38;
	v38 =	vadd.f32 v44, v22;
	v34 =	vmul.f32 v42, v17  }
0x28c: {  	[tilespmem:s11+$0xFFFFFF20] =	vst v41  }
0x28d: {  	v26 =	vld [tilespmem:s10+$0xFFFFFF30]  }
0x28e: {  	v27 =	vld [tilespmem:s10+$0x30];
	_ =	sdelay $0x1  }
0x28f: {  	v28 =	vmul.f32 v40, v25  }
0x290: {  	v30 =	vmul.f32 v39, v25  }
0x291: {  	v28 =	vadd.f32 v28, v29;
	v26 =	vmul.f32 v26, v25  }
0x292: {  	v49 =	vmul.f32 v27, v25;
	v50 =	vadd.f32 v30, v29  }
0x293: {  	[tilespmem:s11+$0xB0] =	vst v28;
	v26 =	vadd.f32 v26, v29  }
0x294: {  	v25 =	vadd.f32 v49, v29;
	v28 =	vld [tilespmem:s10+$0xC0];
	[tilespmem:s11+$0xFFFFFFB0] =	vst v50  }
0x295: {  	v27 =	vld [tilespmem:s10+$0xFFFFFFC0];
	[tilespmem:s11+$0xFFFFFF30] =	vst v26  }
0x296: {  	[tilespmem:s11+$0x30] =	vst v25;
	v26 =	vld [tilespmem:s10+$0xFFFFFF40]  }
0x297: {  	v25 =	vld [tilespmem:s10+$0x40];
	_ =	sdelay $0x1  }
0x298: {  	v28 =	vmul.f32 v28, v23  }
0x299: {  	v27 =	vmul.f32 v27, v23  }
0x29a: {  	v28 =	vadd.f32 v28, v24;
	v26 =	vmul.f32 v26, v23  }
0x29b: {  	v51 =	vmul.f32 v25, v23;
	v53 =	vadd.f32 v27, v24  }
0x29c: {  	[tilespmem:s11+$0xC0] =	vst v28;
	v52 =	vadd.f32 v26, v24  }
0x29d: {  	v23 =	vadd.f32 v51, v24;
	v54 =	vld [tilespmem:s10+$0xD0];
	[tilespmem:s11+$0xFFFFFFC0] =	vst v53  }
0x29e: {  	v56 =	vld [tilespmem:s10+$0xFFFFFFD0];
	[tilespmem:s11+$0xFFFFFF40] =	vst v52  }
0x29f: {  	[tilespmem:s11+$0x40] =	vst v23;
	v55 =	vld [tilespmem:s10+$0xFFFFFF50]  }
0x2a0: {  	v23 =	vld [tilespmem:s10+$0x50];
	_ =	sdelay $0x1  }
0x2a1: {  	v57 =	vmul.f32 v54, v21  }
0x2a2: {  	v58 =	vadd.f32 v37, v22;
	[tilespmem:s8+$0xFFFFFF50] =	vst v38;
	v25 =	vmul.f32 v56, v21  }
0x2a3: {  	v59 =	vld [tilespmem:s9+$0xFFFFFF60];
	v26 =	vadd.f32 v57, v22;
	v24 =	vmul.f32 v55, v21  }
0x2a4: {  	[tilespmem:s8+$0x50] =	vst v58;
	v60 =	vmul.f32 v23, v21;
	v25 =	vadd.f32 v25, v22  }
0x2a5: {  	v62 =	vld [tilespmem:s9+$0x60];
	[tilespmem:s11+$0xD0] =	vst v26;
	v61 =	vadd.f32 v24, v22  }
0x2a6: {  	v21 =	vadd.f32 v60, v22;
	v26 =	vld [tilespmem:s10+$0xE0];
	[tilespmem:s11+$0xFFFFFFD0] =	vst v25  }
0x2a7: {  	v32 =	vmul.f32 v36, v19;
	v37 =	vld [tilespmem:s10+$0xFFFFFFE0];
	[tilespmem:s11+$0xFFFFFF50] =	vst v61  }
0x2a8: {  	v36 =	vmul.f32 v59, v19;
	[tilespmem:s11+$0x50] =	vst v21;
	v23 =	vld [tilespmem:s10+$0xFFFFFF60]  }
0x2a9: {  	v38 =	vmul.f32 v35, v19;
	v22 =	vadd.f32 v32, v20;
	v39 =	vld [tilespmem:s10+$0x60]  }
0x2aa: {  	v25 =	vadd.f32 v36, v20;
	v24 =	vmul.f32 v62, v19  }
0x2ab: {  	v21 =	vadd.f32 v38, v20;
	[tilespmem:s8+$0xE0] =	vst v22;
	v40 =	vmul.f32 v26, v19  }
0x2ac: {  	[tilespmem:s8+$0xFFFFFF60] =	vst v25;
	v24 =	vadd.f32 v24, v20;
	v41 =	vld [tilespmem:s9+$0xF0];
	v43 =	vmul.f32 v37, v19  }
0x2ad: {  	[tilespmem:s8+$0xFFFFFFE0] =	vst v21;
	v42 =	vld [tilespmem:s9+$0xFFFFFF70];
	v22 =	vadd.f32 v40, v20;
	v23 =	vmul.f32 v23, v19  }
0x2ae: {  	[tilespmem:s8+$0x60] =	vst v24;
	v44 =	vld [tilespmem:s9+$0xFFFFFFF0];
	v45 =	vmul.f32 v39, v19;
	v25 =	vadd.f32 v43, v20  }
0x2af: {  	v46 =	vld [tilespmem:s9+$0x70];
	[tilespmem:s11+$0xE0] =	vst v22;
	v23 =	vadd.f32 v23, v20  }
0x2b0: {  	v47 =	vmul.f32 v33, v17;
	v19 =	vadd.f32 v45, v20;
	v48 =	vld [tilespmem:s10+$0xF0];
	[tilespmem:s11+$0xFFFFFFE0] =	vst v25  }
0x2b1: {  	v49 =	vadd.f32 v34, v18;
	v50 =	vmul.f32 v41, v17;
	v52 =	vld [tilespmem:s10+$0xFFFFFFF0];
	[tilespmem:s11+$0xFFFFFF60] =	vst v23  }
0x2b2: {  	v21 =	vmul.f32 v42, v17;
	v22 =	vadd.f32 v47, v18;
	[tilespmem:s11+$0x60] =	vst v19;
	v51 =	vld [tilespmem:s10+$0xFFFFFF70]  }
0x2b3: {  	[tilespmem:s6+$0xFFFFFFF0] =	vst v49;
	v54 =	vmul.f32 v44, v17;
	v53 =	vadd.f32 v50, v18;
	v55 =	vld [tilespmem:s10+$0x70]  }
0x2b4: {  	v21 =	vadd.f32 v21, v18;
	v56 =	vmul.f32 v46, v17;
	[tilespmem:s6+$0x70] =	vst v22  }
0x2b5: {  	v57 =	vadd.f32 v54, v18;
	[tilespmem:s8+$0xF0] =	vst v53;
	v58 =	vmul.f32 v48, v17  }
0x2b6: {  	[tilespmem:s8+$0xFFFFFF70] =	vst v21;
	v59 =	vadd.f32 v56, v18;
	v19 =	vmul.f32 v52, v17  }
0x2b7: {  	[tilespmem:s8+$0xFFFFFFF0] =	vst v57;
	v61 =	vadd.f32 v58, v18;
	v60 =	vmul.f32 v51, v17  }
0x2b8: {  	[tilespmem:s8+$0x70] =	vst v59;
	v17 =	vmul.f32 v55, v17;
	v19 =	vadd.f32 v19, v18  }
0x2b9: {  	[tilespmem:s11+$0xF0] =	vst v61;
	v62 =	vadd.f32 v60, v18  }
0x2ba: {  	v17 =	vadd.f32 v17, v18;
	[tilespmem:s11+$0xFFFFFFF0] =	vst v19  }
0x2bb: {  	[tilespmem:s11+$0xFFFFFF70] =	vst v62  }
0x2bc: {  	[tilespmem:s11+$0x70] =	vst v17  }
.LBB2_15:
0x2bd: {  	s1 =	sshll.u32 s21, $0x4;
	s6 =	rddreg [dreg:$0x3]  }
0x2be: {  	s26 =	simm.s32 $0xF000;
	p1 =	seq.s32 s2, $0x5;
	s1 =	sadd.s32 s6, s1  }
0x2bf: {  	[hbm4b:s1+s4] =	stream.linear.scatter [tilespmem:s26], [sflag:$0x3], $0x5800, $0x38;
	[tilespmem:$0x1A880] =	vst v63  }
0x2c0: {  	s1 =	sadd.s32 @!p1 s0, s12  }
0x2c1: {  	p2 =	slt.s32 @!p1 s1, $0xE9B0  }
0x2c2: {  	p2 =	por !p2, p1  }
0x2c3: {  	s21 =	sadd.s32 s0, s13;
	s1 =	simm.s32 @p2 $0xE9B0  }
0x2c4: {  	s6 =	simm.s32 @!p1 $0x0;
	p2 =	slt.s32 s21, $0xE9B0;
	s1 =	sshll.u32 @!p1 s1, $0x4  }
0x2c5: {  	s8 =	simm.s32 @!p1 $0x4000;
	s21 =	simm.s32 @!p2 $0xE9B0;
	s1 =	sadd.s32 @!p1 s3, s1  }
0x2c6: {  	[tilespmem:s8], [sflag:$0x1] =	stream.linear.gather @!p1 [hbm4b:s1+s6], $0x5800, $0x38;
	[tilespmem:$0x1A880] =	vst v63  }
0x2c7: {  	s6 =	ssub.s32 s21, s7;
	_ =	swait.ge [sflag:s24], $0x5800  }
0x2c8: {  	v17 =	vmov s6;
	s28 =	sadd.s32 $0xAF, s6;
	[sflag:s24] =	ssyncset.done $0x0  }
0x2c9: {  	s1 =	simm.s32 @!p0 $0x4;
	v18 =	vmov s28;
	[sflag:s24] =	ssyncadd.s32 $0xFFFFA800  }
0x2ca: {  	_ =	swait.ge @!p0 [sflag:s1], $0x5800  }
0x2cb: {  	[sflag:s1] =	ssyncset.done @!p0 $0x0  }
0x2cc: {  	[sflag:s1] =	ssyncadd.s32 @!p0 $0xFFFFA800  }
0x2cd: {  	v17 =	vld.idx.msk [tilespmem:v17+s18+$0x0], $0xffff  }
0x2ce: {  	v18 =	vld.idx.msk [tilespmem:v18+s18+$0x0], $0xffff;
	_ =	sdelay $0x4  }
0x2cf: {  	vm0 =	veq.s32 v17, v18  }
0x2d0: {  	v18 =	vsel vm0, $0x3F800000, v0  }
0x2d1: {  	(xrf0) =	vmin.scan.msk.f32 $0xffff, v18;
	_ =	sdelay $0x5  }
0x2d2: {  	v18, _, _ =	vpop (xrf0)  }
0x2d3: {  	(v2sf) =	vpush v18, $0xF;
	_ =	sdelay $0xe  }
0x2d4: {  	s29 =	spop (v2sf)  }
0x2d5: {  	p0 =	sgt.f32 s29, $0.0e+00  }
.Ltmp11:
0x2d6: {  	_ = 	snop;
	(pc) =	sbr.rel @p0 .LBB2_21-.Ltmp11, $1  }
0x2d7: {  	_ =	sdelay $0x3  }
.Ltmp12:
0x2d8: {  	(pc) =	sbr.rel .LBB2_17-.Ltmp12, $4  }
0x2d9: {  	_ = 	snop  }
0x2da: {  	p0 =	slt.s32 s30, $0xE9B0;
	s1 =	smov.u32 s30  }
0x2db: {  	s1 =	simm.s32 @!p0 $0xE9B0  }
0x2dc: {  	s9 =	simm.s32 $0x0;
	s10 =	simm.s32 $0x0;
	s8 =	sadd.s32 s1, s16  }
.LBB2_26:
0x2dd: {  	_ =	sdelay $0x1  }
0x2de: {  	[tilespmem:s19+$0x14810] =	vst v60  }
0x2df: {  	v63 =	vld [tilespmem:$0x1FFC0]  }
0x2e0: {  	v2 =	vld.idx.msk [tilespmem:v51+s4+$0x0], $0xffff;
	_ =	sdelay $0x1  }
0x2e1: {  	v4 =	vld.idx.msk [tilespmem:v49+s4+$0x0], $0xffff  }
0x2e2: {  	v0 =	vadd.f32 v59, v57  }
0x2e3: {  	v1 =	vor.u32 v63, v23  }
0x2e4: {  	v3 =	vld [tilespmem:s19+$0x98B0];
	[tilespmem:s19+$0x148A0] =	vst v0;
	v2 =	vmul.f32 v50, v2  }
0x2e5: {  	v0 =	vld.idx.msk [tilespmem:v58+s4+$0x0], $0xffff  }
0x2e6: {  	v16 =	vld [tilespmem:$0x1FFF0];
	v2 =	vadd.f32 v2, v4;
	_ =	sdelay $0x1  }
0x2e7: {  	[tilespmem:s19+$0x14820] =	vst v2;
	v1 =	vld.idx.msk [tilespmem:v1+s4+$0x0], $0xffff  }
0x2e8: {  	v11 =	vld [tilespmem:$0x1FFD0]  }
0x2e9: {  	v2 =	vld.idx.msk [tilespmem:v45+s4+$0x0], $0xffff  }
0x2ea: {  	v0 =	vmul.f32 v3, v0;
	v3 =	vor.u32 v16, v23  }
0x2eb: {  	v4 =	vld.idx.msk [tilespmem:v43+s4+$0x0], $0xffff  }
0x2ec: {  	v0 =	vadd.f32 v0, v1  }
0x2ed: {  	v1 =	vor.u32 v11, v23  }
0x2ee: {  	v2 =	vmul.f32 v44, v2;
	[tilespmem:s19+$0x148B0] =	vst v0  }
0x2ef: {  	v0 =	vld.idx.msk [tilespmem:v3+s4+$0x0], $0xffff  }
0x2f0: {  	v2 =	vadd.f32 v2, v4;
	v3 =	vld [tilespmem:s19+$0x98C0];
	_ =	sdelay $0x1  }
0x2f1: {  	[tilespmem:s19+$0x14830] =	vst v2;
	v1 =	vld.idx.msk [tilespmem:v1+s4+$0x0], $0xffff  }
0x2f2: {  	v13 =	vld [tilespmem:$0x1FFE0];
	_ =	sdelay $0x1  }
0x2f3: {  	v0 =	vmul.f32 v3, v0;
	v3 =	vor.u32 v15, v23;
	_ =	sdelay $0x1  }
0x2f4: {  	v0 =	vadd.f32 v0, v1  }
0x2f5: {  	v62 =	vld [tilespmem:s19+$0x98D0];
	v1 =	vor.u32 v13, v23  }
0x2f6: {  	[tilespmem:s19+$0x148C0] =	vst v0;
	v0 =	vld.idx.msk [tilespmem:v40+s4+$0x0], $0xffff  }
0x2f7: {  	v2 =	vld.idx.msk [tilespmem:v3+s4+$0x0], $0xffff  }
0x2f8: {  	v3 =	vld.idx.msk [tilespmem:v39+s4+$0x0], $0xffff  }
0x2f9: {  	v43 =	vadd.f32 v54, v55  }
0x2fa: {  	v1 =	vld.idx.msk [tilespmem:v1+s4+$0x0], $0xffff  }
0x2fb: {  	[tilespmem:s17+$0x14840] =	vst v43;
	v0 =	vmul.f32 v38, v0  }
0x2fc: {  	v40 =	vld [tilespmem:$0x1FFA0]  }
0x2fd: {  	v34 =	vld.idx.msk [tilespmem:v34+s4+$0x0], $0xffff;
	v2 =	vmul.f32 v62, v2;
	v0 =	vadd.f32 v0, v3  }
0x2fe: {  	v5 =	vld [tilespmem:s19+$0x9860]  }
0x2ff: {  	[tilespmem:s19+$0x14840] =	vst v0;
	v0 =	vadd.f32 v2, v1;
	v2 =	vld.idx.msk [tilespmem:v33+s4+$0x0], $0xffff  }
0x300: {  	v45 =	vld [tilespmem:$0x1FF80]  }
0x301: {  	v44 =	vor.u32 v40, v23;
	v1 =	vld.idx.msk [tilespmem:v46+s4+$0x0], $0xffff  }
0x302: {  	v27 =	vld.idx.msk [tilespmem:v27+s4+$0x0], $0xffff;
	v20 =	vmul.f32 v20, v34  }
0x303: {  	[tilespmem:s19+$0x148D0] =	vst v0;
	v0 =	vld.idx.msk [tilespmem:v47+s4+$0x0], $0xffff  }
0x304: {  	v26 =	vld.idx.msk [tilespmem:v26+s4+$0x0], $0xffff;
	v2 =	vadd.f32 v20, v2  }
0x305: {  	v47 =	vld [tilespmem:s19+$0x98E0];
	v46 =	vor.u32 v45, v23  }
0x306: {  	v38 =	vld.idx.msk [tilespmem:v44+s4+$0x0], $0xffff;
	v1 =	vmul.f32 v52, v1;
	[tilespmem:s17+$0x14850] =	vst v2  }
0x307: {  	v50 =	vld [tilespmem:$0x1FFB0]  }
0x308: {  	v0 =	vadd.f32 v1, v0;
	v31 =	vld.idx.msk [tilespmem:v31+s4+$0x0], $0xffff  }
0x309: {  	v54 =	vld.idx.msk [tilespmem:v30+s4+$0x0], $0xffff  }
0x30a: {  	[tilespmem:s19+$0x14850] =	vst v0;
	v49 =	vld.idx.msk [tilespmem:v46+s4+$0x0], $0xffff  }
0x30b: {  	v14 =	vld [tilespmem:$0x1FF90]  }
0x30c: {  	v0 =	vld.idx.msk [tilespmem:v48+s4+$0x0], $0xffff  }
0x30d: {  	v58 =	vld [tilespmem:s19+$0x98F0]  }
0x30e: {  	v4 =	vld [tilespmem:s19+$0x9870];
	v2 =	vmul.f32 v47, v38;
	v51 =	vor.u32 v50, v23  }
0x30f: {  	v3 =	vld.idx.msk [tilespmem:v56+s4+$0x0], $0xffff;
	v22 =	vmul.f32 v22, v31  }
0x310: {  	v55 =	vld.idx.msk [tilespmem:v41+s4+$0x0], $0xffff;
	v2 =	vadd.f32 v2, v49;
	v52 =	vor.u32 v14, v23  }
0x311: {  	v19 =	vmul.f32 v19, v27;
	v56 =	vld.idx.msk [tilespmem:v32+s4+$0x0], $0xffff;
	v0 =	vmul.f32 v5, v0;
	v5 =	vadd.f32 v22, v54  }
0x312: {  	v1 =	vld.idx.msk [tilespmem:v25+s4+$0x0], $0xffff;
	[tilespmem:s19+$0x148E0] =	vst v2  }
0x313: {  	v2 =	vadd.f32 v19, v26;
	[tilespmem:s17+$0x14860] =	vst v5;
	v57 =	vld.idx.msk [tilespmem:v51+s4+$0x0], $0xffff  }
0x314: {  	v5 =	vld.idx.msk [tilespmem:v35+s4+$0x0], $0xffff  }
0x315: {  	v0 =	vadd.f32 v0, v55;
	[tilespmem:s15+$0x14860] =	vst v2;
	v2 =	vld.idx.msk [tilespmem:v52+s4+$0x0], $0xffff  }
0x316: {  	v59 =	vld.idx.msk [tilespmem:v28+s4+$0x0], $0xffff  }
0x317: {  	[tilespmem:s19+$0x14860] =	vst v0;
	v60 =	vld.idx.msk [tilespmem:v24+s4+$0x0], $0xffff  }
0x318: {  	v0 =	vmul.f32 v53, v42;
	v61 =	vld.idx.msk [tilespmem:v36+s4+$0x0], $0xffff  }
0x319: {  	v1 =	vmul.f32 v17, v1;
	v17 =	vld.idx.msk [tilespmem:v29+s4+$0x0], $0xffff  }
0x31a: {  	v62 =	vld.idx.msk [tilespmem:v37+s4+$0x0], $0xffff;
	v0 =	vadd.f32 v0, v3;
	v3 =	vmul.f32 v58, v57  }
0x31b: {  	v1 =	vadd.f32 v1, v56;
	v18 =	vmul.f32 v18, v59  }
0x31c: {  	[tilespmem:s17+$0x148F0] =	vst v0;
	v0 =	vadd.f32 v3, v2;
	v2 =	vmul.f32 v21, v5  }
0x31d: {  	[tilespmem:s11+$0x14870] =	vst v1;
	v3 =	vmul.f32 v4, v61;
	v1 =	vadd.f32 v18, v60  }
0x31e: {  	[tilespmem:s19+$0x148F0] =	vst v0;
	v0 =	vadd.f32 v2, v17  }
0x31f: {  	v4 =	vmov v9;
	[tilespmem:s15+$0x14870] =	vst v1;
	v1 =	vadd.f32 v3, v62  }
0x320: {  	v5 =	vmovc v10;
	v9 =	vmovc v45;
	v10 =	vmov v50;
	[tilespmem:s17+$0x14870] =	vst v0;
	v0 =	vimm.f32 $0.0e+00;
	v2 =	vmov v7  }
0x321: {  	v3 =	vmovc v8;
	v7 =	vmovc v12;
	v12 =	vmov v16;
	v8 =	vmov v40;
	[tilespmem:s19+$0x14870] =	vst v1;
	v1 =	vlaneseq.u32  }
.LBB2_27:
0x322: {  	s10 =	sadd.s32 $0x1, s10  }
0x323: {  	p0 =	sne.s32 s10, $0xB  }
.Ltmp13:
0x324: {  	_ = 	snop;
	(pc) =	sbr.rel @!p0 .LBB2_28-.Ltmp13, $2  }
0x325: {  	_ =	sdelay $0x2  }
0x326: {  	s9 =	sadd.s32 $0x2000, s9;
	s8 =	sadd.s32 $0x10, s8  }
.LBB2_17:
0x327: {  	s1 =	sshll.u32 s10, $0x4  }
0x328: {  	s1 =	sadd.s32 s6, s1  }
0x329: {  	v17 =	vmov s1;
	s1 =	sor.u32 $0xF, s1  }
0x32a: {  	v18 =	vmov s1;
	_ =	sdelay $0x3  }
0x32b: {  	v17 =	vld.idx.msk [tilespmem:v17+s18+$0x0], $0xffff  }
0x32c: {  	v18 =	vld.idx.msk [tilespmem:v18+s18+$0x0], $0xffff;
	_ =	sdelay $0x4  }
0x32d: {  	vm0 =	veq.s32 v17, v18  }
0x32e: {  	v18 =	vsel vm0, $0x3F800000, v0  }
0x32f: {  	(xrf0) =	vmin.scan.msk.f32 $0xffff, v18;
	_ =	sdelay $0x5  }
0x330: {  	v18, _, _ =	vpop (xrf0)  }
0x331: {  	(v2sf) =	vpush v18, $0xF;
	_ =	sdelay $0xe  }
0x332: {  	s29 =	spop (v2sf)  }
0x333: {  	p0 =	sgt.f32 s29, $0.0e+00  }
.Ltmp14:
0x334: {  	_ = 	snop;
	(pc) =	sbr.rel @p0 .LBB2_18-.Ltmp14, $1  }
0x335: {  	_ =	sdelay $0x3  }
0x336: {  	s1 =	sadd.s32 $0xFFFFFFFE, s8  }
0x337: {  	s11 =	sadd.s32 $0x3, s1  }
0x338: {  	v17 =	vmov s11;
	_ =	sdelay $0x4  }
0x339: {  	v17 =	vld.idx.msk [tilespmem:v17+s18+$0x0], $0xffff;
	_ =	sdelay $0x4  }
0x33a: {  	v18 =	vshll.u32 v17, $0x8;
	v17 =	vshll.u32 v17, $0x7  }
0x33b: {  	v18 =	vand.u32 $0xFFFFF800, v18;
	v17 =	vand.u32 $0x380, v17  }
0x33c: {  	v18 =	vor.u32 v17, v18  }
0x33d: {  	v17 =	vor.u32 v1, v18;
	_ =	sdelay $0x1  }
0x33e: {  	v19 =	vor.u32 v2, v18  }
0x33f: {  	s1 =	sadd.s32 $0x2, s1;
	s11 =	sshra.s32 s9, $0x2  }
0x340: {  	v20 =	vmov s1;
	v21 =	vld [tilespmem:s11+$0x9880]  }
0x341: {  	v17 =	vld.idx.msk [tilespmem:v17+s4+$0x0], $0xffff;
	_ =	sdelay $0x1  }
0x342: {  	v19 =	vld.idx.msk [tilespmem:v19+s4+$0x0], $0xffff;
	_ =	sdelay $0x1  }
0x343: {  	v20 =	vld.idx.msk [tilespmem:v20+s18+$0x0], $0xffff  }
0x344: {  	v17 =	vmul.f32 v21, v17;
	v21 =	vor.u32 v3, v18;
	_ =	sdelay $0x1  }
0x345: {  	v17 =	vadd.f32 v17, v19;
	v19 =	vor.u32 v4, v18;
	_ =	sdelay $0x1  }
0x346: {  	v22 =	vld [tilespmem:s11+$0x9890];
	[tilespmem:s11+$0x14880] =	vst v17;
	v17 =	vshll.u32 v20, $0x8;
	v20 =	vshll.u32 v20, $0x7  }
0x347: {  	v21 =	vld.idx.msk [tilespmem:v21+s4+$0x0], $0xffff;
	v17 =	vand.u32 $0xFFFFF800, v17;
	v20 =	vand.u32 $0x380, v20  }
0x348: {  	v24 =	vor.u32 v20, v17  }
0x349: {  	v17 =	vor.u32 v1, v24;
	v19 =	vld.idx.msk [tilespmem:v19+s4+$0x0], $0xffff;
	_ =	sdelay $0x1  }
0x34a: {  	v20 =	vor.u32 v2, v24  }
0x34b: {  	v21 =	vmul.f32 v22, v21;
	v22 =	vor.u32 v5, v18;
	_ =	sdelay $0x1  }
0x34c: {  	v17 =	vld.idx.msk [tilespmem:v17+s4+$0x0], $0xffff;
	v19 =	vadd.f32 v21, v19  }
0x34d: {  	v23 =	vor.u32 v6, v18;
	v21 =	vld [tilespmem:s11+$0x9800]  }
0x34e: {  	v20 =	vld.idx.msk [tilespmem:v20+s4+$0x0], $0xffff;
	[tilespmem:s11+$0x14890] =	vst v19  }
0x34f: {  	s17 =	sadd.s32 $0x400, s9;
	v19 =	vld.idx.msk [tilespmem:v22+s4+$0x0], $0xffff  }
0x350: {  	s15 =	sshra.s32 s17, $0x2;
	v22 =	vld [tilespmem:s11+$0x98A0]  }
0x351: {  	v34 =	vld [tilespmem:s15+$0x9880]  }
0x352: {  	v23 =	vld.idx.msk [tilespmem:v23+s4+$0x0], $0xffff  }
0x353: {  	v46 =	vld [tilespmem:s15+$0x9890];
	v25 =	vor.u32 v3, v24;
	v17 =	vmul.f32 v21, v17  }
0x354: {  	v48 =	vld [tilespmem:s15+$0x9820];
	v21 =	vor.u32 v4, v24  }
0x355: {  	s23 =	sadd.s32 $0x0, s8;
	v51 =	vld [tilespmem:s15+$0x98A0];
	v17 =	vadd.f32 v17, v20;
	v19 =	vmul.f32 v22, v19  }
0x356: {  	s14 =	sadd.s32 $0x3, s23;
	v57 =	vld [tilespmem:s15+$0x98B0];
	v20 =	vor.u32 v7, v18  }
0x357: {  	v26 =	vld [tilespmem:s11+$0x9810];
	[tilespmem:s11+$0x14800] =	vst v17;
	v17 =	vadd.f32 v19, v23;
	v19 =	vmov s14  }
0x358: {  	v22 =	vld.idx.msk [tilespmem:v25+s4+$0x0], $0xffff  }
0x359: {  	v21 =	vld.idx.msk [tilespmem:v21+s4+$0x0], $0xffff;
	[tilespmem:s11+$0x148A0] =	vst v17;
	v17 =	vor.u32 v63, v18  }
0x35a: {  	v23 =	vld [tilespmem:s11+$0x98B0]  }
0x35b: {  	v20 =	vld.idx.msk [tilespmem:v20+s4+$0x0], $0xffff  }
0x35c: {  	v19 =	vld.idx.msk [tilespmem:v19+s18+$0x0], $0xffff  }
0x35d: {  	s1 =	sadd.s32 $0x2, s23;
	v27 =	vld [tilespmem:s11+$0x9820];
	v25 =	vor.u32 v5, v24;
	v22 =	vmul.f32 v26, v22  }
0x35e: {  	v26 =	vmov s1;
	v17 =	vld.idx.msk [tilespmem:v17+s4+$0x0], $0xffff  }
0x35f: {  	v28 =	vld [tilespmem:s11+$0x9830];
	v29 =	vor.u32 v6, v24;
	v22 =	vadd.f32 v22, v21  }
0x360: {  	v30 =	vld [tilespmem:s11+$0x9840];
	v31 =	vor.u32 v12, v18  }
0x361: {  	v36 =	vld [tilespmem:s11+$0x9860];
	v20 =	vmul.f32 v23, v20;
	[tilespmem:s11+$0x14810] =	vst v22;
	v23 =	vshll.u32 v19, $0x8;
	v19 =	vshll.u32 v19, $0x7  }
0x362: {  	v22 =	vand.u32 $0xFFFFF800, v23;
	v19 =	vand.u32 $0x380, v19;
	v23 =	vld.idx.msk [tilespmem:v25+s4+$0x0], $0xffff  }
0x363: {  	v22 =	vor.u32 v19, v22;
	v19 =	vld.idx.msk [tilespmem:v26+s18+$0x0], $0xffff;
	v17 =	vadd.f32 v20, v17  }
0x364: {  	v25 =	vld.idx.msk [tilespmem:v29+s4+$0x0], $0xffff;
	v20 =	vor.u32 v1, v22  }
0x365: {  	s19 =	sadd.s32 $0x400, s17;
	v40 =	vld [tilespmem:s11+$0x98E0];
	v26 =	vor.u32 v11, v18;
	[tilespmem:s11+$0x148B0] =	vst v17  }
0x366: {  	s17 =	sshra.s32 s19, $0x2;
	v17 =	vld.idx.msk [tilespmem:v31+s4+$0x0], $0xffff;
	v31 =	vor.u32 v2, v22  }
0x367: {  	v16 =	vld [tilespmem:s17+$0x9840];
	v32 =	vor.u32 v7, v24;
	v23 =	vmul.f32 v27, v23  }
0x368: {  	v33 =	vor.u32 v63, v24;
	v27 =	vld [tilespmem:s11+$0x98C0];
	v29 =	vshll.u32 v19, $0x8;
	v19 =	vshll.u32 v19, $0x7  }
0x369: {  	v20 =	vld.idx.msk [tilespmem:v20+s4+$0x0], $0xffff;
	v23 =	vadd.f32 v23, v25;
	v25 =	vand.u32 $0xFFFFF800, v29;
	v19 =	vand.u32 $0x380, v19  }
0x36a: {  	v29 =	vor.u32 v19, v25;
	v19 =	vld.idx.msk [tilespmem:v26+s4+$0x0], $0xffff  }
0x36b: {  	[tilespmem:s11+$0x14820] =	vst v23;
	v23 =	vor.u32 v1, v29;
	v25 =	vld.idx.msk [tilespmem:v31+s4+$0x0], $0xffff  }
0x36c: {  	v21 =	vld [tilespmem:s11+$0x9850]  }
0x36d: {  	v26 =	vld.idx.msk [tilespmem:v32+s4+$0x0], $0xffff;
	v27 =	vmul.f32 v27, v17  }
0x36e: {  	v45 =	vor.u32 v3, v22;
	v44 =	vld.idx.msk [tilespmem:v33+s4+$0x0], $0xffff;
	v20 =	vmul.f32 v34, v20  }
0x36f: {  	v17 =	vld [tilespmem:s11+$0x9870];
	v19 =	vadd.f32 v27, v19;
	v27 =	vor.u32 v2, v29  }
0x370: {  	v31 =	vor.u32 v15, v18;
	v23 =	vld.idx.msk [tilespmem:v23+s4+$0x0], $0xffff;
	v20 =	vadd.f32 v20, v25  }
0x371: {  	v25 =	vld [tilespmem:s15+$0x9800];
	[tilespmem:s11+$0x148C0] =	vst v19;
	v19 =	vor.u32 v4, v22  }
0x372: {  	v26 =	vmul.f32 v28, v26;
	v28 =	vld [tilespmem:s11+$0x98D0];
	[tilespmem:s15+$0x14880] =	vst v20;
	v20 =	vor.u32 v13, v18  }
0x373: {  	v33 =	vld.idx.msk [tilespmem:v45+s4+$0x0], $0xffff  }
0x374: {  	v27 =	vld.idx.msk [tilespmem:v27+s4+$0x0], $0xffff  }
0x375: {  	v52 =	vor.u32 v11, v24;
	v31 =	vld.idx.msk [tilespmem:v31+s4+$0x0], $0xffff  }
0x376: {  	v35 =	vor.u32 v12, v24;
	v19 =	vld.idx.msk [tilespmem:v19+s4+$0x0], $0xffff  }
0x377: {  	v37 =	vor.u32 v3, v29;
	v38 =	vld.idx.msk [tilespmem:v20+s4+$0x0], $0xffff;
	v20 =	vmul.f32 v25, v23;
	v23 =	vadd.f32 v26, v44  }
0x378: {  	v49 =	vor.u32 v4, v29;
	v25 =	vld [tilespmem:s15+$0x9810]  }
0x379: {  	v47 =	vor.u32 v5, v22;
	v26 =	vmul.f32 v46, v33;
	v27 =	vadd.f32 v20, v27;
	[tilespmem:s11+$0x14830] =	vst v23;
	v20 =	vld [tilespmem:s15+$0x9830]  }
0x37a: {  	v54 =	vld.idx.msk [tilespmem:v52+s4+$0x0], $0xffff  }
0x37b: {  	v23 =	vor.u32 v6, v22;
	v19 =	vadd.f32 v26, v19;
	v26 =	vld.idx.msk [tilespmem:v35+s4+$0x0], $0xffff;
	[tilespmem:s15+$0x14800] =	vst v27  }
0x37c: {  	v27 =	vmul.f32 v28, v31;
	v31 =	vld.idx.msk [tilespmem:v37+s4+$0x0], $0xffff  }
0x37d: {  	v34 =	vld.idx.msk [tilespmem:v49+s4+$0x0], $0xffff;
	[tilespmem:s15+$0x14890] =	vst v19  }
0x37e: {  	v28 =	vor.u32 v8, v18;
	v27 =	vadd.f32 v27, v38;
	v19 =	vld.idx.msk [tilespmem:v47+s4+$0x0], $0xffff  }
0x37f: {  	s25 =	sadd.s32 $0x2, s8;
	v50 =	vor.u32 v9, v18;
	v37 =	vld [tilespmem:s15+$0x9850]  }
0x380: {  	s1 =	sadd.s32 $0x2, s25;
	[tilespmem:s11+$0x148D0] =	vst v27;
	v27 =	vld.idx.msk [tilespmem:v23+s4+$0x0], $0xffff  }
0x381: {  	v58 =	vmov s1;
	v49 =	vld [tilespmem:s17+$0x9880];
	v26 =	vmul.f32 v30, v26  }
0x382: {  	v41 =	vor.u32 v15, v24;
	v23 =	vld [tilespmem:s15+$0x9840];
	v25 =	vmul.f32 v25, v31  }
0x383: {  	v39 =	vor.u32 v5, v29;
	v28 =	vld.idx.msk [tilespmem:v28+s4+$0x0], $0xffff;
	v26 =	vadd.f32 v26, v54;
	v19 =	vmul.f32 v51, v19  }
0x384: {  	v53 =	vor.u32 v7, v22;
	v31 =	vld.idx.msk [tilespmem:v50+s4+$0x0], $0xffff;
	v25 =	vadd.f32 v25, v34  }
0x385: {  	s26 =	sadd.s32 $0x3, s25;
	v51 =	vld [tilespmem:s15+$0x98D0];
	[tilespmem:s11+$0x14840] =	vst v26;
	v19 =	vadd.f32 v19, v27;
	v27 =	vor.u32 v63, v22  }
0x386: {  	v26 =	vld.idx.msk [tilespmem:v58+s18+$0x0], $0xffff;
	[tilespmem:s15+$0x14810] =	vst v25;
	v25 =	vmov s26  }
0x387: {  	v59 =	vor.u32 v13, v24;
	v33 =	vld.idx.msk [tilespmem:v41+s4+$0x0], $0xffff  }
0x388: {  	v56 =	vld.idx.msk [tilespmem:v39+s4+$0x0], $0xffff;
	[tilespmem:s15+$0x148A0] =	vst v19;
	v19 =	vor.u32 v6, v29  }
0x389: {  	v32 =	vld.idx.msk [tilespmem:v53+s4+$0x0], $0xffff  }
0x38a: {  	v55 =	vor.u32 v10, v18;
	v18 =	vor.u32 v14, v18;
	v28 =	vmul.f32 v40, v28;
	v27 =	vld.idx.msk [tilespmem:v27+s4+$0x0], $0xffff  }
0x38b: {  	v25 =	vld.idx.msk [tilespmem:v25+s18+$0x0], $0xffff  }
0x38c: {  	v35 =	vld.idx.msk [tilespmem:v59+s4+$0x0], $0xffff;
	v28 =	vadd.f32 v28, v31  }
0x38d: {  	v19 =	vld.idx.msk [tilespmem:v19+s4+$0x0], $0xffff  }
0x38e: {  	v60 =	vor.u32 v12, v22;
	v0 =	vor.u32 v11, v22;
	v59 =	vld [tilespmem:s15+$0x98E0];
	[tilespmem:s11+$0x148E0] =	vst v28;
	v32 =	vmul.f32 v57, v32  }
0x38f: {  	v46 =	vshll.u32 v26, $0x8;
	v26 =	vshll.u32 v26, $0x7;
	v30 =	vld.idx.msk [tilespmem:v18+s4+$0x0], $0xffff;
	v18 =	vmul.f32 v48, v56  }
0x390: {  	v31 =	vld [tilespmem:s11+$0x98F0];
	v27 =	vadd.f32 v32, v27;
	v62 =	vshll.u32 v25, $0x8;
	v25 =	vshll.u32 v25, $0x7  }
0x391: {  	v28 =	vld.idx.msk [tilespmem:v55+s4+$0x0], $0xffff;
	v34 =	vand.u32 $0xFFFFF800, v46;
	v32 =	vand.u32 $0xFFFFF800, v62;
	v25 =	vand.u32 $0x380, v25  }
0x392: {  	v26 =	vand.u32 $0x380, v26;
	v55 =	vld [tilespmem:s17+$0x9890];
	v18 =	vadd.f32 v18, v19;
	[tilespmem:s15+$0x148B0] =	vst v27;
	v42 =	vor.u32 v25, v32  }
0x393: {  	v38 =	vor.u32 v26, v34;
	v25 =	vld.idx.msk [tilespmem:v60+s4+$0x0], $0xffff;
	v27 =	vor.u32 v1, v42  }
0x394: {  	v26 =	vor.u32 v1, v38;
	[tilespmem:s15+$0x14820] =	vst v18;
	v18 =	vld [tilespmem:s15+$0x98C0]  }
0x395: {  	v46 =	vld [tilespmem:s17+$0x9810];
	v48 =	vor.u32 v2, v42  }
0x396: {  	v61 =	vor.u32 v7, v29;
	v47 =	vld.idx.msk [tilespmem:v0+s4+$0x0], $0xffff  }
0x397: {  	v45 =	vor.u32 v63, v29;
	v19 =	vld [tilespmem:s15+$0x9860]  }
0x398: {  	v27 =	vld.idx.msk [tilespmem:v27+s4+$0x0], $0xffff  }
0x399: {  	v26 =	vld.idx.msk [tilespmem:v26+s4+$0x0], $0xffff;
	v18 =	vmul.f32 v18, v25;
	v25 =	vor.u32 v15, v22  }
0x39a: {  	v44 =	vor.u32 v2, v38;
	v41 =	vld.idx.msk [tilespmem:v48+s4+$0x0], $0xffff  }
0x39b: {  	v43 =	vor.u32 v13, v22;
	v39 =	vld.idx.msk [tilespmem:v61+s4+$0x0], $0xffff;
	v40 =	vadd.f32 v18, v47  }
0x39c: {  	v32 =	vld.idx.msk [tilespmem:v45+s4+$0x0], $0xffff  }
0x39d: {  	v50 =	vor.u32 v3, v42;
	v45 =	vld [tilespmem:s17+$0x9800];
	[tilespmem:s15+$0x148C0] =	vst v40;
	v27 =	vmul.f32 v49, v27  }
0x39e: {  	v25 =	vld.idx.msk [tilespmem:v25+s4+$0x0], $0xffff  }
0x39f: {  	v44 =	vld.idx.msk [tilespmem:v44+s4+$0x0], $0xffff;
	v53 =	vor.u32 v4, v42;
	v27 =	vadd.f32 v27, v41  }
0x3a0: {  	v52 =	vld.idx.msk [tilespmem:v43+s4+$0x0], $0xffff  }
0x3a1: {  	v0 =	vld [tilespmem:s17+$0x98A0];
	[tilespmem:s17+$0x14880] =	vst v27  }
0x3a2: {  	v58 =	vor.u32 v12, v29;
	v20 =	vmul.f32 v20, v39;
	v27 =	vld.idx.msk [tilespmem:v50+s4+$0x0], $0xffff  }
0x3a3: {  	v54 =	vor.u32 v8, v22;
	v26 =	vmul.f32 v45, v26;
	v45 =	vld [tilespmem:s17+$0x9820];
	v25 =	vmul.f32 v51, v25  }
0x3a4: {  	v56 =	vor.u32 v9, v22;
	v20 =	vadd.f32 v20, v32;
	v43 =	vld.idx.msk [tilespmem:v53+s4+$0x0], $0xffff  }
0x3a5: {  	v18 =	vld [tilespmem:s15+$0x9870];
	v47 =	vor.u32 v3, v38;
	v25 =	vadd.f32 v25, v52  }
0x3a6: {  	v57 =	vor.u32 v5, v42;
	v48 =	vor.u32 v4, v38;
	v49 =	vld [tilespmem:s17+$0x9830];
	[tilespmem:s15+$0x14830] =	vst v20  }
0x3a7: {  	v40 =	vld.idx.msk [tilespmem:v58+s4+$0x0], $0xffff;
	[tilespmem:s15+$0x148D0] =	vst v25;
	v25 =	vadd.f32 v26, v44;
	v27 =	vmul.f32 v55, v27  }
0x3a8: {  	v26 =	vld.idx.msk [tilespmem:v54+s4+$0x0], $0xffff  }
0x3a9: {  	s28 =	sadd.s32 $0x4, s8;
	v61 =	vor.u32 v6, v42;
	[tilespmem:s17+$0x14800] =	vst v25;
	v25 =	vld.idx.msk [tilespmem:v56+s4+$0x0], $0xffff;
	v27 =	vadd.f32 v27, v43  }
0x3aa: {  	s29 =	sadd.s32 $0x3, s28;
	v60 =	vld.idx.msk [tilespmem:v47+s4+$0x0], $0xffff  }
0x3ab: {  	v55 =	vmov s29;
	v62 =	vld.idx.msk [tilespmem:v48+s4+$0x0], $0xffff;
	[tilespmem:s17+$0x14890] =	vst v27  }
0x3ac: {  	v21 =	vmul.f32 v21, v33;
	v34 =	vld.idx.msk [tilespmem:v57+s4+$0x0], $0xffff  }
0x3ad: {  	v58 =	vld [tilespmem:s17+$0x98B0];
	v27 =	vor.u32 v11, v29;
	v20 =	vmul.f32 v59, v26  }
0x3ae: {  	v21 =	vadd.f32 v21, v35;
	v48 =	vld.idx.msk [tilespmem:v61+s4+$0x0], $0xffff;
	v26 =	vor.u32 v10, v22  }
0x3af: {  	v50 =	vor.u32 v5, v38;
	v43 =	vld [tilespmem:s15+$0x98F0];
	v25 =	vadd.f32 v20, v25;
	v39 =	vmul.f32 v46, v60  }
0x3b0: {  	[tilespmem:s11+$0x14850] =	vst v21;
	v51 =	vor.u32 v6, v38;
	v21 =	vld.idx.msk [tilespmem:v55+s18+$0x0], $0xffff  }
0x3b1: {  	v53 =	vor.u32 v7, v42;
	v55 =	vld [tilespmem:s17+$0x98D0];
	[tilespmem:s15+$0x148E0] =	vst v25;
	v25 =	vadd.f32 v39, v62;
	v52 =	vmul.f32 v0, v34  }
0x3b2: {  	v27 =	vld.idx.msk [tilespmem:v27+s4+$0x0], $0xffff  }
0x3b3: {  	v54 =	vor.u32 v63, v42;
	v39 =	vld.idx.msk [tilespmem:v26+s4+$0x0], $0xffff;
	[tilespmem:s17+$0x14810] =	vst v25;
	v25 =	vadd.f32 v52, v48  }
0x3b4: {  	v22 =	vor.u32 v14, v22;
	v26 =	vld.idx.msk [tilespmem:v50+s4+$0x0], $0xffff  }
0x3b5: {  	v46 =	vld.idx.msk [tilespmem:v51+s4+$0x0], $0xffff;
	[tilespmem:s17+$0x148A0] =	vst v25  }
0x3b6: {  	s1 =	sadd.s32 $0x2, s28;
	v23 =	vmul.f32 v23, v40;
	v25 =	vor.u32 v8, v24;
	v56 =	vld.idx.msk [tilespmem:v53+s4+$0x0], $0xffff  }
0x3b7: {  	v57 =	vmov s1;
	v20 =	vld [tilespmem:s17+$0x9850]  }
0x3b8: {  	s22 =	sadd.s32 $0x400, s19;
	v23 =	vadd.f32 v23, v27;
	v27 =	vld.idx.msk [tilespmem:v54+s4+$0x0], $0xffff  }
0x3b9: {  	s19 =	sshra.s32 s22, $0x2;
	v0 =	vor.u32 v9, v24;
	v48 =	vld.idx.msk [tilespmem:v22+s4+$0x0], $0xffff;
	v26 =	vmul.f32 v45, v26  }
0x3ba: {  	v59 =	vor.u32 v15, v29;
	v60 =	vor.u32 v7, v38;
	v52 =	vld [tilespmem:s19+$0x9800]  }
0x3bb: {  	[tilespmem:s15+$0x14840] =	vst v23;
	v45 =	vld.idx.msk [tilespmem:v25+s4+$0x0], $0xffff;
	v23 =	vadd.f32 v26, v46;
	v26 =	vmul.f32 v58, v56  }
0x3bc: {  	v25 =	vld.idx.msk [tilespmem:v57+s18+$0x0], $0xffff  }
0x3bd: {  	v61 =	vor.u32 v12, v42;
	v50 =	vld [tilespmem:s19+$0x9880];
	[tilespmem:s17+$0x14820] =	vst v23;
	v23 =	vadd.f32 v26, v27  }
0x3be: {  	v47 =	vld.idx.msk [tilespmem:v0+s4+$0x0], $0xffff;
	v26 =	vor.u32 v11, v42;
	v27 =	vshll.u32 v21, $0x8;
	v21 =	vshll.u32 v21, $0x7  }
0x3bf: {  	v40 =	vld.idx.msk [tilespmem:v59+s4+$0x0], $0xffff;
	v27 =	vand.u32 $0xFFFFF800, v27;
	v21 =	vand.u32 $0x380, v21  }
0x3c0: {  	v22 =	vor.u32 v13, v29;
	v41 =	vld.idx.msk [tilespmem:v60+s4+$0x0], $0xffff;
	[tilespmem:s17+$0x148B0] =	vst v23;
	v23 =	vor.u32 v21, v27  }
0x3c1: {  	v60 =	vld [tilespmem:s17+$0x98C0];
	v21 =	vshll.u32 v25, $0x8;
	v25 =	vshll.u32 v25, $0x7;
	v59 =	vor.u32 v1, v23  }
0x3c2: {  	v62 =	vor.u32 v63, v38;
	v27 =	vld.idx.msk [tilespmem:v61+s4+$0x0], $0xffff;
	v21 =	vand.u32 $0xFFFFF800, v21;
	v25 =	vand.u32 $0x380, v25  }
0x3c3: {  	v53 =	vor.u32 v25, v21;
	v25 =	vld.idx.msk [tilespmem:v26+s4+$0x0], $0xffff;
	v26 =	vor.u32 v2, v23  }
0x3c4: {  	v0 =	vld [tilespmem:s19+$0x9810]  }
0x3c5: {  	v46 =	vld.idx.msk [tilespmem:v22+s4+$0x0], $0xffff  }
0x3c6: {  	v61 =	vor.u32 v1, v53;
	v32 =	vld.idx.msk [tilespmem:v59+s4+$0x0], $0xffff  }
0x3c7: {  	v34 =	vld.idx.msk [tilespmem:v62+s4+$0x0], $0xffff;
	v62 =	vor.u32 v15, v42;
	v27 =	vmul.f32 v60, v27  }
0x3c8: {  	v51 =	vor.u32 v2, v53;
	v26 =	vld.idx.msk [tilespmem:v26+s4+$0x0], $0xffff  }
0x3c9: {  	v22 =	vld [tilespmem:s17+$0x9860];
	v25 =	vadd.f32 v27, v25;
	v27 =	vor.u32 v13, v42  }
0x3ca: {  	v21 =	vld [tilespmem:s17+$0x9870]  }
0x3cb: {  	v54 =	vor.u32 v3, v23;
	v35 =	vld.idx.msk [tilespmem:v61+s4+$0x0], $0xffff;
	[tilespmem:s17+$0x148C0] =	vst v25;
	v25 =	vmul.f32 v50, v32  }
0x3cc: {  	v31 =	vmul.f32 v31, v28;
	v33 =	vld.idx.msk [tilespmem:v62+s4+$0x0], $0xffff  }
0x3cd: {  	v28 =	vor.u32 v10, v29;
	v39 =	vmul.f32 v43, v39;
	v51 =	vld.idx.msk [tilespmem:v51+s4+$0x0], $0xffff;
	v57 =	vadd.f32 v25, v26  }
0x3ce: {  	v30 =	vadd.f32 v31, v30;
	v58 =	vor.u32 v4, v23;
	v56 =	vld.idx.msk [tilespmem:v27+s4+$0x0], $0xffff;
	[tilespmem:$0x1FF70] =	vst v0  }
0x3cf: {  	v39 =	vadd.f32 v39, v48;
	v37 =	vmul.f32 v37, v40;
	v44 =	vmul.f32 v49, v41;
	v50 =	vld [tilespmem:s19+$0x9820];
	[tilespmem:s19+$0x14880] =	vst v57  }
0x3d0: {  	v60 =	vor.u32 v12, v38;
	v32 =	vor.u32 v14, v24;
	v25 =	vor.u32 v10, v24;
	v49 =	vld.idx.msk [tilespmem:v54+s4+$0x0], $0xffff  }
0x3d1: {  	v27 =	vor.u32 v8, v29;
	v26 =	vor.u32 v9, v29;
	v33 =	vmul.f32 v55, v33;
	v55 =	vld [tilespmem:s19+$0x9890]  }
0x3d2: {  	v24 =	vor.u32 v14, v29;
	v29 =	vadd.f32 v44, v34;
	v44 =	vld [tilespmem:s19+$0x9830];
	v54 =	vor.u32 v8, v42  }
0x3d3: {  	v36 =	vmul.f32 v36, v45;
	v37 =	vadd.f32 v37, v46;
	v1 =	vor.u32 v4, v53;
	v57 =	vld.idx.msk [tilespmem:v58+s4+$0x0], $0xffff  }
0x3d4: {  	v45 =	vor.u32 v7, v53;
	v0 =	vor.u32 v9, v42;
	[tilespmem:s11+$0x148F0] =	vst v30;
	v62 =	vld [tilespmem:s17+$0x98E0];
	v31 =	vadd.f32 v33, v56  }
0x3d5: {  	v40 =	vor.u32 v12, v53;
	v61 =	vor.u32 v3, v53;
	[tilespmem:s17+$0x14830] =	vst v29;
	v29 =	vmul.f32 v52, v35;
	v52 =	vld [tilespmem:s19+$0x9850]  }
0x3d6: {  	v46 =	vor.u32 v15, v53;
	v60 =	vld.idx.msk [tilespmem:v60+s4+$0x0], $0xffff;
	[tilespmem:s17+$0x148D0] =	vst v31;
	v49 =	vmul.f32 v55, v49  }
0x3d7: {  	[tilespmem:s15+$0x148F0] =	vst v39;
	v29 =	vadd.f32 v29, v51;
	v54 =	vld.idx.msk [tilespmem:v54+s4+$0x0], $0xffff;
	v55 =	vor.u32 v5, v23  }
0x3d8: {  	v48 =	vor.u32 v8, v53;
	v41 =	vor.u32 v11, v38;
	[tilespmem:s15+$0x14850] =	vst v37;
	v58 =	vld [tilespmem:s19+$0x98A0];
	v43 =	vadd.f32 v49, v57  }
0x3d9: {  	v34 =	vor.u32 v15, v38;
	v30 =	vor.u32 v9, v38;
	[tilespmem:s19+$0x14800] =	vst v29;
	v56 =	vld.idx.msk [tilespmem:v0+s4+$0x0], $0xffff  }
0x3da: {  	v39 =	vor.u32 v11, v53;
	v61 =	vld.idx.msk [tilespmem:v61+s4+$0x0], $0xffff;
	v57 =	vor.u32 v6, v23;
	[tilespmem:s19+$0x14890] =	vst v43  }
0x3db: {  	v37 =	vor.u32 v14, v53;
	v35 =	vor.u32 v10, v38;
	v31 =	vor.u32 v8, v38;
	v8 =	vld [tilespmem:$0x1FF70]  }
0x3dc: {  	v51 =	vor.u32 v5, v53;
	v33 =	vor.u32 v13, v38;
	v59 =	vld.idx.msk [tilespmem:v55+s4+$0x0], $0xffff;
	v55 =	vmul.f32 v62, v54  }
0x3dd: {  	v29 =	vor.u32 v14, v38;
	v1 =	vld.idx.msk [tilespmem:v1+s4+$0x0], $0xffff;
	v0 =	vadd.f32 v36, v47;
	v62 =	vor.u32 v10, v42  }
0x3de: {  	v38 =	vld [tilespmem:s19+$0x9840];
	v47 =	vor.u32 v13, v53;
	v36 =	vadd.f32 v55, v56;
	v56 =	vor.u32 v14, v42  }
0x3df: {  	v49 =	vor.u32 v6, v53;
	v43 =	vor.u32 v63, v53;
	v54 =	vmul.f32 v16, v60;
	v57 =	vld.idx.msk [tilespmem:v57+s4+$0x0], $0xffff  }
0x3e0: {  	v12 =	vmov v7;
	[tilespmem:s11+$0x14860] =	vst v0;
	v55 =	vld.idx.msk [tilespmem:v41+s4+$0x0], $0xffff;
	v41 =	vor.u32 v9, v53;
	v60 =	vmul.f32 v8, v61  }
0x3e1: {  	v9 =	vmovc v4;
	[tilespmem:s17+$0x148E0] =	vst v36;
	v36 =	vor.u32 v10, v53;
	v53 =	vld [tilespmem:s17+$0x98F0];
	v10 =	vmov v5;
	v59 =	vmul.f32 v58, v59  }
0x3e2: {  	s23 =	simm.s32 $0x6;
	v42 =	vld.idx.msk [tilespmem:v62+s4+$0x0], $0xffff;
	v58 =	vor.u32 v7, v23;
	v8 =	vmovc v3;
	v7 =	vmov v2;
	v60 =	vadd.f32 v60, v1  }
.LBB2_25:
0x3e3: {  	v0 =	vld.idx.msk [tilespmem:v56+s4+$0x0], $0xffff  }
0x3e4: {  	v2 =	vld [tilespmem:$0x1FFC0]  }
0x3e5: {  	v61 =	vld [tilespmem:s19+$0x98B0]  }
0x3e6: {  	v4 =	vld [tilespmem:$0x1FFD0]  }
0x3e7: {  	v11 =	vld [tilespmem:$0x1FFE0]  }
0x3e8: {  	s1 =	sadd.s32 s23, s8;
	v13 =	vld [tilespmem:$0x1FFA0]  }
0x3e9: {  	v14 =	vld [tilespmem:$0x1FF80];
	s14 =	sadd.s32 $0x2, s1;
	s1 =	sadd.s32 $0x3, s1  }
0x3ea: {  	[tilespmem:s19+$0x14810] =	vst v60;
	v16 =	vld [tilespmem:$0x1FFB0];
	v60 =	vmov s1  }
0x3eb: {  	v56 =	vadd.f32 v59, v57;
	v51 =	vld.idx.msk [tilespmem:v51+s4+$0x0], $0xffff;
	v59 =	vmov s14  }
0x3ec: {  	v49 =	vld.idx.msk [tilespmem:v49+s4+$0x0], $0xffff;
	v3 =	vor.u32 v2, v23  }
0x3ed: {  	v54 =	vadd.f32 v54, v55;
	v55 =	vld.idx.msk [tilespmem:v27+s4+$0x0], $0xffff;
	[tilespmem:s19+$0x148A0] =	vst v56  }
0x3ee: {  	v58 =	vld.idx.msk [tilespmem:v58+s4+$0x0], $0xffff  }
0x3ef: {  	[tilespmem:s17+$0x14840] =	vst v54;
	v63 =	vld.idx.msk [tilespmem:v60+s18+$0x0], $0xffff  }
0x3f0: {  	v50 =	vmul.f32 v50, v51;
	v51 =	vld.idx.msk [tilespmem:v59+s18+$0x0], $0xffff  }
0x3f1: {  	v62 =	vld.idx.msk [tilespmem:v3+s4+$0x0], $0xffff  }
0x3f2: {  	v42 =	vmul.f32 v53, v42;
	v3 =	vld [tilespmem:$0x1FFF0]  }
0x3f3: {  	v53 =	vld.idx.msk [tilespmem:v33+s4+$0x0], $0xffff;
	v56 =	vadd.f32 v50, v49  }
0x3f4: {  	v0 =	vadd.f32 v42, v0;
	v60 =	vor.u32 v4, v23;
	v49 =	vld.idx.msk [tilespmem:v34+s4+$0x0], $0xffff  }
0x3f5: {  	v50 =	vmul.f32 v19, v55;
	v19 =	vmovc v22;
	v57 =	vmul.f32 v61, v58;
	v22 =	vld [tilespmem:s19+$0x9860];
	[tilespmem:s19+$0x14820] =	vst v56;
	v61 =	vshll.u32 v63, $0x8  }
0x3f6: {  	v33 =	vmovc v47;
	[tilespmem:s17+$0x148F0] =	vst v0;
	v0 =	vld.idx.msk [tilespmem:v45+s4+$0x0], $0xffff;
	v42 =	vshll.u32 v63, $0x7;
	v1 =	vshll.u32 v51, $0x7;
	v47 =	vand.u32 $0xFFFFF800, v61  }
0x3f7: {  	v54 =	vld.idx.msk [tilespmem:v43+s4+$0x0], $0xffff;
	v42 =	vand.u32 $0x380, v42;
	v43 =	vand.u32 $0x380, v1;
	v58 =	vor.u32 v3, v23  }
0x3f8: {  	v55 =	vld.idx.msk [tilespmem:v26+s4+$0x0], $0xffff;
	v1 =	vlaneseq.u32;
	v42 =	vor.u32 v42, v47;
	v59 =	vadd.f32 v57, v62  }
0x3f9: {  	v27 =	vmov v31;
	v31 =	vmov v48;
	v56 =	vld [tilespmem:s19+$0x98C0];
	v48 =	vor.u32 v1, v42  }
0x3fa: {  	v32 =	vld.idx.msk [tilespmem:v32+s4+$0x0], $0xffff;
	[tilespmem:s19+$0x148B0] =	vst v59  }
0x3fb: {  	s22 =	sadd.s32 $0x400, s22;
	v26 =	vmovc v30;
	v30 =	vmov v41;
	v62 =	vshll.u32 v51, $0x8;
	v41 =	vld.idx.msk [tilespmem:v60+s4+$0x0], $0xffff;
	v60 =	vor.u32 v7, v42  }
0x3fc: {  	s25 =	sshra.s32 s22, $0x2;
	v63 =	vand.u32 $0xFFFFF800, v62;
	v47 =	vld.idx.msk [tilespmem:v58+s4+$0x0], $0xffff  }
0x3fd: {  	v57 =	vmul.f32 v20, v49;
	v20 =	vmov v52;
	v52 =	vor.u32 v43, v63;
	v5 =	vld [tilespmem:s25+$0x9880]  }
0x3fe: {  	v43 =	vor.u32 v2, v52;
	v58 =	vor.u32 v1, v52;
	v2 =	vld.idx.msk [tilespmem:v48+s4+$0x0], $0xffff  }
0x3ff: {  	v61 =	vld.idx.msk [tilespmem:v25+s4+$0x0], $0xffff;
	v0 =	vmul.f32 v44, v0;
	v44 =	vor.u32 v11, v23  }
0x400: {  	v53 =	vadd.f32 v57, v53;
	v59 =	vor.u32 v7, v52;
	v62 =	vor.u32 v8, v52;
	v60 =	vld.idx.msk [tilespmem:v60+s4+$0x0], $0xffff  }
0x401: {  	v25 =	vmovc v28;
	v57 =	vld [tilespmem:s25+$0x9800];
	v63 =	vor.u32 v9, v52;
	v48 =	vmul.f32 v56, v47;
	v56 =	vor.u32 v15, v23  }
0x402: {  	v28 =	vmovc v35;
	v51 =	vor.u32 v10, v52;
	v49 =	vor.u32 v6, v52;
	v0 =	vadd.f32 v0, v54;
	v1 =	vld [tilespmem:s19+$0x9870]  }
0x403: {  	v54 =	vld.idx.msk [tilespmem:v58+s4+$0x0], $0xffff;
	v2 =	vmul.f32 v5, v2;
	v5 =	vor.u32 v8, v42;
	v35 =	vadd.f32 v48, v41  }
0x404: {  	v45 =	vor.u32 v12, v52;
	v3 =	vor.u32 v3, v52;
	v47 =	vor.u32 v11, v52;
	v11 =	vld [tilespmem:$0x1FF90];
	[tilespmem:s19+$0x14830] =	vst v0  }
0x405: {  	v4 =	vor.u32 v4, v52;
	v2 =	vadd.f32 v2, v60;
	[tilespmem:s19+$0x148C0] =	vst v35;
	v35 =	vadd.f32 v50, v55;
	v55 =	vld [tilespmem:s19+$0x98D0]  }
0x406: {  	v34 =	vmov v46;
	v46 =	vor.u32 v15, v52;
	v61 =	vmul.f32 v17, v61;
	[tilespmem:s17+$0x14850] =	vst v53;
	v0 =	vld.idx.msk [tilespmem:v56+s4+$0x0], $0xffff  }
0x407: {  	v17 =	vmovc v18;
	v18 =	vmov v21;
	v58 =	vor.u32 v16, v52;
	v21 =	vmov v1;
	v1 =	vld.idx.msk [tilespmem:v44+s4+$0x0], $0xffff;
	[tilespmem:s25+$0x14880] =	vst v2  }
0x408: {  	v48 =	vor.u32 v13, v52;
	v44 =	vadd.f32 v61, v32;
	[tilespmem:s15+$0x14860] =	vst v35;
	v2 =	vld.idx.msk [tilespmem:v5+s4+$0x0], $0xffff  }
0x409: {  	v41 =	vor.u32 v14, v52;
	v50 =	vor.u32 v11, v52;
	v61 =	vor.u32 v9, v42;
	v52 =	vld.idx.msk [tilespmem:v59+s4+$0x0], $0xffff  }
0x40a: {  	v32 =	vmov v24;
	v35 =	vmov v36;
	v36 =	vmov v58;
	v58 =	vld [tilespmem:s25+$0x9810];
	[tilespmem:s11+$0x14870] =	vst v44;
	s11 =	smov.u32 s15  }
0x40b: {  	v24 =	vmovc v29;
	v29 =	vmovc v37;
	v37 =	vmov v50;
	v5 =	vor.u32 v13, v23;
	s15 =	smov.u32 s17;
	s17 =	smov.u32 s19;
	s19 =	smov.u32 s25;
	v50 =	vld [tilespmem:s25+$0x9820];
	v0 =	vmul.f32 v55, v0  }
0x40c: {  	v54 =	vmul.f32 v57, v54;
	v57 =	vld [tilespmem:s19+$0x9890]  }
0x40d: {  	v59 =	vor.u32 v14, v23;
	v44 =	vld [tilespmem:s19+$0x9830];
	v0 =	vadd.f32 v0, v1  }
0x40e: {  	v53 =	vld.idx.msk [tilespmem:v61+s4+$0x0], $0xffff  }
0x40f: {  	v52 =	vadd.f32 v54, v52;
	v54 =	vld.idx.msk [tilespmem:v40+s4+$0x0], $0xffff;
	[tilespmem:s17+$0x148D0] =	vst v0  }
0x410: {  	v0 =	vld.idx.msk [tilespmem:v5+s4+$0x0], $0xffff  }
0x411: {  	v60 =	vor.u32 v10, v42;
	v2 =	vmul.f32 v57, v2;
	v5 =	vld [tilespmem:s17+$0x98E0]  }
0x412: {  	[tilespmem:s19+$0x14800] =	vst v52;
	v1 =	vld.idx.msk [tilespmem:v59+s4+$0x0], $0xffff  }
0x413: {  	v52 =	vld.idx.msk [tilespmem:v62+s4+$0x0], $0xffff;
	v2 =	vadd.f32 v2, v53  }
0x414: {  	v61 =	vor.u32 v6, v42;
	v62 =	vld.idx.msk [tilespmem:v63+s4+$0x0], $0xffff  }
0x415: {  	v55 =	vld.idx.msk [tilespmem:v39+s4+$0x0], $0xffff;
	[tilespmem:s19+$0x14890] =	vst v2  }
0x416: {  	s23 =	sadd.s32 $0x2, s23;
	v2 =	vld.idx.msk [tilespmem:v60+s4+$0x0], $0xffff  }
0x417: {  	p0 =	slt.u32 s23, $0xE;
	v40 =	vmov v3;
	v3 =	vor.u32 v16, v23;
	v0 =	vmul.f32 v5, v0;
	v5 =	vld [tilespmem:s19+$0x98A0]  }
.Ltmp15:
0x418: {  	v54 =	vmul.f32 v38, v54;
	v38 =	vld [tilespmem:s19+$0x9840];
	(pc) =	sbr.rel @p0 .LBB2_25-.Ltmp15, $4  }
0x419: {  	v57 =	vld.idx.msk [tilespmem:v61+s4+$0x0], $0xffff;
	v0 =	vadd.f32 v0, v1  }
0x41a: {  	v53 =	vld [tilespmem:s17+$0x98F0];
	v63 =	vmul.f32 v58, v52  }
0x41b: {  	v56 =	vor.u32 v11, v23;
	v23 =	vmov v42;
	v39 =	vmov v4;
	v52 =	vld [tilespmem:s19+$0x9850];
	[tilespmem:s17+$0x148E0] =	vst v0  }
0x41c: {  	v58 =	vor.u32 v12, v23;
	v60 =	vadd.f32 v63, v62;
	v42 =	vld.idx.msk [tilespmem:v3+s4+$0x0], $0xffff;
	v59 =	vmul.f32 v5, v2  }
.Ltmp16:
0x41d: {  	_ = 	snop;
	(pc) =	sbr.rel .LBB2_26-.Ltmp16, $1  }
0x41e: {  	_ =	sdelay $0x3  }
.LBB2_18:
0x41f: {  	s11 =	sshra.s32 s9, $0x2  }
0x420: {  	v50 =	vld [tilespmem:s11+$0x99F0]  }
0x421: {  	v51 =	vld [tilespmem:s11+$0x9800]  }
0x422: {  	v52 =	vld [tilespmem:s11+$0x9810]  }
0x423: {  	v36 =	vld [tilespmem:s11+$0x9820]  }
0x424: {  	v39 =	vld [tilespmem:s11+$0x9850]  }
0x425: {  	v18 =	vshll.u32 v17, $0x8;
	v17 =	vshll.u32 v17, $0x7;
	v40 =	vld [tilespmem:s11+$0x9860]  }
0x426: {  	v18 =	vand.u32 $0xFFFFF800, v18;
	v17 =	vand.u32 $0x380, v17;
	v41 =	vld [tilespmem:s11+$0x9870]  }
0x427: {  	v42 =	vld [tilespmem:s11+$0x9880];
	v24 =	vor.u32 v17, v18  }
0x428: {  	v55 =	vld [tilespmem:s11+$0x9890];
	v17 =	vor.u32 v1, v24  }
0x429: {  	v58 =	vld [tilespmem:s11+$0x98A0];
	v18 =	vor.u32 v3, v24  }
0x42a: {  	v61 =	vld [tilespmem:s11+$0x98B0];
	v19 =	vor.u32 v5, v24  }
0x42b: {  	v45 =	vld [tilespmem:s11+$0x98C0];
	v25 =	vor.u32 v12, v24  }
0x42c: {  	v48 =	vld [tilespmem:s11+$0x98D0];
	v27 =	vor.u32 v10, v24  }
0x42d: {  	v28 =	vor.u32 v2, v24;
	v23 =	vld.idx.msk [tilespmem:v17+s4+$0x0], $0xffff  }
0x42e: {  	v32 =	vor.u32 v6, v24;
	v22 =	vld.idx.msk [tilespmem:v18+s4+$0x0], $0xffff  }
0x42f: {  	v49 =	vor.u32 v14, v24;
	v21 =	vld.idx.msk [tilespmem:v19+s4+$0x0], $0xffff  }
0x430: {  	v17 =	vor.u32 v15, v24;
	v19 =	vld.idx.msk [tilespmem:v25+s4+$0x0], $0xffff  }
0x431: {  	v26 =	vor.u32 v8, v24;
	v31 =	vld.idx.msk [tilespmem:v27+s4+$0x0], $0xffff  }
0x432: {  	v25 =	vor.u32 v4, v24;
	v30 =	vld.idx.msk [tilespmem:v28+s4+$0x0], $0xffff  }
0x433: {  	v34 =	vor.u32 v13, v24;
	v28 =	vld.idx.msk [tilespmem:v32+s4+$0x0], $0xffff  }
0x434: {  	v20 =	vor.u32 v7, v24;
	v32 =	vld.idx.msk [tilespmem:v49+s4+$0x0], $0xffff  }
0x435: {  	v35 =	vor.u32 v9, v24;
	v18 =	vld.idx.msk [tilespmem:v17+s4+$0x0], $0xffff  }
0x436: {  	v17 =	vld.idx.msk [tilespmem:v26+s4+$0x0], $0xffff;
	v26 =	vor.u32 v63, v24  }
0x437: {  	v33 =	vor.u32 v11, v24;
	v29 =	vld.idx.msk [tilespmem:v25+s4+$0x0], $0xffff  }
0x438: {  	v25 =	vld.idx.msk [tilespmem:v34+s4+$0x0], $0xffff;
	v34 =	vmul.f32 v51, v23  }
0x439: {  	v20 =	vld.idx.msk [tilespmem:v20+s4+$0x0], $0xffff;
	v36 =	vmul.f32 v36, v21  }
0x43a: {  	v24 =	vld.idx.msk [tilespmem:v35+s4+$0x0], $0xffff;
	v44 =	vmul.f32 v41, v31;
	v34 =	vadd.f32 v34, v30  }
0x43b: {  	v47 =	vmul.f32 v42, v23;
	v53 =	vadd.f32 v36, v28;
	v27 =	vld.idx.msk [tilespmem:v26+s4+$0x0], $0xffff  }
0x43c: {  	v35 =	vmul.f32 v52, v22;
	v49 =	vadd.f32 v44, v32;
	v26 =	vld.idx.msk [tilespmem:v33+s4+$0x0], $0xffff;
	[tilespmem:s11+$0x14800] =	vst v34  }
0x43d: {  	v37 =	vld [tilespmem:s11+$0x9830];
	v51 =	vadd.f32 v47, v30;
	v33 =	vmul.f32 v50, v31;
	[tilespmem:s11+$0x14820] =	vst v53  }
0x43e: {  	v38 =	vld [tilespmem:s11+$0x9840];
	v35 =	vadd.f32 v35, v29;
	v57 =	vmul.f32 v39, v18;
	[tilespmem:s11+$0x14870] =	vst v49  }
0x43f: {  	v52 =	vmul.f32 v58, v21;
	v60 =	vmul.f32 v40, v17;
	[tilespmem:s11+$0x14880] =	vst v51;
	v33 =	vadd.f32 v33, v32  }
0x440: {  	v58 =	vmul.f32 v45, v19;
	v36 =	vmul.f32 v55, v22;
	[tilespmem:s11+$0x14810] =	vst v35;
	v62 =	vadd.f32 v57, v25  }
0x441: {  	v45 =	vld [tilespmem:s11+$0x9930];
	v55 =	vmul.f32 v61, v20;
	v61 =	vmul.f32 v48, v18;
	v46 =	vadd.f32 v60, v24;
	[tilespmem:s11+$0x149F0] =	vst v33  }
0x442: {  	v37 =	vmul.f32 v37, v20;
	v50 =	vld [tilespmem:s11+$0x98E0];
	v57 =	vadd.f32 v52, v28;
	[tilespmem:s11+$0x14850] =	vst v62  }
0x443: {  	v54 =	vmul.f32 v38, v19;
	v53 =	vld [tilespmem:s11+$0x98F0];
	[tilespmem:s11+$0x14860] =	vst v46;
	v46 =	vadd.f32 v61, v25  }
0x444: {  	v48 =	vld [tilespmem:s11+$0x9940];
	[tilespmem:s11+$0x148A0] =	vst v57;
	v56 =	vadd.f32 v37, v27  }
0x445: {  	v62 =	vld [tilespmem:s11+$0x9920];
	v59 =	vadd.f32 v54, v26;
	[tilespmem:s11+$0x148D0] =	vst v46  }
0x446: {  	v54 =	vadd.f32 v36, v29;
	[tilespmem:s11+$0x14830] =	vst v56;
	v56 =	vld [tilespmem:s11+$0x9900]  }
0x447: {  	v60 =	vadd.f32 v55, v27;
	v44 =	vmul.f32 v50, v17;
	[tilespmem:s11+$0x14840] =	vst v59;
	v59 =	vld [tilespmem:s11+$0x9910]  }
0x448: {  	v43 =	vadd.f32 v58, v26;
	v47 =	vmul.f32 v53, v31;
	[tilespmem:s11+$0x14890] =	vst v54  }
0x449: {  	v51 =	vld [tilespmem:s11+$0x9950];
	v37 =	vmul.f32 v45, v20;
	[tilespmem:s11+$0x148B0] =	vst v60;
	v49 =	vadd.f32 v44, v24  }
0x44a: {  	v38 =	vmul.f32 v48, v19;
	[tilespmem:s11+$0x148C0] =	vst v43;
	v52 =	vadd.f32 v47, v32;
	v54 =	vld [tilespmem:s11+$0x9960]  }
0x44b: {  	v57 =	vld [tilespmem:s11+$0x9970];
	v60 =	vadd.f32 v37, v27;
	[tilespmem:s11+$0x148E0] =	vst v49;
	v50 =	vmul.f32 v56, v23;
	v56 =	vmul.f32 v62, v21  }
0x44c: {  	v38 =	vadd.f32 v38, v26;
	[tilespmem:s11+$0x148F0] =	vst v52;
	v53 =	vmul.f32 v59, v22;
	v59 =	vld [tilespmem:s11+$0x9980]  }
0x44d: {  	v36 =	vld [tilespmem:s11+$0x9990];
	[tilespmem:s11+$0x14930] =	vst v60;
	v34 =	vadd.f32 v56, v28  }
0x44e: {  	v33 =	vld [tilespmem:s11+$0x99A0];
	v61 =	vmul.f32 v51, v18;
	[tilespmem:s11+$0x14940] =	vst v38;
	v55 =	vadd.f32 v50, v30  }
0x44f: {  	v62 =	vmul.f32 v54, v17;
	v58 =	vadd.f32 v53, v29;
	[tilespmem:s11+$0x14920] =	vst v34;
	v34 =	vld [tilespmem:s11+$0x99B0]  }
0x450: {  	v35 =	vld [tilespmem:s11+$0x99C0];
	v40 =	vadd.f32 v61, v25;
	v41 =	vmul.f32 v57, v31;
	[tilespmem:s11+$0x14900] =	vst v55  }
0x451: {  	s15 =	simm.s32 $0x0;
	s17 =	sadd.s32 $0x800, s9;
	v37 =	vld [tilespmem:s11+$0x99D0];
	v38 =	vadd.f32 v62, v24;
	[tilespmem:s11+$0x14910] =	vst v58;
	v39 =	vmul.f32 v59, v23  }
.LBB2_19:
0x452: {  	s1 =	sshra.s32 s17, $0x2;
	s15 =	sadd.s32 $0x4, s15;
	[tilespmem:s11+$0x14950] =	vst v40;
	v40 =	vadd.f32 v41, v32;
	v36 =	vmul.f32 v36, v22;
	v41 =	vld [tilespmem:s11+$0x99E0]  }
0x453: {  	v42 =	vld [tilespmem:s1+$0x99F0];
	p0 =	slt.u32 s15, $0xC;
	[tilespmem:s11+$0x14960] =	vst v38;
	v38 =	vadd.f32 v39, v30;
	v33 =	vmul.f32 v33, v21  }
0x454: {  	v39 =	vld [tilespmem:s1+$0x9800];
	[tilespmem:s11+$0x14970] =	vst v40;
	v36 =	vadd.f32 v36, v29;
	v34 =	vmul.f32 v34, v20  }
0x455: {  	v40 =	vld [tilespmem:s1+$0x9810];
	[tilespmem:s11+$0x14980] =	vst v38;
	v33 =	vadd.f32 v33, v28;
	v35 =	vmul.f32 v35, v19  }
0x456: {  	v38 =	vld [tilespmem:s1+$0x9820];
	[tilespmem:s11+$0x14990] =	vst v36;
	v34 =	vadd.f32 v34, v27;
	v36 =	vmul.f32 v37, v18  }
0x457: {  	v37 =	vld [tilespmem:s1+$0x9830];
	[tilespmem:s11+$0x149A0] =	vst v33;
	v33 =	vadd.f32 v35, v26;
	v35 =	vmul.f32 v41, v17  }
0x458: {  	v41 =	vld [tilespmem:s1+$0x9840];
	v42 =	vmul.f32 v42, v31;
	[tilespmem:s11+$0x149B0] =	vst v34;
	v34 =	vadd.f32 v36, v25  }
0x459: {  	v36 =	vmul.f32 v39, v23;
	v39 =	vld [tilespmem:s1+$0x9850];
	[tilespmem:s11+$0x149C0] =	vst v33;
	v33 =	vadd.f32 v35, v24  }
0x45a: {  	v35 =	vmul.f32 v40, v22;
	v40 =	vld [tilespmem:s1+$0x9860];
	v42 =	vadd.f32 v42, v32;
	[tilespmem:s11+$0x149D0] =	vst v34  }
0x45b: {  	v34 =	vadd.f32 v36, v30;
	v36 =	vmul.f32 v38, v21;
	v38 =	vld [tilespmem:s1+$0x9870];
	[tilespmem:s11+$0x149E0] =	vst v33;
	s11 =	smov.u32 s1  }
0x45c: {  	v33 =	vadd.f32 v35, v29;
	v35 =	vmul.f32 v37, v20;
	v37 =	vld [tilespmem:s11+$0x9880];
	[tilespmem:s11+$0x149F0] =	vst v42  }
0x45d: {  	[tilespmem:s11+$0x14800] =	vst v34;
	v34 =	vadd.f32 v36, v28;
	v36 =	vmul.f32 v41, v19;
	v41 =	vld [tilespmem:s11+$0x9890]  }
0x45e: {  	[tilespmem:s11+$0x14810] =	vst v33;
	v33 =	vadd.f32 v35, v27;
	v35 =	vmul.f32 v39, v18;
	v39 =	vld [tilespmem:s11+$0x98A0]  }
0x45f: {  	[tilespmem:s11+$0x14820] =	vst v34;
	v34 =	vadd.f32 v36, v26;
	v36 =	vmul.f32 v40, v17;
	v40 =	vld [tilespmem:s11+$0x98B0]  }
0x460: {  	[tilespmem:s11+$0x14830] =	vst v33;
	v33 =	vadd.f32 v35, v25;
	v35 =	vmul.f32 v38, v31;
	v38 =	vld [tilespmem:s11+$0x98C0]  }
0x461: {  	[tilespmem:s11+$0x14840] =	vst v34;
	v34 =	vadd.f32 v36, v24;
	v36 =	vmul.f32 v37, v23;
	v37 =	vld [tilespmem:s11+$0x98D0]  }
0x462: {  	[tilespmem:s11+$0x14850] =	vst v33;
	v33 =	vadd.f32 v35, v32;
	v35 =	vmul.f32 v41, v22;
	v41 =	vld [tilespmem:s11+$0x98E0]  }
0x463: {  	[tilespmem:s11+$0x14860] =	vst v34;
	v34 =	vadd.f32 v36, v30;
	v36 =	vmul.f32 v39, v21;
	v39 =	vld [tilespmem:s11+$0x98F0]  }
0x464: {  	[tilespmem:s11+$0x14870] =	vst v33;
	v33 =	vadd.f32 v35, v29;
	v35 =	vmul.f32 v40, v20;
	v40 =	vld [tilespmem:s11+$0x9900]  }
0x465: {  	[tilespmem:s11+$0x14880] =	vst v34;
	v34 =	vadd.f32 v36, v28;
	v36 =	vmul.f32 v38, v19;
	v38 =	vld [tilespmem:s11+$0x9910]  }
0x466: {  	[tilespmem:s11+$0x14890] =	vst v33;
	v33 =	vadd.f32 v35, v27;
	v35 =	vmul.f32 v37, v18;
	v37 =	vld [tilespmem:s11+$0x9920]  }
0x467: {  	[tilespmem:s11+$0x148A0] =	vst v34;
	v34 =	vadd.f32 v36, v26;
	v36 =	vmul.f32 v41, v17;
	v41 =	vld [tilespmem:s11+$0x9930]  }
0x468: {  	[tilespmem:s11+$0x148B0] =	vst v33;
	v33 =	vadd.f32 v35, v25;
	v35 =	vmul.f32 v39, v31;
	v39 =	vld [tilespmem:s11+$0x9940]  }
0x469: {  	[tilespmem:s11+$0x148C0] =	vst v34;
	v34 =	vadd.f32 v36, v24;
	v36 =	vmul.f32 v40, v23;
	v40 =	vld [tilespmem:s11+$0x9950]  }
0x46a: {  	[tilespmem:s11+$0x148D0] =	vst v33;
	v33 =	vadd.f32 v35, v32;
	v35 =	vmul.f32 v38, v22;
	v38 =	vld [tilespmem:s11+$0x9960]  }
0x46b: {  	[tilespmem:s11+$0x148E0] =	vst v34;
	v34 =	vadd.f32 v36, v30;
	v36 =	vmul.f32 v37, v21;
	v37 =	vld [tilespmem:s11+$0x9970]  }
0x46c: {  	[tilespmem:s11+$0x148F0] =	vst v33;
	v33 =	vadd.f32 v35, v29;
	v35 =	vmul.f32 v41, v20;
	v42 =	vld [tilespmem:s11+$0x9980]  }
.Ltmp17:
0x46d: {  	[tilespmem:s11+$0x14900] =	vst v34;
	v34 =	vadd.f32 v36, v28;
	v39 =	vmul.f32 v39, v19;
	v36 =	vld [tilespmem:s11+$0x9990];
	(pc) =	sbr.rel @p0 .LBB2_19-.Ltmp17, $4  }
0x46e: {  	[tilespmem:s11+$0x14910] =	vst v33;
	v35 =	vadd.f32 v35, v27;
	v40 =	vmul.f32 v40, v18;
	v33 =	vld [tilespmem:s11+$0x99A0]  }
0x46f: {  	[tilespmem:s11+$0x14920] =	vst v34;
	v39 =	vadd.f32 v39, v26;
	v38 =	vmul.f32 v38, v17;
	v34 =	vld [tilespmem:s11+$0x99B0]  }
0x470: {  	[tilespmem:s11+$0x14930] =	vst v35;
	v40 =	vadd.f32 v40, v25;
	v41 =	vmul.f32 v37, v31;
	v35 =	vld [tilespmem:s11+$0x99C0]  }
0x471: {  	s17 =	sadd.s32 $0x800, s17;
	[tilespmem:s11+$0x14940] =	vst v39;
	v38 =	vadd.f32 v38, v24;
	v39 =	vmul.f32 v42, v23;
	v37 =	vld [tilespmem:s11+$0x99D0]  }
0x472: {  	[tilespmem:s11+$0x14950] =	vst v40;
	v23 =	vadd.f32 v41, v32;
	v22 =	vmul.f32 v36, v22;
	v31 =	vld [tilespmem:s11+$0x99E0]  }
0x473: {  	[tilespmem:s11+$0x14960] =	vst v38;
	v30 =	vadd.f32 v39, v30;
	v21 =	vmul.f32 v33, v21  }
0x474: {  	[tilespmem:s11+$0x14970] =	vst v23;
	v22 =	vadd.f32 v22, v29;
	v20 =	vmul.f32 v34, v20  }
0x475: {  	[tilespmem:s11+$0x14980] =	vst v30;
	v21 =	vadd.f32 v21, v28;
	v19 =	vmul.f32 v35, v19  }
0x476: {  	[tilespmem:s11+$0x14990] =	vst v22;
	v20 =	vadd.f32 v20, v27;
	v18 =	vmul.f32 v37, v18  }
.Ltmp18:
0x477: {  	[tilespmem:s11+$0x149A0] =	vst v21;
	v19 =	vadd.f32 v19, v26;
	v17 =	vmul.f32 v31, v17;
	(pc) =	sbr.rel .LBB2_27-.Ltmp18, $4  }
0x478: {  	[tilespmem:s11+$0x149B0] =	vst v20;
	v18 =	vadd.f32 v18, v25  }
0x479: {  	[tilespmem:s11+$0x149C0] =	vst v19;
	v17 =	vadd.f32 v17, v24  }
0x47a: {  	[tilespmem:s11+$0x149D0] =	vst v18  }
0x47b: {  	[tilespmem:s11+$0x149E0] =	vst v17  }
.LBB2_21:
0x47c: {  	s6 =	simm.s32 $0x0  }
0x47d: {  	v50 =	vld [tilespmem:s6+$0x99F0]  }
0x47e: {  	v51 =	vld [tilespmem:s6+$0x9800]  }
0x47f: {  	v52 =	vld [tilespmem:s6+$0x9810]  }
0x480: {  	v36 =	vld [tilespmem:s6+$0x9820]  }
0x481: {  	v39 =	vld [tilespmem:s6+$0x9850]  }
0x482: {  	v18 =	vshll.u32 v17, $0x8;
	v17 =	vshll.u32 v17, $0x7;
	v40 =	vld [tilespmem:s6+$0x9860]  }
0x483: {  	v18 =	vand.u32 $0xFFFFF800, v18;
	v17 =	vand.u32 $0x380, v17;
	v41 =	vld [tilespmem:s6+$0x9870]  }
0x484: {  	v42 =	vld [tilespmem:s6+$0x9880];
	v24 =	vor.u32 v17, v18  }
0x485: {  	v55 =	vld [tilespmem:s6+$0x9890];
	v17 =	vor.u32 v1, v24  }
0x486: {  	v58 =	vld [tilespmem:s6+$0x98A0];
	v18 =	vor.u32 v3, v24  }
0x487: {  	v61 =	vld [tilespmem:s6+$0x98B0];
	v19 =	vor.u32 v5, v24  }
0x488: {  	v45 =	vld [tilespmem:s6+$0x98C0];
	v25 =	vor.u32 v12, v24  }
0x489: {  	s1 =	simm.s32 $0x0;
	v48 =	vld [tilespmem:s6+$0x98D0];
	v27 =	vor.u32 v10, v24  }
0x48a: {  	v28 =	vor.u32 v2, v24;
	v23 =	vld.idx.msk [tilespmem:v17+s1+$0x0], $0xffff  }
0x48b: {  	v32 =	vor.u32 v6, v24;
	v22 =	vld.idx.msk [tilespmem:v18+s1+$0x0], $0xffff  }
0x48c: {  	v49 =	vor.u32 v14, v24;
	v21 =	vld.idx.msk [tilespmem:v19+s1+$0x0], $0xffff  }
0x48d: {  	v17 =	vor.u32 v15, v24;
	v19 =	vld.idx.msk [tilespmem:v25+s1+$0x0], $0xffff  }
0x48e: {  	v26 =	vor.u32 v8, v24;
	v31 =	vld.idx.msk [tilespmem:v27+s1+$0x0], $0xffff  }
0x48f: {  	v25 =	vor.u32 v4, v24;
	v30 =	vld.idx.msk [tilespmem:v28+s1+$0x0], $0xffff  }
0x490: {  	v34 =	vor.u32 v13, v24;
	v28 =	vld.idx.msk [tilespmem:v32+s1+$0x0], $0xffff  }
0x491: {  	v20 =	vor.u32 v7, v24;
	v32 =	vld.idx.msk [tilespmem:v49+s1+$0x0], $0xffff  }
0x492: {  	v35 =	vor.u32 v9, v24;
	v18 =	vld.idx.msk [tilespmem:v17+s1+$0x0], $0xffff  }
0x493: {  	v17 =	vld.idx.msk [tilespmem:v26+s1+$0x0], $0xffff;
	v26 =	vor.u32 v63, v24  }
0x494: {  	v33 =	vor.u32 v11, v24;
	v29 =	vld.idx.msk [tilespmem:v25+s1+$0x0], $0xffff  }
0x495: {  	v25 =	vld.idx.msk [tilespmem:v34+s1+$0x0], $0xffff;
	v34 =	vmul.f32 v51, v23  }
0x496: {  	v20 =	vld.idx.msk [tilespmem:v20+s1+$0x0], $0xffff;
	v36 =	vmul.f32 v36, v21  }
0x497: {  	v24 =	vld.idx.msk [tilespmem:v35+s1+$0x0], $0xffff;
	v44 =	vmul.f32 v41, v31;
	v34 =	vadd.f32 v34, v30  }
0x498: {  	v47 =	vmul.f32 v42, v23;
	v53 =	vadd.f32 v36, v28;
	v27 =	vld.idx.msk [tilespmem:v26+s1+$0x0], $0xffff  }
0x499: {  	v35 =	vmul.f32 v52, v22;
	v49 =	vadd.f32 v44, v32;
	v26 =	vld.idx.msk [tilespmem:v33+s1+$0x0], $0xffff;
	[tilespmem:s6+$0x14800] =	vst v34  }
0x49a: {  	v37 =	vld [tilespmem:s6+$0x9830];
	v51 =	vadd.f32 v47, v30;
	v33 =	vmul.f32 v50, v31;
	[tilespmem:s6+$0x14820] =	vst v53  }
0x49b: {  	v38 =	vld [tilespmem:s6+$0x9840];
	v35 =	vadd.f32 v35, v29;
	v57 =	vmul.f32 v39, v18;
	[tilespmem:s6+$0x14870] =	vst v49  }
0x49c: {  	v52 =	vmul.f32 v58, v21;
	v60 =	vmul.f32 v40, v17;
	[tilespmem:s6+$0x14880] =	vst v51;
	v33 =	vadd.f32 v33, v32  }
0x49d: {  	v58 =	vmul.f32 v45, v19;
	v36 =	vmul.f32 v55, v22;
	[tilespmem:s6+$0x14810] =	vst v35;
	v62 =	vadd.f32 v57, v25  }
0x49e: {  	v45 =	vld [tilespmem:s6+$0x9930];
	v55 =	vmul.f32 v61, v20;
	v61 =	vmul.f32 v48, v18;
	v46 =	vadd.f32 v60, v24;
	[tilespmem:s6+$0x149F0] =	vst v33  }
0x49f: {  	v37 =	vmul.f32 v37, v20;
	v50 =	vld [tilespmem:s6+$0x98E0];
	v57 =	vadd.f32 v52, v28;
	[tilespmem:s6+$0x14850] =	vst v62  }
0x4a0: {  	v54 =	vmul.f32 v38, v19;
	v53 =	vld [tilespmem:s6+$0x98F0];
	[tilespmem:s6+$0x14860] =	vst v46;
	v46 =	vadd.f32 v61, v25  }
0x4a1: {  	v48 =	vld [tilespmem:s6+$0x9940];
	[tilespmem:s6+$0x148A0] =	vst v57;
	v56 =	vadd.f32 v37, v27  }
0x4a2: {  	v62 =	vld [tilespmem:s6+$0x9920];
	v59 =	vadd.f32 v54, v26;
	[tilespmem:s6+$0x148D0] =	vst v46  }
0x4a3: {  	v54 =	vadd.f32 v36, v29;
	[tilespmem:s6+$0x14830] =	vst v56;
	v56 =	vld [tilespmem:s6+$0x9900]  }
0x4a4: {  	v60 =	vadd.f32 v55, v27;
	v44 =	vmul.f32 v50, v17;
	[tilespmem:s6+$0x14840] =	vst v59;
	v59 =	vld [tilespmem:s6+$0x9910]  }
0x4a5: {  	v43 =	vadd.f32 v58, v26;
	v47 =	vmul.f32 v53, v31;
	[tilespmem:s6+$0x14890] =	vst v54  }
0x4a6: {  	v51 =	vld [tilespmem:s6+$0x9950];
	v37 =	vmul.f32 v45, v20;
	[tilespmem:s6+$0x148B0] =	vst v60;
	v49 =	vadd.f32 v44, v24  }
0x4a7: {  	v38 =	vmul.f32 v48, v19;
	[tilespmem:s6+$0x148C0] =	vst v43;
	v52 =	vadd.f32 v47, v32;
	v54 =	vld [tilespmem:s6+$0x9960]  }
0x4a8: {  	v57 =	vld [tilespmem:s6+$0x9970];
	v60 =	vadd.f32 v37, v27;
	[tilespmem:s6+$0x148E0] =	vst v49;
	v50 =	vmul.f32 v56, v23;
	v56 =	vmul.f32 v62, v21  }
0x4a9: {  	v38 =	vadd.f32 v38, v26;
	[tilespmem:s6+$0x148F0] =	vst v52;
	v53 =	vmul.f32 v59, v22;
	v59 =	vld [tilespmem:s6+$0x9980]  }
0x4aa: {  	v36 =	vld [tilespmem:s6+$0x9990];
	[tilespmem:s6+$0x14930] =	vst v60;
	v34 =	vadd.f32 v56, v28  }
0x4ab: {  	v33 =	vld [tilespmem:s6+$0x99A0];
	v61 =	vmul.f32 v51, v18;
	[tilespmem:s6+$0x14940] =	vst v38;
	v55 =	vadd.f32 v50, v30  }
0x4ac: {  	v62 =	vmul.f32 v54, v17;
	v58 =	vadd.f32 v53, v29;
	[tilespmem:s6+$0x14920] =	vst v34;
	v34 =	vld [tilespmem:s6+$0x99B0]  }
0x4ad: {  	v35 =	vld [tilespmem:s6+$0x99C0];
	v40 =	vadd.f32 v61, v25;
	v41 =	vmul.f32 v57, v31;
	[tilespmem:s6+$0x14900] =	vst v55  }
0x4ae: {  	s8 =	simm.s32 $0x0;
	s9 =	simm.s32 $0x800;
	v37 =	vld [tilespmem:s6+$0x99D0];
	v38 =	vadd.f32 v62, v24;
	[tilespmem:s6+$0x14910] =	vst v58;
	v39 =	vmul.f32 v59, v23  }
.LBB2_22:
0x4af: {  	s1 =	sshra.s32 s9, $0x2;
	s8 =	sadd.s32 $0x4, s8;
	[tilespmem:s6+$0x14950] =	vst v40;
	v40 =	vadd.f32 v41, v32;
	v36 =	vmul.f32 v36, v22;
	v41 =	vld [tilespmem:s6+$0x99E0]  }
0x4b0: {  	v42 =	vld [tilespmem:s1+$0x99F0];
	p0 =	slt.u32 s8, $0xAC;
	[tilespmem:s6+$0x14960] =	vst v38;
	v38 =	vadd.f32 v39, v30;
	v33 =	vmul.f32 v33, v21  }
0x4b1: {  	v39 =	vld [tilespmem:s1+$0x9800];
	[tilespmem:s6+$0x14970] =	vst v40;
	v36 =	vadd.f32 v36, v29;
	v34 =	vmul.f32 v34, v20  }
0x4b2: {  	v40 =	vld [tilespmem:s1+$0x9810];
	[tilespmem:s6+$0x14980] =	vst v38;
	v33 =	vadd.f32 v33, v28;
	v35 =	vmul.f32 v35, v19  }
0x4b3: {  	v38 =	vld [tilespmem:s1+$0x9820];
	[tilespmem:s6+$0x14990] =	vst v36;
	v34 =	vadd.f32 v34, v27;
	v36 =	vmul.f32 v37, v18  }
0x4b4: {  	v37 =	vld [tilespmem:s1+$0x9830];
	[tilespmem:s6+$0x149A0] =	vst v33;
	v33 =	vadd.f32 v35, v26;
	v35 =	vmul.f32 v41, v17  }
0x4b5: {  	v41 =	vld [tilespmem:s1+$0x9840];
	v42 =	vmul.f32 v42, v31;
	[tilespmem:s6+$0x149B0] =	vst v34;
	v34 =	vadd.f32 v36, v25  }
0x4b6: {  	v36 =	vmul.f32 v39, v23;
	v39 =	vld [tilespmem:s1+$0x9850];
	[tilespmem:s6+$0x149C0] =	vst v33;
	v33 =	vadd.f32 v35, v24  }
0x4b7: {  	v35 =	vmul.f32 v40, v22;
	v40 =	vld [tilespmem:s1+$0x9860];
	v42 =	vadd.f32 v42, v32;
	[tilespmem:s6+$0x149D0] =	vst v34  }
0x4b8: {  	v34 =	vadd.f32 v36, v30;
	v36 =	vmul.f32 v38, v21;
	v38 =	vld [tilespmem:s1+$0x9870];
	[tilespmem:s6+$0x149E0] =	vst v33;
	s6 =	smov.u32 s1  }
0x4b9: {  	v33 =	vadd.f32 v35, v29;
	v35 =	vmul.f32 v37, v20;
	v37 =	vld [tilespmem:s6+$0x9880];
	[tilespmem:s6+$0x149F0] =	vst v42  }
0x4ba: {  	[tilespmem:s6+$0x14800] =	vst v34;
	v34 =	vadd.f32 v36, v28;
	v36 =	vmul.f32 v41, v19;
	v41 =	vld [tilespmem:s6+$0x9890]  }
0x4bb: {  	[tilespmem:s6+$0x14810] =	vst v33;
	v33 =	vadd.f32 v35, v27;
	v35 =	vmul.f32 v39, v18;
	v39 =	vld [tilespmem:s6+$0x98A0]  }
0x4bc: {  	[tilespmem:s6+$0x14820] =	vst v34;
	v34 =	vadd.f32 v36, v26;
	v36 =	vmul.f32 v40, v17;
	v40 =	vld [tilespmem:s6+$0x98B0]  }
0x4bd: {  	[tilespmem:s6+$0x14830] =	vst v33;
	v33 =	vadd.f32 v35, v25;
	v35 =	vmul.f32 v38, v31;
	v38 =	vld [tilespmem:s6+$0x98C0]  }
0x4be: {  	[tilespmem:s6+$0x14840] =	vst v34;
	v34 =	vadd.f32 v36, v24;
	v36 =	vmul.f32 v37, v23;
	v37 =	vld [tilespmem:s6+$0x98D0]  }
0x4bf: {  	[tilespmem:s6+$0x14850] =	vst v33;
	v33 =	vadd.f32 v35, v32;
	v35 =	vmul.f32 v41, v22;
	v41 =	vld [tilespmem:s6+$0x98E0]  }
0x4c0: {  	[tilespmem:s6+$0x14860] =	vst v34;
	v34 =	vadd.f32 v36, v30;
	v36 =	vmul.f32 v39, v21;
	v39 =	vld [tilespmem:s6+$0x98F0]  }
0x4c1: {  	[tilespmem:s6+$0x14870] =	vst v33;
	v33 =	vadd.f32 v35, v29;
	v35 =	vmul.f32 v40, v20;
	v40 =	vld [tilespmem:s6+$0x9900]  }
0x4c2: {  	[tilespmem:s6+$0x14880] =	vst v34;
	v34 =	vadd.f32 v36, v28;
	v36 =	vmul.f32 v38, v19;
	v38 =	vld [tilespmem:s6+$0x9910]  }
0x4c3: {  	[tilespmem:s6+$0x14890] =	vst v33;
	v33 =	vadd.f32 v35, v27;
	v35 =	vmul.f32 v37, v18;
	v37 =	vld [tilespmem:s6+$0x9920]  }
0x4c4: {  	[tilespmem:s6+$0x148A0] =	vst v34;
	v34 =	vadd.f32 v36, v26;
	v36 =	vmul.f32 v41, v17;
	v41 =	vld [tilespmem:s6+$0x9930]  }
0x4c5: {  	[tilespmem:s6+$0x148B0] =	vst v33;
	v33 =	vadd.f32 v35, v25;
	v35 =	vmul.f32 v39, v31;
	v39 =	vld [tilespmem:s6+$0x9940]  }
0x4c6: {  	[tilespmem:s6+$0x148C0] =	vst v34;
	v34 =	vadd.f32 v36, v24;
	v36 =	vmul.f32 v40, v23;
	v40 =	vld [tilespmem:s6+$0x9950]  }
0x4c7: {  	[tilespmem:s6+$0x148D0] =	vst v33;
	v33 =	vadd.f32 v35, v32;
	v35 =	vmul.f32 v38, v22;
	v38 =	vld [tilespmem:s6+$0x9960]  }
0x4c8: {  	[tilespmem:s6+$0x148E0] =	vst v34;
	v34 =	vadd.f32 v36, v30;
	v36 =	vmul.f32 v37, v21;
	v37 =	vld [tilespmem:s6+$0x9970]  }
0x4c9: {  	[tilespmem:s6+$0x148F0] =	vst v33;
	v33 =	vadd.f32 v35, v29;
	v35 =	vmul.f32 v41, v20;
	v42 =	vld [tilespmem:s6+$0x9980]  }
.Ltmp19:
0x4ca: {  	[tilespmem:s6+$0x14900] =	vst v34;
	v34 =	vadd.f32 v36, v28;
	v39 =	vmul.f32 v39, v19;
	v36 =	vld [tilespmem:s6+$0x9990];
	(pc) =	sbr.rel @p0 .LBB2_22-.Ltmp19, $4  }
0x4cb: {  	[tilespmem:s6+$0x14910] =	vst v33;
	v35 =	vadd.f32 v35, v27;
	v40 =	vmul.f32 v40, v18;
	v33 =	vld [tilespmem:s6+$0x99A0]  }
0x4cc: {  	[tilespmem:s6+$0x14920] =	vst v34;
	v39 =	vadd.f32 v39, v26;
	v38 =	vmul.f32 v38, v17;
	v34 =	vld [tilespmem:s6+$0x99B0]  }
0x4cd: {  	[tilespmem:s6+$0x14930] =	vst v35;
	v40 =	vadd.f32 v40, v25;
	v41 =	vmul.f32 v37, v31;
	v35 =	vld [tilespmem:s6+$0x99C0]  }
0x4ce: {  	s9 =	sadd.s32 $0x800, s9;
	[tilespmem:s6+$0x14940] =	vst v39;
	v38 =	vadd.f32 v38, v24;
	v39 =	vmul.f32 v42, v23;
	v37 =	vld [tilespmem:s6+$0x99D0]  }
0x4cf: {  	[tilespmem:s6+$0x14950] =	vst v40;
	v23 =	vadd.f32 v41, v32;
	v22 =	vmul.f32 v36, v22;
	v31 =	vld [tilespmem:s6+$0x99E0]  }
0x4d0: {  	[tilespmem:s6+$0x14960] =	vst v38;
	v30 =	vadd.f32 v39, v30;
	v21 =	vmul.f32 v33, v21  }
0x4d1: {  	[tilespmem:s6+$0x14970] =	vst v23;
	v22 =	vadd.f32 v22, v29;
	v20 =	vmul.f32 v34, v20  }
0x4d2: {  	[tilespmem:s6+$0x14980] =	vst v30;
	v21 =	vadd.f32 v21, v28;
	v19 =	vmul.f32 v35, v19  }
0x4d3: {  	[tilespmem:s6+$0x14990] =	vst v22;
	v20 =	vadd.f32 v20, v27;
	v18 =	vmul.f32 v37, v18  }
0x4d4: {  	[tilespmem:s6+$0x149A0] =	vst v21;
	v19 =	vadd.f32 v19, v26;
	v17 =	vmul.f32 v31, v17  }
0x4d5: {  	[tilespmem:s6+$0x149B0] =	vst v20;
	v18 =	vadd.f32 v18, v25  }
0x4d6: {  	[tilespmem:s6+$0x149C0] =	vst v19;
	v17 =	vadd.f32 v17, v24  }
0x4d7: {  	[tilespmem:s6+$0x149D0] =	vst v18  }
0x4d8: {  	[tilespmem:s6+$0x149E0] =	vst v17  }
.LBB2_28:
.Ltmp20:
0x4d9: {  	(pc) =	sbr.rel @p1 .LBB2_30-.Ltmp20, $4  }
0x4da: {  	_ = 	snop  }
0x4db: {  	s1 =	sshll.u32 s21, $0x4;
	s6 =	rddreg [dreg:$0x3]  }
0x4dc: {  	s29 =	simm.s32 $0x14800;
	s1 =	sadd.s32 s6, s1  }
0x4dd: {  	[hbm4b:s1+s4] =	stream.linear.scatter [tilespmem:s29], [sflag:$0x4], $0x5800, $0x38;
	[tilespmem:$0x1A880] =	vst v63  }
0x4de: {  	s1 =	rddreg [dreg:$0xa]  }
0x4df: {  	s0 =	sadd.s32 s0, s1  }
.Ltmp21:
0x4e0: {  	p0 =	slt.s32 s0, $0xE9B0;
	(pc) =	sbr.rel .LBB2_2-.Ltmp21, $4  }
0x4e1: {  	s0 =	simm.s32 @!p0 $0xE9B0  }
0x4e2: {  	s29 =	simm.s32 $0x9800;
	s2 =	sadd.s32 $0x1, s2;
	s0 =	sshll.u32 s0, $0x4  }
0x4e3: {  	s31 =	sadd.s32 $0x160, s31;
	s30 =	sadd.s32 $0x160, s30;
	s0 =	sadd.s32 s3, s0  }
0x4e4: {  	[tilespmem:s29], [sflag:$0x2] =	stream.linear.gather [hbm4b:s0+s4], $0x5800, $0x38;
	[tilespmem:$0x1A880] =	vst v63  }
.LBB2_31:
0x4e5: {  	_ =	sfence.sel $0x180000  }
0x4e6: {  	[bflag:$0x0] =	sbarrier.arrive $0xFFFF  }
0x4e7: {  	_ =	strace $0x90000047  }
0x4e8: {  	s0 =	stileid.u32;
	[bflag:$0x2] =	sbarrier.arrive $0xFFFF  }
0x4e9: {  	p0 =	sne.s32 s0, $0x0;
	s0 =	rddreg [dreg:$0x4]  }
0x4ea: {  	s0 =	sadd.s32 @!p0 $0x100000, s0  }
0x4eb: {  	[sflag:s0] =	ssyncadd.tile.s32 @!p0 $0x1;
	_ =	shalt  }
.Lfunc_end2:
_tile_overlayer_lowered:
.L_overlay_start_2:
0x4ec: {  	(tag) =	ssettag $0x2  }
0x4ed: {  	s0 =	rddreg [dreg:$0x0];
	s2 =	stileid.u32  }
0x4ee: {  	s1 =	rddreg [dreg:$0x1];
	p0 =	sne.s32 s2, $0x0  }
0x4ef: {  	s3 =	rddreg [dreg:$0x2];
	[bflag:$0x3] =	sbarrier.arrive $0xFFFF;
	s2 =	simm.s32 @!p0 $0x1C05  }
0x4f0: {  	[timem:s3], [sflag:s2] =	dma.local @!p0 [hbm:s0], s1  }
0x4f1: {  	s0 =	simm.s32 @!p0 $0x5  }
0x4f2: {  	_ =	swait.ge @!p0 [sflag:s0], s1  }
0x4f3: {  	s1 =	ssub.s32 @!p0 $0x0, s1;
	[sflag:s0] =	ssyncset.done @!p0 $0x0  }
0x4f4: {  	[sflag:s0] =	ssyncadd.s32 @!p0 s1  }
0x4f5: {  	[bflag:$0x3] =	sbarrier.arrive $0xFFFF  }
0x4f6: {  	_ =	shalt  }

</sc_bundles>
